<compile_context>
chip_gen: v7x
topology: tpu7x:2x2x1
jax: 0.10.2.dev20260603
libtpu: 0.0.44.dev20260713+nightly
codegen_flags: <defaults>
</compile_context>

<pallas_src>
import functools
import math

import jax
import jax.numpy as jnp
from jax import lax
from jax.experimental import pallas as pl
from jax.experimental.pallas import tpu as pltpu
from jax.experimental.pallas import tpu_sc as plsc

D_MODEL = 128
SEQ = 200
BATCH = 4096
SCALE = math.sqrt(float(D_MODEL))

_info = plsc.get_sparse_core_info()
NC = _info.num_cores
NS = _info.num_subcores
LANES = _info.num_lanes
NW = NC * NS
SEQ_PER_W = BATCH // NW
NBUF = 3
G0, G1 = 104, SEQ - 104


def _sc_kernel(tok_hbm, table_hbm, pos_hbm, out_hbm,
               idx_all, pos_v, rows0, rows1, rows2,
               sg0, sg1, sg2, so0, so1, so2):
    rows = (rows0, rows1, rows2)
    sg = (sg0, sg1, sg2)
    so = (so0, so1, so2)
    wid = lax.axis_index("s") * NC + lax.axis_index("c")
    tok_base = wid * (SEQ_PER_W * SEQ)

    pltpu.sync_copy(tok_hbm.at[pl.ds(tok_base, SEQ_PER_W * SEQ)], idx_all)
    pltpu.sync_copy(pos_hbm.at[pl.ds(0, SEQ)], pos_v)

    def gather_start(c, b):
        off = c * SEQ
        pltpu.make_async_copy(table_hbm.at[idx_all.at[pl.ds(off, G0)]],
                              rows[b].at[pl.ds(0, G0)], sg[b]).start()
        pltpu.make_async_copy(table_hbm.at[idx_all.at[pl.ds(off + G0, G1)]],
                              rows[b].at[pl.ds(G0, G1)], sg[b]).start()

    def gather_wait(c, b):
        off = c * SEQ
        pltpu.make_async_copy(table_hbm.at[idx_all.at[pl.ds(off, G0)]],
                              rows[b].at[pl.ds(0, G0)], sg[b]).wait()
        pltpu.make_async_copy(table_hbm.at[idx_all.at[pl.ds(off + G0, G1)]],
                              rows[b].at[pl.ds(G0, G1)], sg[b]).wait()

    def out_start(c, b):
        pltpu.make_async_copy(rows[b], out_hbm.at[pl.ds(tok_base + c * SEQ, SEQ)],
                              so[b]).start()

    def out_wait(c, b):
        pltpu.make_async_copy(rows[b], out_hbm.at[pl.ds(tok_base + c * SEQ, SEQ)],
                              so[b]).wait()

    def compute(b):
        buf = rows[b]

        def row_body(t, carry):
            for tt in range(4):
                for j in range(D_MODEL // LANES):
                    sl = pl.ds(j * LANES, LANES)
                    buf[t * 4 + tt, sl] = buf[t * 4 + tt, sl] * SCALE + pos_v[t * 4 + tt, sl]
            return carry

        lax.fori_loop(0, SEQ // 4, row_body, 0)

    gather_start(0, 0)
    gather_start(1, 1)

    MAIN = SEQ_PER_W - 2

    def pipe_body(g, carry):
        for b in range(NBUF):
            c = g * NBUF + b
            bn = (b + 2) % NBUF

            gather_wait(c, b)
            compute(b)
            out_start(c, b)

            @pl.when(jnp.logical_or(g > 0, b > 0))
            def _():
                out_wait(c - 1, bn)

            gather_start(c + 2, bn)
        return carry

    lax.fori_loop(0, MAIN // NBUF, pipe_body, 0)

    for c in (MAIN, MAIN + 1):
        b = c % NBUF
        gather_wait(c, b)
        compute(b)
        out_start(c, b)
        out_wait(c - 1, (b + 2) % NBUF)
    out_wait(MAIN + 1, (MAIN + 1) % NBUF)


def kernel(tokens, table, pos):
    batch, seq = tokens.shape
    flat_tok = tokens.reshape(batch * seq)
    mesh = plsc.VectorSubcoreMesh(core_axis_name="c", subcore_axis_name="s")
    run = functools.partial(
        pl.kernel,
        mesh=mesh,
        out_type=jax.ShapeDtypeStruct((batch * seq, D_MODEL), jnp.float32),
        scratch_types=[
            pltpu.VMEM((SEQ_PER_W * SEQ,), jnp.int32),
            pltpu.VMEM((SEQ, D_MODEL), jnp.float32),
            pltpu.VMEM((SEQ, D_MODEL), jnp.float32),
            pltpu.VMEM((SEQ, D_MODEL), jnp.float32),
            pltpu.VMEM((SEQ, D_MODEL), jnp.float32),
            pltpu.SemaphoreType.DMA,
            pltpu.SemaphoreType.DMA,
            pltpu.SemaphoreType.DMA,
            pltpu.SemaphoreType.DMA,
            pltpu.SemaphoreType.DMA,
            pltpu.SemaphoreType.DMA,
        ],
    )(_sc_kernel)
    out = run(flat_tok, table, pos)
    return out.reshape(batch, seq, D_MODEL)

# --- scband reference (transcript-rebuilt; emitter-appended) ---
"""Pipeline reference for scband-embedding-83906481095271 (READ-ONLY COPY).

The authoritative reference and input builder live on the scoring server;
editing this copy changes nothing except your own understanding.
"""

import jax, jax.numpy as jnp
import numpy as np

D_MODEL = 128
VOCAB = 100000
MAX_LEN = 5000
BATCH = 4096
SEQ = 200


def sinusoids(length, channels, max_timescale=10000):
    log_timescale_increment = np.log(max_timescale) / (channels // 2 - 1)
    inv_timescales = jnp.exp(-log_timescale_increment * jnp.arange(channels // 2, dtype=jnp.float32))
    scaled_time = jnp.arange(length, dtype=jnp.float32)[:, None] * inv_timescales[None, :]
    return jnp.concatenate([jnp.sin(scaled_time), jnp.cos(scaled_time)], axis=1)


def setup_inputs(seed: int = 0) -> dict:
    key = jax.random.key(seed)
    k1, k2 = jax.random.split(key)
    tokens = jax.random.randint(k1, (BATCH, SEQ), 0, VOCAB, dtype=jnp.int32)
    table = jax.random.normal(k2, (VOCAB, D_MODEL), dtype=jnp.float32)
    # padding_idx=0: row 0 is zeroed (as nn.Embedding does at init)
    table = table.at[0].set(0.0)
    pos = sinusoids(MAX_LEN, D_MODEL)
    return {"tokens": tokens, "table": table, "pos": pos}


def reference(tokens, table, pos):
    # Embedding lookup (SparseCore gather)
    emb = jnp.take(table, tokens, axis=0)  # [B, S, D]
    seq_len = tokens.shape[1]
    # scale by sqrt(d_model) and add sinusoidal positional embeddings
    out = emb * jnp.sqrt(jnp.float32(D_MODEL)) + pos[:seq_len]
    # dropout is identity in eval mode
    return out

if __name__ == "__main__":
    import jax
    _d = setup_inputs()
    print(jax.jit(kernel)(*tuple(_d.values())))

</pallas_src>

<mosaic_0001>
#map = affine_map<(d0, d1) -> (0)>
#map1 = affine_map<(d0, d1) -> (0, 0)>
module attributes {stable_mosaic.version = 14 : i64} {
  func.func @_sc_kernel(%arg0: i32, %arg1: i32, %arg2: memref<819200xi32, #tpu.memory_space<hbm>>, %arg3: memref<100000x128xf32, #tpu.memory_space<hbm>>, %arg4: memref<5000x128xf32, #tpu.memory_space<hbm>>, %arg5: memref<819200x128xf32, #tpu.memory_space<hbm>>, %arg6: memref<25600xi32, #tpu.memory_space<vmem>>, %arg7: memref<200x128xf32, #tpu.memory_space<vmem>>, %arg8: memref<200x128xf32, #tpu.memory_space<vmem>>, %arg9: memref<200x128xf32, #tpu.memory_space<vmem>>, %arg10: memref<200x128xf32, #tpu.memory_space<vmem>>, %arg11: memref<!tpu.dma_semaphore, #tpu.memory_space<semaphore_mem>>, %arg12: memref<!tpu.dma_semaphore, #tpu.memory_space<semaphore_mem>>, %arg13: memref<!tpu.dma_semaphore, #tpu.memory_space<semaphore_mem>>, %arg14: memref<!tpu.dma_semaphore, #tpu.memory_space<semaphore_mem>>, %arg15: memref<!tpu.dma_semaphore, #tpu.memory_space<semaphore_mem>>, %arg16: memref<!tpu.dma_semaphore, #tpu.memory_space<semaphore_mem>>) attributes {dimension_semantics = [#tpu.dimension_semantics<core_parallel>, #tpu.dimension_semantics<subcore_parallel>], iteration_bounds = array<i64: 2, 16>, scalar_prefetch = 0 : i64, scratch_operands = 11 : i64, tpu.core_type = #tpu.core_type<sc_vector_subcore>, window_params = [{transform_indices = #map}, {transform_indices = #map1}, {transform_indices = #map1}, {transform_indices = #map1}]} {
    %mul3A = arith.constant 2 : i32
    %mul3A_0 = arith.muli %arg1, %mul3A : i32
    %add3A = arith.addi %mul3A_0, %arg0 : i32
    %mul3A_1 = arith.constant 25600 : i32
    %mul3A_2 = arith.muli %add3A, %mul3A_1 : i32
    "tpu.region"() ({
      %run_scoped3A = tpu.sem_alloc : memref<!tpu.dma_semaphore, #tpu.memory_space<semaphore_mem>>
      %dma_start3A_112 = tpu.memref_slice %arg2[%mul3A_2] : memref<819200xi32, #tpu.memory_space<hbm>> -> memref<25600xi32, #tpu.memory_space<hbm>>
      %dma_start3A_113 = tpu.memref_slice %arg2[%mul3A_2] : memref<819200xi32, #tpu.memory_space<hbm>> -> memref<25600xi32, #tpu.memory_space<hbm>>
      tpu.enqueue_dma source(%dma_start3A_113 : memref<25600xi32, #tpu.memory_space<hbm>>) target(%arg6 : memref<25600xi32, #tpu.memory_space<vmem>>) target_semaphore(%run_scoped3A : memref<!tpu.dma_semaphore, #tpu.memory_space<semaphore_mem>>)
      %dma_wait3A_114 = tpu.memref_slice %arg2[%mul3A_2] : memref<819200xi32, #tpu.memory_space<hbm>> -> memref<25600xi32, #tpu.memory_space<hbm>>
      %dma_wait3A_115 = tpu.memref_slice %arg2[%mul3A_2] : memref<819200xi32, #tpu.memory_space<hbm>> -> memref<25600xi32, #tpu.memory_space<hbm>>
      tpu.wait_dma2 semaphore(%run_scoped3A : memref<!tpu.dma_semaphore, #tpu.memory_space<semaphore_mem>>) src(%dma_wait3A_115 : memref<25600xi32, #tpu.memory_space<hbm>>) dst(%arg6 : memref<25600xi32, #tpu.memory_space<vmem>>)
      tpu.yield
    }) : () -> ()
    "tpu.region"() ({
      %run_scoped3A = tpu.sem_alloc : memref<!tpu.dma_semaphore, #tpu.memory_space<semaphore_mem>>
      %dma_start3A_112 = arith.constant 0 : i32
      %dma_start3A_113 = arith.constant 0 : i32
      %dma_start3A_114 = tpu.memref_slice %arg4[%dma_start3A_112, %dma_start3A_113] : memref<5000x128xf32, #tpu.memory_space<hbm>> -> memref<200x128xf32, #tpu.memory_space<hbm>>
      %dma_start3A_115 = arith.constant 0 : i32
      %dma_start3A_116 = arith.constant 0 : i32
      %dma_start3A_117 = tpu.memref_slice %arg4[%dma_start3A_115, %dma_start3A_116] : memref<5000x128xf32, #tpu.memory_space<hbm>> -> memref<200x128xf32, #tpu.memory_space<hbm>>
      tpu.enqueue_dma source(%dma_start3A_117 : memref<200x128xf32, #tpu.memory_space<hbm>>) target(%arg7 : memref<200x128xf32, #tpu.memory_space<vmem>>) target_semaphore(%run_scoped3A : memref<!tpu.dma_semaphore, #tpu.memory_space<semaphore_mem>>)
      %dma_wait3A_118 = arith.constant 0 : i32
      %dma_wait3A_119 = arith.constant 0 : i32
      %dma_wait3A_120 = tpu.memref_slice %arg4[%dma_wait3A_118, %dma_wait3A_119] : memref<5000x128xf32, #tpu.memory_space<hbm>> -> memref<200x128xf32, #tpu.memory_space<hbm>>
      %dma_wait3A_121 = arith.constant 0 : i32
      %dma_wait3A_122 = arith.constant 0 : i32
      %dma_wait3A_123 = tpu.memref_slice %arg4[%dma_wait3A_121, %dma_wait3A_122] : memref<5000x128xf32, #tpu.memory_space<hbm>> -> memref<200x128xf32, #tpu.memory_space<hbm>>
      tpu.wait_dma2 semaphore(%run_scoped3A : memref<!tpu.dma_semaphore, #tpu.memory_space<semaphore_mem>>) src(%dma_wait3A_123 : memref<200x128xf32, #tpu.memory_space<hbm>>) dst(%arg7 : memref<200x128xf32, #tpu.memory_space<vmem>>)
      tpu.yield
    }) : () -> ()
    %dma_start3A = arith.constant 0 : i32
    %dma_start3A_3 = arith.constant 0 : i32
    %dma_start3A_4 = tpu.memref_slice %arg8[%dma_start3A, %dma_start3A_3] : memref<200x128xf32, #tpu.memory_space<vmem>> -> memref<104x128xf32, #tpu.memory_space<vmem>>
    %dma_start3A_5 = arith.constant 0 : i32
    %dma_start3A_6 = tpu.memref_slice %arg6[%dma_start3A_5] : memref<25600xi32, #tpu.memory_space<vmem>> -> memref<104xi32, #tpu.memory_space<vmem>>
    %dma_start3A_7 = arith.constant 0 : i32
    %dma_start3A_8 = arith.constant 0 : i32
    %dma_start3A_9 = tpu.memref_slice %arg3[%dma_start3A_7, %dma_start3A_8] : memref<100000x128xf32, #tpu.memory_space<hbm>> -> memref<100000x128xf32, #tpu.memory_space<hbm>>
    tpu.enqueue_indirect_dma source(%dma_start3A_9 : memref<100000x128xf32, #tpu.memory_space<hbm>>) target(%dma_start3A_4 : memref<104x128xf32, #tpu.memory_space<vmem>>) offsets(%dma_start3A_6 : memref<104xi32, #tpu.memory_space<vmem>>) semaphore(%arg11 : memref<!tpu.dma_semaphore, #tpu.memory_space<semaphore_mem>>)
    %dma_start3A_10 = arith.constant 104 : i32
    %dma_start3A_11 = arith.constant 0 : i32
    %dma_start3A_12 = tpu.memref_slice %arg8[%dma_start3A_10, %dma_start3A_11] : memref<200x128xf32, #tpu.memory_space<vmem>> -> memref<96x128xf32, #tpu.memory_space<vmem>>
    %dma_start3A_13 = arith.constant 104 : i32
    %dma_start3A_14 = tpu.memref_slice %arg6[%dma_start3A_13] : memref<25600xi32, #tpu.memory_space<vmem>> -> memref<96xi32, #tpu.memory_space<vmem>>
    %dma_start3A_15 = arith.constant 0 : i32
    %dma_start3A_16 = arith.constant 0 : i32
    %dma_start3A_17 = tpu.memref_slice %arg3[%dma_start3A_15, %dma_start3A_16] : memref<100000x128xf32, #tpu.memory_space<hbm>> -> memref<100000x128xf32, #tpu.memory_space<hbm>>
    tpu.enqueue_indirect_dma source(%dma_start3A_17 : memref<100000x128xf32, #tpu.memory_space<hbm>>) target(%dma_start3A_12 : memref<96x128xf32, #tpu.memory_space<vmem>>) offsets(%dma_start3A_14 : memref<96xi32, #tpu.memory_space<vmem>>) semaphore(%arg11 : memref<!tpu.dma_semaphore, #tpu.memory_space<semaphore_mem>>)
    %dma_start3A_18 = arith.constant 0 : i32
    %dma_start3A_19 = arith.constant 0 : i32
    %dma_start3A_20 = tpu.memref_slice %arg9[%dma_start3A_18, %dma_start3A_19] : memref<200x128xf32, #tpu.memory_space<vmem>> -> memref<104x128xf32, #tpu.memory_space<vmem>>
    %dma_start3A_21 = arith.constant 200 : i32
    %dma_start3A_22 = tpu.memref_slice %arg6[%dma_start3A_21] : memref<25600xi32, #tpu.memory_space<vmem>> -> memref<104xi32, #tpu.memory_space<vmem>>
    %dma_start3A_23 = arith.constant 0 : i32
    %dma_start3A_24 = arith.constant 0 : i32
    %dma_start3A_25 = tpu.memref_slice %arg3[%dma_start3A_23, %dma_start3A_24] : memref<100000x128xf32, #tpu.memory_space<hbm>> -> memref<100000x128xf32, #tpu.memory_space<hbm>>
    tpu.enqueue_indirect_dma source(%dma_start3A_25 : memref<100000x128xf32, #tpu.memory_space<hbm>>) target(%dma_start3A_20 : memref<104x128xf32, #tpu.memory_space<vmem>>) offsets(%dma_start3A_22 : memref<104xi32, #tpu.memory_space<vmem>>) semaphore(%arg12 : memref<!tpu.dma_semaphore, #tpu.memory_space<semaphore_mem>>)
    %dma_start3A_26 = arith.constant 104 : i32
    %dma_start3A_27 = arith.constant 0 : i32
    %dma_start3A_28 = tpu.memref_slice %arg9[%dma_start3A_26, %dma_start3A_27] : memref<200x128xf32, #tpu.memory_space<vmem>> -> memref<96x128xf32, #tpu.memory_space<vmem>>
    %dma_start3A_29 = arith.constant 304 : i32
    %dma_start3A_30 = tpu.memref_slice %arg6[%dma_start3A_29] : memref<25600xi32, #tpu.memory_space<vmem>> -> memref<96xi32, #tpu.memory_space<vmem>>
    %dma_start3A_31 = arith.constant 0 : i32
    %dma_start3A_32 = arith.constant 0 : i32
    %dma_start3A_33 = tpu.memref_slice %arg3[%dma_start3A_31, %dma_start3A_32] : memref<100000x128xf32, #tpu.memory_space<hbm>> -> memref<100000x128xf32, #tpu.memory_space<hbm>>
    tpu.enqueue_indirect_dma source(%dma_start3A_33 : memref<100000x128xf32, #tpu.memory_space<hbm>>) target(%dma_start3A_28 : memref<96x128xf32, #tpu.memory_space<vmem>>) offsets(%dma_start3A_30 : memref<96xi32, #tpu.memory_space<vmem>>) semaphore(%arg12 : memref<!tpu.dma_semaphore, #tpu.memory_space<semaphore_mem>>)
    %scan3A = arith.constant 0 : i32
    %scan3A_34 = arith.constant 0 : i32
    %scan3A_35 = arith.constant 42 : i32
    %scan3A_36 = arith.addi %scan3A_34, %scan3A_35 : i32
    %scan3A_37 = arith.constant 1 : i32
    scf.for %scan3A_112 = %scan3A_34 to %scan3A_36 step %scan3A_37  : i32 {
      %mul3A_113 = arith.constant 3 : i32
      %mul3A_114 = arith.muli %scan3A_112, %mul3A_113 : i32
      %add3A_115 = arith.constant 0 : i32
      %add3A_116 = arith.addi %mul3A_114, %add3A_115 : i32
      %mul3A_117 = arith.constant 200 : i32
      %mul3A_118 = arith.muli %add3A_116, %mul3A_117 : i32
      %dma_wait3A_119 = arith.constant 0 : i32
      %dma_wait3A_120 = arith.constant 0 : i32
      %dma_wait3A_121 = tpu.memref_slice %arg8[%dma_wait3A_119, %dma_wait3A_120] : memref<200x128xf32, #tpu.memory_space<vmem>> -> memref<104x128xf32, #tpu.memory_space<vmem>>
      %dma_wait3A_122 = tpu.memref_slice %arg6[%mul3A_118] : memref<25600xi32, #tpu.memory_space<vmem>> -> memref<104xi32, #tpu.memory_space<vmem>>
      %dma_wait3A_123 = arith.constant 0 : i32
      %dma_wait3A_124 = arith.constant 0 : i32
      %dma_wait3A_125 = tpu.memref_slice %arg3[%dma_wait3A_123, %dma_wait3A_124] : memref<100000x128xf32, #tpu.memory_space<hbm>> -> memref<100000x128xf32, #tpu.memory_space<hbm>>
      tpu.wait_indirect_dma semaphore(%arg11 : memref<!tpu.dma_semaphore, #tpu.memory_space<semaphore_mem>>) src(%dma_wait3A_125 : memref<100000x128xf32, #tpu.memory_space<hbm>>) dst(%dma_wait3A_121 : memref<104x128xf32, #tpu.memory_space<vmem>>)
      %add3A_126 = arith.constant 104 : i32
      %add3A_127 = arith.addi %mul3A_118, %add3A_126 : i32
      %dma_wait3A_128 = arith.constant 104 : i32
      %dma_wait3A_129 = arith.constant 0 : i32
      %dma_wait3A_130 = tpu.memref_slice %arg8[%dma_wait3A_128, %dma_wait3A_129] : memref<200x128xf32, #tpu.memory_space<vmem>> -> memref<96x128xf32, #tpu.memory_space<vmem>>
      %dma_wait3A_131 = tpu.memref_slice %arg6[%add3A_127] : memref<25600xi32, #tpu.memory_space<vmem>> -> memref<96xi32, #tpu.memory_space<vmem>>
      %dma_wait3A_132 = arith.constant 0 : i32
      %dma_wait3A_133 = arith.constant 0 : i32
      %dma_wait3A_134 = tpu.memref_slice %arg3[%dma_wait3A_132, %dma_wait3A_133] : memref<100000x128xf32, #tpu.memory_space<hbm>> -> memref<100000x128xf32, #tpu.memory_space<hbm>>
      tpu.wait_indirect_dma semaphore(%arg11 : memref<!tpu.dma_semaphore, #tpu.memory_space<semaphore_mem>>) src(%dma_wait3A_134 : memref<100000x128xf32, #tpu.memory_space<hbm>>) dst(%dma_wait3A_130 : memref<96x128xf32, #tpu.memory_space<vmem>>)
      %scan3A_135 = arith.constant 0 : i32
      %scan3A_136 = arith.constant 0 : i32
      %scan3A_137 = arith.constant 50 : i32
      %scan3A_138 = arith.addi %scan3A_136, %scan3A_137 : i32
      %scan3A_139 = arith.constant 1 : i32
      scf.for %scan3A_295 = %scan3A_136 to %scan3A_138 step %scan3A_139  : i32 {
        %mul3A_296 = arith.constant 4 : i32
        %mul3A_297 = arith.muli %scan3A_295, %mul3A_296 : i32
        %add3A_298 = arith.constant 0 : i32
        %add3A_299 = arith.addi %mul3A_297, %add3A_298 : i32
        %get3A = arith.index_cast %add3A_299 : i32 to index
        %get3A_300 = arith.constant 0 : index
        %get3A_301 = tpu.vector_load %arg8[%get3A, %get3A_300] {strides = array<i32>} : memref<200x128xf32, #tpu.memory_space<vmem>>, vector<1x16xf32>,
        %get3A_302 = vector.shape_cast %get3A_301 : vector<1x16xf32> to vector<16xf32>
        %mul3A_303 = arith.constant 11.3137083 : f32
        %mul3A_304 = vector.broadcast %mul3A_303 : f32 to vector<16xf32>
        %mul3A_305 = arith.mulf %get3A_302, %mul3A_304 : vector<16xf32>
        %mul3A_306 = arith.constant 4 : i32
        %mul3A_307 = arith.muli %scan3A_295, %mul3A_306 : i32
        %add3A_308 = arith.constant 0 : i32
        %add3A_309 = arith.addi %mul3A_307, %add3A_308 : i32
        %get3A_310 = arith.index_cast %add3A_309 : i32 to index
        %get3A_311 = arith.constant 0 : index
        %get3A_312 = tpu.vector_load %arg7[%get3A_310, %get3A_311] {strides = array<i32>} : memref<200x128xf32, #tpu.memory_space<vmem>>, vector<1x16xf32>,
        %get3A_313 = vector.shape_cast %get3A_312 : vector<1x16xf32> to vector<16xf32>
        %add3A_314 = arith.addf %mul3A_305, %get3A_313 : vector<16xf32>
        %mul3A_315 = arith.constant 4 : i32
        %mul3A_316 = arith.muli %scan3A_295, %mul3A_315 : i32
        %add3A_317 = arith.constant 0 : i32
        %add3A_318 = arith.addi %mul3A_316, %add3A_317 : i32
        %swap3A = arith.index_cast %add3A_318 : i32 to index
        %swap3A_319 = arith.constant 0 : index
        %swap3A_320 = tpu.vector_load %arg8[%swap3A, %swap3A_319] {strides = array<i32>} : memref<200x128xf32, #tpu.memory_space<vmem>>, vector<1x16xf32>,
        %swap3A_321 = vector.shape_cast %swap3A_320 : vector<1x16xf32> to vector<16xf32>
        %swap3A_322 = vector.shape_cast %add3A_314 : vector<16xf32> to vector<1x16xf32>
        tpu.vector_store %arg8[%swap3A, %swap3A_319], %swap3A_322 {strides = array<i32>} : memref<200x128xf32, #tpu.memory_space<vmem>>, vector<1x16xf32>,
        %mul3A_323 = arith.constant 4 : i32
        %mul3A_324 = arith.muli %scan3A_295, %mul3A_323 : i32
        %add3A_325 = arith.constant 0 : i32
        %add3A_326 = arith.addi %mul3A_324, %add3A_325 : i32
        %get3A_327 = arith.index_cast %add3A_326 : i32 to index
        %get3A_328 = arith.constant 16 : index
        %get3A_329 = tpu.vector_load %arg8[%get3A_327, %get3A_328] {strides = array<i32>} : memref<200x128xf32, #tpu.memory_space<vmem>>, vector<1x16xf32>,
        %get3A_330 = vector.shape_cast %get3A_329 : vector<1x16xf32> to vector<16xf32>
        %mul3A_331 = arith.constant 11.3137083 : f32
        %mul3A_332 = vector.broadcast %mul3A_331 : f32 to vector<16xf32>
        %mul3A_333 = arith.mulf %get3A_330, %mul3A_332 : vector<16xf32>
        %mul3A_334 = arith.constant 4 : i32
        %mul3A_335 = arith.muli %scan3A_295, %mul3A_334 : i32
        %add3A_336 = arith.constant 0 : i32
        %add3A_337 = arith.addi %mul3A_335, %add3A_336 : i32
        %get3A_338 = arith.index_cast %add3A_337 : i32 to index
        %get3A_339 = arith.constant 16 : index
        %get3A_340 = tpu.vector_load %arg7[%get3A_338, %get3A_339] {strides = array<i32>} : memref<200x128xf32, #tpu.memory_space<vmem>>, vector<1x16xf32>,
        %get3A_341 = vector.shape_cast %get3A_340 : vector<1x16xf32> to vector<16xf32>
        %add3A_342 = arith.addf %mul3A_333, %get3A_341 : vector<16xf32>
        %mul3A_343 = arith.constant 4 : i32
        %mul3A_344 = arith.muli %scan3A_295, %mul3A_343 : i32
        %add3A_345 = arith.constant 0 : i32
        %add3A_346 = arith.addi %mul3A_344, %add3A_345 : i32
        %swap3A_347 = arith.index_cast %add3A_346 : i32 to index
        %swap3A_348 = arith.constant 16 : index
        %swap3A_349 = tpu.vector_load %arg8[%swap3A_347, %swap3A_348] {strides = array<i32>} : memref<200x128xf32, #tpu.memory_space<vmem>>, vector<1x16xf32>,
        %swap3A_350 = vector.shape_cast %swap3A_349 : vector<1x16xf32> to vector<16xf32>
        %swap3A_351 = vector.shape_cast %add3A_342 : vector<16xf32> to vector<1x16xf32>
        tpu.vector_store %arg8[%swap3A_347, %swap3A_348], %swap3A_351 {strides = array<i32>} : memref<200x128xf32, #tpu.memory_space<vmem>>, vector<1x16xf32>,
        %mul3A_352 = arith.constant 4 : i32
        %mul3A_353 = arith.muli %scan3A_295, %mul3A_352 : i32
        %add3A_354 = arith.constant 0 : i32
        %add3A_355 = arith.addi %mul3A_353, %add3A_354 : i32
        %get3A_356 = arith.index_cast %add3A_355 : i32 to index
        %get3A_357 = arith.constant 32 : index
        %get3A_358 = tpu.vector_load %arg8[%get3A_356, %get3A_357] {strides = array<i32>} : memref<200x128xf32, #tpu.memory_space<vmem>>, vector<1x16xf32>,
        %get3A_359 = vector.shape_cast %get3A_358 : vector<1x16xf32> to vector<16xf32>
        %mul3A_360 = arith.constant 11.3137083 : f32
        %mul3A_361 = vector.broadcast %mul3A_360 : f32 to vector<16xf32>
        %mul3A_362 = arith.mulf %get3A_359, %mul3A_361 : vector<16xf32>
        %mul3A_363 = arith.constant 4 : i32
        %mul3A_364 = arith.muli %scan3A_295, %mul3A_363 : i32
        %add3A_365 = arith.constant 0 : i32
        %add3A_366 = arith.addi %mul3A_364, %add3A_365 : i32
        %get3A_367 = arith.index_cast %add3A_366 : i32 to index
        %get3A_368 = arith.constant 32 : index
        %get3A_369 = tpu.vector_load %arg7[%get3A_367, %get3A_368] {strides = array<i32>} : memref<200x128xf32, #tpu.memory_space<vmem>>, vector<1x16xf32>,
        %get3A_370 = vector.shape_cast %get3A_369 : vector<1x16xf32> to vector<16xf32>
        %add3A_371 = arith.addf %mul3A_362, %get3A_370 : vector<16xf32>
        %mul3A_372 = arith.constant 4 : i32
        %mul3A_373 = arith.muli %scan3A_295, %mul3A_372 : i32
        %add3A_374 = arith.constant 0 : i32
        %add3A_375 = arith.addi %mul3A_373, %add3A_374 : i32
        %swap3A_376 = arith.index_cast %add3A_375 : i32 to index
        %swap3A_377 = arith.constant 32 : index
        %swap3A_378 = tpu.vector_load %arg8[%swap3A_376, %swap3A_377] {strides = array<i32>} : memref<200x128xf32, #tpu.memory_space<vmem>>, vector<1x16xf32>,
        %swap3A_379 = vector.shape_cast %swap3A_378 : vector<1x16xf32> to vector<16xf32>
        %swap3A_380 = vector.shape_cast %add3A_371 : vector<16xf32> to vector<1x16xf32>
        tpu.vector_store %arg8[%swap3A_376, %swap3A_377], %swap3A_380 {strides = array<i32>} : memref<200x128xf32, #tpu.memory_space<vmem>>, vector<1x16xf32>,
        %mul3A_381 = arith.constant 4 : i32
        %mul3A_382 = arith.muli %scan3A_295, %mul3A_381 : i32
        %add3A_383 = arith.constant 0 : i32
        %add3A_384 = arith.addi %mul3A_382, %add3A_383 : i32
        %get3A_385 = arith.index_cast %add3A_384 : i32 to index
        %get3A_386 = arith.constant 48 : index
        %get3A_387 = tpu.vector_load %arg8[%get3A_385, %get3A_386] {strides = array<i32>} : memref<200x128xf32, #tpu.memory_space<vmem>>, vector<1x16xf32>,
        %get3A_388 = vector.shape_cast %get3A_387 : vector<1x16xf32> to vector<16xf32>
        %mul3A_389 = arith.constant 11.3137083 : f32
        %mul3A_390 = vector.broadcast %mul3A_389 : f32 to vector<16xf32>
        %mul3A_391 = arith.mulf %get3A_388, %mul3A_390 : vector<16xf32>
        %mul3A_392 = arith.constant 4 : i32
        %mul3A_393 = arith.muli %scan3A_295, %mul3A_392 : i32
        %add3A_394 = arith.constant 0 : i32
        %add3A_395 = arith.addi %mul3A_393, %add3A_394 : i32
        %get3A_396 = arith.index_cast %add3A_395 : i32 to index
        %get3A_397 = arith.constant 48 : index
        %get3A_398 = tpu.vector_load %arg7[%get3A_396, %get3A_397] {strides = array<i32>} : memref<200x128xf32, #tpu.memory_space<vmem>>, vector<1x16xf32>,
        %get3A_399 = vector.shape_cast %get3A_398 : vector<1x16xf32> to vector<16xf32>
        %add3A_400 = arith.addf %mul3A_391, %get3A_399 : vector<16xf32>
        %mul3A_401 = arith.constant 4 : i32
        %mul3A_402 = arith.muli %scan3A_295, %mul3A_401 : i32
        %add3A_403 = arith.constant 0 : i32
        %add3A_404 = arith.addi %mul3A_402, %add3A_403 : i32
        %swap3A_405 = arith.index_cast %add3A_404 : i32 to index
        %swap3A_406 = arith.constant 48 : index
        %swap3A_407 = tpu.vector_load %arg8[%swap3A_405, %swap3A_406] {strides = array<i32>} : memref<200x128xf32, #tpu.memory_space<vmem>>, vector<1x16xf32>,
        %swap3A_408 = vector.shape_cast %swap3A_407 : vector<1x16xf32> to vector<16xf32>
        %swap3A_409 = vector.shape_cast %add3A_400 : vector<16xf32> to vector<1x16xf32>
        tpu.vector_store %arg8[%swap3A_405, %swap3A_406], %swap3A_409 {strides = array<i32>} : memref<200x128xf32, #tpu.memory_space<vmem>>, vector<1x16xf32>,
        %mul3A_410 = arith.constant 4 : i32
        %mul3A_411 = arith.muli %scan3A_295, %mul3A_410 : i32
        %add3A_412 = arith.constant 0 : i32
        %add3A_413 = arith.addi %mul3A_411, %add3A_412 : i32
        %get3A_414 = arith.index_cast %add3A_413 : i32 to index
        %get3A_415 = arith.constant 64 : index
        %get3A_416 = tpu.vector_load %arg8[%get3A_414, %get3A_415] {strides = array<i32>} : memref<200x128xf32, #tpu.memory_space<vmem>>, vector<1x16xf32>,
        %get3A_417 = vector.shape_cast %get3A_416 : vector<1x16xf32> to vector<16xf32>
        %mul3A_418 = arith.constant 11.3137083 : f32
        %mul3A_419 = vector.broadcast %mul3A_418 : f32 to vector<16xf32>
        %mul3A_420 = arith.mulf %get3A_417, %mul3A_419 : vector<16xf32>
        %mul3A_421 = arith.constant 4 : i32
        %mul3A_422 = arith.muli %scan3A_295, %mul3A_421 : i32
        %add3A_423 = arith.constant 0 : i32
        %add3A_424 = arith.addi %mul3A_422, %add3A_423 : i32
        %get3A_425 = arith.index_cast %add3A_424 : i32 to index
        %get3A_426 = arith.constant 64 : index
        %get3A_427 = tpu.vector_load %arg7[%get3A_425, %get3A_426] {strides = array<i32>} : memref<200x128xf32, #tpu.memory_space<vmem>>, vector<1x16xf32>,
        %get3A_428 = vector.shape_cast %get3A_427 : vector<1x16xf32> to vector<16xf32>
        %add3A_429 = arith.addf %mul3A_420, %get3A_428 : vector<16xf32>
        %mul3A_430 = arith.constant 4 : i32
        %mul3A_431 = arith.muli %scan3A_295, %mul3A_430 : i32
        %add3A_432 = arith.constant 0 : i32
        %add3A_433 = arith.addi %mul3A_431, %add3A_432 : i32
        %swap3A_434 = arith.index_cast %add3A_433 : i32 to index
        %swap3A_435 = arith.constant 64 : index
        %swap3A_436 = tpu.vector_load %arg8[%swap3A_434, %swap3A_435] {strides = array<i32>} : memref<200x128xf32, #tpu.memory_space<vmem>>, vector<1x16xf32>,
        %swap3A_437 = vector.shape_cast %swap3A_436 : vector<1x16xf32> to vector<16xf32>
        %swap3A_438 = vector.shape_cast %add3A_429 : vector<16xf32> to vector<1x16xf32>
        tpu.vector_store %arg8[%swap3A_434, %swap3A_435], %swap3A_438 {strides = array<i32>} : memref<200x128xf32, #tpu.memory_space<vmem>>, vector<1x16xf32>,
        %mul3A_439 = arith.constant 4 : i32
        %mul3A_440 = arith.muli %scan3A_295, %mul3A_439 : i32
        %add3A_441 = arith.constant 0 : i32
        %add3A_442 = arith.addi %mul3A_440, %add3A_441 : i32
        %get3A_443 = arith.index_cast %add3A_442 : i32 to index
        %get3A_444 = arith.constant 80 : index
        %get3A_445 = tpu.vector_load %arg8[%get3A_443, %get3A_444] {strides = array<i32>} : memref<200x128xf32, #tpu.memory_space<vmem>>, vector<1x16xf32>,
        %get3A_446 = vector.shape_cast %get3A_445 : vector<1x16xf32> to vector<16xf32>
        %mul3A_447 = arith.constant 11.3137083 : f32
        %mul3A_448 = vector.broadcast %mul3A_447 : f32 to vector<16xf32>
        %mul3A_449 = arith.mulf %get3A_446, %mul3A_448 : vector<16xf32>
        %mul3A_450 = arith.constant 4 : i32
        %mul3A_451 = arith.muli %scan3A_295, %mul3A_450 : i32
        %add3A_452 = arith.constant 0 : i32
        %add3A_453 = arith.addi %mul3A_451, %add3A_452 : i32
        %get3A_454 = arith.index_cast %add3A_453 : i32 to index
        %get3A_455 = arith.constant 80 : index
        %get3A_456 = tpu.vector_load %arg7[%get3A_454, %get3A_455] {strides = array<i32>} : memref<200x128xf32, #tpu.memory_space<vmem>>, vector<1x16xf32>,
        %get3A_457 = vector.shape_cast %get3A_456 : vector<1x16xf32> to vector<16xf32>
        %add3A_458 = arith.addf %mul3A_449, %get3A_457 : vector<16xf32>
        %mul3A_459 = arith.constant 4 : i32
        %mul3A_460 = arith.muli %scan3A_295, %mul3A_459 : i32
        %add3A_461 = arith.constant 0 : i32
        %add3A_462 = arith.addi %mul3A_460, %add3A_461 : i32
        %swap3A_463 = arith.index_cast %add3A_462 : i32 to index
        %swap3A_464 = arith.constant 80 : index
        %swap3A_465 = tpu.vector_load %arg8[%swap3A_463, %swap3A_464] {strides = array<i32>} : memref<200x128xf32, #tpu.memory_space<vmem>>, vector<1x16xf32>,
        %swap3A_466 = vector.shape_cast %swap3A_465 : vector<1x16xf32> to vector<16xf32>
        %swap3A_467 = vector.shape_cast %add3A_458 : vector<16xf32> to vector<1x16xf32>
        tpu.vector_store %arg8[%swap3A_463, %swap3A_464], %swap3A_467 {strides = array<i32>} : memref<200x128xf32, #tpu.memory_space<vmem>>, vector<1x16xf32>,
        %mul3A_468 = arith.constant 4 : i32
        %mul3A_469 = arith.muli %scan3A_295, %mul3A_468 : i32
        %add3A_470 = arith.constant 0 : i32
        %add3A_471 = arith.addi %mul3A_469, %add3A_470 : i32
        %get3A_472 = arith.index_cast %add3A_471 : i32 to index
        %get3A_473 = arith.constant 96 : index
        %get3A_474 = tpu.vector_load %arg8[%get3A_472, %get3A_473] {strides = array<i32>} : memref<200x128xf32, #tpu.memory_space<vmem>>, vector<1x16xf32>,
        %get3A_475 = vector.shape_cast %get3A_474 : vector<1x16xf32> to vector<16xf32>
        %mul3A_476 = arith.constant 11.3137083 : f32
        %mul3A_477 = vector.broadcast %mul3A_476 : f32 to vector<16xf32>
        %mul3A_478 = arith.mulf %get3A_475, %mul3A_477 : vector<16xf32>
        %mul3A_479 = arith.constant 4 : i32
        %mul3A_480 = arith.muli %scan3A_295, %mul3A_479 : i32
        %add3A_481 = arith.constant 0 : i32
        %add3A_482 = arith.addi %mul3A_480, %add3A_481 : i32
        %get3A_483 = arith.index_cast %add3A_482 : i32 to index
        %get3A_484 = arith.constant 96 : index
        %get3A_485 = tpu.vector_load %arg7[%get3A_483, %get3A_484] {strides = array<i32>} : memref<200x128xf32, #tpu.memory_space<vmem>>, vector<1x16xf32>,
        %get3A_486 = vector.shape_cast %get3A_485 : vector<1x16xf32> to vector<16xf32>
        %add3A_487 = arith.addf %mul3A_478, %get3A_486 : vector<16xf32>
        %mul3A_488 = arith.constant 4 : i32
        %mul3A_489 = arith.muli %scan3A_295, %mul3A_488 : i32
        %add3A_490 = arith.constant 0 : i32
        %add3A_491 = arith.addi %mul3A_489, %add3A_490 : i32
        %swap3A_492 = arith.index_cast %add3A_491 : i32 to index
        %swap3A_493 = arith.constant 96 : index
        %swap3A_494 = tpu.vector_load %arg8[%swap3A_492, %swap3A_493] {strides = array<i32>} : memref<200x128xf32, #tpu.memory_space<vmem>>, vector<1x16xf32>,
        %swap3A_495 = vector.shape_cast %swap3A_494 : vector<1x16xf32> to vector<16xf32>
        %swap3A_496 = vector.shape_cast %add3A_487 : vector<16xf32> to vector<1x16xf32>
        tpu.vector_store %arg8[%swap3A_492, %swap3A_493], %swap3A_496 {strides = array<i32>} : memref<200x128xf32, #tpu.memory_space<vmem>>, vector<1x16xf32>,
        %mul3A_497 = arith.constant 4 : i32
        %mul3A_498 = arith.muli %scan3A_295, %mul3A_497 : i32
        %add3A_499 = arith.constant 0 : i32
        %add3A_500 = arith.addi %mul3A_498, %add3A_499 : i32
        %get3A_501 = arith.index_cast %add3A_500 : i32 to index
        %get3A_502 = arith.constant 112 : index
        %get3A_503 = tpu.vector_load %arg8[%get3A_501, %get3A_502] {strides = array<i32>} : memref<200x128xf32, #tpu.memory_space<vmem>>, vector<1x16xf32>,
        %get3A_504 = vector.shape_cast %get3A_503 : vector<1x16xf32> to vector<16xf32>
        %mul3A_505 = arith.constant 11.3137083 : f32
        %mul3A_506 = vector.broadcast %mul3A_505 : f32 to vector<16xf32>
        %mul3A_507 = arith.mulf %get3A_504, %mul3A_506 : vector<16xf32>
        %mul3A_508 = arith.constant 4 : i32
        %mul3A_509 = arith.muli %scan3A_295, %mul3A_508 : i32
        %add3A_510 = arith.constant 0 : i32
        %add3A_511 = arith.addi %mul3A_509, %add3A_510 : i32
        %get3A_512 = arith.index_cast %add3A_511 : i32 to index
        %get3A_513 = arith.constant 112 : index
        %get3A_514 = tpu.vector_load %arg7[%get3A_512, %get3A_513] {strides = array<i32>} : memref<200x128xf32, #tpu.memory_space<vmem>>, vector<1x16xf32>,
        %get3A_515 = vector.shape_cast %get3A_514 : vector<1x16xf32> to vector<16xf32>
        %add3A_516 = arith.addf %mul3A_507, %get3A_515 : vector<16xf32>
        %mul3A_517 = arith.constant 4 : i32
        %mul3A_518 = arith.muli %scan3A_295, %mul3A_517 : i32
        %add3A_519 = arith.constant 0 : i32
        %add3A_520 = arith.addi %mul3A_518, %add3A_519 : i32
        %swap3A_521 = arith.index_cast %add3A_520 : i32 to index
        %swap3A_522 = arith.constant 112 : index
        %swap3A_523 = tpu.vector_load %arg8[%swap3A_521, %swap3A_522] {strides = array<i32>} : memref<200x128xf32, #tpu.memory_space<vmem>>, vector<1x16xf32>,
        %swap3A_524 = vector.shape_cast %swap3A_523 : vector<1x16xf32> to vector<16xf32>
        %swap3A_525 = vector.shape_cast %add3A_516 : vector<16xf32> to vector<1x16xf32>
        tpu.vector_store %arg8[%swap3A_521, %swap3A_522], %swap3A_525 {strides = array<i32>} : memref<200x128xf32, #tpu.memory_space<vmem>>, vector<1x16xf32>,
        %mul3A_526 = arith.constant 4 : i32
        %mul3A_527 = arith.muli %scan3A_295, %mul3A_526 : i32
        %add3A_528 = arith.constant 1 : i32
        %add3A_529 = arith.addi %mul3A_527, %add3A_528 : i32
        %get3A_530 = arith.index_cast %add3A_529 : i32 to index
        %get3A_531 = arith.constant 0 : index
        %get3A_532 = tpu.vector_load %arg8[%get3A_530, %get3A_531] {strides = array<i32>} : memref<200x128xf32, #tpu.memory_space<vmem>>, vector<1x16xf32>,
        %get3A_533 = vector.shape_cast %get3A_532 : vector<1x16xf32> to vector<16xf32>
        %mul3A_534 = arith.constant 11.3137083 : f32
        %mul3A_535 = vector.broadcast %mul3A_534 : f32 to vector<16xf32>
        %mul3A_536 = arith.mulf %get3A_533, %mul3A_535 : vector<16xf32>
        %mul3A_537 = arith.constant 4 : i32
        %mul3A_538 = arith.muli %scan3A_295, %mul3A_537 : i32
        %add3A_539 = arith.constant 1 : i32
        %add3A_540 = arith.addi %mul3A_538, %add3A_539 : i32
        %get3A_541 = arith.index_cast %add3A_540 : i32 to index
        %get3A_542 = arith.constant 0 : index
        %get3A_543 = tpu.vector_load %arg7[%get3A_541, %get3A_542] {strides = array<i32>} : memref<200x128xf32, #tpu.memory_space<vmem>>, vector<1x16xf32>,
        %get3A_544 = vector.shape_cast %get3A_543 : vector<1x16xf32> to vector<16xf32>
        %add3A_545 = arith.addf %mul3A_536, %get3A_544 : vector<16xf32>
        %mul3A_546 = arith.constant 4 : i32
        %mul3A_547 = arith.muli %scan3A_295, %mul3A_546 : i32
        %add3A_548 = arith.constant 1 : i32
        %add3A_549 = arith.addi %mul3A_547, %add3A_548 : i32
        %swap3A_550 = arith.index_cast %add3A_549 : i32 to index
        %swap3A_551 = arith.constant 0 : index
        %swap3A_552 = tpu.vector_load %arg8[%swap3A_550, %swap3A_551] {strides = array<i32>} : memref<200x128xf32, #tpu.memory_space<vmem>>, vector<1x16xf32>,
        %swap3A_553 = vector.shape_cast %swap3A_552 : vector<1x16xf32> to vector<16xf32>
        %swap3A_554 = vector.shape_cast %add3A_545 : vector<16xf32> to vector<1x16xf32>
        tpu.vector_store %arg8[%swap3A_550, %swap3A_551], %swap3A_554 {strides = array<i32>} : memref<200x128xf32, #tpu.memory_space<vmem>>, vector<1x16xf32>,
        %mul3A_555 = arith.constant 4 : i32
        %mul3A_556 = arith.muli %scan3A_295, %mul3A_555 : i32
        %add3A_557 = arith.constant 1 : i32
        %add3A_558 = arith.addi %mul3A_556, %add3A_557 : i32
        %get3A_559 = arith.index_cast %add3A_558 : i32 to index
        %get3A_560 = arith.constant 16 : index
        %get3A_561 = tpu.vector_load %arg8[%get3A_559, %get3A_560] {strides = array<i32>} : memref<200x128xf32, #tpu.memory_space<vmem>>, vector<1x16xf32>,
        %get3A_562 = vector.shape_cast %get3A_561 : vector<1x16xf32> to vector<16xf32>
        %mul3A_563 = arith.constant 11.3137083 : f32
        %mul3A_564 = vector.broadcast %mul3A_563 : f32 to vector<16xf32>
        %mul3A_565 = arith.mulf %get3A_562, %mul3A_564 : vector<16xf32>
        %mul3A_566 = arith.constant 4 : i32
        %mul3A_567 = arith.muli %scan3A_295, %mul3A_566 : i32
        %add3A_568 = arith.constant 1 : i32
        %add3A_569 = arith.addi %mul3A_567, %add3A_568 : i32
        %get3A_570 = arith.index_cast %add3A_569 : i32 to index
        %get3A_571 = arith.constant 16 : index
        %get3A_572 = tpu.vector_load %arg7[%get3A_570, %get3A_571] {strides = array<i32>} : memref<200x128xf32, #tpu.memory_space<vmem>>, vector<1x16xf32>,
        %get3A_573 = vector.shape_cast %get3A_572 : vector<1x16xf32> to vector<16xf32>
        %add3A_574 = arith.addf %mul3A_565, %get3A_573 : vector<16xf32>
        %mul3A_575 = arith.constant 4 : i32
        %mul3A_576 = arith.muli %scan3A_295, %mul3A_575 : i32
        %add3A_577 = arith.constant 1 : i32
        %add3A_578 = arith.addi %mul3A_576, %add3A_577 : i32
        %swap3A_579 = arith.index_cast %add3A_578 : i32 to index
        %swap3A_580 = arith.constant 16 : index
        %swap3A_581 = tpu.vector_load %arg8[%swap3A_579, %swap3A_580] {strides = array<i32>} : memref<200x128xf32, #tpu.memory_space<vmem>>, vector<1x16xf32>,
        %swap3A_582 = vector.shape_cast %swap3A_581 : vector<1x16xf32> to vector<16xf32>
        %swap3A_583 = vector.shape_cast %add3A_574 : vector<16xf32> to vector<1x16xf32>
        tpu.vector_store %arg8[%swap3A_579, %swap3A_580], %swap3A_583 {strides = array<i32>} : memref<200x128xf32, #tpu.memory_space<vmem>>, vector<1x16xf32>,
        %mul3A_584 = arith.constant 4 : i32
        %mul3A_585 = arith.muli %scan3A_295, %mul3A_584 : i32
        %add3A_586 = arith.constant 1 : i32
        %add3A_587 = arith.addi %mul3A_585, %add3A_586 : i32
        %get3A_588 = arith.index_cast %add3A_587 : i32 to index
        %get3A_589 = arith.constant 32 : index
        %get3A_590 = tpu.vector_load %arg8[%get3A_588, %get3A_589] {strides = array<i32>} : memref<200x128xf32, #tpu.memory_space<vmem>>, vector<1x16xf32>,
        %get3A_591 = vector.shape_cast %get3A_590 : vector<1x16xf32> to vector<16xf32>
        %mul3A_592 = arith.constant 11.3137083 : f32
        %mul3A_593 = vector.broadcast %mul3A_592 : f32 to vector<16xf32>
        %mul3A_594 = arith.mulf %get3A_591, %mul3A_593 : vector<16xf32>
        %mul3A_595 = arith.constant 4 : i32
        %mul3A_596 = arith.muli %scan3A_295, %mul3A_595 : i32
        %add3A_597 = arith.constant 1 : i32
        %add3A_598 = arith.addi %mul3A_596, %add3A_597 : i32
        %get3A_599 = arith.index_cast %add3A_598 : i32 to index
        %get3A_600 = arith.constant 32 : index
        %get3A_601 = tpu.vector_load %arg7[%get3A_599, %get3A_600] {strides = array<i32>} : memref<200x128xf32, #tpu.memory_space<vmem>>, vector<1x16xf32>,
        %get3A_602 = vector.shape_cast %get3A_601 : vector<1x16xf32> to vector<16xf32>
        %add3A_603 = arith.addf %mul3A_594, %get3A_602 : vector<16xf32>
        %mul3A_604 = arith.constant 4 : i32
        %mul3A_605 = arith.muli %scan3A_295, %mul3A_604 : i32
        %add3A_606 = arith.constant 1 : i32
        %add3A_607 = arith.addi %mul3A_605, %add3A_606 : i32
        %swap3A_608 = arith.index_cast %add3A_607 : i32 to index
        %swap3A_609 = arith.constant 32 : index
        %swap3A_610 = tpu.vector_load %arg8[%swap3A_608, %swap3A_609] {strides = array<i32>} : memref<200x128xf32, #tpu.memory_space<vmem>>, vector<1x16xf32>,
        %swap3A_611 = vector.shape_cast %swap3A_610 : vector<1x16xf32> to vector<16xf32>
        %swap3A_612 = vector.shape_cast %add3A_603 : vector<16xf32> to vector<1x16xf32>
        tpu.vector_store %arg8[%swap3A_608, %swap3A_609], %swap3A_612 {strides = array<i32>} : memref<200x128xf32, #tpu.memory_space<vmem>>, vector<1x16xf32>,
        %mul3A_613 = arith.constant 4 : i32
        %mul3A_614 = arith.muli %scan3A_295, %mul3A_613 : i32
        %add3A_615 = arith.constant 1 : i32
        %add3A_616 = arith.addi %mul3A_614, %add3A_615 : i32
        %get3A_617 = arith.index_cast %add3A_616 : i32 to index
        %get3A_618 = arith.constant 48 : index
        %get3A_619 = tpu.vector_load %arg8[%get3A_617, %get3A_618] {strides = array<i32>} : memref<200x128xf32, #tpu.memory_space<vmem>>, vector<1x16xf32>,
        %get3A_620 = vector.shape_cast %get3A_619 : vector<1x16xf32> to vector<16xf32>
        %mul3A_621 = arith.constant 11.3137083 : f32
        %mul3A_622 = vector.broadcast %mul3A_621 : f32 to vector<16xf32>
        %mul3A_623 = arith.mulf %get3A_620, %mul3A_622 : vector<16xf32>
        %mul3A_624 = arith.constant 4 : i32
        %mul3A_625 = arith.muli %scan3A_295, %mul3A_624 : i32
        %add3A_626 = arith.constant 1 : i32
        %add3A_627 = arith.addi %mul3A_625, %add3A_626 : i32
        %get3A_628 = arith.index_cast %add3A_627 : i32 to index
        %get3A_629 = arith.constant 48 : index
        %get3A_630 = tpu.vector_load %arg7[%get3A_628, %get3A_629] {strides = array<i32>} : memref<200x128xf32, #tpu.memory_space<vmem>>, vector<1x16xf32>,
        %get3A_631 = vector.shape_cast %get3A_630 : vector<1x16xf32> to vector<16xf32>
        %add3A_632 = arith.addf %mul3A_623, %get3A_631 : vector<16xf32>
        %mul3A_633 = arith.constant 4 : i32
        %mul3A_634 = arith.muli %scan3A_295, %mul3A_633 : i32
        %add3A_635 = arith.constant 1 : i32
        %add3A_636 = arith.addi %mul3A_634, %add3A_635 : i32
        %swap3A_637 = arith.index_cast %add3A_636 : i32 to index
        %swap3A_638 = arith.constant 48 : index
        %swap3A_639 = tpu.vector_load %arg8[%swap3A_637, %swap3A_638] {strides = array<i32>} : memref<200x128xf32, #tpu.memory_space<vmem>>, vector<1x16xf32>,
        %swap3A_640 = vector.shape_cast %swap3A_639 : vector<1x16xf32> to vector<16xf32>
        %swap3A_641 = vector.shape_cast %add3A_632 : vector<16xf32> to vector<1x16xf32>
        tpu.vector_store %arg8[%swap3A_637, %swap3A_638], %swap3A_641 {strides = array<i32>} : memref<200x128xf32, #tpu.memory_space<vmem>>, vector<1x16xf32>,
        %mul3A_642 = arith.constant 4 : i32
        %mul3A_643 = arith.muli %scan3A_295, %mul3A_642 : i32
        %add3A_644 = arith.constant 1 : i32
        %add3A_645 = arith.addi %mul3A_643, %add3A_644 : i32
        %get3A_646 = arith.index_cast %add3A_645 : i32 to index
        %get3A_647 = arith.constant 64 : index
        %get3A_648 = tpu.vector_load %arg8[%get3A_646, %get3A_647] {strides = array<i32>} : memref<200x128xf32, #tpu.memory_space<vmem>>, vector<1x16xf32>,
        %get3A_649 = vector.shape_cast %get3A_648 : vector<1x16xf32> to vector<16xf32>
        %mul3A_650 = arith.constant 11.3137083 : f32
        %mul3A_651 = vector.broadcast %mul3A_650 : f32 to vector<16xf32>
        %mul3A_652 = arith.mulf %get3A_649, %mul3A_651 : vector<16xf32>
        %mul3A_653 = arith.constant 4 : i32
        %mul3A_654 = arith.muli %scan3A_295, %mul3A_653 : i32
        %add3A_655 = arith.constant 1 : i32
        %add3A_656 = arith.addi %mul3A_654, %add3A_655 : i32
        %get3A_657 = arith.index_cast %add3A_656 : i32 to index
        %get3A_658 = arith.constant 64 : index
        %get3A_659 = tpu.vector_load %arg7[%get3A_657, %get3A_658] {strides = array<i32>} : memref<200x128xf32, #tpu.memory_space<vmem>>, vector<1x16xf32>,
        %get3A_660 = vector.shape_cast %get3A_659 : vector<1x16xf32> to vector<16xf32>
        %add3A_661 = arith.addf %mul3A_652, %get3A_660 : vector<16xf32>
        %mul3A_662 = arith.constant 4 : i32
        %mul3A_663 = arith.muli %scan3A_295, %mul3A_662 : i32
        %add3A_664 = arith.constant 1 : i32
        %add3A_665 = arith.addi %mul3A_663, %add3A_664 : i32
        %swap3A_666 = arith.index_cast %add3A_665 : i32 to index
        %swap3A_667 = arith.constant 64 : index
        %swap3A_668 = tpu.vector_load %arg8[%swap3A_666, %swap3A_667] {strides = array<i32>} : memref<200x128xf32, #tpu.memory_space<vmem>>, vector<1x16xf32>,
        %swap3A_669 = vector.shape_cast %swap3A_668 : vector<1x16xf32> to vector<16xf32>
        %swap3A_670 = vector.shape_cast %add3A_661 : vector<16xf32> to vector<1x16xf32>
        tpu.vector_store %arg8[%swap3A_666, %swap3A_667], %swap3A_670 {strides = array<i32>} : memref<200x128xf32, #tpu.memory_space<vmem>>, vector<1x16xf32>,
        %mul3A_671 = arith.constant 4 : i32
        %mul3A_672 = arith.muli %scan3A_295, %mul3A_671 : i32
        %add3A_673 = arith.constant 1 : i32
        %add3A_674 = arith.addi %mul3A_672, %add3A_673 : i32
        %get3A_675 = arith.index_cast %add3A_674 : i32 to index
        %get3A_676 = arith.constant 80 : index
        %get3A_677 = tpu.vector_load %arg8[%get3A_675, %get3A_676] {strides = array<i32>} : memref<200x128xf32, #tpu.memory_space<vmem>>, vector<1x16xf32>,
        %get3A_678 = vector.shape_cast %get3A_677 : vector<1x16xf32> to vector<16xf32>
        %mul3A_679 = arith.constant 11.3137083 : f32
        %mul3A_680 = vector.broadcast %mul3A_679 : f32 to vector<16xf32>
        %mul3A_681 = arith.mulf %get3A_678, %mul3A_680 : vector<16xf32>
        %mul3A_682 = arith.constant 4 : i32
        %mul3A_683 = arith.muli %scan3A_295, %mul3A_682 : i32
        %add3A_684 = arith.constant 1 : i32
        %add3A_685 = arith.addi %mul3A_683, %add3A_684 : i32
        %get3A_686 = arith.index_cast %add3A_685 : i32 to index
        %get3A_687 = arith.constant 80 : index
        %get3A_688 = tpu.vector_load %arg7[%get3A_686, %get3A_687] {strides = array<i32>} : memref<200x128xf32, #tpu.memory_space<vmem>>, vector<1x16xf32>,
        %get3A_689 = vector.shape_cast %get3A_688 : vector<1x16xf32> to vector<16xf32>
        %add3A_690 = arith.addf %mul3A_681, %get3A_689 : vector<16xf32>
        %mul3A_691 = arith.constant 4 : i32
        %mul3A_692 = arith.muli %scan3A_295, %mul3A_691 : i32
        %add3A_693 = arith.constant 1 : i32
        %add3A_694 = arith.addi %mul3A_692, %add3A_693 : i32
        %swap3A_695 = arith.index_cast %add3A_694 : i32 to index
        %swap3A_696 = arith.constant 80 : index
        %swap3A_697 = tpu.vector_load %arg8[%swap3A_695, %swap3A_696] {strides = array<i32>} : memref<200x128xf32, #tpu.memory_space<vmem>>, vector<1x16xf32>,
        %swap3A_698 = vector.shape_cast %swap3A_697 : vector<1x16xf32> to vector<16xf32>
        %swap3A_699 = vector.shape_cast %add3A_690 : vector<16xf32> to vector<1x16xf32>
        tpu.vector_store %arg8[%swap3A_695, %swap3A_696], %swap3A_699 {strides = array<i32>} : memref<200x128xf32, #tpu.memory_space<vmem>>, vector<1x16xf32>,
        %mul3A_700 = arith.constant 4 : i32
        %mul3A_701 = arith.muli %scan3A_295, %mul3A_700 : i32
        %add3A_702 = arith.constant 1 : i32
        %add3A_703 = arith.addi %mul3A_701, %add3A_702 : i32
        %get3A_704 = arith.index_cast %add3A_703 : i32 to index
        %get3A_705 = arith.constant 96 : index
        %get3A_706 = tpu.vector_load %arg8[%get3A_704, %get3A_705] {strides = array<i32>} : memref<200x128xf32, #tpu.memory_space<vmem>>, vector<1x16xf32>,
        %get3A_707 = vector.shape_cast %get3A_706 : vector<1x16xf32> to vector<16xf32>
        %mul3A_708 = arith.constant 11.3137083 : f32
        %mul3A_709 = vector.broadcast %mul3A_708 : f32 to vector<16xf32>
        %mul3A_710 = arith.mulf %get3A_707, %mul3A_709 : vector<16xf32>
        %mul3A_711 = arith.constant 4 : i32
        %mul3A_712 = arith.muli %scan3A_295, %mul3A_711 : i32
        %add3A_713 = arith.constant 1 : i32
        %add3A_714 = arith.addi %mul3A_712, %add3A_713 : i32
        %get3A_715 = arith.index_cast %add3A_714 : i32 to index
        %get3A_716 = arith.constant 96 : index
        %get3A_717 = tpu.vector_load %arg7[%get3A_715, %get3A_716] {strides = array<i32>} : memref<200x128xf32, #tpu.memory_space<vmem>>, vector<1x16xf32>,
        %get3A_718 = vector.shape_cast %get3A_717 : vector<1x16xf32> to vector<16xf32>
        %add3A_719 = arith.addf %mul3A_710, %get3A_718 : vector<16xf32>
        %mul3A_720 = arith.constant 4 : i32
        %mul3A_721 = arith.muli %scan3A_295, %mul3A_720 : i32
        %add3A_722 = arith.constant 1 : i32
        %add3A_723 = arith.addi %mul3A_721, %add3A_722 : i32
        %swap3A_724 = arith.index_cast %add3A_723 : i32 to index
        %swap3A_725 = arith.constant 96 : index
        %swap3A_726 = tpu.vector_load %arg8[%swap3A_724, %swap3A_725] {strides = array<i32>} : memref<200x128xf32, #tpu.memory_space<vmem>>, vector<1x16xf32>,
        %swap3A_727 = vector.shape_cast %swap3A_726 : vector<1x16xf32> to vector<16xf32>
        %swap3A_728 = vector.shape_cast %add3A_719 : vector<16xf32> to vector<1x16xf32>
        tpu.vector_store %arg8[%swap3A_724, %swap3A_725], %swap3A_728 {strides = array<i32>} : memref<200x128xf32, #tpu.memory_space<vmem>>, vector<1x16xf32>,
        %mul3A_729 = arith.constant 4 : i32
        %mul3A_730 = arith.muli %scan3A_295, %mul3A_729 : i32
        %add3A_731 = arith.constant 1 : i32
        %add3A_732 = arith.addi %mul3A_730, %add3A_731 : i32
        %get3A_733 = arith.index_cast %add3A_732 : i32 to index
        %get3A_734 = arith.constant 112 : index
        %get3A_735 = tpu.vector_load %arg8[%get3A_733, %get3A_734] {strides = array<i32>} : memref<200x128xf32, #tpu.memory_space<vmem>>, vector<1x16xf32>,
        %get3A_736 = vector.shape_cast %get3A_735 : vector<1x16xf32> to vector<16xf32>
        %mul3A_737 = arith.constant 11.3137083 : f32
        %mul3A_738 = vector.broadcast %mul3A_737 : f32 to vector<16xf32>
        %mul3A_739 = arith.mulf %get3A_736, %mul3A_738 : vector<16xf32>
        %mul3A_740 = arith.constant 4 : i32
        %mul3A_741 = arith.muli %scan3A_295, %mul3A_740 : i32
        %add3A_742 = arith.constant 1 : i32
        %add3A_743 = arith.addi %mul3A_741, %add3A_742 : i32
        %get3A_744 = arith.index_cast %add3A_743 : i32 to index
        %get3A_745 = arith.constant 112 : index
        %get3A_746 = tpu.vector_load %arg7[%get3A_744, %get3A_745] {strides = array<i32>} : memref<200x128xf32, #tpu.memory_space<vmem>>, vector<1x16xf32>,
        %get3A_747 = vector.shape_cast %get3A_746 : vector<1x16xf32> to vector<16xf32>
        %add3A_748 = arith.addf %mul3A_739, %get3A_747 : vector<16xf32>
        %mul3A_749 = arith.constant 4 : i32
        %mul3A_750 = arith.muli %scan3A_295, %mul3A_749 : i32
        %add3A_751 = arith.constant 1 : i32
        %add3A_752 = arith.addi %mul3A_750, %add3A_751 : i32
        %swap3A_753 = arith.index_cast %add3A_752 : i32 to index
        %swap3A_754 = arith.constant 112 : index
        %swap3A_755 = tpu.vector_load %arg8[%swap3A_753, %swap3A_754] {strides = array<i32>} : memref<200x128xf32, #tpu.memory_space<vmem>>, vector<1x16xf32>,
        %swap3A_756 = vector.shape_cast %swap3A_755 : vector<1x16xf32> to vector<16xf32>
        %swap3A_757 = vector.shape_cast %add3A_748 : vector<16xf32> to vector<1x16xf32>
        tpu.vector_store %arg8[%swap3A_753, %swap3A_754], %swap3A_757 {strides = array<i32>} : memref<200x128xf32, #tpu.memory_space<vmem>>, vector<1x16xf32>,
        %mul3A_758 = arith.constant 4 : i32
        %mul3A_759 = arith.muli %scan3A_295, %mul3A_758 : i32
        %add3A_760 = arith.constant 2 : i32
        %add3A_761 = arith.addi %mul3A_759, %add3A_760 : i32
        %get3A_762 = arith.index_cast %add3A_761 : i32 to index
        %get3A_763 = arith.constant 0 : index
        %get3A_764 = tpu.vector_load %arg8[%get3A_762, %get3A_763] {strides = array<i32>} : memref<200x128xf32, #tpu.memory_space<vmem>>, vector<1x16xf32>,
        %get3A_765 = vector.shape_cast %get3A_764 : vector<1x16xf32> to vector<16xf32>
        %mul3A_766 = arith.constant 11.3137083 : f32
        %mul3A_767 = vector.broadcast %mul3A_766 : f32 to vector<16xf32>
        %mul3A_768 = arith.mulf %get3A_765, %mul3A_767 : vector<16xf32>
        %mul3A_769 = arith.constant 4 : i32
        %mul3A_770 = arith.muli %scan3A_295, %mul3A_769 : i32
        %add3A_771 = arith.constant 2 : i32
        %add3A_772 = arith.addi %mul3A_770, %add3A_771 : i32
        %get3A_773 = arith.index_cast %add3A_772 : i32 to index
        %get3A_774 = arith.constant 0 : index
        %get3A_775 = tpu.vector_load %arg7[%get3A_773, %get3A_774] {strides = array<i32>} : memref<200x128xf32, #tpu.memory_space<vmem>>, vector<1x16xf32>,
        %get3A_776 = vector.shape_cast %get3A_775 : vector<1x16xf32> to vector<16xf32>
        %add3A_777 = arith.addf %mul3A_768, %get3A_776 : vector<16xf32>
        %mul3A_778 = arith.constant 4 : i32
        %mul3A_779 = arith.muli %scan3A_295, %mul3A_778 : i32
        %add3A_780 = arith.constant 2 : i32
        %add3A_781 = arith.addi %mul3A_779, %add3A_780 : i32
        %swap3A_782 = arith.index_cast %add3A_781 : i32 to index
        %swap3A_783 = arith.constant 0 : index
        %swap3A_784 = tpu.vector_load %arg8[%swap3A_782, %swap3A_783] {strides = array<i32>} : memref<200x128xf32, #tpu.memory_space<vmem>>, vector<1x16xf32>,
        %swap3A_785 = vector.shape_cast %swap3A_784 : vector<1x16xf32> to vector<16xf32>
        %swap3A_786 = vector.shape_cast %add3A_777 : vector<16xf32> to vector<1x16xf32>
        tpu.vector_store %arg8[%swap3A_782, %swap3A_783], %swap3A_786 {strides = array<i32>} : memref<200x128xf32, #tpu.memory_space<vmem>>, vector<1x16xf32>,
        %mul3A_787 = arith.constant 4 : i32
        %mul3A_788 = arith.muli %scan3A_295, %mul3A_787 : i32
        %add3A_789 = arith.constant 2 : i32
        %add3A_790 = arith.addi %mul3A_788, %add3A_789 : i32
        %get3A_791 = arith.index_cast %add3A_790 : i32 to index
        %get3A_792 = arith.constant 16 : index
        %get3A_793 = tpu.vector_load %arg8[%get3A_791, %get3A_792] {strides = array<i32>} : memref<200x128xf32, #tpu.memory_space<vmem>>, vector<1x16xf32>,
        %get3A_794 = vector.shape_cast %get3A_793 : vector<1x16xf32> to vector<16xf32>
        %mul3A_795 = arith.constant 11.3137083 : f32
        %mul3A_796 = vector.broadcast %mul3A_795 : f32 to vector<16xf32>
        %mul3A_797 = arith.mulf %get3A_794, %mul3A_796 : vector<16xf32>
        %mul3A_798 = arith.constant 4 : i32
        %mul3A_799 = arith.muli %scan3A_295, %mul3A_798 : i32
        %add3A_800 = arith.constant 2 : i32
        %add3A_801 = arith.addi %mul3A_799, %add3A_800 : i32
        %get3A_802 = arith.index_cast %add3A_801 : i32 to index
        %get3A_803 = arith.constant 16 : index
        %get3A_804 = tpu.vector_load %arg7[%get3A_802, %get3A_803] {strides = array<i32>} : memref<200x128xf32, #tpu.memory_space<vmem>>, vector<1x16xf32>,
        %get3A_805 = vector.shape_cast %get3A_804 : vector<1x16xf32> to vector<16xf32>
        %add3A_806 = arith.addf %mul3A_797, %get3A_805 : vector<16xf32>
        %mul3A_807 = arith.constant 4 : i32
        %mul3A_808 = arith.muli %scan3A_295, %mul3A_807 : i32
        %add3A_809 = arith.constant 2 : i32
        %add3A_810 = arith.addi %mul3A_808, %add3A_809 : i32
        %swap3A_811 = arith.index_cast %add3A_810 : i32 to index
        %swap3A_812 = arith.constant 16 : index
        %swap3A_813 = tpu.vector_load %arg8[%swap3A_811, %swap3A_812] {strides = array<i32>} : memref<200x128xf32, #tpu.memory_space<vmem>>, vector<1x16xf32>,
        %swap3A_814 = vector.shape_cast %swap3A_813 : vector<1x16xf32> to vector<16xf32>
        %swap3A_815 = vector.shape_cast %add3A_806 : vector<16xf32> to vector<1x16xf32>
        tpu.vector_store %arg8[%swap3A_811, %swap3A_812], %swap3A_815 {strides = array<i32>} : memref<200x128xf32, #tpu.memory_space<vmem>>, vector<1x16xf32>,
        %mul3A_816 = arith.constant 4 : i32
        %mul3A_817 = arith.muli %scan3A_295, %mul3A_816 : i32
        %add3A_818 = arith.constant 2 : i32
        %add3A_819 = arith.addi %mul3A_817, %add3A_818 : i32
        %get3A_820 = arith.index_cast %add3A_819 : i32 to index
        %get3A_821 = arith.constant 32 : index
        %get3A_822 = tpu.vector_load %arg8[%get3A_820, %get3A_821] {strides = array<i32>} : memref<200x128xf32, #tpu.memory_space<vmem>>, vector<1x16xf32>,
        %get3A_823 = vector.shape_cast %get3A_822 : vector<1x16xf32> to vector<16xf32>
        %mul3A_824 = arith.constant 11.3137083 : f32
        %mul3A_825 = vector.broadcast %mul3A_824 : f32 to vector<16xf32>
        %mul3A_826 = arith.mulf %get3A_823, %mul3A_825 : vector<16xf32>
        %mul3A_827 = arith.constant 4 : i32
        %mul3A_828 = arith.muli %scan3A_295, %mul3A_827 : i32
        %add3A_829 = arith.constant 2 : i32
        %add3A_830 = arith.addi %mul3A_828, %add3A_829 : i32
        %get3A_831 = arith.index_cast %add3A_830 : i32 to index
        %get3A_832 = arith.constant 32 : index
        %get3A_833 = tpu.vector_load %arg7[%get3A_831, %get3A_832] {strides = array<i32>} : memref<200x128xf32, #tpu.memory_space<vmem>>, vector<1x16xf32>,
        %get3A_834 = vector.shape_cast %get3A_833 : vector<1x16xf32> to vector<16xf32>
        %add3A_835 = arith.addf %mul3A_826, %get3A_834 : vector<16xf32>
        %mul3A_836 = arith.constant 4 : i32
        %mul3A_837 = arith.muli %scan3A_295, %mul3A_836 : i32
        %add3A_838 = arith.constant 2 : i32
        %add3A_839 = arith.addi %mul3A_837, %add3A_838 : i32
        %swap3A_840 = arith.index_cast %add3A_839 : i32 to index
        %swap3A_841 = arith.constant 32 : index
        %swap3A_842 = tpu.vector_load %arg8[%swap3A_840, %swap3A_841] {strides = array<i32>} : memref<200x128xf32, #tpu.memory_space<vmem>>, vector<1x16xf32>,
        %swap3A_843 = vector.shape_cast %swap3A_842 : vector<1x16xf32> to vector<16xf32>
        %swap3A_844 = vector.shape_cast %add3A_835 : vector<16xf32> to vector<1x16xf32>
        tpu.vector_store %arg8[%swap3A_840, %swap3A_841], %swap3A_844 {strides = array<i32>} : memref<200x128xf32, #tpu.memory_space<vmem>>, vector<1x16xf32>,
        %mul3A_845 = arith.constant 4 : i32
        %mul3A_846 = arith.muli %scan3A_295, %mul3A_845 : i32
        %add3A_847 = arith.constant 2 : i32
        %add3A_848 = arith.addi %mul3A_846, %add3A_847 : i32
        %get3A_849 = arith.index_cast %add3A_848 : i32 to index
        %get3A_850 = arith.constant 48 : index
        %get3A_851 = tpu.vector_load %arg8[%get3A_849, %get3A_850] {strides = array<i32>} : memref<200x128xf32, #tpu.memory_space<vmem>>, vector<1x16xf32>,
        %get3A_852 = vector.shape_cast %get3A_851 : vector<1x16xf32> to vector<16xf32>
        %mul3A_853 = arith.constant 11.3137083 : f32
        %mul3A_854 = vector.broadcast %mul3A_853 : f32 to vector<16xf32>
        %mul3A_855 = arith.mulf %get3A_852, %mul3A_854 : vector<16xf32>
        %mul3A_856 = arith.constant 4 : i32
        %mul3A_857 = arith.muli %scan3A_295, %mul3A_856 : i32
        %add3A_858 = arith.constant 2 : i32
        %add3A_859 = arith.addi %mul3A_857, %add3A_858 : i32
        %get3A_860 = arith.index_cast %add3A_859 : i32 to index
        %get3A_861 = arith.constant 48 : index
        %get3A_862 = tpu.vector_load %arg7[%get3A_860, %get3A_861] {strides = array<i32>} : memref<200x128xf32, #tpu.memory_space<vmem>>, vector<1x16xf32>,
        %get3A_863 = vector.shape_cast %get3A_862 : vector<1x16xf32> to vector<16xf32>
        %add3A_864 = arith.addf %mul3A_855, %get3A_863 : vector<16xf32>
        %mul3A_865 = arith.constant 4 : i32
        %mul3A_866 = arith.muli %scan3A_295, %mul3A_865 : i32
        %add3A_867 = arith.constant 2 : i32
        %add3A_868 = arith.addi %mul3A_866, %add3A_867 : i32
        %swap3A_869 = arith.index_cast %add3A_868 : i32 to index
        %swap3A_870 = arith.constant 48 : index
        %swap3A_871 = tpu.vector_load %arg8[%swap3A_869, %swap3A_870] {strides = array<i32>} : memref<200x128xf32, #tpu.memory_space<vmem>>, vector<1x16xf32>,
        %swap3A_872 = vector.shape_cast %swap3A_871 : vector<1x16xf32> to vector<16xf32>
        %swap3A_873 = vector.shape_cast %add3A_864 : vector<16xf32> to vector<1x16xf32>
        tpu.vector_store %arg8[%swap3A_869, %swap3A_870], %swap3A_873 {strides = array<i32>} : memref<200x128xf32, #tpu.memory_space<vmem>>, vector<1x16xf32>,
        %mul3A_874 = arith.constant 4 : i32
        %mul3A_875 = arith.muli %scan3A_295, %mul3A_874 : i32
        %add3A_876 = arith.constant 2 : i32
        %add3A_877 = arith.addi %mul3A_875, %add3A_876 : i32
        %get3A_878 = arith.index_cast %add3A_877 : i32 to index
        %get3A_879 = arith.constant 64 : index
        %get3A_880 = tpu.vector_load %arg8[%get3A_878, %get3A_879] {strides = array<i32>} : memref<200x128xf32, #tpu.memory_space<vmem>>, vector<1x16xf32>,
        %get3A_881 = vector.shape_cast %get3A_880 : vector<1x16xf32> to vector<16xf32>
        %mul3A_882 = arith.constant 11.3137083 : f32
        %mul3A_883 = vector.broadcast %mul3A_882 : f32 to vector<16xf32>
        %mul3A_884 = arith.mulf %get3A_881, %mul3A_883 : vector<16xf32>
        %mul3A_885 = arith.constant 4 : i32
        %mul3A_886 = arith.muli %scan3A_295, %mul3A_885 : i32
        %add3A_887 = arith.constant 2 : i32
        %add3A_888 = arith.addi %mul3A_886, %add3A_887 : i32
        %get3A_889 = arith.index_cast %add3A_888 : i32 to index
        %get3A_890 = arith.constant 64 : index
        %get3A_891 = tpu.vector_load %arg7[%get3A_889, %get3A_890] {strides = array<i32>} : memref<200x128xf32, #tpu.memory_space<vmem>>, vector<1x16xf32>,
        %get3A_892 = vector.shape_cast %get3A_891 : vector<1x16xf32> to vector<16xf32>
        %add3A_893 = arith.addf %mul3A_884, %get3A_892 : vector<16xf32>
        %mul3A_894 = arith.constant 4 : i32
        %mul3A_895 = arith.muli %scan3A_295, %mul3A_894 : i32
        %add3A_896 = arith.constant 2 : i32
        %add3A_897 = arith.addi %mul3A_895, %add3A_896 : i32
        %swap3A_898 = arith.index_cast %add3A_897 : i32 to index
        %swap3A_899 = arith.constant 64 : index
        %swap3A_900 = tpu.vector_load %arg8[%swap3A_898, %swap3A_899] {strides = array<i32>} : memref<200x128xf32, #tpu.memory_space<vmem>>, vector<1x16xf32>,
        %swap3A_901 = vector.shape_cast %swap3A_900 : vector<1x16xf32> to vector<16xf32>
        %swap3A_902 = vector.shape_cast %add3A_893 : vector<16xf32> to vector<1x16xf32>
        tpu.vector_store %arg8[%swap3A_898, %swap3A_899], %swap3A_902 {strides = array<i32>} : memref<200x128xf32, #tpu.memory_space<vmem>>, vector<1x16xf32>,
        %mul3A_903 = arith.constant 4 : i32
        %mul3A_904 = arith.muli %scan3A_295, %mul3A_903 : i32
        %add3A_905 = arith.constant 2 : i32
        %add3A_906 = arith.addi %mul3A_904, %add3A_905 : i32
        %get3A_907 = arith.index_cast %add3A_906 : i32 to index
        %get3A_908 = arith.constant 80 : index
        %get3A_909 = tpu.vector_load %arg8[%get3A_907, %get3A_908] {strides = array<i32>} : memref<200x128xf32, #tpu.memory_space<vmem>>, vector<1x16xf32>,
        %get3A_910 = vector.shape_cast %get3A_909 : vector<1x16xf32> to vector<16xf32>
        %mul3A_911 = arith.constant 11.3137083 : f32
        %mul3A_912 = vector.broadcast %mul3A_911 : f32 to vector<16xf32>
        %mul3A_913 = arith.mulf %get3A_910, %mul3A_912 : vector<16xf32>
        %mul3A_914 = arith.constant 4 : i32
        %mul3A_915 = arith.muli %scan3A_295, %mul3A_914 : i32
        %add3A_916 = arith.constant 2 : i32
        %add3A_917 = arith.addi %mul3A_915, %add3A_916 : i32
        %get3A_918 = arith.index_cast %add3A_917 : i32 to index
        %get3A_919 = arith.constant 80 : index
        %get3A_920 = tpu.vector_load %arg7[%get3A_918, %get3A_919] {strides = array<i32>} : memref<200x128xf32, #tpu.memory_space<vmem>>, vector<1x16xf32>,
        %get3A_921 = vector.shape_cast %get3A_920 : vector<1x16xf32> to vector<16xf32>
        %add3A_922 = arith.addf %mul3A_913, %get3A_921 : vector<16xf32>
        %mul3A_923 = arith.constant 4 : i32
        %mul3A_924 = arith.muli %scan3A_295, %mul3A_923 : i32
        %add3A_925 = arith.constant 2 : i32
        %add3A_926 = arith.addi %mul3A_924, %add3A_925 : i32
        %swap3A_927 = arith.index_cast %add3A_926 : i32 to index
        %swap3A_928 = arith.constant 80 : index
        %swap3A_929 = tpu.vector_load %arg8[%swap3A_927, %swap3A_928] {strides = array<i32>} : memref<200x128xf32, #tpu.memory_space<vmem>>, vector<1x16xf32>,
        %swap3A_930 = vector.shape_cast %swap3A_929 : vector<1x16xf32> to vector<16xf32>
        %swap3A_931 = vector.shape_cast %add3A_922 : vector<16xf32> to vector<1x16xf32>
        tpu.vector_store %arg8[%swap3A_927, %swap3A_928], %swap3A_931 {strides = array<i32>} : memref<200x128xf32, #tpu.memory_space<vmem>>, vector<1x16xf32>,
        %mul3A_932 = arith.constant 4 : i32
        %mul3A_933 = arith.muli %scan3A_295, %mul3A_932 : i32
        %add3A_934 = arith.constant 2 : i32
        %add3A_935 = arith.addi %mul3A_933, %add3A_934 : i32
        %get3A_936 = arith.index_cast %add3A_935 : i32 to index
        %get3A_937 = arith.constant 96 : index
        %get3A_938 = tpu.vector_load %arg8[%get3A_936, %get3A_937] {strides = array<i32>} : memref<200x128xf32, #tpu.memory_space<vmem>>, vector<1x16xf32>,
        %get3A_939 = vector.shape_cast %get3A_938 : vector<1x16xf32> to vector<16xf32>
        %mul3A_940 = arith.constant 11.3137083 : f32
        %mul3A_941 = vector.broadcast %mul3A_940 : f32 to vector<16xf32>
        %mul3A_942 = arith.mulf %get3A_939, %mul3A_941 : vector<16xf32>
        %mul3A_943 = arith.constant 4 : i32
        %mul3A_944 = arith.muli %scan3A_295, %mul3A_943 : i32
        %add3A_945 = arith.constant 2 : i32
        %add3A_946 = arith.addi %mul3A_944, %add3A_945 : i32
        %get3A_947 = arith.index_cast %add3A_946 : i32 to index
        %get3A_948 = arith.constant 96 : index
        %get3A_949 = tpu.vector_load %arg7[%get3A_947, %get3A_948] {strides = array<i32>} : memref<200x128xf32, #tpu.memory_space<vmem>>, vector<1x16xf32>,
        %get3A_950 = vector.shape_cast %get3A_949 : vector<1x16xf32> to vector<16xf32>
        %add3A_951 = arith.addf %mul3A_942, %get3A_950 : vector<16xf32>
        %mul3A_952 = arith.constant 4 : i32
        %mul3A_953 = arith.muli %scan3A_295, %mul3A_952 : i32
        %add3A_954 = arith.constant 2 : i32
        %add3A_955 = arith.addi %mul3A_953, %add3A_954 : i32
        %swap3A_956 = arith.index_cast %add3A_955 : i32 to index
        %swap3A_957 = arith.constant 96 : index
        %swap3A_958 = tpu.vector_load %arg8[%swap3A_956, %swap3A_957] {strides = array<i32>} : memref<200x128xf32, #tpu.memory_space<vmem>>, vector<1x16xf32>,
        %swap3A_959 = vector.shape_cast %swap3A_958 : vector<1x16xf32> to vector<16xf32>
        %swap3A_960 = vector.shape_cast %add3A_951 : vector<16xf32> to vector<1x16xf32>
        tpu.vector_store %arg8[%swap3A_956, %swap3A_957], %swap3A_960 {strides = array<i32>} : memref<200x128xf32, #tpu.memory_space<vmem>>, vector<1x16xf32>,
        %mul3A_961 = arith.constant 4 : i32
        %mul3A_962 = arith.muli %scan3A_295, %mul3A_961 : i32
        %add3A_963 = arith.constant 2 : i32
        %add3A_964 = arith.addi %mul3A_962, %add3A_963 : i32
        %get3A_965 = arith.index_cast %add3A_964 : i32 to index
        %get3A_966 = arith.constant 112 : index
        %get3A_967 = tpu.vector_load %arg8[%get3A_965, %get3A_966] {strides = array<i32>} : memref<200x128xf32, #tpu.memory_space<vmem>>, vector<1x16xf32>,
        %get3A_968 = vector.shape_cast %get3A_967 : vector<1x16xf32> to vector<16xf32>
        %mul3A_969 = arith.constant 11.3137083 : f32
        %mul3A_970 = vector.broadcast %mul3A_969 : f32 to vector<16xf32>
        %mul3A_971 = arith.mulf %get3A_968, %mul3A_970 : vector<16xf32>
        %mul3A_972 = arith.constant 4 : i32
        %mul3A_973 = arith.muli %scan3A_295, %mul3A_972 : i32
        %add3A_974 = arith.constant 2 : i32
        %add3A_975 = arith.addi %mul3A_973, %add3A_974 : i32
        %get3A_976 = arith.index_cast %add3A_975 : i32 to index
        %get3A_977 = arith.constant 112 : index
        %get3A_978 = tpu.vector_load %arg7[%get3A_976, %get3A_977] {strides = array<i32>} : memref<200x128xf32, #tpu.memory_space<vmem>>, vector<1x16xf32>,
        %get3A_979 = vector.shape_cast %get3A_978 : vector<1x16xf32> to vector<16xf32>
        %add3A_980 = arith.addf %mul3A_971, %get3A_979 : vector<16xf32>
        %mul3A_981 = arith.constant 4 : i32
        %mul3A_982 = arith.muli %scan3A_295, %mul3A_981 : i32
        %add3A_983 = arith.constant 2 : i32
        %add3A_984 = arith.addi %mul3A_982, %add3A_983 : i32
        %swap3A_985 = arith.index_cast %add3A_984 : i32 to index
        %swap3A_986 = arith.constant 112 : index
        %swap3A_987 = tpu.vector_load %arg8[%swap3A_985, %swap3A_986] {strides = array<i32>} : memref<200x128xf32, #tpu.memory_space<vmem>>, vector<1x16xf32>,
        %swap3A_988 = vector.shape_cast %swap3A_987 : vector<1x16xf32> to vector<16xf32>
        %swap3A_989 = vector.shape_cast %add3A_980 : vector<16xf32> to vector<1x16xf32>
        tpu.vector_store %arg8[%swap3A_985, %swap3A_986], %swap3A_989 {strides = array<i32>} : memref<200x128xf32, #tpu.memory_space<vmem>>, vector<1x16xf32>,
        %mul3A_990 = arith.constant 4 : i32
        %mul3A_991 = arith.muli %scan3A_295, %mul3A_990 : i32
        %add3A_992 = arith.constant 3 : i32
        %add3A_993 = arith.addi %mul3A_991, %add3A_992 : i32
        %get3A_994 = arith.index_cast %add3A_993 : i32 to index
        %get3A_995 = arith.constant 0 : index
        %get3A_996 = tpu.vector_load %arg8[%get3A_994, %get3A_995] {strides = array<i32>} : memref<200x128xf32, #tpu.memory_space<vmem>>, vector<1x16xf32>,
        %get3A_997 = vector.shape_cast %get3A_996 : vector<1x16xf32> to vector<16xf32>
        %mul3A_998 = arith.constant 11.3137083 : f32
        %mul3A_999 = vector.broadcast %mul3A_998 : f32 to vector<16xf32>
        %mul3A_1000 = arith.mulf %get3A_997, %mul3A_999 : vector<16xf32>
        %mul3A_1001 = arith.constant 4 : i32
        %mul3A_1002 = arith.muli %scan3A_295, %mul3A_1001 : i32
        %add3A_1003 = arith.constant 3 : i32
        %add3A_1004 = arith.addi %mul3A_1002, %add3A_1003 : i32
        %get3A_1005 = arith.index_cast %add3A_1004 : i32 to index
        %get3A_1006 = arith.constant 0 : index
        %get3A_1007 = tpu.vector_load %arg7[%get3A_1005, %get3A_1006] {strides = array<i32>} : memref<200x128xf32, #tpu.memory_space<vmem>>, vector<1x16xf32>,
        %get3A_1008 = vector.shape_cast %get3A_1007 : vector<1x16xf32> to vector<16xf32>
        %add3A_1009 = arith.addf %mul3A_1000, %get3A_1008 : vector<16xf32>
        %mul3A_1010 = arith.constant 4 : i32
        %mul3A_1011 = arith.muli %scan3A_295, %mul3A_1010 : i32
        %add3A_1012 = arith.constant 3 : i32
        %add3A_1013 = arith.addi %mul3A_1011, %add3A_1012 : i32
        %swap3A_1014 = arith.index_cast %add3A_1013 : i32 to index
        %swap3A_1015 = arith.constant 0 : index
        %swap3A_1016 = tpu.vector_load %arg8[%swap3A_1014, %swap3A_1015] {strides = array<i32>} : memref<200x128xf32, #tpu.memory_space<vmem>>, vector<1x16xf32>,
        %swap3A_1017 = vector.shape_cast %swap3A_1016 : vector<1x16xf32> to vector<16xf32>
        %swap3A_1018 = vector.shape_cast %add3A_1009 : vector<16xf32> to vector<1x16xf32>
        tpu.vector_store %arg8[%swap3A_1014, %swap3A_1015], %swap3A_1018 {strides = array<i32>} : memref<200x128xf32, #tpu.memory_space<vmem>>, vector<1x16xf32>,
        %mul3A_1019 = arith.constant 4 : i32
        %mul3A_1020 = arith.muli %scan3A_295, %mul3A_1019 : i32
        %add3A_1021 = arith.constant 3 : i32
        %add3A_1022 = arith.addi %mul3A_1020, %add3A_1021 : i32
        %get3A_1023 = arith.index_cast %add3A_1022 : i32 to index
        %get3A_1024 = arith.constant 16 : index
        %get3A_1025 = tpu.vector_load %arg8[%get3A_1023, %get3A_1024] {strides = array<i32>} : memref<200x128xf32, #tpu.memory_space<vmem>>, vector<1x16xf32>,
        %get3A_1026 = vector.shape_cast %get3A_1025 : vector<1x16xf32> to vector<16xf32>
        %mul3A_1027 = arith.constant 11.3137083 : f32
        %mul3A_1028 = vector.broadcast %mul3A_1027 : f32 to vector<16xf32>
        %mul3A_1029 = arith.mulf %get3A_1026, %mul3A_1028 : vector<16xf32>
        %mul3A_1030 = arith.constant 4 : i32
        %mul3A_1031 = arith.muli %scan3A_295, %mul3A_1030 : i32
        %add3A_1032 = arith.constant 3 : i32
        %add3A_1033 = arith.addi %mul3A_1031, %add3A_1032 : i32
        %get3A_1034 = arith.index_cast %add3A_1033 : i32 to index
        %get3A_1035 = arith.constant 16 : index
        %get3A_1036 = tpu.vector_load %arg7[%get3A_1034, %get3A_1035] {strides = array<i32>} : memref<200x128xf32, #tpu.memory_space<vmem>>, vector<1x16xf32>,
        %get3A_1037 = vector.shape_cast %get3A_1036 : vector<1x16xf32> to vector<16xf32>
        %add3A_1038 = arith.addf %mul3A_1029, %get3A_1037 : vector<16xf32>
        %mul3A_1039 = arith.constant 4 : i32
        %mul3A_1040 = arith.muli %scan3A_295, %mul3A_1039 : i32
        %add3A_1041 = arith.constant 3 : i32
        %add3A_1042 = arith.addi %mul3A_1040, %add3A_1041 : i32
        %swap3A_1043 = arith.index_cast %add3A_1042 : i32 to index
        %swap3A_1044 = arith.constant 16 : index
        %swap3A_1045 = tpu.vector_load %arg8[%swap3A_1043, %swap3A_1044] {strides = array<i32>} : memref<200x128xf32, #tpu.memory_space<vmem>>, vector<1x16xf32>,
        %swap3A_1046 = vector.shape_cast %swap3A_1045 : vector<1x16xf32> to vector<16xf32>
        %swap3A_1047 = vector.shape_cast %add3A_1038 : vector<16xf32> to vector<1x16xf32>
        tpu.vector_store %arg8[%swap3A_1043, %swap3A_1044], %swap3A_1047 {strides = array<i32>} : memref<200x128xf32, #tpu.memory_space<vmem>>, vector<1x16xf32>,
        %mul3A_1048 = arith.constant 4 : i32
        %mul3A_1049 = arith.muli %scan3A_295, %mul3A_1048 : i32
        %add3A_1050 = arith.constant 3 : i32
        %add3A_1051 = arith.addi %mul3A_1049, %add3A_1050 : i32
        %get3A_1052 = arith.index_cast %add3A_1051 : i32 to index
        %get3A_1053 = arith.constant 32 : index
        %get3A_1054 = tpu.vector_load %arg8[%get3A_1052, %get3A_1053] {strides = array<i32>} : memref<200x128xf32, #tpu.memory_space<vmem>>, vector<1x16xf32>,
        %get3A_1055 = vector.shape_cast %get3A_1054 : vector<1x16xf32> to vector<16xf32>
        %mul3A_1056 = arith.constant 11.3137083 : f32
        %mul3A_1057 = vector.broadcast %mul3A_1056 : f32 to vector<16xf32>
        %mul3A_1058 = arith.mulf %get3A_1055, %mul3A_1057 : vector<16xf32>
        %mul3A_1059 = arith.constant 4 : i32
        %mul3A_1060 = arith.muli %scan3A_295, %mul3A_1059 : i32
        %add3A_1061 = arith.constant 3 : i32
        %add3A_1062 = arith.addi %mul3A_1060, %add3A_1061 : i32
        %get3A_1063 = arith.index_cast %add3A_1062 : i32 to index
        %get3A_1064 = arith.constant 32 : index
        %get3A_1065 = tpu.vector_load %arg7[%get3A_1063, %get3A_1064] {strides = array<i32>} : memref<200x128xf32, #tpu.memory_space<vmem>>, vector<1x16xf32>,
        %get3A_1066 = vector.shape_cast %get3A_1065 : vector<1x16xf32> to vector<16xf32>
        %add3A_1067 = arith.addf %mul3A_1058, %get3A_1066 : vector<16xf32>
        %mul3A_1068 = arith.constant 4 : i32
        %mul3A_1069 = arith.muli %scan3A_295, %mul3A_1068 : i32
        %add3A_1070 = arith.constant 3 : i32
        %add3A_1071 = arith.addi %mul3A_1069, %add3A_1070 : i32
        %swap3A_1072 = arith.index_cast %add3A_1071 : i32 to index
        %swap3A_1073 = arith.constant 32 : index
        %swap3A_1074 = tpu.vector_load %arg8[%swap3A_1072, %swap3A_1073] {strides = array<i32>} : memref<200x128xf32, #tpu.memory_space<vmem>>, vector<1x16xf32>,
        %swap3A_1075 = vector.shape_cast %swap3A_1074 : vector<1x16xf32> to vector<16xf32>
        %swap3A_1076 = vector.shape_cast %add3A_1067 : vector<16xf32> to vector<1x16xf32>
        tpu.vector_store %arg8[%swap3A_1072, %swap3A_1073], %swap3A_1076 {strides = array<i32>} : memref<200x128xf32, #tpu.memory_space<vmem>>, vector<1x16xf32>,
        %mul3A_1077 = arith.constant 4 : i32
        %mul3A_1078 = arith.muli %scan3A_295, %mul3A_1077 : i32
        %add3A_1079 = arith.constant 3 : i32
        %add3A_1080 = arith.addi %mul3A_1078, %add3A_1079 : i32
        %get3A_1081 = arith.index_cast %add3A_1080 : i32 to index
        %get3A_1082 = arith.constant 48 : index
        %get3A_1083 = tpu.vector_load %arg8[%get3A_1081, %get3A_1082] {strides = array<i32>} : memref<200x128xf32, #tpu.memory_space<vmem>>, vector<1x16xf32>,
        %get3A_1084 = vector.shape_cast %get3A_1083 : vector<1x16xf32> to vector<16xf32>
        %mul3A_1085 = arith.constant 11.3137083 : f32
        %mul3A_1086 = vector.broadcast %mul3A_1085 : f32 to vector<16xf32>
        %mul3A_1087 = arith.mulf %get3A_1084, %mul3A_1086 : vector<16xf32>
        %mul3A_1088 = arith.constant 4 : i32
        %mul3A_1089 = arith.muli %scan3A_295, %mul3A_1088 : i32
        %add3A_1090 = arith.constant 3 : i32
        %add3A_1091 = arith.addi %mul3A_1089, %add3A_1090 : i32
        %get3A_1092 = arith.index_cast %add3A_1091 : i32 to index
        %get3A_1093 = arith.constant 48 : index
        %get3A_1094 = tpu.vector_load %arg7[%get3A_1092, %get3A_1093] {strides = array<i32>} : memref<200x128xf32, #tpu.memory_space<vmem>>, vector<1x16xf32>,
        %get3A_1095 = vector.shape_cast %get3A_1094 : vector<1x16xf32> to vector<16xf32>
        %add3A_1096 = arith.addf %mul3A_1087, %get3A_1095 : vector<16xf32>
        %mul3A_1097 = arith.constant 4 : i32
        %mul3A_1098 = arith.muli %scan3A_295, %mul3A_1097 : i32
        %add3A_1099 = arith.constant 3 : i32
        %add3A_1100 = arith.addi %mul3A_1098, %add3A_1099 : i32
        %swap3A_1101 = arith.index_cast %add3A_1100 : i32 to index
        %swap3A_1102 = arith.constant 48 : index
        %swap3A_1103 = tpu.vector_load %arg8[%swap3A_1101, %swap3A_1102] {strides = array<i32>} : memref<200x128xf32, #tpu.memory_space<vmem>>, vector<1x16xf32>,
        %swap3A_1104 = vector.shape_cast %swap3A_1103 : vector<1x16xf32> to vector<16xf32>
        %swap3A_1105 = vector.shape_cast %add3A_1096 : vector<16xf32> to vector<1x16xf32>
        tpu.vector_store %arg8[%swap3A_1101, %swap3A_1102], %swap3A_1105 {strides = array<i32>} : memref<200x128xf32, #tpu.memory_space<vmem>>, vector<1x16xf32>,
        %mul3A_1106 = arith.constant 4 : i32
        %mul3A_1107 = arith.muli %scan3A_295, %mul3A_1106 : i32
        %add3A_1108 = arith.constant 3 : i32
        %add3A_1109 = arith.addi %mul3A_1107, %add3A_1108 : i32
        %get3A_1110 = arith.index_cast %add3A_1109 : i32 to index
        %get3A_1111 = arith.constant 64 : index
        %get3A_1112 = tpu.vector_load %arg8[%get3A_1110, %get3A_1111] {strides = array<i32>} : memref<200x128xf32, #tpu.memory_space<vmem>>, vector<1x16xf32>,
        %get3A_1113 = vector.shape_cast %get3A_1112 : vector<1x16xf32> to vector<16xf32>
        %mul3A_1114 = arith.constant 11.3137083 : f32
        %mul3A_1115 = vector.broadcast %mul3A_1114 : f32 to vector<16xf32>
        %mul3A_1116 = arith.mulf %get3A_1113, %mul3A_1115 : vector<16xf32>
        %mul3A_1117 = arith.constant 4 : i32
        %mul3A_1118 = arith.muli %scan3A_295, %mul3A_1117 : i32
        %add3A_1119 = arith.constant 3 : i32
        %add3A_1120 = arith.addi %mul3A_1118, %add3A_1119 : i32
        %get3A_1121 = arith.index_cast %add3A_1120 : i32 to index
        %get3A_1122 = arith.constant 64 : index
        %get3A_1123 = tpu.vector_load %arg7[%get3A_1121, %get3A_1122] {strides = array<i32>} : memref<200x128xf32, #tpu.memory_space<vmem>>, vector<1x16xf32>,
        %get3A_1124 = vector.shape_cast %get3A_1123 : vector<1x16xf32> to vector<16xf32>
        %add3A_1125 = arith.addf %mul3A_1116, %get3A_1124 : vector<16xf32>
        %mul3A_1126 = arith.constant 4 : i32
        %mul3A_1127 = arith.muli %scan3A_295, %mul3A_1126 : i32
        %add3A_1128 = arith.constant 3 : i32
        %add3A_1129 = arith.addi %mul3A_1127, %add3A_1128 : i32
        %swap3A_1130 = arith.index_cast %add3A_1129 : i32 to index
        %swap3A_1131 = arith.constant 64 : index
        %swap3A_1132 = tpu.vector_load %arg8[%swap3A_1130, %swap3A_1131] {strides = array<i32>} : memref<200x128xf32, #tpu.memory_space<vmem>>, vector<1x16xf32>,
        %swap3A_1133 = vector.shape_cast %swap3A_1132 : vector<1x16xf32> to vector<16xf32>
        %swap3A_1134 = vector.shape_cast %add3A_1125 : vector<16xf32> to vector<1x16xf32>
        tpu.vector_store %arg8[%swap3A_1130, %swap3A_1131], %swap3A_1134 {strides = array<i32>} : memref<200x128xf32, #tpu.memory_space<vmem>>, vector<1x16xf32>,
        %mul3A_1135 = arith.constant 4 : i32
        %mul3A_1136 = arith.muli %scan3A_295, %mul3A_1135 : i32
        %add3A_1137 = arith.constant 3 : i32
        %add3A_1138 = arith.addi %mul3A_1136, %add3A_1137 : i32
        %get3A_1139 = arith.index_cast %add3A_1138 : i32 to index
        %get3A_1140 = arith.constant 80 : index
        %get3A_1141 = tpu.vector_load %arg8[%get3A_1139, %get3A_1140] {strides = array<i32>} : memref<200x128xf32, #tpu.memory_space<vmem>>, vector<1x16xf32>,
        %get3A_1142 = vector.shape_cast %get3A_1141 : vector<1x16xf32> to vector<16xf32>
        %mul3A_1143 = arith.constant 11.3137083 : f32
        %mul3A_1144 = vector.broadcast %mul3A_1143 : f32 to vector<16xf32>
        %mul3A_1145 = arith.mulf %get3A_1142, %mul3A_1144 : vector<16xf32>
        %mul3A_1146 = arith.constant 4 : i32
        %mul3A_1147 = arith.muli %scan3A_295, %mul3A_1146 : i32
        %add3A_1148 = arith.constant 3 : i32
        %add3A_1149 = arith.addi %mul3A_1147, %add3A_1148 : i32
        %get3A_1150 = arith.index_cast %add3A_1149 : i32 to index
        %get3A_1151 = arith.constant 80 : index
        %get3A_1152 = tpu.vector_load %arg7[%get3A_1150, %get3A_1151] {strides = array<i32>} : memref<200x128xf32, #tpu.memory_space<vmem>>, vector<1x16xf32>,
        %get3A_1153 = vector.shape_cast %get3A_1152 : vector<1x16xf32> to vector<16xf32>
        %add3A_1154 = arith.addf %mul3A_1145, %get3A_1153 : vector<16xf32>
        %mul3A_1155 = arith.constant 4 : i32
        %mul3A_1156 = arith.muli %scan3A_295, %mul3A_1155 : i32
        %add3A_1157 = arith.constant 3 : i32
        %add3A_1158 = arith.addi %mul3A_1156, %add3A_1157 : i32
        %swap3A_1159 = arith.index_cast %add3A_1158 : i32 to index
        %swap3A_1160 = arith.constant 80 : index
        %swap3A_1161 = tpu.vector_load %arg8[%swap3A_1159, %swap3A_1160] {strides = array<i32>} : memref<200x128xf32, #tpu.memory_space<vmem>>, vector<1x16xf32>,
        %swap3A_1162 = vector.shape_cast %swap3A_1161 : vector<1x16xf32> to vector<16xf32>
        %swap3A_1163 = vector.shape_cast %add3A_1154 : vector<16xf32> to vector<1x16xf32>
        tpu.vector_store %arg8[%swap3A_1159, %swap3A_1160], %swap3A_1163 {strides = array<i32>} : memref<200x128xf32, #tpu.memory_space<vmem>>, vector<1x16xf32>,
        %mul3A_1164 = arith.constant 4 : i32
        %mul3A_1165 = arith.muli %scan3A_295, %mul3A_1164 : i32
        %add3A_1166 = arith.constant 3 : i32
        %add3A_1167 = arith.addi %mul3A_1165, %add3A_1166 : i32
        %get3A_1168 = arith.index_cast %add3A_1167 : i32 to index
        %get3A_1169 = arith.constant 96 : index
        %get3A_1170 = tpu.vector_load %arg8[%get3A_1168, %get3A_1169] {strides = array<i32>} : memref<200x128xf32, #tpu.memory_space<vmem>>, vector<1x16xf32>,
        %get3A_1171 = vector.shape_cast %get3A_1170 : vector<1x16xf32> to vector<16xf32>
        %mul3A_1172 = arith.constant 11.3137083 : f32
        %mul3A_1173 = vector.broadcast %mul3A_1172 : f32 to vector<16xf32>
        %mul3A_1174 = arith.mulf %get3A_1171, %mul3A_1173 : vector<16xf32>
        %mul3A_1175 = arith.constant 4 : i32
        %mul3A_1176 = arith.muli %scan3A_295, %mul3A_1175 : i32
        %add3A_1177 = arith.constant 3 : i32
        %add3A_1178 = arith.addi %mul3A_1176, %add3A_1177 : i32
        %get3A_1179 = arith.index_cast %add3A_1178 : i32 to index
        %get3A_1180 = arith.constant 96 : index
        %get3A_1181 = tpu.vector_load %arg7[%get3A_1179, %get3A_1180] {strides = array<i32>} : memref<200x128xf32, #tpu.memory_space<vmem>>, vector<1x16xf32>,
        %get3A_1182 = vector.shape_cast %get3A_1181 : vector<1x16xf32> to vector<16xf32>
        %add3A_1183 = arith.addf %mul3A_1174, %get3A_1182 : vector<16xf32>
        %mul3A_1184 = arith.constant 4 : i32
        %mul3A_1185 = arith.muli %scan3A_295, %mul3A_1184 : i32
        %add3A_1186 = arith.constant 3 : i32
        %add3A_1187 = arith.addi %mul3A_1185, %add3A_1186 : i32
        %swap3A_1188 = arith.index_cast %add3A_1187 : i32 to index
        %swap3A_1189 = arith.constant 96 : index
        %swap3A_1190 = tpu.vector_load %arg8[%swap3A_1188, %swap3A_1189] {strides = array<i32>} : memref<200x128xf32, #tpu.memory_space<vmem>>, vector<1x16xf32>,
        %swap3A_1191 = vector.shape_cast %swap3A_1190 : vector<1x16xf32> to vector<16xf32>
        %swap3A_1192 = vector.shape_cast %add3A_1183 : vector<16xf32> to vector<1x16xf32>
        tpu.vector_store %arg8[%swap3A_1188, %swap3A_1189], %swap3A_1192 {strides = array<i32>} : memref<200x128xf32, #tpu.memory_space<vmem>>, vector<1x16xf32>,
        %mul3A_1193 = arith.constant 4 : i32
        %mul3A_1194 = arith.muli %scan3A_295, %mul3A_1193 : i32
        %add3A_1195 = arith.constant 3 : i32
        %add3A_1196 = arith.addi %mul3A_1194, %add3A_1195 : i32
        %get3A_1197 = arith.index_cast %add3A_1196 : i32 to index
        %get3A_1198 = arith.constant 112 : index
        %get3A_1199 = tpu.vector_load %arg8[%get3A_1197, %get3A_1198] {strides = array<i32>} : memref<200x128xf32, #tpu.memory_space<vmem>>, vector<1x16xf32>,
        %get3A_1200 = vector.shape_cast %get3A_1199 : vector<1x16xf32> to vector<16xf32>
        %mul3A_1201 = arith.constant 11.3137083 : f32
        %mul3A_1202 = vector.broadcast %mul3A_1201 : f32 to vector<16xf32>
        %mul3A_1203 = arith.mulf %get3A_1200, %mul3A_1202 : vector<16xf32>
        %mul3A_1204 = arith.constant 4 : i32
        %mul3A_1205 = arith.muli %scan3A_295, %mul3A_1204 : i32
        %add3A_1206 = arith.constant 3 : i32
        %add3A_1207 = arith.addi %mul3A_1205, %add3A_1206 : i32
        %get3A_1208 = arith.index_cast %add3A_1207 : i32 to index
        %get3A_1209 = arith.constant 112 : index
        %get3A_1210 = tpu.vector_load %arg7[%get3A_1208, %get3A_1209] {strides = array<i32>} : memref<200x128xf32, #tpu.memory_space<vmem>>, vector<1x16xf32>,
        %get3A_1211 = vector.shape_cast %get3A_1210 : vector<1x16xf32> to vector<16xf32>
        %add3A_1212 = arith.addf %mul3A_1203, %get3A_1211 : vector<16xf32>
        %mul3A_1213 = arith.constant 4 : i32
        %mul3A_1214 = arith.muli %scan3A_295, %mul3A_1213 : i32
        %add3A_1215 = arith.constant 3 : i32
        %add3A_1216 = arith.addi %mul3A_1214, %add3A_1215 : i32
        %swap3A_1217 = arith.index_cast %add3A_1216 : i32 to index
        %swap3A_1218 = arith.constant 112 : index
        %swap3A_1219 = tpu.vector_load %arg8[%swap3A_1217, %swap3A_1218] {strides = array<i32>} : memref<200x128xf32, #tpu.memory_space<vmem>>, vector<1x16xf32>,
        %swap3A_1220 = vector.shape_cast %swap3A_1219 : vector<1x16xf32> to vector<16xf32>
        %swap3A_1221 = vector.shape_cast %add3A_1212 : vector<16xf32> to vector<1x16xf32>
        tpu.vector_store %arg8[%swap3A_1217, %swap3A_1218], %swap3A_1221 {strides = array<i32>} : memref<200x128xf32, #tpu.memory_space<vmem>>, vector<1x16xf32>,
      }
      %scan3A_140 = arith.constant 50 : i32
      %mul3A_141 = arith.constant 200 : i32
      %mul3A_142 = arith.muli %add3A_116, %mul3A_141 : i32
      %add3A_143 = arith.addi %mul3A_2, %mul3A_142 : i32
      %dma_start3A_144 = arith.constant 0 : i32
      %dma_start3A_145 = tpu.memref_slice %arg5[%add3A_143, %dma_start3A_144] : memref<819200x128xf32, #tpu.memory_space<hbm>> -> memref<200x128xf32, #tpu.memory_space<hbm>>
      %dma_start3A_146 = arith.constant 0 : i32
      %dma_start3A_147 = tpu.memref_slice %arg5[%add3A_143, %dma_start3A_146] : memref<819200x128xf32, #tpu.memory_space<hbm>> -> memref<200x128xf32, #tpu.memory_space<hbm>>
      tpu.enqueue_dma source(%arg8 : memref<200x128xf32, #tpu.memory_space<vmem>>) target(%dma_start3A_147 : memref<200x128xf32, #tpu.memory_space<hbm>>) target_semaphore(%arg14 : memref<!tpu.dma_semaphore, #tpu.memory_space<semaphore_mem>>)
      %gt3A = arith.constant 0 : i32
      %gt3A_148 = arith.cmpi sgt, %scan3A_112, %gt3A : i32
      %or3A = arith.constant false
      %or3A_149 = arith.ori %gt3A_148, %or3A : i1
      %convert_element_type3A = arith.extui %or3A_149 : i1 to i32
      %cond3A = arith.constant 0 : i32
      %cond3A_150 = arith.cmpi ne, %convert_element_type3A, %cond3A : i32
      scf.if %cond3A_150 {
        %sub3A = arith.constant 1 : i32
        %sub3A_295 = arith.subi %add3A_116, %sub3A : i32
        %mul3A_296 = arith.constant 200 : i32
        %mul3A_297 = arith.muli %sub3A_295, %mul3A_296 : i32
        %add3A_298 = arith.addi %mul3A_2, %mul3A_297 : i32
        %dma_wait3A_299 = arith.constant 0 : i32
        %dma_wait3A_300 = tpu.memref_slice %arg5[%add3A_298, %dma_wait3A_299] : memref<819200x128xf32, #tpu.memory_space<hbm>> -> memref<200x128xf32, #tpu.memory_space<hbm>>
        %dma_wait3A_301 = arith.constant 0 : i32
        %dma_wait3A_302 = tpu.memref_slice %arg5[%add3A_298, %dma_wait3A_301] : memref<819200x128xf32, #tpu.memory_space<hbm>> -> memref<200x128xf32, #tpu.memory_space<hbm>>
        tpu.wait_dma2 semaphore(%arg16 : memref<!tpu.dma_semaphore, #tpu.memory_space<semaphore_mem>>) src(%arg10 : memref<200x128xf32, #tpu.memory_space<vmem>>) dst(%dma_wait3A_302 : memref<200x128xf32, #tpu.memory_space<hbm>>)
      } else {
      }
      %add3A_151 = arith.constant 2 : i32
      %add3A_152 = arith.addi %add3A_116, %add3A_151 : i32
      %mul3A_153 = arith.constant 200 : i32
      %mul3A_154 = arith.muli %add3A_152, %mul3A_153 : i32
      %dma_start3A_155 = arith.constant 0 : i32
      %dma_start3A_156 = arith.constant 0 : i32
      %dma_start3A_157 = tpu.memref_slice %arg10[%dma_start3A_155, %dma_start3A_156] : memref<200x128xf32, #tpu.memory_space<vmem>> -> memref<104x128xf32, #tpu.memory_space<vmem>>
      %dma_start3A_158 = tpu.memref_slice %arg6[%mul3A_154] : memref<25600xi32, #tpu.memory_space<vmem>> -> memref<104xi32, #tpu.memory_space<vmem>>
      %dma_start3A_159 = arith.constant 0 : i32
      %dma_start3A_160 = arith.constant 0 : i32
      %dma_start3A_161 = tpu.memref_slice %arg3[%dma_start3A_159, %dma_start3A_160] : memref<100000x128xf32, #tpu.memory_space<hbm>> -> memref<100000x128xf32, #tpu.memory_space<hbm>>
      tpu.enqueue_indirect_dma source(%dma_start3A_161 : memref<100000x128xf32, #tpu.memory_space<hbm>>) target(%dma_start3A_157 : memref<104x128xf32, #tpu.memory_space<vmem>>) offsets(%dma_start3A_158 : memref<104xi32, #tpu.memory_space<vmem>>) semaphore(%arg13 : memref<!tpu.dma_semaphore, #tpu.memory_space<semaphore_mem>>)
      %add3A_162 = arith.constant 104 : i32
      %add3A_163 = arith.addi %mul3A_154, %add3A_162 : i32
      %dma_start3A_164 = arith.constant 104 : i32
      %dma_start3A_165 = arith.constant 0 : i32
      %dma_start3A_166 = tpu.memref_slice %arg10[%dma_start3A_164, %dma_start3A_165] : memref<200x128xf32, #tpu.memory_space<vmem>> -> memref<96x128xf32, #tpu.memory_space<vmem>>
      %dma_start3A_167 = tpu.memref_slice %arg6[%add3A_163] : memref<25600xi32, #tpu.memory_space<vmem>> -> memref<96xi32, #tpu.memory_space<vmem>>
      %dma_start3A_168 = arith.constant 0 : i32
      %dma_start3A_169 = arith.constant 0 : i32
      %dma_start3A_170 = tpu.memref_slice %arg3[%dma_start3A_168, %dma_start3A_169] : memref<100000x128xf32, #tpu.memory_space<hbm>> -> memref<100000x128xf32, #tpu.memory_space<hbm>>
      tpu.enqueue_indirect_dma source(%dma_start3A_170 : memref<100000x128xf32, #tpu.memory_space<hbm>>) target(%dma_start3A_166 : memref<96x128xf32, #tpu.memory_space<vmem>>) offsets(%dma_start3A_167 : memref<96xi32, #tpu.memory_space<vmem>>) semaphore(%arg13 : memref<!tpu.dma_semaphore, #tpu.memory_space<semaphore_mem>>)
      %mul3A_171 = arith.constant 3 : i32
      %mul3A_172 = arith.muli %scan3A_112, %mul3A_171 : i32
      %add3A_173 = arith.constant 1 : i32
      %add3A_174 = arith.addi %mul3A_172, %add3A_173 : i32
      %mul3A_175 = arith.constant 200 : i32
      %mul3A_176 = arith.muli %add3A_174, %mul3A_175 : i32
      %dma_wait3A_177 = arith.constant 0 : i32
      %dma_wait3A_178 = arith.constant 0 : i32
      %dma_wait3A_179 = tpu.memref_slice %arg9[%dma_wait3A_177, %dma_wait3A_178] : memref<200x128xf32, #tpu.memory_space<vmem>> -> memref<104x128xf32, #tpu.memory_space<vmem>>
      %dma_wait3A_180 = tpu.memref_slice %arg6[%mul3A_176] : memref<25600xi32, #tpu.memory_space<vmem>> -> memref<104xi32, #tpu.memory_space<vmem>>
      %dma_wait3A_181 = arith.constant 0 : i32
      %dma_wait3A_182 = arith.constant 0 : i32
      %dma_wait3A_183 = tpu.memref_slice %arg3[%dma_wait3A_181, %dma_wait3A_182] : memref<100000x128xf32, #tpu.memory_space<hbm>> -> memref<100000x128xf32, #tpu.memory_space<hbm>>
      tpu.wait_indirect_dma semaphore(%arg12 : memref<!tpu.dma_semaphore, #tpu.memory_space<semaphore_mem>>) src(%dma_wait3A_183 : memref<100000x128xf32, #tpu.memory_space<hbm>>) dst(%dma_wait3A_179 : memref<104x128xf32, #tpu.memory_space<vmem>>)
      %add3A_184 = arith.constant 104 : i32
      %add3A_185 = arith.addi %mul3A_176, %add3A_184 : i32
      %dma_wait3A_186 = arith.constant 104 : i32
      %dma_wait3A_187 = arith.constant 0 : i32
      %dma_wait3A_188 = tpu.memref_slice %arg9[%dma_wait3A_186, %dma_wait3A_187] : memref<200x128xf32, #tpu.memory_space<vmem>> -> memref<96x128xf32, #tpu.memory_space<vmem>>
      %dma_wait3A_189 = tpu.memref_slice %arg6[%add3A_185] : memref<25600xi32, #tpu.memory_space<vmem>> -> memref<96xi32, #tpu.memory_space<vmem>>
      %dma_wait3A_190 = arith.constant 0 : i32
      %dma_wait3A_191 = arith.constant 0 : i32
      %dma_wait3A_192 = tpu.memref_slice %arg3[%dma_wait3A_190, %dma_wait3A_191] : memref<100000x128xf32, #tpu.memory_space<hbm>> -> memref<100000x128xf32, #tpu.memory_space<hbm>>
      tpu.wait_indirect_dma semaphore(%arg12 : memref<!tpu.dma_semaphore, #tpu.memory_space<semaphore_mem>>) src(%dma_wait3A_192 : memref<100000x128xf32, #tpu.memory_space<hbm>>) dst(%dma_wait3A_188 : memref<96x128xf32, #tpu.memory_space<vmem>>)
      %scan3A_193 = arith.constant 0 : i32
      %scan3A_194 = arith.constant 0 : i32
      %scan3A_195 = arith.constant 50 : i32
      %scan3A_196 = arith.addi %scan3A_194, %scan3A_195 : i32
      %scan3A_197 = arith.constant 1 : i32
      scf.for %scan3A_295 = %scan3A_194 to %scan3A_196 step %scan3A_197  : i32 {
        %mul3A_296 = arith.constant 4 : i32
        %mul3A_297 = arith.muli %scan3A_295, %mul3A_296 : i32
        %add3A_298 = arith.constant 0 : i32
        %add3A_299 = arith.addi %mul3A_297, %add3A_298 : i32
        %get3A = arith.index_cast %add3A_299 : i32 to index
        %get3A_300 = arith.constant 0 : index
        %get3A_301 = tpu.vector_load %arg9[%get3A, %get3A_300] {strides = array<i32>} : memref<200x128xf32, #tpu.memory_space<vmem>>, vector<1x16xf32>,
        %get3A_302 = vector.shape_cast %get3A_301 : vector<1x16xf32> to vector<16xf32>
        %mul3A_303 = arith.constant 11.3137083 : f32
        %mul3A_304 = vector.broadcast %mul3A_303 : f32 to vector<16xf32>
        %mul3A_305 = arith.mulf %get3A_302, %mul3A_304 : vector<16xf32>
        %mul3A_306 = arith.constant 4 : i32
        %mul3A_307 = arith.muli %scan3A_295, %mul3A_306 : i32
        %add3A_308 = arith.constant 0 : i32
        %add3A_309 = arith.addi %mul3A_307, %add3A_308 : i32
        %get3A_310 = arith.index_cast %add3A_309 : i32 to index
        %get3A_311 = arith.constant 0 : index
        %get3A_312 = tpu.vector_load %arg7[%get3A_310, %get3A_311] {strides = array<i32>} : memref<200x128xf32, #tpu.memory_space<vmem>>, vector<1x16xf32>,
        %get3A_313 = vector.shape_cast %get3A_312 : vector<1x16xf32> to vector<16xf32>
        %add3A_314 = arith.addf %mul3A_305, %get3A_313 : vector<16xf32>
        %mul3A_315 = arith.constant 4 : i32
        %mul3A_316 = arith.muli %scan3A_295, %mul3A_315 : i32
        %add3A_317 = arith.constant 0 : i32
        %add3A_318 = arith.addi %mul3A_316, %add3A_317 : i32
        %swap3A = arith.index_cast %add3A_318 : i32 to index
        %swap3A_319 = arith.constant 0 : index
        %swap3A_320 = tpu.vector_load %arg9[%swap3A, %swap3A_319] {strides = array<i32>} : memref<200x128xf32, #tpu.memory_space<vmem>>, vector<1x16xf32>,
        %swap3A_321 = vector.shape_cast %swap3A_320 : vector<1x16xf32> to vector<16xf32>
        %swap3A_322 = vector.shape_cast %add3A_314 : vector<16xf32> to vector<1x16xf32>
        tpu.vector_store %arg9[%swap3A, %swap3A_319], %swap3A_322 {strides = array<i32>} : memref<200x128xf32, #tpu.memory_space<vmem>>, vector<1x16xf32>,
        %mul3A_323 = arith.constant 4 : i32
        %mul3A_324 = arith.muli %scan3A_295, %mul3A_323 : i32
        %add3A_325 = arith.constant 0 : i32
        %add3A_326 = arith.addi %mul3A_324, %add3A_325 : i32
        %get3A_327 = arith.index_cast %add3A_326 : i32 to index
        %get3A_328 = arith.constant 16 : index
        %get3A_329 = tpu.vector_load %arg9[%get3A_327, %get3A_328] {strides = array<i32>} : memref<200x128xf32, #tpu.memory_space<vmem>>, vector<1x16xf32>,
        %get3A_330 = vector.shape_cast %get3A_329 : vector<1x16xf32> to vector<16xf32>
        %mul3A_331 = arith.constant 11.3137083 : f32
        %mul3A_332 = vector.broadcast %mul3A_331 : f32 to vector<16xf32>
        %mul3A_333 = arith.mulf %get3A_330, %mul3A_332 : vector<16xf32>
        %mul3A_334 = arith.constant 4 : i32
        %mul3A_335 = arith.muli %scan3A_295, %mul3A_334 : i32
        %add3A_336 = arith.constant 0 : i32
        %add3A_337 = arith.addi %mul3A_335, %add3A_336 : i32
        %get3A_338 = arith.index_cast %add3A_337 : i32 to index
        %get3A_339 = arith.constant 16 : index
        %get3A_340 = tpu.vector_load %arg7[%get3A_338, %get3A_339] {strides = array<i32>} : memref<200x128xf32, #tpu.memory_space<vmem>>, vector<1x16xf32>,
        %get3A_341 = vector.shape_cast %get3A_340 : vector<1x16xf32> to vector<16xf32>
        %add3A_342 = arith.addf %mul3A_333, %get3A_341 : vector<16xf32>
        %mul3A_343 = arith.constant 4 : i32
        %mul3A_344 = arith.muli %scan3A_295, %mul3A_343 : i32
        %add3A_345 = arith.constant 0 : i32
        %add3A_346 = arith.addi %mul3A_344, %add3A_345 : i32
        %swap3A_347 = arith.index_cast %add3A_346 : i32 to index
        %swap3A_348 = arith.constant 16 : index
        %swap3A_349 = tpu.vector_load %arg9[%swap3A_347, %swap3A_348] {strides = array<i32>} : memref<200x128xf32, #tpu.memory_space<vmem>>, vector<1x16xf32>,
        %swap3A_350 = vector.shape_cast %swap3A_349 : vector<1x16xf32> to vector<16xf32>
        %swap3A_351 = vector.shape_cast %add3A_342 : vector<16xf32> to vector<1x16xf32>
        tpu.vector_store %arg9[%swap3A_347, %swap3A_348], %swap3A_351 {strides = array<i32>} : memref<200x128xf32, #tpu.memory_space<vmem>>, vector<1x16xf32>,
        %mul3A_352 = arith.constant 4 : i32
        %mul3A_353 = arith.muli %scan3A_295, %mul3A_352 : i32
        %add3A_354 = arith.constant 0 : i32
        %add3A_355 = arith.addi %mul3A_353, %add3A_354 : i32
        %get3A_356 = arith.index_cast %add3A_355 : i32 to index
        %get3A_357 = arith.constant 32 : index
        %get3A_358 = tpu.vector_load %arg9[%get3A_356, %get3A_357] {strides = array<i32>} : memref<200x128xf32, #tpu.memory_space<vmem>>, vector<1x16xf32>,
        %get3A_359 = vector.shape_cast %get3A_358 : vector<1x16xf32> to vector<16xf32>
        %mul3A_360 = arith.constant 11.3137083 : f32
        %mul3A_361 = vector.broadcast %mul3A_360 : f32 to vector<16xf32>
        %mul3A_362 = arith.mulf %get3A_359, %mul3A_361 : vector<16xf32>
        %mul3A_363 = arith.constant 4 : i32
        %mul3A_364 = arith.muli %scan3A_295, %mul3A_363 : i32
        %add3A_365 = arith.constant 0 : i32
        %add3A_366 = arith.addi %mul3A_364, %add3A_365 : i32
        %get3A_367 = arith.index_cast %add3A_366 : i32 to index
        %get3A_368 = arith.constant 32 : index
        %get3A_369 = tpu.vector_load %arg7[%get3A_367, %get3A_368] {strides = array<i32>} : memref<200x128xf32, #tpu.memory_space<vmem>>, vector<1x16xf32>,
        %get3A_370 = vector.shape_cast %get3A_369 : vector<1x16xf32> to vector<16xf32>
        %add3A_371 = arith.addf %mul3A_362, %get3A_370 : vector<16xf32>
        %mul3A_372 = arith.constant 4 : i32
        %mul3A_373 = arith.muli %scan3A_295, %mul3A_372 : i32
        %add3A_374 = arith.constant 0 : i32
        %add3A_375 = arith.addi %mul3A_373, %add3A_374 : i32
        %swap3A_376 = arith.index_cast %add3A_375 : i32 to index
        %swap3A_377 = arith.constant 32 : index
        %swap3A_378 = tpu.vector_load %arg9[%swap3A_376, %swap3A_377] {strides = array<i32>} : memref<200x128xf32, #tpu.memory_space<vmem>>, vector<1x16xf32>,
        %swap3A_379 = vector.shape_cast %swap3A_378 : vector<1x16xf32> to vector<16xf32>
        %swap3A_380 = vector.shape_cast %add3A_371 : vector<16xf32> to vector<1x16xf32>
        tpu.vector_store %arg9[%swap3A_376, %swap3A_377], %swap3A_380 {strides = array<i32>} : memref<200x128xf32, #tpu.memory_space<vmem>>, vector<1x16xf32>,
        %mul3A_381 = arith.constant 4 : i32
        %mul3A_382 = arith.muli %scan3A_295, %mul3A_381 : i32
        %add3A_383 = arith.constant 0 : i32
        %add3A_384 = arith.addi %mul3A_382, %add3A_383 : i32
        %get3A_385 = arith.index_cast %add3A_384 : i32 to index
        %get3A_386 = arith.constant 48 : index
        %get3A_387 = tpu.vector_load %arg9[%get3A_385, %get3A_386] {strides = array<i32>} : memref<200x128xf32, #tpu.memory_space<vmem>>, vector<1x16xf32>,
        %get3A_388 = vector.shape_cast %get3A_387 : vector<1x16xf32> to vector<16xf32>
        %mul3A_389 = arith.constant 11.3137083 : f32
        %mul3A_390 = vector.broadcast %mul3A_389 : f32 to vector<16xf32>
        %mul3A_391 = arith.mulf %get3A_388, %mul3A_390 : vector<16xf32>
        %mul3A_392 = arith.constant 4 : i32
        %mul3A_393 = arith.muli %scan3A_295, %mul3A_392 : i32
        %add3A_394 = arith.constant 0 : i32
        %add3A_395 = arith.addi %mul3A_393, %add3A_394 : i32
        %get3A_396 = arith.index_cast %add3A_395 : i32 to index
        %get3A_397 = arith.constant 48 : index
        %get3A_398 = tpu.vector_load %arg7[%get3A_396, %get3A_397] {strides = array<i32>} : memref<200x128xf32, #tpu.memory_space<vmem>>, vector<1x16xf32>,
        %get3A_399 = vector.shape_cast %get3A_398 : vector<1x16xf32> to vector<16xf32>
        %add3A_400 = arith.addf %mul3A_391, %get3A_399 : vector<16xf32>
        %mul3A_401 = arith.constant 4 : i32
        %mul3A_402 = arith.muli %scan3A_295, %mul3A_401 : i32
        %add3A_403 = arith.constant 0 : i32
        %add3A_404 = arith.addi %mul3A_402, %add3A_403 : i32
        %swap3A_405 = arith.index_cast %add3A_404 : i32 to index
        %swap3A_406 = arith.constant 48 : index
        %swap3A_407 = tpu.vector_load %arg9[%swap3A_405, %swap3A_406] {strides = array<i32>} : memref<200x128xf32, #tpu.memory_space<vmem>>, vector<1x16xf32>,
        %swap3A_408 = vector.shape_cast %swap3A_407 : vector<1x16xf32> to vector<16xf32>
        %swap3A_409 = vector.shape_cast %add3A_400 : vector<16xf32> to vector<1x16xf32>
        tpu.vector_store %arg9[%swap3A_405, %swap3A_406], %swap3A_409 {strides = array<i32>} : memref<200x128xf32, #tpu.memory_space<vmem>>, vector<1x16xf32>,
        %mul3A_410 = arith.constant 4 : i32
        %mul3A_411 = arith.muli %scan3A_295, %mul3A_410 : i32
        %add3A_412 = arith.constant 0 : i32
        %add3A_413 = arith.addi %mul3A_411, %add3A_412 : i32
        %get3A_414 = arith.index_cast %add3A_413 : i32 to index
        %get3A_415 = arith.constant 64 : index
        %get3A_416 = tpu.vector_load %arg9[%get3A_414, %get3A_415] {strides = array<i32>} : memref<200x128xf32, #tpu.memory_space<vmem>>, vector<1x16xf32>,
        %get3A_417 = vector.shape_cast %get3A_416 : vector<1x16xf32> to vector<16xf32>
        %mul3A_418 = arith.constant 11.3137083 : f32
        %mul3A_419 = vector.broadcast %mul3A_418 : f32 to vector<16xf32>
        %mul3A_420 = arith.mulf %get3A_417, %mul3A_419 : vector<16xf32>
        %mul3A_421 = arith.constant 4 : i32
        %mul3A_422 = arith.muli %scan3A_295, %mul3A_421 : i32
        %add3A_423 = arith.constant 0 : i32
        %add3A_424 = arith.addi %mul3A_422, %add3A_423 : i32
        %get3A_425 = arith.index_cast %add3A_424 : i32 to index
        %get3A_426 = arith.constant 64 : index
        %get3A_427 = tpu.vector_load %arg7[%get3A_425, %get3A_426] {strides = array<i32>} : memref<200x128xf32, #tpu.memory_space<vmem>>, vector<1x16xf32>,
        %get3A_428 = vector.shape_cast %get3A_427 : vector<1x16xf32> to vector<16xf32>
        %add3A_429 = arith.addf %mul3A_420, %get3A_428 : vector<16xf32>
        %mul3A_430 = arith.constant 4 : i32
        %mul3A_431 = arith.muli %scan3A_295, %mul3A_430 : i32
        %add3A_432 = arith.constant 0 : i32
        %add3A_433 = arith.addi %mul3A_431, %add3A_432 : i32
        %swap3A_434 = arith.index_cast %add3A_433 : i32 to index
        %swap3A_435 = arith.constant 64 : index
        %swap3A_436 = tpu.vector_load %arg9[%swap3A_434, %swap3A_435] {strides = array<i32>} : memref<200x128xf32, #tpu.memory_space<vmem>>, vector<1x16xf32>,
        %swap3A_437 = vector.shape_cast %swap3A_436 : vector<1x16xf32> to vector<16xf32>
        %swap3A_438 = vector.shape_cast %add3A_429 : vector<16xf32> to vector<1x16xf32>
        tpu.vector_store %arg9[%swap3A_434, %swap3A_435], %swap3A_438 {strides = array<i32>} : memref<200x128xf32, #tpu.memory_space<vmem>>, vector<1x16xf32>,
        %mul3A_439 = arith.constant 4 : i32
        %mul3A_440 = arith.muli %scan3A_295, %mul3A_439 : i32
        %add3A_441 = arith.constant 0 : i32
        %add3A_442 = arith.addi %mul3A_440, %add3A_441 : i32
        %get3A_443 = arith.index_cast %add3A_442 : i32 to index
        %get3A_444 = arith.constant 80 : index
        %get3A_445 = tpu.vector_load %arg9[%get3A_443, %get3A_444] {strides = array<i32>} : memref<200x128xf32, #tpu.memory_space<vmem>>, vector<1x16xf32>,
        %get3A_446 = vector.shape_cast %get3A_445 : vector<1x16xf32> to vector<16xf32>
        %mul3A_447 = arith.constant 11.3137083 : f32
        %mul3A_448 = vector.broadcast %mul3A_447 : f32 to vector<16xf32>
        %mul3A_449 = arith.mulf %get3A_446, %mul3A_448 : vector<16xf32>
        %mul3A_450 = arith.constant 4 : i32
        %mul3A_451 = arith.muli %scan3A_295, %mul3A_450 : i32
        %add3A_452 = arith.constant 0 : i32
        %add3A_453 = arith.addi %mul3A_451, %add3A_452 : i32
        %get3A_454 = arith.index_cast %add3A_453 : i32 to index
        %get3A_455 = arith.constant 80 : index
        %get3A_456 = tpu.vector_load %arg7[%get3A_454, %get3A_455] {strides = array<i32>} : memref<200x128xf32, #tpu.memory_space<vmem>>, vector<1x16xf32>,
        %get3A_457 = vector.shape_cast %get3A_456 : vector<1x16xf32> to vector<16xf32>
        %add3A_458 = arith.addf %mul3A_449, %get3A_457 : vector<16xf32>
        %mul3A_459 = arith.constant 4 : i32
        %mul3A_460 = arith.muli %scan3A_295, %mul3A_459 : i32
        %add3A_461 = arith.constant 0 : i32
        %add3A_462 = arith.addi %mul3A_460, %add3A_461 : i32
        %swap3A_463 = arith.index_cast %add3A_462 : i32 to index
        %swap3A_464 = arith.constant 80 : index
        %swap3A_465 = tpu.vector_load %arg9[%swap3A_463, %swap3A_464] {strides = array<i32>} : memref<200x128xf32, #tpu.memory_space<vmem>>, vector<1x16xf32>,
        %swap3A_466 = vector.shape_cast %swap3A_465 : vector<1x16xf32> to vector<16xf32>
        %swap3A_467 = vector.shape_cast %add3A_458 : vector<16xf32> to vector<1x16xf32>
        tpu.vector_store %arg9[%swap3A_463, %swap3A_464], %swap3A_467 {strides = array<i32>} : memref<200x128xf32, #tpu.memory_space<vmem>>, vector<1x16xf32>,
        %mul3A_468 = arith.constant 4 : i32
        %mul3A_469 = arith.muli %scan3A_295, %mul3A_468 : i32
        %add3A_470 = arith.constant 0 : i32
        %add3A_471 = arith.addi %mul3A_469, %add3A_470 : i32
        %get3A_472 = arith.index_cast %add3A_471 : i32 to index
        %get3A_473 = arith.constant 96 : index
        %get3A_474 = tpu.vector_load %arg9[%get3A_472, %get3A_473] {strides = array<i32>} : memref<200x128xf32, #tpu.memory_space<vmem>>, vector<1x16xf32>,
        %get3A_475 = vector.shape_cast %get3A_474 : vector<1x16xf32> to vector<16xf32>
        %mul3A_476 = arith.constant 11.3137083 : f32
        %mul3A_477 = vector.broadcast %mul3A_476 : f32 to vector<16xf32>
        %mul3A_478 = arith.mulf %get3A_475, %mul3A_477 : vector<16xf32>
        %mul3A_479 = arith.constant 4 : i32
        %mul3A_480 = arith.muli %scan3A_295, %mul3A_479 : i32
        %add3A_481 = arith.constant 0 : i32
        %add3A_482 = arith.addi %mul3A_480, %add3A_481 : i32
        %get3A_483 = arith.index_cast %add3A_482 : i32 to index
        %get3A_484 = arith.constant 96 : index
        %get3A_485 = tpu.vector_load %arg7[%get3A_483, %get3A_484] {strides = array<i32>} : memref<200x128xf32, #tpu.memory_space<vmem>>, vector<1x16xf32>,
        %get3A_486 = vector.shape_cast %get3A_485 : vector<1x16xf32> to vector<16xf32>
        %add3A_487 = arith.addf %mul3A_478, %get3A_486 : vector<16xf32>
        %mul3A_488 = arith.constant 4 : i32
        %mul3A_489 = arith.muli %scan3A_295, %mul3A_488 : i32
        %add3A_490 = arith.constant 0 : i32
        %add3A_491 = arith.addi %mul3A_489, %add3A_490 : i32
        %swap3A_492 = arith.index_cast %add3A_491 : i32 to index
        %swap3A_493 = arith.constant 96 : index
        %swap3A_494 = tpu.vector_load %arg9[%swap3A_492, %swap3A_493] {strides = array<i32>} : memref<200x128xf32, #tpu.memory_space<vmem>>, vector<1x16xf32>,
        %swap3A_495 = vector.shape_cast %swap3A_494 : vector<1x16xf32> to vector<16xf32>
        %swap3A_496 = vector.shape_cast %add3A_487 : vector<16xf32> to vector<1x16xf32>
        tpu.vector_store %arg9[%swap3A_492, %swap3A_493], %swap3A_496 {strides = array<i32>} : memref<200x128xf32, #tpu.memory_space<vmem>>, vector<1x16xf32>,
        %mul3A_497 = arith.constant 4 : i32
        %mul3A_498 = arith.muli %scan3A_295, %mul3A_497 : i32
        %add3A_499 = arith.constant 0 : i32
        %add3A_500 = arith.addi %mul3A_498, %add3A_499 : i32
        %get3A_501 = arith.index_cast %add3A_500 : i32 to index
        %get3A_502 = arith.constant 112 : index
        %get3A_503 = tpu.vector_load %arg9[%get3A_501, %get3A_502] {strides = array<i32>} : memref<200x128xf32, #tpu.memory_space<vmem>>, vector<1x16xf32>,
        %get3A_504 = vector.shape_cast %get3A_503 : vector<1x16xf32> to vector<16xf32>
        %mul3A_505 = arith.constant 11.3137083 : f32
        %mul3A_506 = vector.broadcast %mul3A_505 : f32 to vector<16xf32>
        %mul3A_507 = arith.mulf %get3A_504, %mul3A_506 : vector<16xf32>
        %mul3A_508 = arith.constant 4 : i32
        %mul3A_509 = arith.muli %scan3A_295, %mul3A_508 : i32
        %add3A_510 = arith.constant 0 : i32
        %add3A_511 = arith.addi %mul3A_509, %add3A_510 : i32
        %get3A_512 = arith.index_cast %add3A_511 : i32 to index
        %get3A_513 = arith.constant 112 : index
        %get3A_514 = tpu.vector_load %arg7[%get3A_512, %get3A_513] {strides = array<i32>} : memref<200x128xf32, #tpu.memory_space<vmem>>, vector<1x16xf32>,
        %get3A_515 = vector.shape_cast %get3A_514 : vector<1x16xf32> to vector<16xf32>
        %add3A_516 = arith.addf %mul3A_507, %get3A_515 : vector<16xf32>
        %mul3A_517 = arith.constant 4 : i32
        %mul3A_518 = arith.muli %scan3A_295, %mul3A_517 : i32
        %add3A_519 = arith.constant 0 : i32
        %add3A_520 = arith.addi %mul3A_518, %add3A_519 : i32
        %swap3A_521 = arith.index_cast %add3A_520 : i32 to index
        %swap3A_522 = arith.constant 112 : index
        %swap3A_523 = tpu.vector_load %arg9[%swap3A_521, %swap3A_522] {strides = array<i32>} : memref<200x128xf32, #tpu.memory_space<vmem>>, vector<1x16xf32>,
        %swap3A_524 = vector.shape_cast %swap3A_523 : vector<1x16xf32> to vector<16xf32>
        %swap3A_525 = vector.shape_cast %add3A_516 : vector<16xf32> to vector<1x16xf32>
        tpu.vector_store %arg9[%swap3A_521, %swap3A_522], %swap3A_525 {strides = array<i32>} : memref<200x128xf32, #tpu.memory_space<vmem>>, vector<1x16xf32>,
        %mul3A_526 = arith.constant 4 : i32
        %mul3A_527 = arith.muli %scan3A_295, %mul3A_526 : i32
        %add3A_528 = arith.constant 1 : i32
        %add3A_529 = arith.addi %mul3A_527, %add3A_528 : i32
        %get3A_530 = arith.index_cast %add3A_529 : i32 to index
        %get3A_531 = arith.constant 0 : index
        %get3A_532 = tpu.vector_load %arg9[%get3A_530, %get3A_531] {strides = array<i32>} : memref<200x128xf32, #tpu.memory_space<vmem>>, vector<1x16xf32>,
        %get3A_533 = vector.shape_cast %get3A_532 : vector<1x16xf32> to vector<16xf32>
        %mul3A_534 = arith.constant 11.3137083 : f32
        %mul3A_535 = vector.broadcast %mul3A_534 : f32 to vector<16xf32>
        %mul3A_536 = arith.mulf %get3A_533, %mul3A_535 : vector<16xf32>
        %mul3A_537 = arith.constant 4 : i32
        %mul3A_538 = arith.muli %scan3A_295, %mul3A_537 : i32
        %add3A_539 = arith.constant 1 : i32
        %add3A_540 = arith.addi %mul3A_538, %add3A_539 : i32
        %get3A_541 = arith.index_cast %add3A_540 : i32 to index
        %get3A_542 = arith.constant 0 : index
        %get3A_543 = tpu.vector_load %arg7[%get3A_541, %get3A_542] {strides = array<i32>} : memref<200x128xf32, #tpu.memory_space<vmem>>, vector<1x16xf32>,
        %get3A_544 = vector.shape_cast %get3A_543 : vector<1x16xf32> to vector<16xf32>
        %add3A_545 = arith.addf %mul3A_536, %get3A_544 : vector<16xf32>
        %mul3A_546 = arith.constant 4 : i32
        %mul3A_547 = arith.muli %scan3A_295, %mul3A_546 : i32
        %add3A_548 = arith.constant 1 : i32
        %add3A_549 = arith.addi %mul3A_547, %add3A_548 : i32
        %swap3A_550 = arith.index_cast %add3A_549 : i32 to index
        %swap3A_551 = arith.constant 0 : index
        %swap3A_552 = tpu.vector_load %arg9[%swap3A_550, %swap3A_551] {strides = array<i32>} : memref<200x128xf32, #tpu.memory_space<vmem>>, vector<1x16xf32>,
        %swap3A_553 = vector.shape_cast %swap3A_552 : vector<1x16xf32> to vector<16xf32>
        %swap3A_554 = vector.shape_cast %add3A_545 : vector<16xf32> to vector<1x16xf32>
        tpu.vector_store %arg9[%swap3A_550, %swap3A_551], %swap3A_554 {strides = array<i32>} : memref<200x128xf32, #tpu.memory_space<vmem>>, vector<1x16xf32>,
        %mul3A_555 = arith.constant 4 : i32
        %mul3A_556 = arith.muli %scan3A_295, %mul3A_555 : i32
        %add3A_557 = arith.constant 1 : i32
        %add3A_558 = arith.addi %mul3A_556, %add3A_557 : i32
        %get3A_559 = arith.index_cast %add3A_558 : i32 to index
        %get3A_560 = arith.constant 16 : index
        %get3A_561 = tpu.vector_load %arg9[%get3A_559, %get3A_560] {strides = array<i32>} : memref<200x128xf32, #tpu.memory_space<vmem>>, vector<1x16xf32>,
        %get3A_562 = vector.shape_cast %get3A_561 : vector<1x16xf32> to vector<16xf32>
        %mul3A_563 = arith.constant 11.3137083 : f32
        %mul3A_564 = vector.broadcast %mul3A_563 : f32 to vector<16xf32>
        %mul3A_565 = arith.mulf %get3A_562, %mul3A_564 : vector<16xf32>
        %mul3A_566 = arith.constant 4 : i32
        %mul3A_567 = arith.muli %scan3A_295, %mul3A_566 : i32
        %add3A_568 = arith.constant 1 : i32
        %add3A_569 = arith.addi %mul3A_567, %add3A_568 : i32
        %get3A_570 = arith.index_cast %add3A_569 : i32 to index
        %get3A_571 = arith.constant 16 : index
        %get3A_572 = tpu.vector_load %arg7[%get3A_570, %get3A_571] {strides = array<i32>} : memref<200x128xf32, #tpu.memory_space<vmem>>, vector<1x16xf32>,
        %get3A_573 = vector.shape_cast %get3A_572 : vector<1x16xf32> to vector<16xf32>
        %add3A_574 = arith.addf %mul3A_565, %get3A_573 : vector<16xf32>
        %mul3A_575 = arith.constant 4 : i32
        %mul3A_576 = arith.muli %scan3A_295, %mul3A_575 : i32
        %add3A_577 = arith.constant 1 : i32
        %add3A_578 = arith.addi %mul3A_576, %add3A_577 : i32
        %swap3A_579 = arith.index_cast %add3A_578 : i32 to index
        %swap3A_580 = arith.constant 16 : index
        %swap3A_581 = tpu.vector_load %arg9[%swap3A_579, %swap3A_580] {strides = array<i32>} : memref<200x128xf32, #tpu.memory_space<vmem>>, vector<1x16xf32>,
        %swap3A_582 = vector.shape_cast %swap3A_581 : vector<1x16xf32> to vector<16xf32>
        %swap3A_583 = vector.shape_cast %add3A_574 : vector<16xf32> to vector<1x16xf32>
        tpu.vector_store %arg9[%swap3A_579, %swap3A_580], %swap3A_583 {strides = array<i32>} : memref<200x128xf32, #tpu.memory_space<vmem>>, vector<1x16xf32>,
        %mul3A_584 = arith.constant 4 : i32
        %mul3A_585 = arith.muli %scan3A_295, %mul3A_584 : i32
        %add3A_586 = arith.constant 1 : i32
        %add3A_587 = arith.addi %mul3A_585, %add3A_586 : i32
        %get3A_588 = arith.index_cast %add3A_587 : i32 to index
        %get3A_589 = arith.constant 32 : index
        %get3A_590 = tpu.vector_load %arg9[%get3A_588, %get3A_589] {strides = array<i32>} : memref<200x128xf32, #tpu.memory_space<vmem>>, vector<1x16xf32>,
        %get3A_591 = vector.shape_cast %get3A_590 : vector<1x16xf32> to vector<16xf32>
        %mul3A_592 = arith.constant 11.3137083 : f32
        %mul3A_593 = vector.broadcast %mul3A_592 : f32 to vector<16xf32>
        %mul3A_594 = arith.mulf %get3A_591, %mul3A_593 : vector<16xf32>
        %mul3A_595 = arith.constant 4 : i32
        %mul3A_596 = arith.muli %scan3A_295, %mul3A_595 : i32
        %add3A_597 = arith.constant 1 : i32
        %add3A_598 = arith.addi %mul3A_596, %add3A_597 : i32
        %get3A_599 = arith.index_cast %add3A_598 : i32 to index
        %get3A_600 = arith.constant 32 : index
        %get3A_601 = tpu.vector_load %arg7[%get3A_599, %get3A_600] {strides = array<i32>} : memref<200x128xf32, #tpu.memory_space<vmem>>, vector<1x16xf32>,
        %get3A_602 = vector.shape_cast %get3A_601 : vector<1x16xf32> to vector<16xf32>
        %add3A_603 = arith.addf %mul3A_594, %get3A_602 : vector<16xf32>
        %mul3A_604 = arith.constant 4 : i32
        %mul3A_605 = arith.muli %scan3A_295, %mul3A_604 : i32
        %add3A_606 = arith.constant 1 : i32
        %add3A_607 = arith.addi %mul3A_605, %add3A_606 : i32
        %swap3A_608 = arith.index_cast %add3A_607 : i32 to index
        %swap3A_609 = arith.constant 32 : index
        %swap3A_610 = tpu.vector_load %arg9[%swap3A_608, %swap3A_609] {strides = array<i32>} : memref<200x128xf32, #tpu.memory_space<vmem>>, vector<1x16xf32>,
        %swap3A_611 = vector.shape_cast %swap3A_610 : vector<1x16xf32> to vector<16xf32>
        %swap3A_612 = vector.shape_cast %add3A_603 : vector<16xf32> to vector<1x16xf32>
        tpu.vector_store %arg9[%swap3A_608, %swap3A_609], %swap3A_612 {strides = array<i32>} : memref<200x128xf32, #tpu.memory_space<vmem>>, vector<1x16xf32>,
        %mul3A_613 = arith.constant 4 : i32
        %mul3A_614 = arith.muli %scan3A_295, %mul3A_613 : i32
        %add3A_615 = arith.constant 1 : i32
        %add3A_616 = arith.addi %mul3A_614, %add3A_615 : i32
        %get3A_617 = arith.index_cast %add3A_616 : i32 to index
        %get3A_618 = arith.constant 48 : index
        %get3A_619 = tpu.vector_load %arg9[%get3A_617, %get3A_618] {strides = array<i32>} : memref<200x128xf32, #tpu.memory_space<vmem>>, vector<1x16xf32>,
        %get3A_620 = vector.shape_cast %get3A_619 : vector<1x16xf32> to vector<16xf32>
        %mul3A_621 = arith.constant 11.3137083 : f32
        %mul3A_622 = vector.broadcast %mul3A_621 : f32 to vector<16xf32>
        %mul3A_623 = arith.mulf %get3A_620, %mul3A_622 : vector<16xf32>
        %mul3A_624 = arith.constant 4 : i32
        %mul3A_625 = arith.muli %scan3A_295, %mul3A_624 : i32
        %add3A_626 = arith.constant 1 : i32
        %add3A_627 = arith.addi %mul3A_625, %add3A_626 : i32
        %get3A_628 = arith.index_cast %add3A_627 : i32 to index
        %get3A_629 = arith.constant 48 : index
        %get3A_630 = tpu.vector_load %arg7[%get3A_628, %get3A_629] {strides = array<i32>} : memref<200x128xf32, #tpu.memory_space<vmem>>, vector<1x16xf32>,
        %get3A_631 = vector.shape_cast %get3A_630 : vector<1x16xf32> to vector<16xf32>
        %add3A_632 = arith.addf %mul3A_623, %get3A_631 : vector<16xf32>
        %mul3A_633 = arith.constant 4 : i32
        %mul3A_634 = arith.muli %scan3A_295, %mul3A_633 : i32
        %add3A_635 = arith.constant 1 : i32
        %add3A_636 = arith.addi %mul3A_634, %add3A_635 : i32
        %swap3A_637 = arith.index_cast %add3A_636 : i32 to index
        %swap3A_638 = arith.constant 48 : index
        %swap3A_639 = tpu.vector_load %arg9[%swap3A_637, %swap3A_638] {strides = array<i32>} : memref<200x128xf32, #tpu.memory_space<vmem>>, vector<1x16xf32>,
        %swap3A_640 = vector.shape_cast %swap3A_639 : vector<1x16xf32> to vector<16xf32>
        %swap3A_641 = vector.shape_cast %add3A_632 : vector<16xf32> to vector<1x16xf32>
        tpu.vector_store %arg9[%swap3A_637, %swap3A_638], %swap3A_641 {strides = array<i32>} : memref<200x128xf32, #tpu.memory_space<vmem>>, vector<1x16xf32>,
        %mul3A_642 = arith.constant 4 : i32
        %mul3A_643 = arith.muli %scan3A_295, %mul3A_642 : i32
        %add3A_644 = arith.constant 1 : i32
        %add3A_645 = arith.addi %mul3A_643, %add3A_644 : i32
        %get3A_646 = arith.index_cast %add3A_645 : i32 to index
        %get3A_647 = arith.constant 64 : index
        %get3A_648 = tpu.vector_load %arg9[%get3A_646, %get3A_647] {strides = array<i32>} : memref<200x128xf32, #tpu.memory_space<vmem>>, vector<1x16xf32>,
        %get3A_649 = vector.shape_cast %get3A_648 : vector<1x16xf32> to vector<16xf32>
        %mul3A_650 = arith.constant 11.3137083 : f32
        %mul3A_651 = vector.broadcast %mul3A_650 : f32 to vector<16xf32>
        %mul3A_652 = arith.mulf %get3A_649, %mul3A_651 : vector<16xf32>
        %mul3A_653 = arith.constant 4 : i32
        %mul3A_654 = arith.muli %scan3A_295, %mul3A_653 : i32
        %add3A_655 = arith.constant 1 : i32
        %add3A_656 = arith.addi %mul3A_654, %add3A_655 : i32
        %get3A_657 = arith.index_cast %add3A_656 : i32 to index
        %get3A_658 = arith.constant 64 : index
        %get3A_659 = tpu.vector_load %arg7[%get3A_657, %get3A_658] {strides = array<i32>} : memref<200x128xf32, #tpu.memory_space<vmem>>, vector<1x16xf32>,
        %get3A_660 = vector.shape_cast %get3A_659 : vector<1x16xf32> to vector<16xf32>
        %add3A_661 = arith.addf %mul3A_652, %get3A_660 : vector<16xf32>
        %mul3A_662 = arith.constant 4 : i32
        %mul3A_663 = arith.muli %scan3A_295, %mul3A_662 : i32
        %add3A_664 = arith.constant 1 : i32
        %add3A_665 = arith.addi %mul3A_663, %add3A_664 : i32
        %swap3A_666 = arith.index_cast %add3A_665 : i32 to index
        %swap3A_667 = arith.constant 64 : index
        %swap3A_668 = tpu.vector_load %arg9[%swap3A_666, %swap3A_667] {strides = array<i32>} : memref<200x128xf32, #tpu.memory_space<vmem>>, vector<1x16xf32>,
        %swap3A_669 = vector.shape_cast %swap3A_668 : vector<1x16xf32> to vector<16xf32>
        %swap3A_670 = vector.shape_cast %add3A_661 : vector<16xf32> to vector<1x16xf32>
        tpu.vector_store %arg9[%swap3A_666, %swap3A_667], %swap3A_670 {strides = array<i32>} : memref<200x128xf32, #tpu.memory_space<vmem>>, vector<1x16xf32>,
        %mul3A_671 = arith.constant 4 : i32
        %mul3A_672 = arith.muli %scan3A_295, %mul3A_671 : i32
        %add3A_673 = arith.constant 1 : i32
        %add3A_674 = arith.addi %mul3A_672, %add3A_673 : i32
        %get3A_675 = arith.index_cast %add3A_674 : i32 to index
        %get3A_676 = arith.constant 80 : index
        %get3A_677 = tpu.vector_load %arg9[%get3A_675, %get3A_676] {strides = array<i32>} : memref<200x128xf32, #tpu.memory_space<vmem>>, vector<1x16xf32>,
        %get3A_678 = vector.shape_cast %get3A_677 : vector<1x16xf32> to vector<16xf32>
        %mul3A_679 = arith.constant 11.3137083 : f32
        %mul3A_680 = vector.broadcast %mul3A_679 : f32 to vector<16xf32>
        %mul3A_681 = arith.mulf %get3A_678, %mul3A_680 : vector<16xf32>
        %mul3A_682 = arith.constant 4 : i32
        %mul3A_683 = arith.muli %scan3A_295, %mul3A_682 : i32
        %add3A_684 = arith.constant 1 : i32
        %add3A_685 = arith.addi %mul3A_683, %add3A_684 : i32
        %get3A_686 = arith.index_cast %add3A_685 : i32 to index
        %get3A_687 = arith.constant 80 : index
        %get3A_688 = tpu.vector_load %arg7[%get3A_686, %get3A_687] {strides = array<i32>} : memref<200x128xf32, #tpu.memory_space<vmem>>, vector<1x16xf32>,
        %get3A_689 = vector.shape_cast %get3A_688 : vector<1x16xf32> to vector<16xf32>
        %add3A_690 = arith.addf %mul3A_681, %get3A_689 : vector<16xf32>
        %mul3A_691 = arith.constant 4 : i32
        %mul3A_692 = arith.muli %scan3A_295, %mul3A_691 : i32
        %add3A_693 = arith.constant 1 : i32
        %add3A_694 = arith.addi %mul3A_692, %add3A_693 : i32
        %swap3A_695 = arith.index_cast %add3A_694 : i32 to index
        %swap3A_696 = arith.constant 80 : index
        %swap3A_697 = tpu.vector_load %arg9[%swap3A_695, %swap3A_696] {strides = array<i32>} : memref<200x128xf32, #tpu.memory_space<vmem>>, vector<1x16xf32>,
        %swap3A_698 = vector.shape_cast %swap3A_697 : vector<1x16xf32> to vector<16xf32>
        %swap3A_699 = vector.shape_cast %add3A_690 : vector<16xf32> to vector<1x16xf32>
        tpu.vector_store %arg9[%swap3A_695, %swap3A_696], %swap3A_699 {strides = array<i32>} : memref<200x128xf32, #tpu.memory_space<vmem>>, vector<1x16xf32>,
        %mul3A_700 = arith.constant 4 : i32
        %mul3A_701 = arith.muli %scan3A_295, %mul3A_700 : i32
        %add3A_702 = arith.constant 1 : i32
        %add3A_703 = arith.addi %mul3A_701, %add3A_702 : i32
        %get3A_704 = arith.index_cast %add3A_703 : i32 to index
        %get3A_705 = arith.constant 96 : index
        %get3A_706 = tpu.vector_load %arg9[%get3A_704, %get3A_705] {strides = array<i32>} : memref<200x128xf32, #tpu.memory_space<vmem>>, vector<1x16xf32>,
        %get3A_707 = vector.shape_cast %get3A_706 : vector<1x16xf32> to vector<16xf32>
        %mul3A_708 = arith.constant 11.3137083 : f32
        %mul3A_709 = vector.broadcast %mul3A_708 : f32 to vector<16xf32>
        %mul3A_710 = arith.mulf %get3A_707, %mul3A_709 : vector<16xf32>
        %mul3A_711 = arith.constant 4 : i32
        %mul3A_712 = arith.muli %scan3A_295, %mul3A_711 : i32
        %add3A_713 = arith.constant 1 : i32
        %add3A_714 = arith.addi %mul3A_712, %add3A_713 : i32
        %get3A_715 = arith.index_cast %add3A_714 : i32 to index
        %get3A_716 = arith.constant 96 : index
        %get3A_717 = tpu.vector_load %arg7[%get3A_715, %get3A_716] {strides = array<i32>} : memref<200x128xf32, #tpu.memory_space<vmem>>, vector<1x16xf32>,
        %get3A_718 = vector.shape_cast %get3A_717 : vector<1x16xf32> to vector<16xf32>
        %add3A_719 = arith.addf %mul3A_710, %get3A_718 : vector<16xf32>
        %mul3A_720 = arith.constant 4 : i32
        %mul3A_721 = arith.muli %scan3A_295, %mul3A_720 : i32
        %add3A_722 = arith.constant 1 : i32
        %add3A_723 = arith.addi %mul3A_721, %add3A_722 : i32
        %swap3A_724 = arith.index_cast %add3A_723 : i32 to index
        %swap3A_725 = arith.constant 96 : index
        %swap3A_726 = tpu.vector_load %arg9[%swap3A_724, %swap3A_725] {strides = array<i32>} : memref<200x128xf32, #tpu.memory_space<vmem>>, vector<1x16xf32>,
        %swap3A_727 = vector.shape_cast %swap3A_726 : vector<1x16xf32> to vector<16xf32>
        %swap3A_728 = vector.shape_cast %add3A_719 : vector<16xf32> to vector<1x16xf32>
        tpu.vector_store %arg9[%swap3A_724, %swap3A_725], %swap3A_728 {strides = array<i32>} : memref<200x128xf32, #tpu.memory_space<vmem>>, vector<1x16xf32>,
        %mul3A_729 = arith.constant 4 : i32
        %mul3A_730 = arith.muli %scan3A_295, %mul3A_729 : i32
        %add3A_731 = arith.constant 1 : i32
        %add3A_732 = arith.addi %mul3A_730, %add3A_731 : i32
        %get3A_733 = arith.index_cast %add3A_732 : i32 to index
        %get3A_734 = arith.constant 112 : index
        %get3A_735 = tpu.vector_load %arg9[%get3A_733, %get3A_734] {strides = array<i32>} : memref<200x128xf32, #tpu.memory_space<vmem>>, vector<1x16xf32>,
        %get3A_736 = vector.shape_cast %get3A_735 : vector<1x16xf32> to vector<16xf32>
        %mul3A_737 = arith.constant 11.3137083 : f32
        %mul3A_738 = vector.broadcast %mul3A_737 : f32 to vector<16xf32>
        %mul3A_739 = arith.mulf %get3A_736, %mul3A_738 : vector<16xf32>
        %mul3A_740 = arith.constant 4 : i32
        %mul3A_741 = arith.muli %scan3A_295, %mul3A_740 : i32
        %add3A_742 = arith.constant 1 : i32
        %add3A_743 = arith.addi %mul3A_741, %add3A_742 : i32
        %get3A_744 = arith.index_cast %add3A_743 : i32 to index
        %get3A_745 = arith.constant 112 : index
        %get3A_746 = tpu.vector_load %arg7[%get3A_744, %get3A_745] {strides = array<i32>} : memref<200x128xf32, #tpu.memory_space<vmem>>, vector<1x16xf32>,
        %get3A_747 = vector.shape_cast %get3A_746 : vector<1x16xf32> to vector<16xf32>
        %add3A_748 = arith.addf %mul3A_739, %get3A_747 : vector<16xf32>
        %mul3A_749 = arith.constant 4 : i32
        %mul3A_750 = arith.muli %scan3A_295, %mul3A_749 : i32
        %add3A_751 = arith.constant 1 : i32
        %add3A_752 = arith.addi %mul3A_750, %add3A_751 : i32
        %swap3A_753 = arith.index_cast %add3A_752 : i32 to index
        %swap3A_754 = arith.constant 112 : index
        %swap3A_755 = tpu.vector_load %arg9[%swap3A_753, %swap3A_754] {strides = array<i32>} : memref<200x128xf32, #tpu.memory_space<vmem>>, vector<1x16xf32>,
        %swap3A_756 = vector.shape_cast %swap3A_755 : vector<1x16xf32> to vector<16xf32>
        %swap3A_757 = vector.shape_cast %add3A_748 : vector<16xf32> to vector<1x16xf32>
        tpu.vector_store %arg9[%swap3A_753, %swap3A_754], %swap3A_757 {strides = array<i32>} : memref<200x128xf32, #tpu.memory_space<vmem>>, vector<1x16xf32>,
        %mul3A_758 = arith.constant 4 : i32
        %mul3A_759 = arith.muli %scan3A_295, %mul3A_758 : i32
        %add3A_760 = arith.constant 2 : i32
        %add3A_761 = arith.addi %mul3A_759, %add3A_760 : i32
        %get3A_762 = arith.index_cast %add3A_761 : i32 to index
        %get3A_763 = arith.constant 0 : index
        %get3A_764 = tpu.vector_load %arg9[%get3A_762, %get3A_763] {strides = array<i32>} : memref<200x128xf32, #tpu.memory_space<vmem>>, vector<1x16xf32>,
        %get3A_765 = vector.shape_cast %get3A_764 : vector<1x16xf32> to vector<16xf32>
        %mul3A_766 = arith.constant 11.3137083 : f32
        %mul3A_767 = vector.broadcast %mul3A_766 : f32 to vector<16xf32>
        %mul3A_768 = arith.mulf %get3A_765, %mul3A_767 : vector<16xf32>
        %mul3A_769 = arith.constant 4 : i32
        %mul3A_770 = arith.muli %scan3A_295, %mul3A_769 : i32
        %add3A_771 = arith.constant 2 : i32
        %add3A_772 = arith.addi %mul3A_770, %add3A_771 : i32
        %get3A_773 = arith.index_cast %add3A_772 : i32 to index
        %get3A_774 = arith.constant 0 : index
        %get3A_775 = tpu.vector_load %arg7[%get3A_773, %get3A_774] {strides = array<i32>} : memref<200x128xf32, #tpu.memory_space<vmem>>, vector<1x16xf32>,
        %get3A_776 = vector.shape_cast %get3A_775 : vector<1x16xf32> to vector<16xf32>
        %add3A_777 = arith.addf %mul3A_768, %get3A_776 : vector<16xf32>
        %mul3A_778 = arith.constant 4 : i32
        %mul3A_779 = arith.muli %scan3A_295, %mul3A_778 : i32
        %add3A_780 = arith.constant 2 : i32
        %add3A_781 = arith.addi %mul3A_779, %add3A_780 : i32
        %swap3A_782 = arith.index_cast %add3A_781 : i32 to index
        %swap3A_783 = arith.constant 0 : index
        %swap3A_784 = tpu.vector_load %arg9[%swap3A_782, %swap3A_783] {strides = array<i32>} : memref<200x128xf32, #tpu.memory_space<vmem>>, vector<1x16xf32>,
        %swap3A_785 = vector.shape_cast %swap3A_784 : vector<1x16xf32> to vector<16xf32>
        %swap3A_786 = vector.shape_cast %add3A_777 : vector<16xf32> to vector<1x16xf32>
        tpu.vector_store %arg9[%swap3A_782, %swap3A_783], %swap3A_786 {strides = array<i32>} : memref<200x128xf32, #tpu.memory_space<vmem>>, vector<1x16xf32>,
        %mul3A_787 = arith.constant 4 : i32
        %mul3A_788 = arith.muli %scan3A_295, %mul3A_787 : i32
        %add3A_789 = arith.constant 2 : i32
        %add3A_790 = arith.addi %mul3A_788, %add3A_789 : i32
        %get3A_791 = arith.index_cast %add3A_790 : i32 to index
        %get3A_792 = arith.constant 16 : index
        %get3A_793 = tpu.vector_load %arg9[%get3A_791, %get3A_792] {strides = array<i32>} : memref<200x128xf32, #tpu.memory_space<vmem>>, vector<1x16xf32>,
        %get3A_794 = vector.shape_cast %get3A_793 : vector<1x16xf32> to vector<16xf32>
        %mul3A_795 = arith.constant 11.3137083 : f32
        %mul3A_796 = vector.broadcast %mul3A_795 : f32 to vector<16xf32>
        %mul3A_797 = arith.mulf %get3A_794, %mul3A_796 : vector<16xf32>
        %mul3A_798 = arith.constant 4 : i32
        %mul3A_799 = arith.muli %scan3A_295, %mul3A_798 : i32
        %add3A_800 = arith.constant 2 : i32
        %add3A_801 = arith.addi %mul3A_799, %add3A_800 : i32
        %get3A_802 = arith.index_cast %add3A_801 : i32 to index
        %get3A_803 = arith.constant 16 : index
        %get3A_804 = tpu.vector_load %arg7[%get3A_802, %get3A_803] {strides = array<i32>} : memref<200x128xf32, #tpu.memory_space<vmem>>, vector<1x16xf32>,
        %get3A_805 = vector.shape_cast %get3A_804 : vector<1x16xf32> to vector<16xf32>
        %add3A_806 = arith.addf %mul3A_797, %get3A_805 : vector<16xf32>
        %mul3A_807 = arith.constant 4 : i32
        %mul3A_808 = arith.muli %scan3A_295, %mul3A_807 : i32
        %add3A_809 = arith.constant 2 : i32
        %add3A_810 = arith.addi %mul3A_808, %add3A_809 : i32
        %swap3A_811 = arith.index_cast %add3A_810 : i32 to index
        %swap3A_812 = arith.constant 16 : index
        %swap3A_813 = tpu.vector_load %arg9[%swap3A_811, %swap3A_812] {strides = array<i32>} : memref<200x128xf32, #tpu.memory_space<vmem>>, vector<1x16xf32>,
        %swap3A_814 = vector.shape_cast %swap3A_813 : vector<1x16xf32> to vector<16xf32>
        %swap3A_815 = vector.shape_cast %add3A_806 : vector<16xf32> to vector<1x16xf32>
        tpu.vector_store %arg9[%swap3A_811, %swap3A_812], %swap3A_815 {strides = array<i32>} : memref<200x128xf32, #tpu.memory_space<vmem>>, vector<1x16xf32>,
        %mul3A_816 = arith.constant 4 : i32
        %mul3A_817 = arith.muli %scan3A_295, %mul3A_816 : i32
        %add3A_818 = arith.constant 2 : i32
        %add3A_819 = arith.addi %mul3A_817, %add3A_818 : i32
        %get3A_820 = arith.index_cast %add3A_819 : i32 to index
        %get3A_821 = arith.constant 32 : index
        %get3A_822 = tpu.vector_load %arg9[%get3A_820, %get3A_821] {strides = array<i32>} : memref<200x128xf32, #tpu.memory_space<vmem>>, vector<1x16xf32>,
        %get3A_823 = vector.shape_cast %get3A_822 : vector<1x16xf32> to vector<16xf32>
        %mul3A_824 = arith.constant 11.3137083 : f32
        %mul3A_825 = vector.broadcast %mul3A_824 : f32 to vector<16xf32>
        %mul3A_826 = arith.mulf %get3A_823, %mul3A_825 : vector<16xf32>
        %mul3A_827 = arith.constant 4 : i32
        %mul3A_828 = arith.muli %scan3A_295, %mul3A_827 : i32
        %add3A_829 = arith.constant 2 : i32
        %add3A_830 = arith.addi %mul3A_828, %add3A_829 : i32
        %get3A_831 = arith.index_cast %add3A_830 : i32 to index
        %get3A_832 = arith.constant 32 : index
        %get3A_833 = tpu.vector_load %arg7[%get3A_831, %get3A_832] {strides = array<i32>} : memref<200x128xf32, #tpu.memory_space<vmem>>, vector<1x16xf32>,
        %get3A_834 = vector.shape_cast %get3A_833 : vector<1x16xf32> to vector<16xf32>
        %add3A_835 = arith.addf %mul3A_826, %get3A_834 : vector<16xf32>
        %mul3A_836 = arith.constant 4 : i32
        %mul3A_837 = arith.muli %scan3A_295, %mul3A_836 : i32
        %add3A_838 = arith.constant 2 : i32
        %add3A_839 = arith.addi %mul3A_837, %add3A_838 : i32
        %swap3A_840 = arith.index_cast %add3A_839 : i32 to index
        %swap3A_841 = arith.constant 32 : index
        %swap3A_842 = tpu.vector_load %arg9[%swap3A_840, %swap3A_841] {strides = array<i32>} : memref<200x128xf32, #tpu.memory_space<vmem>>, vector<1x16xf32>,
        %swap3A_843 = vector.shape_cast %swap3A_842 : vector<1x16xf32> to vector<16xf32>
        %swap3A_844 = vector.shape_cast %add3A_835 : vector<16xf32> to vector<1x16xf32>
        tpu.vector_store %arg9[%swap3A_840, %swap3A_841], %swap3A_844 {strides = array<i32>} : memref<200x128xf32, #tpu.memory_space<vmem>>, vector<1x16xf32>,
        %mul3A_845 = arith.constant 4 : i32
        %mul3A_846 = arith.muli %scan3A_295, %mul3A_845 : i32
        %add3A_847 = arith.constant 2 : i32
        %add3A_848 = arith.addi %mul3A_846, %add3A_847 : i32
        %get3A_849 = arith.index_cast %add3A_848 : i32 to index
        %get3A_850 = arith.constant 48 : index
        %get3A_851 = tpu.vector_load %arg9[%get3A_849, %get3A_850] {strides = array<i32>} : memref<200x128xf32, #tpu.memory_space<vmem>>, vector<1x16xf32>,
        %get3A_852 = vector.shape_cast %get3A_851 : vector<1x16xf32> to vector<16xf32>
        %mul3A_853 = arith.constant 11.3137083 : f32
        %mul3A_854 = vector.broadcast %mul3A_853 : f32 to vector<16xf32>
        %mul3A_855 = arith.mulf %get3A_852, %mul3A_854 : vector<16xf32>
        %mul3A_856 = arith.constant 4 : i32
        %mul3A_857 = arith.muli %scan3A_295, %mul3A_856 : i32
        %add3A_858 = arith.constant 2 : i32
        %add3A_859 = arith.addi %mul3A_857, %add3A_858 : i32
        %get3A_860 = arith.index_cast %add3A_859 : i32 to index
        %get3A_861 = arith.constant 48 : index
        %get3A_862 = tpu.vector_load %arg7[%get3A_860, %get3A_861] {strides = array<i32>} : memref<200x128xf32, #tpu.memory_space<vmem>>, vector<1x16xf32>,
        %get3A_863 = vector.shape_cast %get3A_862 : vector<1x16xf32> to vector<16xf32>
        %add3A_864 = arith.addf %mul3A_855, %get3A_863 : vector<16xf32>
        %mul3A_865 = arith.constant 4 : i32
        %mul3A_866 = arith.muli %scan3A_295, %mul3A_865 : i32
        %add3A_867 = arith.constant 2 : i32
        %add3A_868 = arith.addi %mul3A_866, %add3A_867 : i32
        %swap3A_869 = arith.index_cast %add3A_868 : i32 to index
        %swap3A_870 = arith.constant 48 : index
        %swap3A_871 = tpu.vector_load %arg9[%swap3A_869, %swap3A_870] {strides = array<i32>} : memref<200x128xf32, #tpu.memory_space<vmem>>, vector<1x16xf32>,
        %swap3A_872 = vector.shape_cast %swap3A_871 : vector<1x16xf32> to vector<16xf32>
        %swap3A_873 = vector.shape_cast %add3A_864 : vector<16xf32> to vector<1x16xf32>
        tpu.vector_store %arg9[%swap3A_869, %swap3A_870], %swap3A_873 {strides = array<i32>} : memref<200x128xf32, #tpu.memory_space<vmem>>, vector<1x16xf32>,
        %mul3A_874 = arith.constant 4 : i32
        %mul3A_875 = arith.muli %scan3A_295, %mul3A_874 : i32
        %add3A_876 = arith.constant 2 : i32
        %add3A_877 = arith.addi %mul3A_875, %add3A_876 : i32
        %get3A_878 = arith.index_cast %add3A_877 : i32 to index
        %get3A_879 = arith.constant 64 : index
        %get3A_880 = tpu.vector_load %arg9[%get3A_878, %get3A_879] {strides = array<i32>} : memref<200x128xf32, #tpu.memory_space<vmem>>, vector<1x16xf32>,
        %get3A_881 = vector.shape_cast %get3A_880 : vector<1x16xf32> to vector<16xf32>
        %mul3A_882 = arith.constant 11.3137083 : f32
        %mul3A_883 = vector.broadcast %mul3A_882 : f32 to vector<16xf32>
        %mul3A_884 = arith.mulf %get3A_881, %mul3A_883 : vector<16xf32>
        %mul3A_885 = arith.constant 4 : i32
        %mul3A_886 = arith.muli %scan3A_295, %mul3A_885 : i32
        %add3A_887 = arith.constant 2 : i32
        %add3A_888 = arith.addi %mul3A_886, %add3A_887 : i32
        %get3A_889 = arith.index_cast %add3A_888 : i32 to index
        %get3A_890 = arith.constant 64 : index
        %get3A_891 = tpu.vector_load %arg7[%get3A_889, %get3A_890] {strides = array<i32>} : memref<200x128xf32, #tpu.memory_space<vmem>>, vector<1x16xf32>,
        %get3A_892 = vector.shape_cast %get3A_891 : vector<1x16xf32> to vector<16xf32>
        %add3A_893 = arith.addf %mul3A_884, %get3A_892 : vector<16xf32>
        %mul3A_894 = arith.constant 4 : i32
        %mul3A_895 = arith.muli %scan3A_295, %mul3A_894 : i32
        %add3A_896 = arith.constant 2 : i32
        %add3A_897 = arith.addi %mul3A_895, %add3A_896 : i32
        %swap3A_898 = arith.index_cast %add3A_897 : i32 to index
        %swap3A_899 = arith.constant 64 : index
        %swap3A_900 = tpu.vector_load %arg9[%swap3A_898, %swap3A_899] {strides = array<i32>} : memref<200x128xf32, #tpu.memory_space<vmem>>, vector<1x16xf32>,
        %swap3A_901 = vector.shape_cast %swap3A_900 : vector<1x16xf32> to vector<16xf32>
        %swap3A_902 = vector.shape_cast %add3A_893 : vector<16xf32> to vector<1x16xf32>
        tpu.vector_store %arg9[%swap3A_898, %swap3A_899], %swap3A_902 {strides = array<i32>} : memref<200x128xf32, #tpu.memory_space<vmem>>, vector<1x16xf32>,
        %mul3A_903 = arith.constant 4 : i32
        %mul3A_904 = arith.muli %scan3A_295, %mul3A_903 : i32
        %add3A_905 = arith.constant 2 : i32
        %add3A_906 = arith.addi %mul3A_904, %add3A_905 : i32
        %get3A_907 = arith.index_cast %add3A_906 : i32 to index
        %get3A_908 = arith.constant 80 : index
        %get3A_909 = tpu.vector_load %arg9[%get3A_907, %get3A_908] {strides = array<i32>} : memref<200x128xf32, #tpu.memory_space<vmem>>, vector<1x16xf32>,
        %get3A_910 = vector.shape_cast %get3A_909 : vector<1x16xf32> to vector<16xf32>
        %mul3A_911 = arith.constant 11.3137083 : f32
        %mul3A_912 = vector.broadcast %mul3A_911 : f32 to vector<16xf32>
        %mul3A_913 = arith.mulf %get3A_910, %mul3A_912 : vector<16xf32>
        %mul3A_914 = arith.constant 4 : i32
        %mul3A_915 = arith.muli %scan3A_295, %mul3A_914 : i32
        %add3A_916 = arith.constant 2 : i32
        %add3A_917 = arith.addi %mul3A_915, %add3A_916 : i32
        %get3A_918 = arith.index_cast %add3A_917 : i32 to index
        %get3A_919 = arith.constant 80 : index
        %get3A_920 = tpu.vector_load %arg7[%get3A_918, %get3A_919] {strides = array<i32>} : memref<200x128xf32, #tpu.memory_space<vmem>>, vector<1x16xf32>,
        %get3A_921 = vector.shape_cast %get3A_920 : vector<1x16xf32> to vector<16xf32>
        %add3A_922 = arith.addf %mul3A_913, %get3A_921 : vector<16xf32>
        %mul3A_923 = arith.constant 4 : i32
        %mul3A_924 = arith.muli %scan3A_295, %mul3A_923 : i32
        %add3A_925 = arith.constant 2 : i32
        %add3A_926 = arith.addi %mul3A_924, %add3A_925 : i32
        %swap3A_927 = arith.index_cast %add3A_926 : i32 to index
        %swap3A_928 = arith.constant 80 : index
        %swap3A_929 = tpu.vector_load %arg9[%swap3A_927, %swap3A_928] {strides = array<i32>} : memref<200x128xf32, #tpu.memory_space<vmem>>, vector<1x16xf32>,
        %swap3A_930 = vector.shape_cast %swap3A_929 : vector<1x16xf32> to vector<16xf32>
        %swap3A_931 = vector.shape_cast %add3A_922 : vector<16xf32> to vector<1x16xf32>
        tpu.vector_store %arg9[%swap3A_927, %swap3A_928], %swap3A_931 {strides = array<i32>} : memref<200x128xf32, #tpu.memory_space<vmem>>, vector<1x16xf32>,
        %mul3A_932 = arith.constant 4 : i32
        %mul3A_933 = arith.muli %scan3A_295, %mul3A_932 : i32
        %add3A_934 = arith.constant 2 : i32
        %add3A_935 = arith.addi %mul3A_933, %add3A_934 : i32
        %get3A_936 = arith.index_cast %add3A_935 : i32 to index
        %get3A_937 = arith.constant 96 : index
        %get3A_938 = tpu.vector_load %arg9[%get3A_936, %get3A_937] {strides = array<i32>} : memref<200x128xf32, #tpu.memory_space<vmem>>, vector<1x16xf32>,
        %get3A_939 = vector.shape_cast %get3A_938 : vector<1x16xf32> to vector<16xf32>
        %mul3A_940 = arith.constant 11.3137083 : f32
        %mul3A_941 = vector.broadcast %mul3A_940 : f32 to vector<16xf32>
        %mul3A_942 = arith.mulf %get3A_939, %mul3A_941 : vector<16xf32>
        %mul3A_943 = arith.constant 4 : i32
        %mul3A_944 = arith.muli %scan3A_295, %mul3A_943 : i32
        %add3A_945 = arith.constant 2 : i32
        %add3A_946 = arith.addi %mul3A_944, %add3A_945 : i32
        %get3A_947 = arith.index_cast %add3A_946 : i32 to index
        %get3A_948 = arith.constant 96 : index
        %get3A_949 = tpu.vector_load %arg7[%get3A_947, %get3A_948] {strides = array<i32>} : memref<200x128xf32, #tpu.memory_space<vmem>>, vector<1x16xf32>,
        %get3A_950 = vector.shape_cast %get3A_949 : vector<1x16xf32> to vector<16xf32>
        %add3A_951 = arith.addf %mul3A_942, %get3A_950 : vector<16xf32>
        %mul3A_952 = arith.constant 4 : i32
        %mul3A_953 = arith.muli %scan3A_295, %mul3A_952 : i32
        %add3A_954 = arith.constant 2 : i32
        %add3A_955 = arith.addi %mul3A_953, %add3A_954 : i32
        %swap3A_956 = arith.index_cast %add3A_955 : i32 to index
        %swap3A_957 = arith.constant 96 : index
        %swap3A_958 = tpu.vector_load %arg9[%swap3A_956, %swap3A_957] {strides = array<i32>} : memref<200x128xf32, #tpu.memory_space<vmem>>, vector<1x16xf32>,
        %swap3A_959 = vector.shape_cast %swap3A_958 : vector<1x16xf32> to vector<16xf32>
        %swap3A_960 = vector.shape_cast %add3A_951 : vector<16xf32> to vector<1x16xf32>
        tpu.vector_store %arg9[%swap3A_956, %swap3A_957], %swap3A_960 {strides = array<i32>} : memref<200x128xf32, #tpu.memory_space<vmem>>, vector<1x16xf32>,
        %mul3A_961 = arith.constant 4 : i32
        %mul3A_962 = arith.muli %scan3A_295, %mul3A_961 : i32
        %add3A_963 = arith.constant 2 : i32
        %add3A_964 = arith.addi %mul3A_962, %add3A_963 : i32
        %get3A_965 = arith.index_cast %add3A_964 : i32 to index
        %get3A_966 = arith.constant 112 : index
        %get3A_967 = tpu.vector_load %arg9[%get3A_965, %get3A_966] {strides = array<i32>} : memref<200x128xf32, #tpu.memory_space<vmem>>, vector<1x16xf32>,
        %get3A_968 = vector.shape_cast %get3A_967 : vector<1x16xf32> to vector<16xf32>
        %mul3A_969 = arith.constant 11.3137083 : f32
        %mul3A_970 = vector.broadcast %mul3A_969 : f32 to vector<16xf32>
        %mul3A_971 = arith.mulf %get3A_968, %mul3A_970 : vector<16xf32>
        %mul3A_972 = arith.constant 4 : i32
        %mul3A_973 = arith.muli %scan3A_295, %mul3A_972 : i32
        %add3A_974 = arith.constant 2 : i32
        %add3A_975 = arith.addi %mul3A_973, %add3A_974 : i32
        %get3A_976 = arith.index_cast %add3A_975 : i32 to index
        %get3A_977 = arith.constant 112 : index
        %get3A_978 = tpu.vector_load %arg7[%get3A_976, %get3A_977] {strides = array<i32>} : memref<200x128xf32, #tpu.memory_space<vmem>>, vector<1x16xf32>,
        %get3A_979 = vector.shape_cast %get3A_978 : vector<1x16xf32> to vector<16xf32>
        %add3A_980 = arith.addf %mul3A_971, %get3A_979 : vector<16xf32>
        %mul3A_981 = arith.constant 4 : i32
        %mul3A_982 = arith.muli %scan3A_295, %mul3A_981 : i32
        %add3A_983 = arith.constant 2 : i32
        %add3A_984 = arith.addi %mul3A_982, %add3A_983 : i32
        %swap3A_985 = arith.index_cast %add3A_984 : i32 to index
        %swap3A_986 = arith.constant 112 : index
        %swap3A_987 = tpu.vector_load %arg9[%swap3A_985, %swap3A_986] {strides = array<i32>} : memref<200x128xf32, #tpu.memory_space<vmem>>, vector<1x16xf32>,
        %swap3A_988 = vector.shape_cast %swap3A_987 : vector<1x16xf32> to vector<16xf32>
        %swap3A_989 = vector.shape_cast %add3A_980 : vector<16xf32> to vector<1x16xf32>
        tpu.vector_store %arg9[%swap3A_985, %swap3A_986], %swap3A_989 {strides = array<i32>} : memref<200x128xf32, #tpu.memory_space<vmem>>, vector<1x16xf32>,
        %mul3A_990 = arith.constant 4 : i32
        %mul3A_991 = arith.muli %scan3A_295, %mul3A_990 : i32
        %add3A_992 = arith.constant 3 : i32
        %add3A_993 = arith.addi %mul3A_991, %add3A_992 : i32
        %get3A_994 = arith.index_cast %add3A_993 : i32 to index
        %get3A_995 = arith.constant 0 : index
        %get3A_996 = tpu.vector_load %arg9[%get3A_994, %get3A_995] {strides = array<i32>} : memref<200x128xf32, #tpu.memory_space<vmem>>, vector<1x16xf32>,
        %get3A_997 = vector.shape_cast %get3A_996 : vector<1x16xf32> to vector<16xf32>
        %mul3A_998 = arith.constant 11.3137083 : f32
        %mul3A_999 = vector.broadcast %mul3A_998 : f32 to vector<16xf32>
        %mul3A_1000 = arith.mulf %get3A_997, %mul3A_999 : vector<16xf32>
        %mul3A_1001 = arith.constant 4 : i32
        %mul3A_1002 = arith.muli %scan3A_295, %mul3A_1001 : i32
        %add3A_1003 = arith.constant 3 : i32
        %add3A_1004 = arith.addi %mul3A_1002, %add3A_1003 : i32
        %get3A_1005 = arith.index_cast %add3A_1004 : i32 to index
        %get3A_1006 = arith.constant 0 : index
        %get3A_1007 = tpu.vector_load %arg7[%get3A_1005, %get3A_1006] {strides = array<i32>} : memref<200x128xf32, #tpu.memory_space<vmem>>, vector<1x16xf32>,
        %get3A_1008 = vector.shape_cast %get3A_1007 : vector<1x16xf32> to vector<16xf32>
        %add3A_1009 = arith.addf %mul3A_1000, %get3A_1008 : vector<16xf32>
        %mul3A_1010 = arith.constant 4 : i32
        %mul3A_1011 = arith.muli %scan3A_295, %mul3A_1010 : i32
        %add3A_1012 = arith.constant 3 : i32
        %add3A_1013 = arith.addi %mul3A_1011, %add3A_1012 : i32
        %swap3A_1014 = arith.index_cast %add3A_1013 : i32 to index
        %swap3A_1015 = arith.constant 0 : index
        %swap3A_1016 = tpu.vector_load %arg9[%swap3A_1014, %swap3A_1015] {strides = array<i32>} : memref<200x128xf32, #tpu.memory_space<vmem>>, vector<1x16xf32>,
        %swap3A_1017 = vector.shape_cast %swap3A_1016 : vector<1x16xf32> to vector<16xf32>
        %swap3A_1018 = vector.shape_cast %add3A_1009 : vector<16xf32> to vector<1x16xf32>
        tpu.vector_store %arg9[%swap3A_1014, %swap3A_1015], %swap3A_1018 {strides = array<i32>} : memref<200x128xf32, #tpu.memory_space<vmem>>, vector<1x16xf32>,
        %mul3A_1019 = arith.constant 4 : i32
        %mul3A_1020 = arith.muli %scan3A_295, %mul3A_1019 : i32
        %add3A_1021 = arith.constant 3 : i32
        %add3A_1022 = arith.addi %mul3A_1020, %add3A_1021 : i32
        %get3A_1023 = arith.index_cast %add3A_1022 : i32 to index
        %get3A_1024 = arith.constant 16 : index
        %get3A_1025 = tpu.vector_load %arg9[%get3A_1023, %get3A_1024] {strides = array<i32>} : memref<200x128xf32, #tpu.memory_space<vmem>>, vector<1x16xf32>,
        %get3A_1026 = vector.shape_cast %get3A_1025 : vector<1x16xf32> to vector<16xf32>
        %mul3A_1027 = arith.constant 11.3137083 : f32
        %mul3A_1028 = vector.broadcast %mul3A_1027 : f32 to vector<16xf32>
        %mul3A_1029 = arith.mulf %get3A_1026, %mul3A_1028 : vector<16xf32>
        %mul3A_1030 = arith.constant 4 : i32
        %mul3A_1031 = arith.muli %scan3A_295, %mul3A_1030 : i32
        %add3A_1032 = arith.constant 3 : i32
        %add3A_1033 = arith.addi %mul3A_1031, %add3A_1032 : i32
        %get3A_1034 = arith.index_cast %add3A_1033 : i32 to index
        %get3A_1035 = arith.constant 16 : index
        %get3A_1036 = tpu.vector_load %arg7[%get3A_1034, %get3A_1035] {strides = array<i32>} : memref<200x128xf32, #tpu.memory_space<vmem>>, vector<1x16xf32>,
        %get3A_1037 = vector.shape_cast %get3A_1036 : vector<1x16xf32> to vector<16xf32>
        %add3A_1038 = arith.addf %mul3A_1029, %get3A_1037 : vector<16xf32>
        %mul3A_1039 = arith.constant 4 : i32
        %mul3A_1040 = arith.muli %scan3A_295, %mul3A_1039 : i32
        %add3A_1041 = arith.constant 3 : i32
        %add3A_1042 = arith.addi %mul3A_1040, %add3A_1041 : i32
        %swap3A_1043 = arith.index_cast %add3A_1042 : i32 to index
        %swap3A_1044 = arith.constant 16 : index
        %swap3A_1045 = tpu.vector_load %arg9[%swap3A_1043, %swap3A_1044] {strides = array<i32>} : memref<200x128xf32, #tpu.memory_space<vmem>>, vector<1x16xf32>,
        %swap3A_1046 = vector.shape_cast %swap3A_1045 : vector<1x16xf32> to vector<16xf32>
        %swap3A_1047 = vector.shape_cast %add3A_1038 : vector<16xf32> to vector<1x16xf32>
        tpu.vector_store %arg9[%swap3A_1043, %swap3A_1044], %swap3A_1047 {strides = array<i32>} : memref<200x128xf32, #tpu.memory_space<vmem>>, vector<1x16xf32>,
        %mul3A_1048 = arith.constant 4 : i32
        %mul3A_1049 = arith.muli %scan3A_295, %mul3A_1048 : i32
        %add3A_1050 = arith.constant 3 : i32
        %add3A_1051 = arith.addi %mul3A_1049, %add3A_1050 : i32
        %get3A_1052 = arith.index_cast %add3A_1051 : i32 to index
        %get3A_1053 = arith.constant 32 : index
        %get3A_1054 = tpu.vector_load %arg9[%get3A_1052, %get3A_1053] {strides = array<i32>} : memref<200x128xf32, #tpu.memory_space<vmem>>, vector<1x16xf32>,
        %get3A_1055 = vector.shape_cast %get3A_1054 : vector<1x16xf32> to vector<16xf32>
        %mul3A_1056 = arith.constant 11.3137083 : f32
        %mul3A_1057 = vector.broadcast %mul3A_1056 : f32 to vector<16xf32>
        %mul3A_1058 = arith.mulf %get3A_1055, %mul3A_1057 : vector<16xf32>
        %mul3A_1059 = arith.constant 4 : i32
        %mul3A_1060 = arith.muli %scan3A_295, %mul3A_1059 : i32
        %add3A_1061 = arith.constant 3 : i32
        %add3A_1062 = arith.addi %mul3A_1060, %add3A_1061 : i32
        %get3A_1063 = arith.index_cast %add3A_1062 : i32 to index
        %get3A_1064 = arith.constant 32 : index
        %get3A_1065 = tpu.vector_load %arg7[%get3A_1063, %get3A_1064] {strides = array<i32>} : memref<200x128xf32, #tpu.memory_space<vmem>>, vector<1x16xf32>,
        %get3A_1066 = vector.shape_cast %get3A_1065 : vector<1x16xf32> to vector<16xf32>
        %add3A_1067 = arith.addf %mul3A_1058, %get3A_1066 : vector<16xf32>
        %mul3A_1068 = arith.constant 4 : i32
        %mul3A_1069 = arith.muli %scan3A_295, %mul3A_1068 : i32
        %add3A_1070 = arith.constant 3 : i32
        %add3A_1071 = arith.addi %mul3A_1069, %add3A_1070 : i32
        %swap3A_1072 = arith.index_cast %add3A_1071 : i32 to index
        %swap3A_1073 = arith.constant 32 : index
        %swap3A_1074 = tpu.vector_load %arg9[%swap3A_1072, %swap3A_1073] {strides = array<i32>} : memref<200x128xf32, #tpu.memory_space<vmem>>, vector<1x16xf32>,
        %swap3A_1075 = vector.shape_cast %swap3A_1074 : vector<1x16xf32> to vector<16xf32>
        %swap3A_1076 = vector.shape_cast %add3A_1067 : vector<16xf32> to vector<1x16xf32>
        tpu.vector_store %arg9[%swap3A_1072, %swap3A_1073], %swap3A_1076 {strides = array<i32>} : memref<200x128xf32, #tpu.memory_space<vmem>>, vector<1x16xf32>,
        %mul3A_1077 = arith.constant 4 : i32
        %mul3A_1078 = arith.muli %scan3A_295, %mul3A_1077 : i32
        %add3A_1079 = arith.constant 3 : i32
        %add3A_1080 = arith.addi %mul3A_1078, %add3A_1079 : i32
        %get3A_1081 = arith.index_cast %add3A_1080 : i32 to index
        %get3A_1082 = arith.constant 48 : index
        %get3A_1083 = tpu.vector_load %arg9[%get3A_1081, %get3A_1082] {strides = array<i32>} : memref<200x128xf32, #tpu.memory_space<vmem>>, vector<1x16xf32>,
        %get3A_1084 = vector.shape_cast %get3A_1083 : vector<1x16xf32> to vector<16xf32>
        %mul3A_1085 = arith.constant 11.3137083 : f32
        %mul3A_1086 = vector.broadcast %mul3A_1085 : f32 to vector<16xf32>
        %mul3A_1087 = arith.mulf %get3A_1084, %mul3A_1086 : vector<16xf32>
        %mul3A_1088 = arith.constant 4 : i32
        %mul3A_1089 = arith.muli %scan3A_295, %mul3A_1088 : i32
        %add3A_1090 = arith.constant 3 : i32
        %add3A_1091 = arith.addi %mul3A_1089, %add3A_1090 : i32
        %get3A_1092 = arith.index_cast %add3A_1091 : i32 to index
        %get3A_1093 = arith.constant 48 : index
        %get3A_1094 = tpu.vector_load %arg7[%get3A_1092, %get3A_1093] {strides = array<i32>} : memref<200x128xf32, #tpu.memory_space<vmem>>, vector<1x16xf32>,
        %get3A_1095 = vector.shape_cast %get3A_1094 : vector<1x16xf32> to vector<16xf32>
        %add3A_1096 = arith.addf %mul3A_1087, %get3A_1095 : vector<16xf32>
        %mul3A_1097 = arith.constant 4 : i32
        %mul3A_1098 = arith.muli %scan3A_295, %mul3A_1097 : i32
        %add3A_1099 = arith.constant 3 : i32
        %add3A_1100 = arith.addi %mul3A_1098, %add3A_1099 : i32
        %swap3A_1101 = arith.index_cast %add3A_1100 : i32 to index
        %swap3A_1102 = arith.constant 48 : index
        %swap3A_1103 = tpu.vector_load %arg9[%swap3A_1101, %swap3A_1102] {strides = array<i32>} : memref<200x128xf32, #tpu.memory_space<vmem>>, vector<1x16xf32>,
        %swap3A_1104 = vector.shape_cast %swap3A_1103 : vector<1x16xf32> to vector<16xf32>
        %swap3A_1105 = vector.shape_cast %add3A_1096 : vector<16xf32> to vector<1x16xf32>
        tpu.vector_store %arg9[%swap3A_1101, %swap3A_1102], %swap3A_1105 {strides = array<i32>} : memref<200x128xf32, #tpu.memory_space<vmem>>, vector<1x16xf32>,
        %mul3A_1106 = arith.constant 4 : i32
        %mul3A_1107 = arith.muli %scan3A_295, %mul3A_1106 : i32
        %add3A_1108 = arith.constant 3 : i32
        %add3A_1109 = arith.addi %mul3A_1107, %add3A_1108 : i32
        %get3A_1110 = arith.index_cast %add3A_1109 : i32 to index
        %get3A_1111 = arith.constant 64 : index
        %get3A_1112 = tpu.vector_load %arg9[%get3A_1110, %get3A_1111] {strides = array<i32>} : memref<200x128xf32, #tpu.memory_space<vmem>>, vector<1x16xf32>,
        %get3A_1113 = vector.shape_cast %get3A_1112 : vector<1x16xf32> to vector<16xf32>
        %mul3A_1114 = arith.constant 11.3137083 : f32
        %mul3A_1115 = vector.broadcast %mul3A_1114 : f32 to vector<16xf32>
        %mul3A_1116 = arith.mulf %get3A_1113, %mul3A_1115 : vector<16xf32>
        %mul3A_1117 = arith.constant 4 : i32
        %mul3A_1118 = arith.muli %scan3A_295, %mul3A_1117 : i32
        %add3A_1119 = arith.constant 3 : i32
        %add3A_1120 = arith.addi %mul3A_1118, %add3A_1119 : i32
        %get3A_1121 = arith.index_cast %add3A_1120 : i32 to index
        %get3A_1122 = arith.constant 64 : index
        %get3A_1123 = tpu.vector_load %arg7[%get3A_1121, %get3A_1122] {strides = array<i32>} : memref<200x128xf32, #tpu.memory_space<vmem>>, vector<1x16xf32>,
        %get3A_1124 = vector.shape_cast %get3A_1123 : vector<1x16xf32> to vector<16xf32>
        %add3A_1125 = arith.addf %mul3A_1116, %get3A_1124 : vector<16xf32>
        %mul3A_1126 = arith.constant 4 : i32
        %mul3A_1127 = arith.muli %scan3A_295, %mul3A_1126 : i32
        %add3A_1128 = arith.constant 3 : i32
        %add3A_1129 = arith.addi %mul3A_1127, %add3A_1128 : i32
        %swap3A_1130 = arith.index_cast %add3A_1129 : i32 to index
        %swap3A_1131 = arith.constant 64 : index
        %swap3A_1132 = tpu.vector_load %arg9[%swap3A_1130, %swap3A_1131] {strides = array<i32>} : memref<200x128xf32, #tpu.memory_space<vmem>>, vector<1x16xf32>,
        %swap3A_1133 = vector.shape_cast %swap3A_1132 : vector<1x16xf32> to vector<16xf32>
        %swap3A_1134 = vector.shape_cast %add3A_1125 : vector<16xf32> to vector<1x16xf32>
        tpu.vector_store %arg9[%swap3A_1130, %swap3A_1131], %swap3A_1134 {strides = array<i32>} : memref<200x128xf32, #tpu.memory_space<vmem>>, vector<1x16xf32>,
        %mul3A_1135 = arith.constant 4 : i32
        %mul3A_1136 = arith.muli %scan3A_295, %mul3A_1135 : i32
        %add3A_1137 = arith.constant 3 : i32
        %add3A_1138 = arith.addi %mul3A_1136, %add3A_1137 : i32
        %get3A_1139 = arith.index_cast %add3A_1138 : i32 to index
        %get3A_1140 = arith.constant 80 : index
        %get3A_1141 = tpu.vector_load %arg9[%get3A_1139, %get3A_1140] {strides = array<i32>} : memref<200x128xf32, #tpu.memory_space<vmem>>, vector<1x16xf32>,
        %get3A_1142 = vector.shape_cast %get3A_1141 : vector<1x16xf32> to vector<16xf32>
        %mul3A_1143 = arith.constant 11.3137083 : f32
        %mul3A_1144 = vector.broadcast %mul3A_1143 : f32 to vector<16xf32>
        %mul3A_1145 = arith.mulf %get3A_1142, %mul3A_1144 : vector<16xf32>
        %mul3A_1146 = arith.constant 4 : i32
        %mul3A_1147 = arith.muli %scan3A_295, %mul3A_1146 : i32
        %add3A_1148 = arith.constant 3 : i32
        %add3A_1149 = arith.addi %mul3A_1147, %add3A_1148 : i32
        %get3A_1150 = arith.index_cast %add3A_1149 : i32 to index
        %get3A_1151 = arith.constant 80 : index
        %get3A_1152 = tpu.vector_load %arg7[%get3A_1150, %get3A_1151] {strides = array<i32>} : memref<200x128xf32, #tpu.memory_space<vmem>>, vector<1x16xf32>,
        %get3A_1153 = vector.shape_cast %get3A_1152 : vector<1x16xf32> to vector<16xf32>
        %add3A_1154 = arith.addf %mul3A_1145, %get3A_1153 : vector<16xf32>
        %mul3A_1155 = arith.constant 4 : i32
        %mul3A_1156 = arith.muli %scan3A_295, %mul3A_1155 : i32
        %add3A_1157 = arith.constant 3 : i32
        %add3A_1158 = arith.addi %mul3A_1156, %add3A_1157 : i32
        %swap3A_1159 = arith.index_cast %add3A_1158 : i32 to index
        %swap3A_1160 = arith.constant 80 : index
        %swap3A_1161 = tpu.vector_load %arg9[%swap3A_1159, %swap3A_1160] {strides = array<i32>} : memref<200x128xf32, #tpu.memory_space<vmem>>, vector<1x16xf32>,
        %swap3A_1162 = vector.shape_cast %swap3A_1161 : vector<1x16xf32> to vector<16xf32>
        %swap3A_1163 = vector.shape_cast %add3A_1154 : vector<16xf32> to vector<1x16xf32>
        tpu.vector_store %arg9[%swap3A_1159, %swap3A_1160], %swap3A_1163 {strides = array<i32>} : memref<200x128xf32, #tpu.memory_space<vmem>>, vector<1x16xf32>,
        %mul3A_1164 = arith.constant 4 : i32
        %mul3A_1165 = arith.muli %scan3A_295, %mul3A_1164 : i32
        %add3A_1166 = arith.constant 3 : i32
        %add3A_1167 = arith.addi %mul3A_1165, %add3A_1166 : i32
        %get3A_1168 = arith.index_cast %add3A_1167 : i32 to index
        %get3A_1169 = arith.constant 96 : index
        %get3A_1170 = tpu.vector_load %arg9[%get3A_1168, %get3A_1169] {strides = array<i32>} : memref<200x128xf32, #tpu.memory_space<vmem>>, vector<1x16xf32>,
        %get3A_1171 = vector.shape_cast %get3A_1170 : vector<1x16xf32> to vector<16xf32>
        %mul3A_1172 = arith.constant 11.3137083 : f32
        %mul3A_1173 = vector.broadcast %mul3A_1172 : f32 to vector<16xf32>
        %mul3A_1174 = arith.mulf %get3A_1171, %mul3A_1173 : vector<16xf32>
        %mul3A_1175 = arith.constant 4 : i32
        %mul3A_1176 = arith.muli %scan3A_295, %mul3A_1175 : i32
        %add3A_1177 = arith.constant 3 : i32
        %add3A_1178 = arith.addi %mul3A_1176, %add3A_1177 : i32
        %get3A_1179 = arith.index_cast %add3A_1178 : i32 to index
        %get3A_1180 = arith.constant 96 : index
        %get3A_1181 = tpu.vector_load %arg7[%get3A_1179, %get3A_1180] {strides = array<i32>} : memref<200x128xf32, #tpu.memory_space<vmem>>, vector<1x16xf32>,
        %get3A_1182 = vector.shape_cast %get3A_1181 : vector<1x16xf32> to vector<16xf32>
        %add3A_1183 = arith.addf %mul3A_1174, %get3A_1182 : vector<16xf32>
        %mul3A_1184 = arith.constant 4 : i32
        %mul3A_1185 = arith.muli %scan3A_295, %mul3A_1184 : i32
        %add3A_1186 = arith.constant 3 : i32
        %add3A_1187 = arith.addi %mul3A_1185, %add3A_1186 : i32
        %swap3A_1188 = arith.index_cast %add3A_1187 : i32 to index
        %swap3A_1189 = arith.constant 96 : index
        %swap3A_1190 = tpu.vector_load %arg9[%swap3A_1188, %swap3A_1189] {strides = array<i32>} : memref<200x128xf32, #tpu.memory_space<vmem>>, vector<1x16xf32>,
        %swap3A_1191 = vector.shape_cast %swap3A_1190 : vector<1x16xf32> to vector<16xf32>
        %swap3A_1192 = vector.shape_cast %add3A_1183 : vector<16xf32> to vector<1x16xf32>
        tpu.vector_store %arg9[%swap3A_1188, %swap3A_1189], %swap3A_1192 {strides = array<i32>} : memref<200x128xf32, #tpu.memory_space<vmem>>, vector<1x16xf32>,
        %mul3A_1193 = arith.constant 4 : i32
        %mul3A_1194 = arith.muli %scan3A_295, %mul3A_1193 : i32
        %add3A_1195 = arith.constant 3 : i32
        %add3A_1196 = arith.addi %mul3A_1194, %add3A_1195 : i32
        %get3A_1197 = arith.index_cast %add3A_1196 : i32 to index
        %get3A_1198 = arith.constant 112 : index
        %get3A_1199 = tpu.vector_load %arg9[%get3A_1197, %get3A_1198] {strides = array<i32>} : memref<200x128xf32, #tpu.memory_space<vmem>>, vector<1x16xf32>,
        %get3A_1200 = vector.shape_cast %get3A_1199 : vector<1x16xf32> to vector<16xf32>
        %mul3A_1201 = arith.constant 11.3137083 : f32
        %mul3A_1202 = vector.broadcast %mul3A_1201 : f32 to vector<16xf32>
        %mul3A_1203 = arith.mulf %get3A_1200, %mul3A_1202 : vector<16xf32>
        %mul3A_1204 = arith.constant 4 : i32
        %mul3A_1205 = arith.muli %scan3A_295, %mul3A_1204 : i32
        %add3A_1206 = arith.constant 3 : i32
        %add3A_1207 = arith.addi %mul3A_1205, %add3A_1206 : i32
        %get3A_1208 = arith.index_cast %add3A_1207 : i32 to index
        %get3A_1209 = arith.constant 112 : index
        %get3A_1210 = tpu.vector_load %arg7[%get3A_1208, %get3A_1209] {strides = array<i32>} : memref<200x128xf32, #tpu.memory_space<vmem>>, vector<1x16xf32>,
        %get3A_1211 = vector.shape_cast %get3A_1210 : vector<1x16xf32> to vector<16xf32>
        %add3A_1212 = arith.addf %mul3A_1203, %get3A_1211 : vector<16xf32>
        %mul3A_1213 = arith.constant 4 : i32
        %mul3A_1214 = arith.muli %scan3A_295, %mul3A_1213 : i32
        %add3A_1215 = arith.constant 3 : i32
        %add3A_1216 = arith.addi %mul3A_1214, %add3A_1215 : i32
        %swap3A_1217 = arith.index_cast %add3A_1216 : i32 to index
        %swap3A_1218 = arith.constant 112 : index
        %swap3A_1219 = tpu.vector_load %arg9[%swap3A_1217, %swap3A_1218] {strides = array<i32>} : memref<200x128xf32, #tpu.memory_space<vmem>>, vector<1x16xf32>,
        %swap3A_1220 = vector.shape_cast %swap3A_1219 : vector<1x16xf32> to vector<16xf32>
        %swap3A_1221 = vector.shape_cast %add3A_1212 : vector<16xf32> to vector<1x16xf32>
        tpu.vector_store %arg9[%swap3A_1217, %swap3A_1218], %swap3A_1221 {strides = array<i32>} : memref<200x128xf32, #tpu.memory_space<vmem>>, vector<1x16xf32>,
      }
      %scan3A_198 = arith.constant 50 : i32
      %mul3A_199 = arith.constant 200 : i32
      %mul3A_200 = arith.muli %add3A_174, %mul3A_199 : i32
      %add3A_201 = arith.addi %mul3A_2, %mul3A_200 : i32
      %dma_start3A_202 = arith.constant 0 : i32
      %dma_start3A_203 = tpu.memref_slice %arg5[%add3A_201, %dma_start3A_202] : memref<819200x128xf32, #tpu.memory_space<hbm>> -> memref<200x128xf32, #tpu.memory_space<hbm>>
      %dma_start3A_204 = arith.constant 0 : i32
      %dma_start3A_205 = tpu.memref_slice %arg5[%add3A_201, %dma_start3A_204] : memref<819200x128xf32, #tpu.memory_space<hbm>> -> memref<200x128xf32, #tpu.memory_space<hbm>>
      tpu.enqueue_dma source(%arg9 : memref<200x128xf32, #tpu.memory_space<vmem>>) target(%dma_start3A_205 : memref<200x128xf32, #tpu.memory_space<hbm>>) target_semaphore(%arg15 : memref<!tpu.dma_semaphore, #tpu.memory_space<semaphore_mem>>)
      %gt3A_206 = arith.constant 0 : i32
      %gt3A_207 = arith.cmpi sgt, %scan3A_112, %gt3A_206 : i32
      %or3A_208 = arith.constant true
      %or3A_209 = arith.ori %gt3A_207, %or3A_208 : i1
      %convert_element_type3A_210 = arith.extui %or3A_209 : i1 to i32
      %cond3A_211 = arith.constant 0 : i32
      %cond3A_212 = arith.cmpi ne, %convert_element_type3A_210, %cond3A_211 : i32
      scf.if %cond3A_212 {
        %sub3A = arith.constant 1 : i32
        %sub3A_295 = arith.subi %add3A_174, %sub3A : i32
        %mul3A_296 = arith.constant 200 : i32
        %mul3A_297 = arith.muli %sub3A_295, %mul3A_296 : i32
        %add3A_298 = arith.addi %mul3A_2, %mul3A_297 : i32
        %dma_wait3A_299 = arith.constant 0 : i32
        %dma_wait3A_300 = tpu.memref_slice %arg5[%add3A_298, %dma_wait3A_299] : memref<819200x128xf32, #tpu.memory_space<hbm>> -> memref<200x128xf32, #tpu.memory_space<hbm>>
        %dma_wait3A_301 = arith.constant 0 : i32
        %dma_wait3A_302 = tpu.memref_slice %arg5[%add3A_298, %dma_wait3A_301] : memref<819200x128xf32, #tpu.memory_space<hbm>> -> memref<200x128xf32, #tpu.memory_space<hbm>>
        tpu.wait_dma2 semaphore(%arg14 : memref<!tpu.dma_semaphore, #tpu.memory_space<semaphore_mem>>) src(%arg8 : memref<200x128xf32, #tpu.memory_space<vmem>>) dst(%dma_wait3A_302 : memref<200x128xf32, #tpu.memory_space<hbm>>)
      } else {
      }
      %add3A_213 = arith.constant 2 : i32
      %add3A_214 = arith.addi %add3A_174, %add3A_213 : i32
      %mul3A_215 = arith.constant 200 : i32
      %mul3A_216 = arith.muli %add3A_214, %mul3A_215 : i32
      %dma_start3A_217 = arith.constant 0 : i32
      %dma_start3A_218 = arith.constant 0 : i32
      %dma_start3A_219 = tpu.memref_slice %arg8[%dma_start3A_217, %dma_start3A_218] : memref<200x128xf32, #tpu.memory_space<vmem>> -> memref<104x128xf32, #tpu.memory_space<vmem>>
      %dma_start3A_220 = tpu.memref_slice %arg6[%mul3A_216] : memref<25600xi32, #tpu.memory_space<vmem>> -> memref<104xi32, #tpu.memory_space<vmem>>
      %dma_start3A_221 = arith.constant 0 : i32
      %dma_start3A_222 = arith.constant 0 : i32
      %dma_start3A_223 = tpu.memref_slice %arg3[%dma_start3A_221, %dma_start3A_222] : memref<100000x128xf32, #tpu.memory_space<hbm>> -> memref<100000x128xf32, #tpu.memory_space<hbm>>
      tpu.enqueue_indirect_dma source(%dma_start3A_223 : memref<100000x128xf32, #tpu.memory_space<hbm>>) target(%dma_start3A_219 : memref<104x128xf32, #tpu.memory_space<vmem>>) offsets(%dma_start3A_220 : memref<104xi32, #tpu.memory_space<vmem>>) semaphore(%arg11 : memref<!tpu.dma_semaphore, #tpu.memory_space<semaphore_mem>>)
      %add3A_224 = arith.constant 104 : i32
      %add3A_225 = arith.addi %mul3A_216, %add3A_224 : i32
      %dma_start3A_226 = arith.constant 104 : i32
      %dma_start3A_227 = arith.constant 0 : i32
      %dma_start3A_228 = tpu.memref_slice %arg8[%dma_start3A_226, %dma_start3A_227] : memref<200x128xf32, #tpu.memory_space<vmem>> -> memref<96x128xf32, #tpu.memory_space<vmem>>
      %dma_start3A_229 = tpu.memref_slice %arg6[%add3A_225] : memref<25600xi32, #tpu.memory_space<vmem>> -> memref<96xi32, #tpu.memory_space<vmem>>
      %dma_start3A_230 = arith.constant 0 : i32
      %dma_start3A_231 = arith.constant 0 : i32
      %dma_start3A_232 = tpu.memref_slice %arg3[%dma_start3A_230, %dma_start3A_231] : memref<100000x128xf32, #tpu.memory_space<hbm>> -> memref<100000x128xf32, #tpu.memory_space<hbm>>
      tpu.enqueue_indirect_dma source(%dma_start3A_232 : memref<100000x128xf32, #tpu.memory_space<hbm>>) target(%dma_start3A_228 : memref<96x128xf32, #tpu.memory_space<vmem>>) offsets(%dma_start3A_229 : memref<96xi32, #tpu.memory_space<vmem>>) semaphore(%arg11 : memref<!tpu.dma_semaphore, #tpu.memory_space<semaphore_mem>>)
      %mul3A_233 = arith.constant 3 : i32
      %mul3A_234 = arith.muli %scan3A_112, %mul3A_233 : i32
      %add3A_235 = arith.constant 2 : i32
      %add3A_236 = arith.addi %mul3A_234, %add3A_235 : i32
      %mul3A_237 = arith.constant 200 : i32
      %mul3A_238 = arith.muli %add3A_236, %mul3A_237 : i32
      %dma_wait3A_239 = arith.constant 0 : i32
      %dma_wait3A_240 = arith.constant 0 : i32
      %dma_wait3A_241 = tpu.memref_slice %arg10[%dma_wait3A_239, %dma_wait3A_240] : memref<200x128xf32, #tpu.memory_space<vmem>> -> memref<104x128xf32, #tpu.memory_space<vmem>>
      %dma_wait3A_242 = tpu.memref_slice %arg6[%mul3A_238] : memref<25600xi32, #tpu.memory_space<vmem>> -> memref<104xi32, #tpu.memory_space<vmem>>
      %dma_wait3A_243 = arith.constant 0 : i32
      %dma_wait3A_244 = arith.constant 0 : i32
      %dma_wait3A_245 = tpu.memref_slice %arg3[%dma_wait3A_243, %dma_wait3A_244] : memref<100000x128xf32, #tpu.memory_space<hbm>> -> memref<100000x128xf32, #tpu.memory_space<hbm>>
      tpu.wait_indirect_dma semaphore(%arg13 : memref<!tpu.dma_semaphore, #tpu.memory_space<semaphore_mem>>) src(%dma_wait3A_245 : memref<100000x128xf32, #tpu.memory_space<hbm>>) dst(%dma_wait3A_241 : memref<104x128xf32, #tpu.memory_space<vmem>>)
      %add3A_246 = arith.constant 104 : i32
      %add3A_247 = arith.addi %mul3A_238, %add3A_246 : i32
      %dma_wait3A_248 = arith.constant 104 : i32
      %dma_wait3A_249 = arith.constant 0 : i32
      %dma_wait3A_250 = tpu.memref_slice %arg10[%dma_wait3A_248, %dma_wait3A_249] : memref<200x128xf32, #tpu.memory_space<vmem>> -> memref<96x128xf32, #tpu.memory_space<vmem>>
      %dma_wait3A_251 = tpu.memref_slice %arg6[%add3A_247] : memref<25600xi32, #tpu.memory_space<vmem>> -> memref<96xi32, #tpu.memory_space<vmem>>
      %dma_wait3A_252 = arith.constant 0 : i32
      %dma_wait3A_253 = arith.constant 0 : i32
      %dma_wait3A_254 = tpu.memref_slice %arg3[%dma_wait3A_252, %dma_wait3A_253] : memref<100000x128xf32, #tpu.memory_space<hbm>> -> memref<100000x128xf32, #tpu.memory_space<hbm>>
      tpu.wait_indirect_dma semaphore(%arg13 : memref<!tpu.dma_semaphore, #tpu.memory_space<semaphore_mem>>) src(%dma_wait3A_254 : memref<100000x128xf32, #tpu.memory_space<hbm>>) dst(%dma_wait3A_250 : memref<96x128xf32, #tpu.memory_space<vmem>>)
      %scan3A_255 = arith.constant 0 : i32
      %scan3A_256 = arith.constant 0 : i32
      %scan3A_257 = arith.constant 50 : i32
      %scan3A_258 = arith.addi %scan3A_256, %scan3A_257 : i32
      %scan3A_259 = arith.constant 1 : i32
      scf.for %scan3A_295 = %scan3A_256 to %scan3A_258 step %scan3A_259  : i32 {
        %mul3A_296 = arith.constant 4 : i32
        %mul3A_297 = arith.muli %scan3A_295, %mul3A_296 : i32
        %add3A_298 = arith.constant 0 : i32
        %add3A_299 = arith.addi %mul3A_297, %add3A_298 : i32
        %get3A = arith.index_cast %add3A_299 : i32 to index
        %get3A_300 = arith.constant 0 : index
        %get3A_301 = tpu.vector_load %arg10[%get3A, %get3A_300] {strides = array<i32>} : memref<200x128xf32, #tpu.memory_space<vmem>>, vector<1x16xf32>,
        %get3A_302 = vector.shape_cast %get3A_301 : vector<1x16xf32> to vector<16xf32>
        %mul3A_303 = arith.constant 11.3137083 : f32
        %mul3A_304 = vector.broadcast %mul3A_303 : f32 to vector<16xf32>
        %mul3A_305 = arith.mulf %get3A_302, %mul3A_304 : vector<16xf32>
        %mul3A_306 = arith.constant 4 : i32
        %mul3A_307 = arith.muli %scan3A_295, %mul3A_306 : i32
        %add3A_308 = arith.constant 0 : i32
        %add3A_309 = arith.addi %mul3A_307, %add3A_308 : i32
        %get3A_310 = arith.index_cast %add3A_309 : i32 to index
        %get3A_311 = arith.constant 0 : index
        %get3A_312 = tpu.vector_load %arg7[%get3A_310, %get3A_311] {strides = array<i32>} : memref<200x128xf32, #tpu.memory_space<vmem>>, vector<1x16xf32>,
        %get3A_313 = vector.shape_cast %get3A_312 : vector<1x16xf32> to vector<16xf32>
        %add3A_314 = arith.addf %mul3A_305, %get3A_313 : vector<16xf32>
        %mul3A_315 = arith.constant 4 : i32
        %mul3A_316 = arith.muli %scan3A_295, %mul3A_315 : i32
        %add3A_317 = arith.constant 0 : i32
        %add3A_318 = arith.addi %mul3A_316, %add3A_317 : i32
        %swap3A = arith.index_cast %add3A_318 : i32 to index
        %swap3A_319 = arith.constant 0 : index
        %swap3A_320 = tpu.vector_load %arg10[%swap3A, %swap3A_319] {strides = array<i32>} : memref<200x128xf32, #tpu.memory_space<vmem>>, vector<1x16xf32>,
        %swap3A_321 = vector.shape_cast %swap3A_320 : vector<1x16xf32> to vector<16xf32>
        %swap3A_322 = vector.shape_cast %add3A_314 : vector<16xf32> to vector<1x16xf32>
        tpu.vector_store %arg10[%swap3A, %swap3A_319], %swap3A_322 {strides = array<i32>} : memref<200x128xf32, #tpu.memory_space<vmem>>, vector<1x16xf32>,
        %mul3A_323 = arith.constant 4 : i32
        %mul3A_324 = arith.muli %scan3A_295, %mul3A_323 : i32
        %add3A_325 = arith.constant 0 : i32
        %add3A_326 = arith.addi %mul3A_324, %add3A_325 : i32
        %get3A_327 = arith.index_cast %add3A_326 : i32 to index
        %get3A_328 = arith.constant 16 : index
        %get3A_329 = tpu.vector_load %arg10[%get3A_327, %get3A_328] {strides = array<i32>} : memref<200x128xf32, #tpu.memory_space<vmem>>, vector<1x16xf32>,
        %get3A_330 = vector.shape_cast %get3A_329 : vector<1x16xf32> to vector<16xf32>
        %mul3A_331 = arith.constant 11.3137083 : f32
        %mul3A_332 = vector.broadcast %mul3A_331 : f32 to vector<16xf32>
        %mul3A_333 = arith.mulf %get3A_330, %mul3A_332 : vector<16xf32>
        %mul3A_334 = arith.constant 4 : i32
        %mul3A_335 = arith.muli %scan3A_295, %mul3A_334 : i32
        %add3A_336 = arith.constant 0 : i32
        %add3A_337 = arith.addi %mul3A_335, %add3A_336 : i32
        %get3A_338 = arith.index_cast %add3A_337 : i32 to index
        %get3A_339 = arith.constant 16 : index
        %get3A_340 = tpu.vector_load %arg7[%get3A_338, %get3A_339] {strides = array<i32>} : memref<200x128xf32, #tpu.memory_space<vmem>>, vector<1x16xf32>,
        %get3A_341 = vector.shape_cast %get3A_340 : vector<1x16xf32> to vector<16xf32>
        %add3A_342 = arith.addf %mul3A_333, %get3A_341 : vector<16xf32>
        %mul3A_343 = arith.constant 4 : i32
        %mul3A_344 = arith.muli %scan3A_295, %mul3A_343 : i32
        %add3A_345 = arith.constant 0 : i32
        %add3A_346 = arith.addi %mul3A_344, %add3A_345 : i32
        %swap3A_347 = arith.index_cast %add3A_346 : i32 to index
        %swap3A_348 = arith.constant 16 : index
        %swap3A_349 = tpu.vector_load %arg10[%swap3A_347, %swap3A_348] {strides = array<i32>} : memref<200x128xf32, #tpu.memory_space<vmem>>, vector<1x16xf32>,
        %swap3A_350 = vector.shape_cast %swap3A_349 : vector<1x16xf32> to vector<16xf32>
        %swap3A_351 = vector.shape_cast %add3A_342 : vector<16xf32> to vector<1x16xf32>
        tpu.vector_store %arg10[%swap3A_347, %swap3A_348], %swap3A_351 {strides = array<i32>} : memref<200x128xf32, #tpu.memory_space<vmem>>, vector<1x16xf32>,
        %mul3A_352 = arith.constant 4 : i32
        %mul3A_353 = arith.muli %scan3A_295, %mul3A_352 : i32
        %add3A_354 = arith.constant 0 : i32
        %add3A_355 = arith.addi %mul3A_353, %add3A_354 : i32
        %get3A_356 = arith.index_cast %add3A_355 : i32 to index
        %get3A_357 = arith.constant 32 : index
        %get3A_358 = tpu.vector_load %arg10[%get3A_356, %get3A_357] {strides = array<i32>} : memref<200x128xf32, #tpu.memory_space<vmem>>, vector<1x16xf32>,
        %get3A_359 = vector.shape_cast %get3A_358 : vector<1x16xf32> to vector<16xf32>
        %mul3A_360 = arith.constant 11.3137083 : f32
        %mul3A_361 = vector.broadcast %mul3A_360 : f32 to vector<16xf32>
        %mul3A_362 = arith.mulf %get3A_359, %mul3A_361 : vector<16xf32>
        %mul3A_363 = arith.constant 4 : i32
        %mul3A_364 = arith.muli %scan3A_295, %mul3A_363 : i32
        %add3A_365 = arith.constant 0 : i32
        %add3A_366 = arith.addi %mul3A_364, %add3A_365 : i32
        %get3A_367 = arith.index_cast %add3A_366 : i32 to index
        %get3A_368 = arith.constant 32 : index
        %get3A_369 = tpu.vector_load %arg7[%get3A_367, %get3A_368] {strides = array<i32>} : memref<200x128xf32, #tpu.memory_space<vmem>>, vector<1x16xf32>,
        %get3A_370 = vector.shape_cast %get3A_369 : vector<1x16xf32> to vector<16xf32>
        %add3A_371 = arith.addf %mul3A_362, %get3A_370 : vector<16xf32>
        %mul3A_372 = arith.constant 4 : i32
        %mul3A_373 = arith.muli %scan3A_295, %mul3A_372 : i32
        %add3A_374 = arith.constant 0 : i32
        %add3A_375 = arith.addi %mul3A_373, %add3A_374 : i32
        %swap3A_376 = arith.index_cast %add3A_375 : i32 to index
        %swap3A_377 = arith.constant 32 : index
        %swap3A_378 = tpu.vector_load %arg10[%swap3A_376, %swap3A_377] {strides = array<i32>} : memref<200x128xf32, #tpu.memory_space<vmem>>, vector<1x16xf32>,
        %swap3A_379 = vector.shape_cast %swap3A_378 : vector<1x16xf32> to vector<16xf32>
        %swap3A_380 = vector.shape_cast %add3A_371 : vector<16xf32> to vector<1x16xf32>
        tpu.vector_store %arg10[%swap3A_376, %swap3A_377], %swap3A_380 {strides = array<i32>} : memref<200x128xf32, #tpu.memory_space<vmem>>, vector<1x16xf32>,
        %mul3A_381 = arith.constant 4 : i32
        %mul3A_382 = arith.muli %scan3A_295, %mul3A_381 : i32
        %add3A_383 = arith.constant 0 : i32
        %add3A_384 = arith.addi %mul3A_382, %add3A_383 : i32
        %get3A_385 = arith.index_cast %add3A_384 : i32 to index
        %get3A_386 = arith.constant 48 : index
        %get3A_387 = tpu.vector_load %arg10[%get3A_385, %get3A_386] {strides = array<i32>} : memref<200x128xf32, #tpu.memory_space<vmem>>, vector<1x16xf32>,
        %get3A_388 = vector.shape_cast %get3A_387 : vector<1x16xf32> to vector<16xf32>
        %mul3A_389 = arith.constant 11.3137083 : f32
        %mul3A_390 = vector.broadcast %mul3A_389 : f32 to vector<16xf32>
        %mul3A_391 = arith.mulf %get3A_388, %mul3A_390 : vector<16xf32>
        %mul3A_392 = arith.constant 4 : i32
        %mul3A_393 = arith.muli %scan3A_295, %mul3A_392 : i32
        %add3A_394 = arith.constant 0 : i32
        %add3A_395 = arith.addi %mul3A_393, %add3A_394 : i32
        %get3A_396 = arith.index_cast %add3A_395 : i32 to index
        %get3A_397 = arith.constant 48 : index
        %get3A_398 = tpu.vector_load %arg7[%get3A_396, %get3A_397] {strides = array<i32>} : memref<200x128xf32, #tpu.memory_space<vmem>>, vector<1x16xf32>,
        %get3A_399 = vector.shape_cast %get3A_398 : vector<1x16xf32> to vector<16xf32>
        %add3A_400 = arith.addf %mul3A_391, %get3A_399 : vector<16xf32>
        %mul3A_401 = arith.constant 4 : i32
        %mul3A_402 = arith.muli %scan3A_295, %mul3A_401 : i32
        %add3A_403 = arith.constant 0 : i32
        %add3A_404 = arith.addi %mul3A_402, %add3A_403 : i32
        %swap3A_405 = arith.index_cast %add3A_404 : i32 to index
        %swap3A_406 = arith.constant 48 : index
        %swap3A_407 = tpu.vector_load %arg10[%swap3A_405, %swap3A_406] {strides = array<i32>} : memref<200x128xf32, #tpu.memory_space<vmem>>, vector<1x16xf32>,
        %swap3A_408 = vector.shape_cast %swap3A_407 : vector<1x16xf32> to vector<16xf32>
        %swap3A_409 = vector.shape_cast %add3A_400 : vector<16xf32> to vector<1x16xf32>
        tpu.vector_store %arg10[%swap3A_405, %swap3A_406], %swap3A_409 {strides = array<i32>} : memref<200x128xf32, #tpu.memory_space<vmem>>, vector<1x16xf32>,
        %mul3A_410 = arith.constant 4 : i32
        %mul3A_411 = arith.muli %scan3A_295, %mul3A_410 : i32
        %add3A_412 = arith.constant 0 : i32
        %add3A_413 = arith.addi %mul3A_411, %add3A_412 : i32
        %get3A_414 = arith.index_cast %add3A_413 : i32 to index
        %get3A_415 = arith.constant 64 : index
        %get3A_416 = tpu.vector_load %arg10[%get3A_414, %get3A_415] {strides = array<i32>} : memref<200x128xf32, #tpu.memory_space<vmem>>, vector<1x16xf32>,
        %get3A_417 = vector.shape_cast %get3A_416 : vector<1x16xf32> to vector<16xf32>
        %mul3A_418 = arith.constant 11.3137083 : f32
        %mul3A_419 = vector.broadcast %mul3A_418 : f32 to vector<16xf32>
        %mul3A_420 = arith.mulf %get3A_417, %mul3A_419 : vector<16xf32>
        %mul3A_421 = arith.constant 4 : i32
        %mul3A_422 = arith.muli %scan3A_295, %mul3A_421 : i32
        %add3A_423 = arith.constant 0 : i32
        %add3A_424 = arith.addi %mul3A_422, %add3A_423 : i32
        %get3A_425 = arith.index_cast %add3A_424 : i32 to index
        %get3A_426 = arith.constant 64 : index
        %get3A_427 = tpu.vector_load %arg7[%get3A_425, %get3A_426] {strides = array<i32>} : memref<200x128xf32, #tpu.memory_space<vmem>>, vector<1x16xf32>,
        %get3A_428 = vector.shape_cast %get3A_427 : vector<1x16xf32> to vector<16xf32>
        %add3A_429 = arith.addf %mul3A_420, %get3A_428 : vector<16xf32>
        %mul3A_430 = arith.constant 4 : i32
        %mul3A_431 = arith.muli %scan3A_295, %mul3A_430 : i32
        %add3A_432 = arith.constant 0 : i32
        %add3A_433 = arith.addi %mul3A_431, %add3A_432 : i32
        %swap3A_434 = arith.index_cast %add3A_433 : i32 to index
        %swap3A_435 = arith.constant 64 : index
        %swap3A_436 = tpu.vector_load %arg10[%swap3A_434, %swap3A_435] {strides = array<i32>} : memref<200x128xf32, #tpu.memory_space<vmem>>, vector<1x16xf32>,
        %swap3A_437 = vector.shape_cast %swap3A_436 : vector<1x16xf32> to vector<16xf32>
        %swap3A_438 = vector.shape_cast %add3A_429 : vector<16xf32> to vector<1x16xf32>
        tpu.vector_store %arg10[%swap3A_434, %swap3A_435], %swap3A_438 {strides = array<i32>} : memref<200x128xf32, #tpu.memory_space<vmem>>, vector<1x16xf32>,
        %mul3A_439 = arith.constant 4 : i32
        %mul3A_440 = arith.muli %scan3A_295, %mul3A_439 : i32
        %add3A_441 = arith.constant 0 : i32
        %add3A_442 = arith.addi %mul3A_440, %add3A_441 : i32
        %get3A_443 = arith.index_cast %add3A_442 : i32 to index
        %get3A_444 = arith.constant 80 : index
        %get3A_445 = tpu.vector_load %arg10[%get3A_443, %get3A_444] {strides = array<i32>} : memref<200x128xf32, #tpu.memory_space<vmem>>, vector<1x16xf32>,
        %get3A_446 = vector.shape_cast %get3A_445 : vector<1x16xf32> to vector<16xf32>
        %mul3A_447 = arith.constant 11.3137083 : f32
        %mul3A_448 = vector.broadcast %mul3A_447 : f32 to vector<16xf32>
        %mul3A_449 = arith.mulf %get3A_446, %mul3A_448 : vector<16xf32>
        %mul3A_450 = arith.constant 4 : i32
        %mul3A_451 = arith.muli %scan3A_295, %mul3A_450 : i32
        %add3A_452 = arith.constant 0 : i32
        %add3A_453 = arith.addi %mul3A_451, %add3A_452 : i32
        %get3A_454 = arith.index_cast %add3A_453 : i32 to index
        %get3A_455 = arith.constant 80 : index
        %get3A_456 = tpu.vector_load %arg7[%get3A_454, %get3A_455] {strides = array<i32>} : memref<200x128xf32, #tpu.memory_space<vmem>>, vector<1x16xf32>,
        %get3A_457 = vector.shape_cast %get3A_456 : vector<1x16xf32> to vector<16xf32>
        %add3A_458 = arith.addf %mul3A_449, %get3A_457 : vector<16xf32>
        %mul3A_459 = arith.constant 4 : i32
        %mul3A_460 = arith.muli %scan3A_295, %mul3A_459 : i32
        %add3A_461 = arith.constant 0 : i32
        %add3A_462 = arith.addi %mul3A_460, %add3A_461 : i32
        %swap3A_463 = arith.index_cast %add3A_462 : i32 to index
        %swap3A_464 = arith.constant 80 : index
        %swap3A_465 = tpu.vector_load %arg10[%swap3A_463, %swap3A_464] {strides = array<i32>} : memref<200x128xf32, #tpu.memory_space<vmem>>, vector<1x16xf32>,
        %swap3A_466 = vector.shape_cast %swap3A_465 : vector<1x16xf32> to vector<16xf32>
        %swap3A_467 = vector.shape_cast %add3A_458 : vector<16xf32> to vector<1x16xf32>
        tpu.vector_store %arg10[%swap3A_463, %swap3A_464], %swap3A_467 {strides = array<i32>} : memref<200x128xf32, #tpu.memory_space<vmem>>, vector<1x16xf32>,
        %mul3A_468 = arith.constant 4 : i32
        %mul3A_469 = arith.muli %scan3A_295, %mul3A_468 : i32
        %add3A_470 = arith.constant 0 : i32
        %add3A_471 = arith.addi %mul3A_469, %add3A_470 : i32
        %get3A_472 = arith.index_cast %add3A_471 : i32 to index
        %get3A_473 = arith.constant 96 : index
        %get3A_474 = tpu.vector_load %arg10[%get3A_472, %get3A_473] {strides = array<i32>} : memref<200x128xf32, #tpu.memory_space<vmem>>, vector<1x16xf32>,
        %get3A_475 = vector.shape_cast %get3A_474 : vector<1x16xf32> to vector<16xf32>
        %mul3A_476 = arith.constant 11.3137083 : f32
        %mul3A_477 = vector.broadcast %mul3A_476 : f32 to vector<16xf32>
        %mul3A_478 = arith.mulf %get3A_475, %mul3A_477 : vector<16xf32>
        %mul3A_479 = arith.constant 4 : i32
        %mul3A_480 = arith.muli %scan3A_295, %mul3A_479 : i32
        %add3A_481 = arith.constant 0 : i32
        %add3A_482 = arith.addi %mul3A_480, %add3A_481 : i32
        %get3A_483 = arith.index_cast %add3A_482 : i32 to index
        %get3A_484 = arith.constant 96 : index
        %get3A_485 = tpu.vector_load %arg7[%get3A_483, %get3A_484] {strides = array<i32>} : memref<200x128xf32, #tpu.memory_space<vmem>>, vector<1x16xf32>,
        %get3A_486 = vector.shape_cast %get3A_485 : vector<1x16xf32> to vector<16xf32>
        %add3A_487 = arith.addf %mul3A_478, %get3A_486 : vector<16xf32>
        %mul3A_488 = arith.constant 4 : i32
        %mul3A_489 = arith.muli %scan3A_295, %mul3A_488 : i32
        %add3A_490 = arith.constant 0 : i32
        %add3A_491 = arith.addi %mul3A_489, %add3A_490 : i32
        %swap3A_492 = arith.index_cast %add3A_491 : i32 to index
        %swap3A_493 = arith.constant 96 : index
        %swap3A_494 = tpu.vector_load %arg10[%swap3A_492, %swap3A_493] {strides = array<i32>} : memref<200x128xf32, #tpu.memory_space<vmem>>, vector<1x16xf32>,
        %swap3A_495 = vector.shape_cast %swap3A_494 : vector<1x16xf32> to vector<16xf32>
        %swap3A_496 = vector.shape_cast %add3A_487 : vector<16xf32> to vector<1x16xf32>
        tpu.vector_store %arg10[%swap3A_492, %swap3A_493], %swap3A_496 {strides = array<i32>} : memref<200x128xf32, #tpu.memory_space<vmem>>, vector<1x16xf32>,
        %mul3A_497 = arith.constant 4 : i32
        %mul3A_498 = arith.muli %scan3A_295, %mul3A_497 : i32
        %add3A_499 = arith.constant 0 : i32
        %add3A_500 = arith.addi %mul3A_498, %add3A_499 : i32
        %get3A_501 = arith.index_cast %add3A_500 : i32 to index
        %get3A_502 = arith.constant 112 : index
        %get3A_503 = tpu.vector_load %arg10[%get3A_501, %get3A_502] {strides = array<i32>} : memref<200x128xf32, #tpu.memory_space<vmem>>, vector<1x16xf32>,
        %get3A_504 = vector.shape_cast %get3A_503 : vector<1x16xf32> to vector<16xf32>
        %mul3A_505 = arith.constant 11.3137083 : f32
        %mul3A_506 = vector.broadcast %mul3A_505 : f32 to vector<16xf32>
        %mul3A_507 = arith.mulf %get3A_504, %mul3A_506 : vector<16xf32>
        %mul3A_508 = arith.constant 4 : i32
        %mul3A_509 = arith.muli %scan3A_295, %mul3A_508 : i32
        %add3A_510 = arith.constant 0 : i32
        %add3A_511 = arith.addi %mul3A_509, %add3A_510 : i32
        %get3A_512 = arith.index_cast %add3A_511 : i32 to index
        %get3A_513 = arith.constant 112 : index
        %get3A_514 = tpu.vector_load %arg7[%get3A_512, %get3A_513] {strides = array<i32>} : memref<200x128xf32, #tpu.memory_space<vmem>>, vector<1x16xf32>,
        %get3A_515 = vector.shape_cast %get3A_514 : vector<1x16xf32> to vector<16xf32>
        %add3A_516 = arith.addf %mul3A_507, %get3A_515 : vector<16xf32>
        %mul3A_517 = arith.constant 4 : i32
        %mul3A_518 = arith.muli %scan3A_295, %mul3A_517 : i32
        %add3A_519 = arith.constant 0 : i32
        %add3A_520 = arith.addi %mul3A_518, %add3A_519 : i32
        %swap3A_521 = arith.index_cast %add3A_520 : i32 to index
        %swap3A_522 = arith.constant 112 : index
        %swap3A_523 = tpu.vector_load %arg10[%swap3A_521, %swap3A_522] {strides = array<i32>} : memref<200x128xf32, #tpu.memory_space<vmem>>, vector<1x16xf32>,
        %swap3A_524 = vector.shape_cast %swap3A_523 : vector<1x16xf32> to vector<16xf32>
        %swap3A_525 = vector.shape_cast %add3A_516 : vector<16xf32> to vector<1x16xf32>
        tpu.vector_store %arg10[%swap3A_521, %swap3A_522], %swap3A_525 {strides = array<i32>} : memref<200x128xf32, #tpu.memory_space<vmem>>, vector<1x16xf32>,
        %mul3A_526 = arith.constant 4 : i32
        %mul3A_527 = arith.muli %scan3A_295, %mul3A_526 : i32
        %add3A_528 = arith.constant 1 : i32
        %add3A_529 = arith.addi %mul3A_527, %add3A_528 : i32
        %get3A_530 = arith.index_cast %add3A_529 : i32 to index
        %get3A_531 = arith.constant 0 : index
        %get3A_532 = tpu.vector_load %arg10[%get3A_530, %get3A_531] {strides = array<i32>} : memref<200x128xf32, #tpu.memory_space<vmem>>, vector<1x16xf32>,
        %get3A_533 = vector.shape_cast %get3A_532 : vector<1x16xf32> to vector<16xf32>
        %mul3A_534 = arith.constant 11.3137083 : f32
        %mul3A_535 = vector.broadcast %mul3A_534 : f32 to vector<16xf32>
        %mul3A_536 = arith.mulf %get3A_533, %mul3A_535 : vector<16xf32>
        %mul3A_537 = arith.constant 4 : i32
        %mul3A_538 = arith.muli %scan3A_295, %mul3A_537 : i32
        %add3A_539 = arith.constant 1 : i32
        %add3A_540 = arith.addi %mul3A_538, %add3A_539 : i32
        %get3A_541 = arith.index_cast %add3A_540 : i32 to index
        %get3A_542 = arith.constant 0 : index
        %get3A_543 = tpu.vector_load %arg7[%get3A_541, %get3A_542] {strides = array<i32>} : memref<200x128xf32, #tpu.memory_space<vmem>>, vector<1x16xf32>,
        %get3A_544 = vector.shape_cast %get3A_543 : vector<1x16xf32> to vector<16xf32>
        %add3A_545 = arith.addf %mul3A_536, %get3A_544 : vector<16xf32>
        %mul3A_546 = arith.constant 4 : i32
        %mul3A_547 = arith.muli %scan3A_295, %mul3A_546 : i32
        %add3A_548 = arith.constant 1 : i32
        %add3A_549 = arith.addi %mul3A_547, %add3A_548 : i32
        %swap3A_550 = arith.index_cast %add3A_549 : i32 to index
        %swap3A_551 = arith.constant 0 : index
        %swap3A_552 = tpu.vector_load %arg10[%swap3A_550, %swap3A_551] {strides = array<i32>} : memref<200x128xf32, #tpu.memory_space<vmem>>, vector<1x16xf32>,
        %swap3A_553 = vector.shape_cast %swap3A_552 : vector<1x16xf32> to vector<16xf32>
        %swap3A_554 = vector.shape_cast %add3A_545 : vector<16xf32> to vector<1x16xf32>
        tpu.vector_store %arg10[%swap3A_550, %swap3A_551], %swap3A_554 {strides = array<i32>} : memref<200x128xf32, #tpu.memory_space<vmem>>, vector<1x16xf32>,
        %mul3A_555 = arith.constant 4 : i32
        %mul3A_556 = arith.muli %scan3A_295, %mul3A_555 : i32
        %add3A_557 = arith.constant 1 : i32
        %add3A_558 = arith.addi %mul3A_556, %add3A_557 : i32
        %get3A_559 = arith.index_cast %add3A_558 : i32 to index
        %get3A_560 = arith.constant 16 : index
        %get3A_561 = tpu.vector_load %arg10[%get3A_559, %get3A_560] {strides = array<i32>} : memref<200x128xf32, #tpu.memory_space<vmem>>, vector<1x16xf32>,
        %get3A_562 = vector.shape_cast %get3A_561 : vector<1x16xf32> to vector<16xf32>
        %mul3A_563 = arith.constant 11.3137083 : f32
        %mul3A_564 = vector.broadcast %mul3A_563 : f32 to vector<16xf32>
        %mul3A_565 = arith.mulf %get3A_562, %mul3A_564 : vector<16xf32>
        %mul3A_566 = arith.constant 4 : i32
        %mul3A_567 = arith.muli %scan3A_295, %mul3A_566 : i32
        %add3A_568 = arith.constant 1 : i32
        %add3A_569 = arith.addi %mul3A_567, %add3A_568 : i32
        %get3A_570 = arith.index_cast %add3A_569 : i32 to index
        %get3A_571 = arith.constant 16 : index
        %get3A_572 = tpu.vector_load %arg7[%get3A_570, %get3A_571] {strides = array<i32>} : memref<200x128xf32, #tpu.memory_space<vmem>>, vector<1x16xf32>,
        %get3A_573 = vector.shape_cast %get3A_572 : vector<1x16xf32> to vector<16xf32>
        %add3A_574 = arith.addf %mul3A_565, %get3A_573 : vector<16xf32>
        %mul3A_575 = arith.constant 4 : i32
        %mul3A_576 = arith.muli %scan3A_295, %mul3A_575 : i32
        %add3A_577 = arith.constant 1 : i32
        %add3A_578 = arith.addi %mul3A_576, %add3A_577 : i32
        %swap3A_579 = arith.index_cast %add3A_578 : i32 to index
        %swap3A_580 = arith.constant 16 : index
        %swap3A_581 = tpu.vector_load %arg10[%swap3A_579, %swap3A_580] {strides = array<i32>} : memref<200x128xf32, #tpu.memory_space<vmem>>, vector<1x16xf32>,
        %swap3A_582 = vector.shape_cast %swap3A_581 : vector<1x16xf32> to vector<16xf32>
        %swap3A_583 = vector.shape_cast %add3A_574 : vector<16xf32> to vector<1x16xf32>
        tpu.vector_store %arg10[%swap3A_579, %swap3A_580], %swap3A_583 {strides = array<i32>} : memref<200x128xf32, #tpu.memory_space<vmem>>, vector<1x16xf32>,
        %mul3A_584 = arith.constant 4 : i32
        %mul3A_585 = arith.muli %scan3A_295, %mul3A_584 : i32
        %add3A_586 = arith.constant 1 : i32
        %add3A_587 = arith.addi %mul3A_585, %add3A_586 : i32
        %get3A_588 = arith.index_cast %add3A_587 : i32 to index
        %get3A_589 = arith.constant 32 : index
        %get3A_590 = tpu.vector_load %arg10[%get3A_588, %get3A_589] {strides = array<i32>} : memref<200x128xf32, #tpu.memory_space<vmem>>, vector<1x16xf32>,
        %get3A_591 = vector.shape_cast %get3A_590 : vector<1x16xf32> to vector<16xf32>
        %mul3A_592 = arith.constant 11.3137083 : f32
        %mul3A_593 = vector.broadcast %mul3A_592 : f32 to vector<16xf32>
        %mul3A_594 = arith.mulf %get3A_591, %mul3A_593 : vector<16xf32>
        %mul3A_595 = arith.constant 4 : i32
        %mul3A_596 = arith.muli %scan3A_295, %mul3A_595 : i32
        %add3A_597 = arith.constant 1 : i32
        %add3A_598 = arith.addi %mul3A_596, %add3A_597 : i32
        %get3A_599 = arith.index_cast %add3A_598 : i32 to index
        %get3A_600 = arith.constant 32 : index
        %get3A_601 = tpu.vector_load %arg7[%get3A_599, %get3A_600] {strides = array<i32>} : memref<200x128xf32, #tpu.memory_space<vmem>>, vector<1x16xf32>,
        %get3A_602 = vector.shape_cast %get3A_601 : vector<1x16xf32> to vector<16xf32>
        %add3A_603 = arith.addf %mul3A_594, %get3A_602 : vector<16xf32>
        %mul3A_604 = arith.constant 4 : i32
        %mul3A_605 = arith.muli %scan3A_295, %mul3A_604 : i32
        %add3A_606 = arith.constant 1 : i32
        %add3A_607 = arith.addi %mul3A_605, %add3A_606 : i32
        %swap3A_608 = arith.index_cast %add3A_607 : i32 to index
        %swap3A_609 = arith.constant 32 : index
        %swap3A_610 = tpu.vector_load %arg10[%swap3A_608, %swap3A_609] {strides = array<i32>} : memref<200x128xf32, #tpu.memory_space<vmem>>, vector<1x16xf32>,
        %swap3A_611 = vector.shape_cast %swap3A_610 : vector<1x16xf32> to vector<16xf32>
        %swap3A_612 = vector.shape_cast %add3A_603 : vector<16xf32> to vector<1x16xf32>
        tpu.vector_store %arg10[%swap3A_608, %swap3A_609], %swap3A_612 {strides = array<i32>} : memref<200x128xf32, #tpu.memory_space<vmem>>, vector<1x16xf32>,
        %mul3A_613 = arith.constant 4 : i32
        %mul3A_614 = arith.muli %scan3A_295, %mul3A_613 : i32
        %add3A_615 = arith.constant 1 : i32
        %add3A_616 = arith.addi %mul3A_614, %add3A_615 : i32
        %get3A_617 = arith.index_cast %add3A_616 : i32 to index
        %get3A_618 = arith.constant 48 : index
        %get3A_619 = tpu.vector_load %arg10[%get3A_617, %get3A_618] {strides = array<i32>} : memref<200x128xf32, #tpu.memory_space<vmem>>, vector<1x16xf32>,
        %get3A_620 = vector.shape_cast %get3A_619 : vector<1x16xf32> to vector<16xf32>
        %mul3A_621 = arith.constant 11.3137083 : f32
        %mul3A_622 = vector.broadcast %mul3A_621 : f32 to vector<16xf32>
        %mul3A_623 = arith.mulf %get3A_620, %mul3A_622 : vector<16xf32>
        %mul3A_624 = arith.constant 4 : i32
        %mul3A_625 = arith.muli %scan3A_295, %mul3A_624 : i32
        %add3A_626 = arith.constant 1 : i32
        %add3A_627 = arith.addi %mul3A_625, %add3A_626 : i32
        %get3A_628 = arith.index_cast %add3A_627 : i32 to index
        %get3A_629 = arith.constant 48 : index
        %get3A_630 = tpu.vector_load %arg7[%get3A_628, %get3A_629] {strides = array<i32>} : memref<200x128xf32, #tpu.memory_space<vmem>>, vector<1x16xf32>,
        %get3A_631 = vector.shape_cast %get3A_630 : vector<1x16xf32> to vector<16xf32>
        %add3A_632 = arith.addf %mul3A_623, %get3A_631 : vector<16xf32>
        %mul3A_633 = arith.constant 4 : i32
        %mul3A_634 = arith.muli %scan3A_295, %mul3A_633 : i32
        %add3A_635 = arith.constant 1 : i32
        %add3A_636 = arith.addi %mul3A_634, %add3A_635 : i32
        %swap3A_637 = arith.index_cast %add3A_636 : i32 to index
        %swap3A_638 = arith.constant 48 : index
        %swap3A_639 = tpu.vector_load %arg10[%swap3A_637, %swap3A_638] {strides = array<i32>} : memref<200x128xf32, #tpu.memory_space<vmem>>, vector<1x16xf32>,
        %swap3A_640 = vector.shape_cast %swap3A_639 : vector<1x16xf32> to vector<16xf32>
        %swap3A_641 = vector.shape_cast %add3A_632 : vector<16xf32> to vector<1x16xf32>
        tpu.vector_store %arg10[%swap3A_637, %swap3A_638], %swap3A_641 {strides = array<i32>} : memref<200x128xf32, #tpu.memory_space<vmem>>, vector<1x16xf32>,
        %mul3A_642 = arith.constant 4 : i32
        %mul3A_643 = arith.muli %scan3A_295, %mul3A_642 : i32
        %add3A_644 = arith.constant 1 : i32
        %add3A_645 = arith.addi %mul3A_643, %add3A_644 : i32
        %get3A_646 = arith.index_cast %add3A_645 : i32 to index
        %get3A_647 = arith.constant 64 : index
        %get3A_648 = tpu.vector_load %arg10[%get3A_646, %get3A_647] {strides = array<i32>} : memref<200x128xf32, #tpu.memory_space<vmem>>, vector<1x16xf32>,
        %get3A_649 = vector.shape_cast %get3A_648 : vector<1x16xf32> to vector<16xf32>
        %mul3A_650 = arith.constant 11.3137083 : f32
        %mul3A_651 = vector.broadcast %mul3A_650 : f32 to vector<16xf32>
        %mul3A_652 = arith.mulf %get3A_649, %mul3A_651 : vector<16xf32>
        %mul3A_653 = arith.constant 4 : i32
        %mul3A_654 = arith.muli %scan3A_295, %mul3A_653 : i32
        %add3A_655 = arith.constant 1 : i32
        %add3A_656 = arith.addi %mul3A_654, %add3A_655 : i32
        %get3A_657 = arith.index_cast %add3A_656 : i32 to index
        %get3A_658 = arith.constant 64 : index
        %get3A_659 = tpu.vector_load %arg7[%get3A_657, %get3A_658] {strides = array<i32>} : memref<200x128xf32, #tpu.memory_space<vmem>>, vector<1x16xf32>,
        %get3A_660 = vector.shape_cast %get3A_659 : vector<1x16xf32> to vector<16xf32>
        %add3A_661 = arith.addf %mul3A_652, %get3A_660 : vector<16xf32>
        %mul3A_662 = arith.constant 4 : i32
        %mul3A_663 = arith.muli %scan3A_295, %mul3A_662 : i32
        %add3A_664 = arith.constant 1 : i32
        %add3A_665 = arith.addi %mul3A_663, %add3A_664 : i32
        %swap3A_666 = arith.index_cast %add3A_665 : i32 to index
        %swap3A_667 = arith.constant 64 : index
        %swap3A_668 = tpu.vector_load %arg10[%swap3A_666, %swap3A_667] {strides = array<i32>} : memref<200x128xf32, #tpu.memory_space<vmem>>, vector<1x16xf32>,
        %swap3A_669 = vector.shape_cast %swap3A_668 : vector<1x16xf32> to vector<16xf32>
        %swap3A_670 = vector.shape_cast %add3A_661 : vector<16xf32> to vector<1x16xf32>
        tpu.vector_store %arg10[%swap3A_666, %swap3A_667], %swap3A_670 {strides = array<i32>} : memref<200x128xf32, #tpu.memory_space<vmem>>, vector<1x16xf32>,
        %mul3A_671 = arith.constant 4 : i32
        %mul3A_672 = arith.muli %scan3A_295, %mul3A_671 : i32
        %add3A_673 = arith.constant 1 : i32
        %add3A_674 = arith.addi %mul3A_672, %add3A_673 : i32
        %get3A_675 = arith.index_cast %add3A_674 : i32 to index
        %get3A_676 = arith.constant 80 : index
        %get3A_677 = tpu.vector_load %arg10[%get3A_675, %get3A_676] {strides = array<i32>} : memref<200x128xf32, #tpu.memory_space<vmem>>, vector<1x16xf32>,
        %get3A_678 = vector.shape_cast %get3A_677 : vector<1x16xf32> to vector<16xf32>
        %mul3A_679 = arith.constant 11.3137083 : f32
        %mul3A_680 = vector.broadcast %mul3A_679 : f32 to vector<16xf32>
        %mul3A_681 = arith.mulf %get3A_678, %mul3A_680 : vector<16xf32>
        %mul3A_682 = arith.constant 4 : i32
        %mul3A_683 = arith.muli %scan3A_295, %mul3A_682 : i32
        %add3A_684 = arith.constant 1 : i32
        %add3A_685 = arith.addi %mul3A_683, %add3A_684 : i32
        %get3A_686 = arith.index_cast %add3A_685 : i32 to index
        %get3A_687 = arith.constant 80 : index
        %get3A_688 = tpu.vector_load %arg7[%get3A_686, %get3A_687] {strides = array<i32>} : memref<200x128xf32, #tpu.memory_space<vmem>>, vector<1x16xf32>,
        %get3A_689 = vector.shape_cast %get3A_688 : vector<1x16xf32> to vector<16xf32>
        %add3A_690 = arith.addf %mul3A_681, %get3A_689 : vector<16xf32>
        %mul3A_691 = arith.constant 4 : i32
        %mul3A_692 = arith.muli %scan3A_295, %mul3A_691 : i32
        %add3A_693 = arith.constant 1 : i32
        %add3A_694 = arith.addi %mul3A_692, %add3A_693 : i32
        %swap3A_695 = arith.index_cast %add3A_694 : i32 to index
        %swap3A_696 = arith.constant 80 : index
        %swap3A_697 = tpu.vector_load %arg10[%swap3A_695, %swap3A_696] {strides = array<i32>} : memref<200x128xf32, #tpu.memory_space<vmem>>, vector<1x16xf32>,
        %swap3A_698 = vector.shape_cast %swap3A_697 : vector<1x16xf32> to vector<16xf32>
        %swap3A_699 = vector.shape_cast %add3A_690 : vector<16xf32> to vector<1x16xf32>
        tpu.vector_store %arg10[%swap3A_695, %swap3A_696], %swap3A_699 {strides = array<i32>} : memref<200x128xf32, #tpu.memory_space<vmem>>, vector<1x16xf32>,
        %mul3A_700 = arith.constant 4 : i32
        %mul3A_701 = arith.muli %scan3A_295, %mul3A_700 : i32
        %add3A_702 = arith.constant 1 : i32
        %add3A_703 = arith.addi %mul3A_701, %add3A_702 : i32
        %get3A_704 = arith.index_cast %add3A_703 : i32 to index
        %get3A_705 = arith.constant 96 : index
        %get3A_706 = tpu.vector_load %arg10[%get3A_704, %get3A_705] {strides = array<i32>} : memref<200x128xf32, #tpu.memory_space<vmem>>, vector<1x16xf32>,
        %get3A_707 = vector.shape_cast %get3A_706 : vector<1x16xf32> to vector<16xf32>
        %mul3A_708 = arith.constant 11.3137083 : f32
        %mul3A_709 = vector.broadcast %mul3A_708 : f32 to vector<16xf32>
        %mul3A_710 = arith.mulf %get3A_707, %mul3A_709 : vector<16xf32>
        %mul3A_711 = arith.constant 4 : i32
        %mul3A_712 = arith.muli %scan3A_295, %mul3A_711 : i32
        %add3A_713 = arith.constant 1 : i32
        %add3A_714 = arith.addi %mul3A_712, %add3A_713 : i32
        %get3A_715 = arith.index_cast %add3A_714 : i32 to index
        %get3A_716 = arith.constant 96 : index
        %get3A_717 = tpu.vector_load %arg7[%get3A_715, %get3A_716] {strides = array<i32>} : memref<200x128xf32, #tpu.memory_space<vmem>>, vector<1x16xf32>,
        %get3A_718 = vector.shape_cast %get3A_717 : vector<1x16xf32> to vector<16xf32>
        %add3A_719 = arith.addf %mul3A_710, %get3A_718 : vector<16xf32>
        %mul3A_720 = arith.constant 4 : i32
        %mul3A_721 = arith.muli %scan3A_295, %mul3A_720 : i32
        %add3A_722 = arith.constant 1 : i32
        %add3A_723 = arith.addi %mul3A_721, %add3A_722 : i32
        %swap3A_724 = arith.index_cast %add3A_723 : i32 to index
        %swap3A_725 = arith.constant 96 : index
        %swap3A_726 = tpu.vector_load %arg10[%swap3A_724, %swap3A_725] {strides = array<i32>} : memref<200x128xf32, #tpu.memory_space<vmem>>, vector<1x16xf32>,
        %swap3A_727 = vector.shape_cast %swap3A_726 : vector<1x16xf32> to vector<16xf32>
        %swap3A_728 = vector.shape_cast %add3A_719 : vector<16xf32> to vector<1x16xf32>
        tpu.vector_store %arg10[%swap3A_724, %swap3A_725], %swap3A_728 {strides = array<i32>} : memref<200x128xf32, #tpu.memory_space<vmem>>, vector<1x16xf32>,
        %mul3A_729 = arith.constant 4 : i32
        %mul3A_730 = arith.muli %scan3A_295, %mul3A_729 : i32
        %add3A_731 = arith.constant 1 : i32
        %add3A_732 = arith.addi %mul3A_730, %add3A_731 : i32
        %get3A_733 = arith.index_cast %add3A_732 : i32 to index
        %get3A_734 = arith.constant 112 : index
        %get3A_735 = tpu.vector_load %arg10[%get3A_733, %get3A_734] {strides = array<i32>} : memref<200x128xf32, #tpu.memory_space<vmem>>, vector<1x16xf32>,
        %get3A_736 = vector.shape_cast %get3A_735 : vector<1x16xf32> to vector<16xf32>
        %mul3A_737 = arith.constant 11.3137083 : f32
        %mul3A_738 = vector.broadcast %mul3A_737 : f32 to vector<16xf32>
        %mul3A_739 = arith.mulf %get3A_736, %mul3A_738 : vector<16xf32>
        %mul3A_740 = arith.constant 4 : i32
        %mul3A_741 = arith.muli %scan3A_295, %mul3A_740 : i32
        %add3A_742 = arith.constant 1 : i32
        %add3A_743 = arith.addi %mul3A_741, %add3A_742 : i32
        %get3A_744 = arith.index_cast %add3A_743 : i32 to index
        %get3A_745 = arith.constant 112 : index
        %get3A_746 = tpu.vector_load %arg7[%get3A_744, %get3A_745] {strides = array<i32>} : memref<200x128xf32, #tpu.memory_space<vmem>>, vector<1x16xf32>,
        %get3A_747 = vector.shape_cast %get3A_746 : vector<1x16xf32> to vector<16xf32>
        %add3A_748 = arith.addf %mul3A_739, %get3A_747 : vector<16xf32>
        %mul3A_749 = arith.constant 4 : i32
        %mul3A_750 = arith.muli %scan3A_295, %mul3A_749 : i32
        %add3A_751 = arith.constant 1 : i32
        %add3A_752 = arith.addi %mul3A_750, %add3A_751 : i32
        %swap3A_753 = arith.index_cast %add3A_752 : i32 to index
        %swap3A_754 = arith.constant 112 : index
        %swap3A_755 = tpu.vector_load %arg10[%swap3A_753, %swap3A_754] {strides = array<i32>} : memref<200x128xf32, #tpu.memory_space<vmem>>, vector<1x16xf32>,
        %swap3A_756 = vector.shape_cast %swap3A_755 : vector<1x16xf32> to vector<16xf32>
        %swap3A_757 = vector.shape_cast %add3A_748 : vector<16xf32> to vector<1x16xf32>
        tpu.vector_store %arg10[%swap3A_753, %swap3A_754], %swap3A_757 {strides = array<i32>} : memref<200x128xf32, #tpu.memory_space<vmem>>, vector<1x16xf32>,
        %mul3A_758 = arith.constant 4 : i32
        %mul3A_759 = arith.muli %scan3A_295, %mul3A_758 : i32
        %add3A_760 = arith.constant 2 : i32
        %add3A_761 = arith.addi %mul3A_759, %add3A_760 : i32
        %get3A_762 = arith.index_cast %add3A_761 : i32 to index
        %get3A_763 = arith.constant 0 : index
        %get3A_764 = tpu.vector_load %arg10[%get3A_762, %get3A_763] {strides = array<i32>} : memref<200x128xf32, #tpu.memory_space<vmem>>, vector<1x16xf32>,
        %get3A_765 = vector.shape_cast %get3A_764 : vector<1x16xf32> to vector<16xf32>
        %mul3A_766 = arith.constant 11.3137083 : f32
        %mul3A_767 = vector.broadcast %mul3A_766 : f32 to vector<16xf32>
        %mul3A_768 = arith.mulf %get3A_765, %mul3A_767 : vector<16xf32>
        %mul3A_769 = arith.constant 4 : i32
        %mul3A_770 = arith.muli %scan3A_295, %mul3A_769 : i32
        %add3A_771 = arith.constant 2 : i32
        %add3A_772 = arith.addi %mul3A_770, %add3A_771 : i32
        %get3A_773 = arith.index_cast %add3A_772 : i32 to index
        %get3A_774 = arith.constant 0 : index
        %get3A_775 = tpu.vector_load %arg7[%get3A_773, %get3A_774] {strides = array<i32>} : memref<200x128xf32, #tpu.memory_space<vmem>>, vector<1x16xf32>,
        %get3A_776 = vector.shape_cast %get3A_775 : vector<1x16xf32> to vector<16xf32>
        %add3A_777 = arith.addf %mul3A_768, %get3A_776 : vector<16xf32>
        %mul3A_778 = arith.constant 4 : i32
        %mul3A_779 = arith.muli %scan3A_295, %mul3A_778 : i32
        %add3A_780 = arith.constant 2 : i32
        %add3A_781 = arith.addi %mul3A_779, %add3A_780 : i32
        %swap3A_782 = arith.index_cast %add3A_781 : i32 to index
        %swap3A_783 = arith.constant 0 : index
        %swap3A_784 = tpu.vector_load %arg10[%swap3A_782, %swap3A_783] {strides = array<i32>} : memref<200x128xf32, #tpu.memory_space<vmem>>, vector<1x16xf32>,
        %swap3A_785 = vector.shape_cast %swap3A_784 : vector<1x16xf32> to vector<16xf32>
        %swap3A_786 = vector.shape_cast %add3A_777 : vector<16xf32> to vector<1x16xf32>
        tpu.vector_store %arg10[%swap3A_782, %swap3A_783], %swap3A_786 {strides = array<i32>} : memref<200x128xf32, #tpu.memory_space<vmem>>, vector<1x16xf32>,
        %mul3A_787 = arith.constant 4 : i32
        %mul3A_788 = arith.muli %scan3A_295, %mul3A_787 : i32
        %add3A_789 = arith.constant 2 : i32
        %add3A_790 = arith.addi %mul3A_788, %add3A_789 : i32
        %get3A_791 = arith.index_cast %add3A_790 : i32 to index
        %get3A_792 = arith.constant 16 : index
        %get3A_793 = tpu.vector_load %arg10[%get3A_791, %get3A_792] {strides = array<i32>} : memref<200x128xf32, #tpu.memory_space<vmem>>, vector<1x16xf32>,
        %get3A_794 = vector.shape_cast %get3A_793 : vector<1x16xf32> to vector<16xf32>
        %mul3A_795 = arith.constant 11.3137083 : f32
        %mul3A_796 = vector.broadcast %mul3A_795 : f32 to vector<16xf32>
        %mul3A_797 = arith.mulf %get3A_794, %mul3A_796 : vector<16xf32>
        %mul3A_798 = arith.constant 4 : i32
        %mul3A_799 = arith.muli %scan3A_295, %mul3A_798 : i32
        %add3A_800 = arith.constant 2 : i32
        %add3A_801 = arith.addi %mul3A_799, %add3A_800 : i32
        %get3A_802 = arith.index_cast %add3A_801 : i32 to index
        %get3A_803 = arith.constant 16 : index
        %get3A_804 = tpu.vector_load %arg7[%get3A_802, %get3A_803] {strides = array<i32>} : memref<200x128xf32, #tpu.memory_space<vmem>>, vector<1x16xf32>,
        %get3A_805 = vector.shape_cast %get3A_804 : vector<1x16xf32> to vector<16xf32>
        %add3A_806 = arith.addf %mul3A_797, %get3A_805 : vector<16xf32>
        %mul3A_807 = arith.constant 4 : i32
        %mul3A_808 = arith.muli %scan3A_295, %mul3A_807 : i32
        %add3A_809 = arith.constant 2 : i32
        %add3A_810 = arith.addi %mul3A_808, %add3A_809 : i32
        %swap3A_811 = arith.index_cast %add3A_810 : i32 to index
        %swap3A_812 = arith.constant 16 : index
        %swap3A_813 = tpu.vector_load %arg10[%swap3A_811, %swap3A_812] {strides = array<i32>} : memref<200x128xf32, #tpu.memory_space<vmem>>, vector<1x16xf32>,
        %swap3A_814 = vector.shape_cast %swap3A_813 : vector<1x16xf32> to vector<16xf32>
        %swap3A_815 = vector.shape_cast %add3A_806 : vector<16xf32> to vector<1x16xf32>
        tpu.vector_store %arg10[%swap3A_811, %swap3A_812], %swap3A_815 {strides = array<i32>} : memref<200x128xf32, #tpu.memory_space<vmem>>, vector<1x16xf32>,
        %mul3A_816 = arith.constant 4 : i32
        %mul3A_817 = arith.muli %scan3A_295, %mul3A_816 : i32
        %add3A_818 = arith.constant 2 : i32
        %add3A_819 = arith.addi %mul3A_817, %add3A_818 : i32
        %get3A_820 = arith.index_cast %add3A_819 : i32 to index
        %get3A_821 = arith.constant 32 : index
        %get3A_822 = tpu.vector_load %arg10[%get3A_820, %get3A_821] {strides = array<i32>} : memref<200x128xf32, #tpu.memory_space<vmem>>, vector<1x16xf32>,
        %get3A_823 = vector.shape_cast %get3A_822 : vector<1x16xf32> to vector<16xf32>
        %mul3A_824 = arith.constant 11.3137083 : f32
        %mul3A_825 = vector.broadcast %mul3A_824 : f32 to vector<16xf32>
        %mul3A_826 = arith.mulf %get3A_823, %mul3A_825 : vector<16xf32>
        %mul3A_827 = arith.constant 4 : i32
        %mul3A_828 = arith.muli %scan3A_295, %mul3A_827 : i32
        %add3A_829 = arith.constant 2 : i32
        %add3A_830 = arith.addi %mul3A_828, %add3A_829 : i32
        %get3A_831 = arith.index_cast %add3A_830 : i32 to index
        %get3A_832 = arith.constant 32 : index
        %get3A_833 = tpu.vector_load %arg7[%get3A_831, %get3A_832] {strides = array<i32>} : memref<200x128xf32, #tpu.memory_space<vmem>>, vector<1x16xf32>,
        %get3A_834 = vector.shape_cast %get3A_833 : vector<1x16xf32> to vector<16xf32>
        %add3A_835 = arith.addf %mul3A_826, %get3A_834 : vector<16xf32>
        %mul3A_836 = arith.constant 4 : i32
        %mul3A_837 = arith.muli %scan3A_295, %mul3A_836 : i32
        %add3A_838 = arith.constant 2 : i32
        %add3A_839 = arith.addi %mul3A_837, %add3A_838 : i32
        %swap3A_840 = arith.index_cast %add3A_839 : i32 to index
        %swap3A_841 = arith.constant 32 : index
        %swap3A_842 = tpu.vector_load %arg10[%swap3A_840, %swap3A_841] {strides = array<i32>} : memref<200x128xf32, #tpu.memory_space<vmem>>, vector<1x16xf32>,
        %swap3A_843 = vector.shape_cast %swap3A_842 : vector<1x16xf32> to vector<16xf32>
        %swap3A_844 = vector.shape_cast %add3A_835 : vector<16xf32> to vector<1x16xf32>
        tpu.vector_store %arg10[%swap3A_840, %swap3A_841], %swap3A_844 {strides = array<i32>} : memref<200x128xf32, #tpu.memory_space<vmem>>, vector<1x16xf32>,
        %mul3A_845 = arith.constant 4 : i32
        %mul3A_846 = arith.muli %scan3A_295, %mul3A_845 : i32
        %add3A_847 = arith.constant 2 : i32
        %add3A_848 = arith.addi %mul3A_846, %add3A_847 : i32
        %get3A_849 = arith.index_cast %add3A_848 : i32 to index
        %get3A_850 = arith.constant 48 : index
        %get3A_851 = tpu.vector_load %arg10[%get3A_849, %get3A_850] {strides = array<i32>} : memref<200x128xf32, #tpu.memory_space<vmem>>, vector<1x16xf32>,
        %get3A_852 = vector.shape_cast %get3A_851 : vector<1x16xf32> to vector<16xf32>
        %mul3A_853 = arith.constant 11.3137083 : f32
        %mul3A_854 = vector.broadcast %mul3A_853 : f32 to vector<16xf32>
        %mul3A_855 = arith.mulf %get3A_852, %mul3A_854 : vector<16xf32>
        %mul3A_856 = arith.constant 4 : i32
        %mul3A_857 = arith.muli %scan3A_295, %mul3A_856 : i32
        %add3A_858 = arith.constant 2 : i32
        %add3A_859 = arith.addi %mul3A_857, %add3A_858 : i32
        %get3A_860 = arith.index_cast %add3A_859 : i32 to index
        %get3A_861 = arith.constant 48 : index
        %get3A_862 = tpu.vector_load %arg7[%get3A_860, %get3A_861] {strides = array<i32>} : memref<200x128xf32, #tpu.memory_space<vmem>>, vector<1x16xf32>,
        %get3A_863 = vector.shape_cast %get3A_862 : vector<1x16xf32> to vector<16xf32>
        %add3A_864 = arith.addf %mul3A_855, %get3A_863 : vector<16xf32>
        %mul3A_865 = arith.constant 4 : i32
        %mul3A_866 = arith.muli %scan3A_295, %mul3A_865 : i32
        %add3A_867 = arith.constant 2 : i32
        %add3A_868 = arith.addi %mul3A_866, %add3A_867 : i32
        %swap3A_869 = arith.index_cast %add3A_868 : i32 to index
        %swap3A_870 = arith.constant 48 : index
        %swap3A_871 = tpu.vector_load %arg10[%swap3A_869, %swap3A_870] {strides = array<i32>} : memref<200x128xf32, #tpu.memory_space<vmem>>, vector<1x16xf32>,
        %swap3A_872 = vector.shape_cast %swap3A_871 : vector<1x16xf32> to vector<16xf32>
        %swap3A_873 = vector.shape_cast %add3A_864 : vector<16xf32> to vector<1x16xf32>
        tpu.vector_store %arg10[%swap3A_869, %swap3A_870], %swap3A_873 {strides = array<i32>} : memref<200x128xf32, #tpu.memory_space<vmem>>, vector<1x16xf32>,
        %mul3A_874 = arith.constant 4 : i32
        %mul3A_875 = arith.muli %scan3A_295, %mul3A_874 : i32
        %add3A_876 = arith.constant 2 : i32
        %add3A_877 = arith.addi %mul3A_875, %add3A_876 : i32
        %get3A_878 = arith.index_cast %add3A_877 : i32 to index
        %get3A_879 = arith.constant 64 : index
        %get3A_880 = tpu.vector_load %arg10[%get3A_878, %get3A_879] {strides = array<i32>} : memref<200x128xf32, #tpu.memory_space<vmem>>, vector<1x16xf32>,
        %get3A_881 = vector.shape_cast %get3A_880 : vector<1x16xf32> to vector<16xf32>
        %mul3A_882 = arith.constant 11.3137083 : f32
        %mul3A_883 = vector.broadcast %mul3A_882 : f32 to vector<16xf32>
        %mul3A_884 = arith.mulf %get3A_881, %mul3A_883 : vector<16xf32>
        %mul3A_885 = arith.constant 4 : i32
        %mul3A_886 = arith.muli %scan3A_295, %mul3A_885 : i32
        %add3A_887 = arith.constant 2 : i32
        %add3A_888 = arith.addi %mul3A_886, %add3A_887 : i32
        %get3A_889 = arith.index_cast %add3A_888 : i32 to index
        %get3A_890 = arith.constant 64 : index
        %get3A_891 = tpu.vector_load %arg7[%get3A_889, %get3A_890] {strides = array<i32>} : memref<200x128xf32, #tpu.memory_space<vmem>>, vector<1x16xf32>,
        %get3A_892 = vector.shape_cast %get3A_891 : vector<1x16xf32> to vector<16xf32>
        %add3A_893 = arith.addf %mul3A_884, %get3A_892 : vector<16xf32>
        %mul3A_894 = arith.constant 4 : i32
        %mul3A_895 = arith.muli %scan3A_295, %mul3A_894 : i32
        %add3A_896 = arith.constant 2 : i32
        %add3A_897 = arith.addi %mul3A_895, %add3A_896 : i32
        %swap3A_898 = arith.index_cast %add3A_897 : i32 to index
        %swap3A_899 = arith.constant 64 : index
        %swap3A_900 = tpu.vector_load %arg10[%swap3A_898, %swap3A_899] {strides = array<i32>} : memref<200x128xf32, #tpu.memory_space<vmem>>, vector<1x16xf32>,
        %swap3A_901 = vector.shape_cast %swap3A_900 : vector<1x16xf32> to vector<16xf32>
        %swap3A_902 = vector.shape_cast %add3A_893 : vector<16xf32> to vector<1x16xf32>
        tpu.vector_store %arg10[%swap3A_898, %swap3A_899], %swap3A_902 {strides = array<i32>} : memref<200x128xf32, #tpu.memory_space<vmem>>, vector<1x16xf32>,
        %mul3A_903 = arith.constant 4 : i32
        %mul3A_904 = arith.muli %scan3A_295, %mul3A_903 : i32
        %add3A_905 = arith.constant 2 : i32
        %add3A_906 = arith.addi %mul3A_904, %add3A_905 : i32
        %get3A_907 = arith.index_cast %add3A_906 : i32 to index
        %get3A_908 = arith.constant 80 : index
        %get3A_909 = tpu.vector_load %arg10[%get3A_907, %get3A_908] {strides = array<i32>} : memref<200x128xf32, #tpu.memory_space<vmem>>, vector<1x16xf32>,
        %get3A_910 = vector.shape_cast %get3A_909 : vector<1x16xf32> to vector<16xf32>
        %mul3A_911 = arith.constant 11.3137083 : f32
        %mul3A_912 = vector.broadcast %mul3A_911 : f32 to vector<16xf32>
        %mul3A_913 = arith.mulf %get3A_910, %mul3A_912 : vector<16xf32>
        %mul3A_914 = arith.constant 4 : i32
        %mul3A_915 = arith.muli %scan3A_295, %mul3A_914 : i32
        %add3A_916 = arith.constant 2 : i32
        %add3A_917 = arith.addi %mul3A_915, %add3A_916 : i32
        %get3A_918 = arith.index_cast %add3A_917 : i32 to index
        %get3A_919 = arith.constant 80 : index
        %get3A_920 = tpu.vector_load %arg7[%get3A_918, %get3A_919] {strides = array<i32>} : memref<200x128xf32, #tpu.memory_space<vmem>>, vector<1x16xf32>,
        %get3A_921 = vector.shape_cast %get3A_920 : vector<1x16xf32> to vector<16xf32>
        %add3A_922 = arith.addf %mul3A_913, %get3A_921 : vector<16xf32>
        %mul3A_923 = arith.constant 4 : i32
        %mul3A_924 = arith.muli %scan3A_295, %mul3A_923 : i32
        %add3A_925 = arith.constant 2 : i32
        %add3A_926 = arith.addi %mul3A_924, %add3A_925 : i32
        %swap3A_927 = arith.index_cast %add3A_926 : i32 to index
        %swap3A_928 = arith.constant 80 : index
        %swap3A_929 = tpu.vector_load %arg10[%swap3A_927, %swap3A_928] {strides = array<i32>} : memref<200x128xf32, #tpu.memory_space<vmem>>, vector<1x16xf32>,
        %swap3A_930 = vector.shape_cast %swap3A_929 : vector<1x16xf32> to vector<16xf32>
        %swap3A_931 = vector.shape_cast %add3A_922 : vector<16xf32> to vector<1x16xf32>
        tpu.vector_store %arg10[%swap3A_927, %swap3A_928], %swap3A_931 {strides = array<i32>} : memref<200x128xf32, #tpu.memory_space<vmem>>, vector<1x16xf32>,
        %mul3A_932 = arith.constant 4 : i32
        %mul3A_933 = arith.muli %scan3A_295, %mul3A_932 : i32
        %add3A_934 = arith.constant 2 : i32
        %add3A_935 = arith.addi %mul3A_933, %add3A_934 : i32
        %get3A_936 = arith.index_cast %add3A_935 : i32 to index
        %get3A_937 = arith.constant 96 : index
        %get3A_938 = tpu.vector_load %arg10[%get3A_936, %get3A_937] {strides = array<i32>} : memref<200x128xf32, #tpu.memory_space<vmem>>, vector<1x16xf32>,
        %get3A_939 = vector.shape_cast %get3A_938 : vector<1x16xf32> to vector<16xf32>
        %mul3A_940 = arith.constant 11.3137083 : f32
        %mul3A_941 = vector.broadcast %mul3A_940 : f32 to vector<16xf32>
        %mul3A_942 = arith.mulf %get3A_939, %mul3A_941 : vector<16xf32>
        %mul3A_943 = arith.constant 4 : i32
        %mul3A_944 = arith.muli %scan3A_295, %mul3A_943 : i32
        %add3A_945 = arith.constant 2 : i32
        %add3A_946 = arith.addi %mul3A_944, %add3A_945 : i32
        %get3A_947 = arith.index_cast %add3A_946 : i32 to index
        %get3A_948 = arith.constant 96 : index
        %get3A_949 = tpu.vector_load %arg7[%get3A_947, %get3A_948] {strides = array<i32>} : memref<200x128xf32, #tpu.memory_space<vmem>>, vector<1x16xf32>,
        %get3A_950 = vector.shape_cast %get3A_949 : vector<1x16xf32> to vector<16xf32>
        %add3A_951 = arith.addf %mul3A_942, %get3A_950 : vector<16xf32>
        %mul3A_952 = arith.constant 4 : i32
        %mul3A_953 = arith.muli %scan3A_295, %mul3A_952 : i32
        %add3A_954 = arith.constant 2 : i32
        %add3A_955 = arith.addi %mul3A_953, %add3A_954 : i32
        %swap3A_956 = arith.index_cast %add3A_955 : i32 to index
        %swap3A_957 = arith.constant 96 : index
        %swap3A_958 = tpu.vector_load %arg10[%swap3A_956, %swap3A_957] {strides = array<i32>} : memref<200x128xf32, #tpu.memory_space<vmem>>, vector<1x16xf32>,
        %swap3A_959 = vector.shape_cast %swap3A_958 : vector<1x16xf32> to vector<16xf32>
        %swap3A_960 = vector.shape_cast %add3A_951 : vector<16xf32> to vector<1x16xf32>
        tpu.vector_store %arg10[%swap3A_956, %swap3A_957], %swap3A_960 {strides = array<i32>} : memref<200x128xf32, #tpu.memory_space<vmem>>, vector<1x16xf32>,
        %mul3A_961 = arith.constant 4 : i32
        %mul3A_962 = arith.muli %scan3A_295, %mul3A_961 : i32
        %add3A_963 = arith.constant 2 : i32
        %add3A_964 = arith.addi %mul3A_962, %add3A_963 : i32
        %get3A_965 = arith.index_cast %add3A_964 : i32 to index
        %get3A_966 = arith.constant 112 : index
        %get3A_967 = tpu.vector_load %arg10[%get3A_965, %get3A_966] {strides = array<i32>} : memref<200x128xf32, #tpu.memory_space<vmem>>, vector<1x16xf32>,
        %get3A_968 = vector.shape_cast %get3A_967 : vector<1x16xf32> to vector<16xf32>
        %mul3A_969 = arith.constant 11.3137083 : f32
        %mul3A_970 = vector.broadcast %mul3A_969 : f32 to vector<16xf32>
        %mul3A_971 = arith.mulf %get3A_968, %mul3A_970 : vector<16xf32>
        %mul3A_972 = arith.constant 4 : i32
        %mul3A_973 = arith.muli %scan3A_295, %mul3A_972 : i32
        %add3A_974 = arith.constant 2 : i32
        %add3A_975 = arith.addi %mul3A_973, %add3A_974 : i32
        %get3A_976 = arith.index_cast %add3A_975 : i32 to index
        %get3A_977 = arith.constant 112 : index
        %get3A_978 = tpu.vector_load %arg7[%get3A_976, %get3A_977] {strides = array<i32>} : memref<200x128xf32, #tpu.memory_space<vmem>>, vector<1x16xf32>,
        %get3A_979 = vector.shape_cast %get3A_978 : vector<1x16xf32> to vector<16xf32>
        %add3A_980 = arith.addf %mul3A_971, %get3A_979 : vector<16xf32>
        %mul3A_981 = arith.constant 4 : i32
        %mul3A_982 = arith.muli %scan3A_295, %mul3A_981 : i32
        %add3A_983 = arith.constant 2 : i32
        %add3A_984 = arith.addi %mul3A_982, %add3A_983 : i32
        %swap3A_985 = arith.index_cast %add3A_984 : i32 to index
        %swap3A_986 = arith.constant 112 : index
        %swap3A_987 = tpu.vector_load %arg10[%swap3A_985, %swap3A_986] {strides = array<i32>} : memref<200x128xf32, #tpu.memory_space<vmem>>, vector<1x16xf32>,
        %swap3A_988 = vector.shape_cast %swap3A_987 : vector<1x16xf32> to vector<16xf32>
        %swap3A_989 = vector.shape_cast %add3A_980 : vector<16xf32> to vector<1x16xf32>
        tpu.vector_store %arg10[%swap3A_985, %swap3A_986], %swap3A_989 {strides = array<i32>} : memref<200x128xf32, #tpu.memory_space<vmem>>, vector<1x16xf32>,
        %mul3A_990 = arith.constant 4 : i32
        %mul3A_991 = arith.muli %scan3A_295, %mul3A_990 : i32
        %add3A_992 = arith.constant 3 : i32
        %add3A_993 = arith.addi %mul3A_991, %add3A_992 : i32
        %get3A_994 = arith.index_cast %add3A_993 : i32 to index
        %get3A_995 = arith.constant 0 : index
        %get3A_996 = tpu.vector_load %arg10[%get3A_994, %get3A_995] {strides = array<i32>} : memref<200x128xf32, #tpu.memory_space<vmem>>, vector<1x16xf32>,
        %get3A_997 = vector.shape_cast %get3A_996 : vector<1x16xf32> to vector<16xf32>
        %mul3A_998 = arith.constant 11.3137083 : f32
        %mul3A_999 = vector.broadcast %mul3A_998 : f32 to vector<16xf32>
        %mul3A_1000 = arith.mulf %get3A_997, %mul3A_999 : vector<16xf32>
        %mul3A_1001 = arith.constant 4 : i32
        %mul3A_1002 = arith.muli %scan3A_295, %mul3A_1001 : i32
        %add3A_1003 = arith.constant 3 : i32
        %add3A_1004 = arith.addi %mul3A_1002, %add3A_1003 : i32
        %get3A_1005 = arith.index_cast %add3A_1004 : i32 to index
        %get3A_1006 = arith.constant 0 : index
        %get3A_1007 = tpu.vector_load %arg7[%get3A_1005, %get3A_1006] {strides = array<i32>} : memref<200x128xf32, #tpu.memory_space<vmem>>, vector<1x16xf32>,
        %get3A_1008 = vector.shape_cast %get3A_1007 : vector<1x16xf32> to vector<16xf32>
        %add3A_1009 = arith.addf %mul3A_1000, %get3A_1008 : vector<16xf32>
        %mul3A_1010 = arith.constant 4 : i32
        %mul3A_1011 = arith.muli %scan3A_295, %mul3A_1010 : i32
        %add3A_1012 = arith.constant 3 : i32
        %add3A_1013 = arith.addi %mul3A_1011, %add3A_1012 : i32
        %swap3A_1014 = arith.index_cast %add3A_1013 : i32 to index
        %swap3A_1015 = arith.constant 0 : index
        %swap3A_1016 = tpu.vector_load %arg10[%swap3A_1014, %swap3A_1015] {strides = array<i32>} : memref<200x128xf32, #tpu.memory_space<vmem>>, vector<1x16xf32>,
        %swap3A_1017 = vector.shape_cast %swap3A_1016 : vector<1x16xf32> to vector<16xf32>
        %swap3A_1018 = vector.shape_cast %add3A_1009 : vector<16xf32> to vector<1x16xf32>
        tpu.vector_store %arg10[%swap3A_1014, %swap3A_1015], %swap3A_1018 {strides = array<i32>} : memref<200x128xf32, #tpu.memory_space<vmem>>, vector<1x16xf32>,
        %mul3A_1019 = arith.constant 4 : i32
        %mul3A_1020 = arith.muli %scan3A_295, %mul3A_1019 : i32
        %add3A_1021 = arith.constant 3 : i32
        %add3A_1022 = arith.addi %mul3A_1020, %add3A_1021 : i32
        %get3A_1023 = arith.index_cast %add3A_1022 : i32 to index
        %get3A_1024 = arith.constant 16 : index
        %get3A_1025 = tpu.vector_load %arg10[%get3A_1023, %get3A_1024] {strides = array<i32>} : memref<200x128xf32, #tpu.memory_space<vmem>>, vector<1x16xf32>,
        %get3A_1026 = vector.shape_cast %get3A_1025 : vector<1x16xf32> to vector<16xf32>
        %mul3A_1027 = arith.constant 11.3137083 : f32
        %mul3A_1028 = vector.broadcast %mul3A_1027 : f32 to vector<16xf32>
        %mul3A_1029 = arith.mulf %get3A_1026, %mul3A_1028 : vector<16xf32>
        %mul3A_1030 = arith.constant 4 : i32
        %mul3A_1031 = arith.muli %scan3A_295, %mul3A_1030 : i32
        %add3A_1032 = arith.constant 3 : i32
        %add3A_1033 = arith.addi %mul3A_1031, %add3A_1032 : i32
        %get3A_1034 = arith.index_cast %add3A_1033 : i32 to index
        %get3A_1035 = arith.constant 16 : index
        %get3A_1036 = tpu.vector_load %arg7[%get3A_1034, %get3A_1035] {strides = array<i32>} : memref<200x128xf32, #tpu.memory_space<vmem>>, vector<1x16xf32>,
        %get3A_1037 = vector.shape_cast %get3A_1036 : vector<1x16xf32> to vector<16xf32>
        %add3A_1038 = arith.addf %mul3A_1029, %get3A_1037 : vector<16xf32>
        %mul3A_1039 = arith.constant 4 : i32
        %mul3A_1040 = arith.muli %scan3A_295, %mul3A_1039 : i32
        %add3A_1041 = arith.constant 3 : i32
        %add3A_1042 = arith.addi %mul3A_1040, %add3A_1041 : i32
        %swap3A_1043 = arith.index_cast %add3A_1042 : i32 to index
        %swap3A_1044 = arith.constant 16 : index
        %swap3A_1045 = tpu.vector_load %arg10[%swap3A_1043, %swap3A_1044] {strides = array<i32>} : memref<200x128xf32, #tpu.memory_space<vmem>>, vector<1x16xf32>,
        %swap3A_1046 = vector.shape_cast %swap3A_1045 : vector<1x16xf32> to vector<16xf32>
        %swap3A_1047 = vector.shape_cast %add3A_1038 : vector<16xf32> to vector<1x16xf32>
        tpu.vector_store %arg10[%swap3A_1043, %swap3A_1044], %swap3A_1047 {strides = array<i32>} : memref<200x128xf32, #tpu.memory_space<vmem>>, vector<1x16xf32>,
        %mul3A_1048 = arith.constant 4 : i32
        %mul3A_1049 = arith.muli %scan3A_295, %mul3A_1048 : i32
        %add3A_1050 = arith.constant 3 : i32
        %add3A_1051 = arith.addi %mul3A_1049, %add3A_1050 : i32
        %get3A_1052 = arith.index_cast %add3A_1051 : i32 to index
        %get3A_1053 = arith.constant 32 : index
        %get3A_1054 = tpu.vector_load %arg10[%get3A_1052, %get3A_1053] {strides = array<i32>} : memref<200x128xf32, #tpu.memory_space<vmem>>, vector<1x16xf32>,
        %get3A_1055 = vector.shape_cast %get3A_1054 : vector<1x16xf32> to vector<16xf32>
        %mul3A_1056 = arith.constant 11.3137083 : f32
        %mul3A_1057 = vector.broadcast %mul3A_1056 : f32 to vector<16xf32>
        %mul3A_1058 = arith.mulf %get3A_1055, %mul3A_1057 : vector<16xf32>
        %mul3A_1059 = arith.constant 4 : i32
        %mul3A_1060 = arith.muli %scan3A_295, %mul3A_1059 : i32
        %add3A_1061 = arith.constant 3 : i32
        %add3A_1062 = arith.addi %mul3A_1060, %add3A_1061 : i32
        %get3A_1063 = arith.index_cast %add3A_1062 : i32 to index
        %get3A_1064 = arith.constant 32 : index
        %get3A_1065 = tpu.vector_load %arg7[%get3A_1063, %get3A_1064] {strides = array<i32>} : memref<200x128xf32, #tpu.memory_space<vmem>>, vector<1x16xf32>,
        %get3A_1066 = vector.shape_cast %get3A_1065 : vector<1x16xf32> to vector<16xf32>
        %add3A_1067 = arith.addf %mul3A_1058, %get3A_1066 : vector<16xf32>
        %mul3A_1068 = arith.constant 4 : i32
        %mul3A_1069 = arith.muli %scan3A_295, %mul3A_1068 : i32
        %add3A_1070 = arith.constant 3 : i32
        %add3A_1071 = arith.addi %mul3A_1069, %add3A_1070 : i32
        %swap3A_1072 = arith.index_cast %add3A_1071 : i32 to index
        %swap3A_1073 = arith.constant 32 : index
        %swap3A_1074 = tpu.vector_load %arg10[%swap3A_1072, %swap3A_1073] {strides = array<i32>} : memref<200x128xf32, #tpu.memory_space<vmem>>, vector<1x16xf32>,
        %swap3A_1075 = vector.shape_cast %swap3A_1074 : vector<1x16xf32> to vector<16xf32>
        %swap3A_1076 = vector.shape_cast %add3A_1067 : vector<16xf32> to vector<1x16xf32>
        tpu.vector_store %arg10[%swap3A_1072, %swap3A_1073], %swap3A_1076 {strides = array<i32>} : memref<200x128xf32, #tpu.memory_space<vmem>>, vector<1x16xf32>,
        %mul3A_1077 = arith.constant 4 : i32
        %mul3A_1078 = arith.muli %scan3A_295, %mul3A_1077 : i32
        %add3A_1079 = arith.constant 3 : i32
        %add3A_1080 = arith.addi %mul3A_1078, %add3A_1079 : i32
        %get3A_1081 = arith.index_cast %add3A_1080 : i32 to index
        %get3A_1082 = arith.constant 48 : index
        %get3A_1083 = tpu.vector_load %arg10[%get3A_1081, %get3A_1082] {strides = array<i32>} : memref<200x128xf32, #tpu.memory_space<vmem>>, vector<1x16xf32>,
        %get3A_1084 = vector.shape_cast %get3A_1083 : vector<1x16xf32> to vector<16xf32>
        %mul3A_1085 = arith.constant 11.3137083 : f32
        %mul3A_1086 = vector.broadcast %mul3A_1085 : f32 to vector<16xf32>
        %mul3A_1087 = arith.mulf %get3A_1084, %mul3A_1086 : vector<16xf32>
        %mul3A_1088 = arith.constant 4 : i32
        %mul3A_1089 = arith.muli %scan3A_295, %mul3A_1088 : i32
        %add3A_1090 = arith.constant 3 : i32
        %add3A_1091 = arith.addi %mul3A_1089, %add3A_1090 : i32
        %get3A_1092 = arith.index_cast %add3A_1091 : i32 to index
        %get3A_1093 = arith.constant 48 : index
        %get3A_1094 = tpu.vector_load %arg7[%get3A_1092, %get3A_1093] {strides = array<i32>} : memref<200x128xf32, #tpu.memory_space<vmem>>, vector<1x16xf32>,
        %get3A_1095 = vector.shape_cast %get3A_1094 : vector<1x16xf32> to vector<16xf32>
        %add3A_1096 = arith.addf %mul3A_1087, %get3A_1095 : vector<16xf32>
        %mul3A_1097 = arith.constant 4 : i32
        %mul3A_1098 = arith.muli %scan3A_295, %mul3A_1097 : i32
        %add3A_1099 = arith.constant 3 : i32
        %add3A_1100 = arith.addi %mul3A_1098, %add3A_1099 : i32
        %swap3A_1101 = arith.index_cast %add3A_1100 : i32 to index
        %swap3A_1102 = arith.constant 48 : index
        %swap3A_1103 = tpu.vector_load %arg10[%swap3A_1101, %swap3A_1102] {strides = array<i32>} : memref<200x128xf32, #tpu.memory_space<vmem>>, vector<1x16xf32>,
        %swap3A_1104 = vector.shape_cast %swap3A_1103 : vector<1x16xf32> to vector<16xf32>
        %swap3A_1105 = vector.shape_cast %add3A_1096 : vector<16xf32> to vector<1x16xf32>
        tpu.vector_store %arg10[%swap3A_1101, %swap3A_1102], %swap3A_1105 {strides = array<i32>} : memref<200x128xf32, #tpu.memory_space<vmem>>, vector<1x16xf32>,
        %mul3A_1106 = arith.constant 4 : i32
        %mul3A_1107 = arith.muli %scan3A_295, %mul3A_1106 : i32
        %add3A_1108 = arith.constant 3 : i32
        %add3A_1109 = arith.addi %mul3A_1107, %add3A_1108 : i32
        %get3A_1110 = arith.index_cast %add3A_1109 : i32 to index
        %get3A_1111 = arith.constant 64 : index
        %get3A_1112 = tpu.vector_load %arg10[%get3A_1110, %get3A_1111] {strides = array<i32>} : memref<200x128xf32, #tpu.memory_space<vmem>>, vector<1x16xf32>,
        %get3A_1113 = vector.shape_cast %get3A_1112 : vector<1x16xf32> to vector<16xf32>
        %mul3A_1114 = arith.constant 11.3137083 : f32
        %mul3A_1115 = vector.broadcast %mul3A_1114 : f32 to vector<16xf32>
        %mul3A_1116 = arith.mulf %get3A_1113, %mul3A_1115 : vector<16xf32>
        %mul3A_1117 = arith.constant 4 : i32
        %mul3A_1118 = arith.muli %scan3A_295, %mul3A_1117 : i32
        %add3A_1119 = arith.constant 3 : i32
        %add3A_1120 = arith.addi %mul3A_1118, %add3A_1119 : i32
        %get3A_1121 = arith.index_cast %add3A_1120 : i32 to index
        %get3A_1122 = arith.constant 64 : index
        %get3A_1123 = tpu.vector_load %arg7[%get3A_1121, %get3A_1122] {strides = array<i32>} : memref<200x128xf32, #tpu.memory_space<vmem>>, vector<1x16xf32>,
        %get3A_1124 = vector.shape_cast %get3A_1123 : vector<1x16xf32> to vector<16xf32>
        %add3A_1125 = arith.addf %mul3A_1116, %get3A_1124 : vector<16xf32>
        %mul3A_1126 = arith.constant 4 : i32
        %mul3A_1127 = arith.muli %scan3A_295, %mul3A_1126 : i32
        %add3A_1128 = arith.constant 3 : i32
        %add3A_1129 = arith.addi %mul3A_1127, %add3A_1128 : i32
        %swap3A_1130 = arith.index_cast %add3A_1129 : i32 to index
        %swap3A_1131 = arith.constant 64 : index
        %swap3A_1132 = tpu.vector_load %arg10[%swap3A_1130, %swap3A_1131] {strides = array<i32>} : memref<200x128xf32, #tpu.memory_space<vmem>>, vector<1x16xf32>,
        %swap3A_1133 = vector.shape_cast %swap3A_1132 : vector<1x16xf32> to vector<16xf32>
        %swap3A_1134 = vector.shape_cast %add3A_1125 : vector<16xf32> to vector<1x16xf32>
        tpu.vector_store %arg10[%swap3A_1130, %swap3A_1131], %swap3A_1134 {strides = array<i32>} : memref<200x128xf32, #tpu.memory_space<vmem>>, vector<1x16xf32>,
        %mul3A_1135 = arith.constant 4 : i32
        %mul3A_1136 = arith.muli %scan3A_295, %mul3A_1135 : i32
        %add3A_1137 = arith.constant 3 : i32
        %add3A_1138 = arith.addi %mul3A_1136, %add3A_1137 : i32
        %get3A_1139 = arith.index_cast %add3A_1138 : i32 to index
        %get3A_1140 = arith.constant 80 : index
        %get3A_1141 = tpu.vector_load %arg10[%get3A_1139, %get3A_1140] {strides = array<i32>} : memref<200x128xf32, #tpu.memory_space<vmem>>, vector<1x16xf32>,
        %get3A_1142 = vector.shape_cast %get3A_1141 : vector<1x16xf32> to vector<16xf32>
        %mul3A_1143 = arith.constant 11.3137083 : f32
        %mul3A_1144 = vector.broadcast %mul3A_1143 : f32 to vector<16xf32>
        %mul3A_1145 = arith.mulf %get3A_1142, %mul3A_1144 : vector<16xf32>
        %mul3A_1146 = arith.constant 4 : i32
        %mul3A_1147 = arith.muli %scan3A_295, %mul3A_1146 : i32
        %add3A_1148 = arith.constant 3 : i32
        %add3A_1149 = arith.addi %mul3A_1147, %add3A_1148 : i32
        %get3A_1150 = arith.index_cast %add3A_1149 : i32 to index
        %get3A_1151 = arith.constant 80 : index
        %get3A_1152 = tpu.vector_load %arg7[%get3A_1150, %get3A_1151] {strides = array<i32>} : memref<200x128xf32, #tpu.memory_space<vmem>>, vector<1x16xf32>,
        %get3A_1153 = vector.shape_cast %get3A_1152 : vector<1x16xf32> to vector<16xf32>
        %add3A_1154 = arith.addf %mul3A_1145, %get3A_1153 : vector<16xf32>
        %mul3A_1155 = arith.constant 4 : i32
        %mul3A_1156 = arith.muli %scan3A_295, %mul3A_1155 : i32
        %add3A_1157 = arith.constant 3 : i32
        %add3A_1158 = arith.addi %mul3A_1156, %add3A_1157 : i32
        %swap3A_1159 = arith.index_cast %add3A_1158 : i32 to index
        %swap3A_1160 = arith.constant 80 : index
        %swap3A_1161 = tpu.vector_load %arg10[%swap3A_1159, %swap3A_1160] {strides = array<i32>} : memref<200x128xf32, #tpu.memory_space<vmem>>, vector<1x16xf32>,
        %swap3A_1162 = vector.shape_cast %swap3A_1161 : vector<1x16xf32> to vector<16xf32>
        %swap3A_1163 = vector.shape_cast %add3A_1154 : vector<16xf32> to vector<1x16xf32>
        tpu.vector_store %arg10[%swap3A_1159, %swap3A_1160], %swap3A_1163 {strides = array<i32>} : memref<200x128xf32, #tpu.memory_space<vmem>>, vector<1x16xf32>,
        %mul3A_1164 = arith.constant 4 : i32
        %mul3A_1165 = arith.muli %scan3A_295, %mul3A_1164 : i32
        %add3A_1166 = arith.constant 3 : i32
        %add3A_1167 = arith.addi %mul3A_1165, %add3A_1166 : i32
        %get3A_1168 = arith.index_cast %add3A_1167 : i32 to index
        %get3A_1169 = arith.constant 96 : index
        %get3A_1170 = tpu.vector_load %arg10[%get3A_1168, %get3A_1169] {strides = array<i32>} : memref<200x128xf32, #tpu.memory_space<vmem>>, vector<1x16xf32>,
        %get3A_1171 = vector.shape_cast %get3A_1170 : vector<1x16xf32> to vector<16xf32>
        %mul3A_1172 = arith.constant 11.3137083 : f32
        %mul3A_1173 = vector.broadcast %mul3A_1172 : f32 to vector<16xf32>
        %mul3A_1174 = arith.mulf %get3A_1171, %mul3A_1173 : vector<16xf32>
        %mul3A_1175 = arith.constant 4 : i32
        %mul3A_1176 = arith.muli %scan3A_295, %mul3A_1175 : i32
        %add3A_1177 = arith.constant 3 : i32
        %add3A_1178 = arith.addi %mul3A_1176, %add3A_1177 : i32
        %get3A_1179 = arith.index_cast %add3A_1178 : i32 to index
        %get3A_1180 = arith.constant 96 : index
        %get3A_1181 = tpu.vector_load %arg7[%get3A_1179, %get3A_1180] {strides = array<i32>} : memref<200x128xf32, #tpu.memory_space<vmem>>, vector<1x16xf32>,
        %get3A_1182 = vector.shape_cast %get3A_1181 : vector<1x16xf32> to vector<16xf32>
        %add3A_1183 = arith.addf %mul3A_1174, %get3A_1182 : vector<16xf32>
        %mul3A_1184 = arith.constant 4 : i32
        %mul3A_1185 = arith.muli %scan3A_295, %mul3A_1184 : i32
        %add3A_1186 = arith.constant 3 : i32
        %add3A_1187 = arith.addi %mul3A_1185, %add3A_1186 : i32
        %swap3A_1188 = arith.index_cast %add3A_1187 : i32 to index
        %swap3A_1189 = arith.constant 96 : index
        %swap3A_1190 = tpu.vector_load %arg10[%swap3A_1188, %swap3A_1189] {strides = array<i32>} : memref<200x128xf32, #tpu.memory_space<vmem>>, vector<1x16xf32>,
        %swap3A_1191 = vector.shape_cast %swap3A_1190 : vector<1x16xf32> to vector<16xf32>
        %swap3A_1192 = vector.shape_cast %add3A_1183 : vector<16xf32> to vector<1x16xf32>
        tpu.vector_store %arg10[%swap3A_1188, %swap3A_1189], %swap3A_1192 {strides = array<i32>} : memref<200x128xf32, #tpu.memory_space<vmem>>, vector<1x16xf32>,
        %mul3A_1193 = arith.constant 4 : i32
        %mul3A_1194 = arith.muli %scan3A_295, %mul3A_1193 : i32
        %add3A_1195 = arith.constant 3 : i32
        %add3A_1196 = arith.addi %mul3A_1194, %add3A_1195 : i32
        %get3A_1197 = arith.index_cast %add3A_1196 : i32 to index
        %get3A_1198 = arith.constant 112 : index
        %get3A_1199 = tpu.vector_load %arg10[%get3A_1197, %get3A_1198] {strides = array<i32>} : memref<200x128xf32, #tpu.memory_space<vmem>>, vector<1x16xf32>,
        %get3A_1200 = vector.shape_cast %get3A_1199 : vector<1x16xf32> to vector<16xf32>
        %mul3A_1201 = arith.constant 11.3137083 : f32
        %mul3A_1202 = vector.broadcast %mul3A_1201 : f32 to vector<16xf32>
        %mul3A_1203 = arith.mulf %get3A_1200, %mul3A_1202 : vector<16xf32>
        %mul3A_1204 = arith.constant 4 : i32
        %mul3A_1205 = arith.muli %scan3A_295, %mul3A_1204 : i32
        %add3A_1206 = arith.constant 3 : i32
        %add3A_1207 = arith.addi %mul3A_1205, %add3A_1206 : i32
        %get3A_1208 = arith.index_cast %add3A_1207 : i32 to index
        %get3A_1209 = arith.constant 112 : index
        %get3A_1210 = tpu.vector_load %arg7[%get3A_1208, %get3A_1209] {strides = array<i32>} : memref<200x128xf32, #tpu.memory_space<vmem>>, vector<1x16xf32>,
        %get3A_1211 = vector.shape_cast %get3A_1210 : vector<1x16xf32> to vector<16xf32>
        %add3A_1212 = arith.addf %mul3A_1203, %get3A_1211 : vector<16xf32>
        %mul3A_1213 = arith.constant 4 : i32
        %mul3A_1214 = arith.muli %scan3A_295, %mul3A_1213 : i32
        %add3A_1215 = arith.constant 3 : i32
        %add3A_1216 = arith.addi %mul3A_1214, %add3A_1215 : i32
        %swap3A_1217 = arith.index_cast %add3A_1216 : i32 to index
        %swap3A_1218 = arith.constant 112 : index
        %swap3A_1219 = tpu.vector_load %arg10[%swap3A_1217, %swap3A_1218] {strides = array<i32>} : memref<200x128xf32, #tpu.memory_space<vmem>>, vector<1x16xf32>,
        %swap3A_1220 = vector.shape_cast %swap3A_1219 : vector<1x16xf32> to vector<16xf32>
        %swap3A_1221 = vector.shape_cast %add3A_1212 : vector<16xf32> to vector<1x16xf32>
        tpu.vector_store %arg10[%swap3A_1217, %swap3A_1218], %swap3A_1221 {strides = array<i32>} : memref<200x128xf32, #tpu.memory_space<vmem>>, vector<1x16xf32>,
      }
      %scan3A_260 = arith.constant 50 : i32
      %mul3A_261 = arith.constant 200 : i32
      %mul3A_262 = arith.muli %add3A_236, %mul3A_261 : i32
      %add3A_263 = arith.addi %mul3A_2, %mul3A_262 : i32
      %dma_start3A_264 = arith.constant 0 : i32
      %dma_start3A_265 = tpu.memref_slice %arg5[%add3A_263, %dma_start3A_264] : memref<819200x128xf32, #tpu.memory_space<hbm>> -> memref<200x128xf32, #tpu.memory_space<hbm>>
      %dma_start3A_266 = arith.constant 0 : i32
      %dma_start3A_267 = tpu.memref_slice %arg5[%add3A_263, %dma_start3A_266] : memref<819200x128xf32, #tpu.memory_space<hbm>> -> memref<200x128xf32, #tpu.memory_space<hbm>>
      tpu.enqueue_dma source(%arg10 : memref<200x128xf32, #tpu.memory_space<vmem>>) target(%dma_start3A_267 : memref<200x128xf32, #tpu.memory_space<hbm>>) target_semaphore(%arg16 : memref<!tpu.dma_semaphore, #tpu.memory_space<semaphore_mem>>)
      %gt3A_268 = arith.constant 0 : i32
      %gt3A_269 = arith.cmpi sgt, %scan3A_112, %gt3A_268 : i32
      %or3A_270 = arith.constant true
      %or3A_271 = arith.ori %gt3A_269, %or3A_270 : i1
      %convert_element_type3A_272 = arith.extui %or3A_271 : i1 to i32
      %cond3A_273 = arith.constant 0 : i32
      %cond3A_274 = arith.cmpi ne, %convert_element_type3A_272, %cond3A_273 : i32
      scf.if %cond3A_274 {
        %sub3A = arith.constant 1 : i32
        %sub3A_295 = arith.subi %add3A_236, %sub3A : i32
        %mul3A_296 = arith.constant 200 : i32
        %mul3A_297 = arith.muli %sub3A_295, %mul3A_296 : i32
        %add3A_298 = arith.addi %mul3A_2, %mul3A_297 : i32
        %dma_wait3A_299 = arith.constant 0 : i32
        %dma_wait3A_300 = tpu.memref_slice %arg5[%add3A_298, %dma_wait3A_299] : memref<819200x128xf32, #tpu.memory_space<hbm>> -> memref<200x128xf32, #tpu.memory_space<hbm>>
        %dma_wait3A_301 = arith.constant 0 : i32
        %dma_wait3A_302 = tpu.memref_slice %arg5[%add3A_298, %dma_wait3A_301] : memref<819200x128xf32, #tpu.memory_space<hbm>> -> memref<200x128xf32, #tpu.memory_space<hbm>>
        tpu.wait_dma2 semaphore(%arg15 : memref<!tpu.dma_semaphore, #tpu.memory_space<semaphore_mem>>) src(%arg9 : memref<200x128xf32, #tpu.memory_space<vmem>>) dst(%dma_wait3A_302 : memref<200x128xf32, #tpu.memory_space<hbm>>)
      } else {
      }
      %add3A_275 = arith.constant 2 : i32
      %add3A_276 = arith.addi %add3A_236, %add3A_275 : i32
      %mul3A_277 = arith.constant 200 : i32
      %mul3A_278 = arith.muli %add3A_276, %mul3A_277 : i32
      %dma_start3A_279 = arith.constant 0 : i32
      %dma_start3A_280 = arith.constant 0 : i32
      %dma_start3A_281 = tpu.memref_slice %arg9[%dma_start3A_279, %dma_start3A_280] : memref<200x128xf32, #tpu.memory_space<vmem>> -> memref<104x128xf32, #tpu.memory_space<vmem>>
      %dma_start3A_282 = tpu.memref_slice %arg6[%mul3A_278] : memref<25600xi32, #tpu.memory_space<vmem>> -> memref<104xi32, #tpu.memory_space<vmem>>
      %dma_start3A_283 = arith.constant 0 : i32
      %dma_start3A_284 = arith.constant 0 : i32
      %dma_start3A_285 = tpu.memref_slice %arg3[%dma_start3A_283, %dma_start3A_284] : memref<100000x128xf32, #tpu.memory_space<hbm>> -> memref<100000x128xf32, #tpu.memory_space<hbm>>
      tpu.enqueue_indirect_dma source(%dma_start3A_285 : memref<100000x128xf32, #tpu.memory_space<hbm>>) target(%dma_start3A_281 : memref<104x128xf32, #tpu.memory_space<vmem>>) offsets(%dma_start3A_282 : memref<104xi32, #tpu.memory_space<vmem>>) semaphore(%arg12 : memref<!tpu.dma_semaphore, #tpu.memory_space<semaphore_mem>>)
      %add3A_286 = arith.constant 104 : i32
      %add3A_287 = arith.addi %mul3A_278, %add3A_286 : i32
      %dma_start3A_288 = arith.constant 104 : i32
      %dma_start3A_289 = arith.constant 0 : i32
      %dma_start3A_290 = tpu.memref_slice %arg9[%dma_start3A_288, %dma_start3A_289] : memref<200x128xf32, #tpu.memory_space<vmem>> -> memref<96x128xf32, #tpu.memory_space<vmem>>
      %dma_start3A_291 = tpu.memref_slice %arg6[%add3A_287] : memref<25600xi32, #tpu.memory_space<vmem>> -> memref<96xi32, #tpu.memory_space<vmem>>
      %dma_start3A_292 = arith.constant 0 : i32
      %dma_start3A_293 = arith.constant 0 : i32
      %dma_start3A_294 = tpu.memref_slice %arg3[%dma_start3A_292, %dma_start3A_293] : memref<100000x128xf32, #tpu.memory_space<hbm>> -> memref<100000x128xf32, #tpu.memory_space<hbm>>
      tpu.enqueue_indirect_dma source(%dma_start3A_294 : memref<100000x128xf32, #tpu.memory_space<hbm>>) target(%dma_start3A_290 : memref<96x128xf32, #tpu.memory_space<vmem>>) offsets(%dma_start3A_291 : memref<96xi32, #tpu.memory_space<vmem>>) semaphore(%arg12 : memref<!tpu.dma_semaphore, #tpu.memory_space<semaphore_mem>>)
    }
    %scan3A_38 = arith.constant 42 : i32
    %dma_wait3A = arith.constant 0 : i32
    %dma_wait3A_39 = arith.constant 0 : i32
    %dma_wait3A_40 = tpu.memref_slice %arg8[%dma_wait3A, %dma_wait3A_39] : memref<200x128xf32, #tpu.memory_space<vmem>> -> memref<104x128xf32, #tpu.memory_space<vmem>>
    %dma_wait3A_41 = arith.constant 25200 : i32
    %dma_wait3A_42 = tpu.memref_slice %arg6[%dma_wait3A_41] : memref<25600xi32, #tpu.memory_space<vmem>> -> memref<104xi32, #tpu.memory_space<vmem>>
    %dma_wait3A_43 = arith.constant 0 : i32
    %dma_wait3A_44 = arith.constant 0 : i32
    %dma_wait3A_45 = tpu.memref_slice %arg3[%dma_wait3A_43, %dma_wait3A_44] : memref<100000x128xf32, #tpu.memory_space<hbm>> -> memref<100000x128xf32, #tpu.memory_space<hbm>>
    tpu.wait_indirect_dma semaphore(%arg11 : memref<!tpu.dma_semaphore, #tpu.memory_space<semaphore_mem>>) src(%dma_wait3A_45 : memref<100000x128xf32, #tpu.memory_space<hbm>>) dst(%dma_wait3A_40 : memref<104x128xf32, #tpu.memory_space<vmem>>)
    %dma_wait3A_46 = arith.constant 104 : i32
    %dma_wait3A_47 = arith.constant 0 : i32
    %dma_wait3A_48 = tpu.memref_slice %arg8[%dma_wait3A_46, %dma_wait3A_47] : memref<200x128xf32, #tpu.memory_space<vmem>> -> memref<96x128xf32, #tpu.memory_space<vmem>>
    %dma_wait3A_49 = arith.constant 25304 : i32
    %dma_wait3A_50 = tpu.memref_slice %arg6[%dma_wait3A_49] : memref<25600xi32, #tpu.memory_space<vmem>> -> memref<96xi32, #tpu.memory_space<vmem>>
    %dma_wait3A_51 = arith.constant 0 : i32
    %dma_wait3A_52 = arith.constant 0 : i32
    %dma_wait3A_53 = tpu.memref_slice %arg3[%dma_wait3A_51, %dma_wait3A_52] : memref<100000x128xf32, #tpu.memory_space<hbm>> -> memref<100000x128xf32, #tpu.memory_space<hbm>>
    tpu.wait_indirect_dma semaphore(%arg11 : memref<!tpu.dma_semaphore, #tpu.memory_space<semaphore_mem>>) src(%dma_wait3A_53 : memref<100000x128xf32, #tpu.memory_space<hbm>>) dst(%dma_wait3A_48 : memref<96x128xf32, #tpu.memory_space<vmem>>)
    %scan3A_54 = arith.constant 0 : i32
    %scan3A_55 = arith.constant 0 : i32
    %scan3A_56 = arith.constant 50 : i32
    %scan3A_57 = arith.addi %scan3A_55, %scan3A_56 : i32
    %scan3A_58 = arith.constant 1 : i32
    scf.for %scan3A_112 = %scan3A_55 to %scan3A_57 step %scan3A_58  : i32 {
      %mul3A_113 = arith.constant 4 : i32
      %mul3A_114 = arith.muli %scan3A_112, %mul3A_113 : i32
      %add3A_115 = arith.constant 0 : i32
      %add3A_116 = arith.addi %mul3A_114, %add3A_115 : i32
      %get3A = arith.index_cast %add3A_116 : i32 to index
      %get3A_117 = arith.constant 0 : index
      %get3A_118 = tpu.vector_load %arg8[%get3A, %get3A_117] {strides = array<i32>} : memref<200x128xf32, #tpu.memory_space<vmem>>, vector<1x16xf32>,
      %get3A_119 = vector.shape_cast %get3A_118 : vector<1x16xf32> to vector<16xf32>
      %mul3A_120 = arith.constant 11.3137083 : f32
      %mul3A_121 = vector.broadcast %mul3A_120 : f32 to vector<16xf32>
      %mul3A_122 = arith.mulf %get3A_119, %mul3A_121 : vector<16xf32>
      %mul3A_123 = arith.constant 4 : i32
      %mul3A_124 = arith.muli %scan3A_112, %mul3A_123 : i32
      %add3A_125 = arith.constant 0 : i32
      %add3A_126 = arith.addi %mul3A_124, %add3A_125 : i32
      %get3A_127 = arith.index_cast %add3A_126 : i32 to index
      %get3A_128 = arith.constant 0 : index
      %get3A_129 = tpu.vector_load %arg7[%get3A_127, %get3A_128] {strides = array<i32>} : memref<200x128xf32, #tpu.memory_space<vmem>>, vector<1x16xf32>,
      %get3A_130 = vector.shape_cast %get3A_129 : vector<1x16xf32> to vector<16xf32>
      %add3A_131 = arith.addf %mul3A_122, %get3A_130 : vector<16xf32>
      %mul3A_132 = arith.constant 4 : i32
      %mul3A_133 = arith.muli %scan3A_112, %mul3A_132 : i32
      %add3A_134 = arith.constant 0 : i32
      %add3A_135 = arith.addi %mul3A_133, %add3A_134 : i32
      %swap3A = arith.index_cast %add3A_135 : i32 to index
      %swap3A_136 = arith.constant 0 : index
      %swap3A_137 = tpu.vector_load %arg8[%swap3A, %swap3A_136] {strides = array<i32>} : memref<200x128xf32, #tpu.memory_space<vmem>>, vector<1x16xf32>,
      %swap3A_138 = vector.shape_cast %swap3A_137 : vector<1x16xf32> to vector<16xf32>
      %swap3A_139 = vector.shape_cast %add3A_131 : vector<16xf32> to vector<1x16xf32>
      tpu.vector_store %arg8[%swap3A, %swap3A_136], %swap3A_139 {strides = array<i32>} : memref<200x128xf32, #tpu.memory_space<vmem>>, vector<1x16xf32>,
      %mul3A_140 = arith.constant 4 : i32
      %mul3A_141 = arith.muli %scan3A_112, %mul3A_140 : i32
      %add3A_142 = arith.constant 0 : i32
      %add3A_143 = arith.addi %mul3A_141, %add3A_142 : i32
      %get3A_144 = arith.index_cast %add3A_143 : i32 to index
      %get3A_145 = arith.constant 16 : index
      %get3A_146 = tpu.vector_load %arg8[%get3A_144, %get3A_145] {strides = array<i32>} : memref<200x128xf32, #tpu.memory_space<vmem>>, vector<1x16xf32>,
      %get3A_147 = vector.shape_cast %get3A_146 : vector<1x16xf32> to vector<16xf32>
      %mul3A_148 = arith.constant 11.3137083 : f32
      %mul3A_149 = vector.broadcast %mul3A_148 : f32 to vector<16xf32>
      %mul3A_150 = arith.mulf %get3A_147, %mul3A_149 : vector<16xf32>
      %mul3A_151 = arith.constant 4 : i32
      %mul3A_152 = arith.muli %scan3A_112, %mul3A_151 : i32
      %add3A_153 = arith.constant 0 : i32
      %add3A_154 = arith.addi %mul3A_152, %add3A_153 : i32
      %get3A_155 = arith.index_cast %add3A_154 : i32 to index
      %get3A_156 = arith.constant 16 : index
      %get3A_157 = tpu.vector_load %arg7[%get3A_155, %get3A_156] {strides = array<i32>} : memref<200x128xf32, #tpu.memory_space<vmem>>, vector<1x16xf32>,
      %get3A_158 = vector.shape_cast %get3A_157 : vector<1x16xf32> to vector<16xf32>
      %add3A_159 = arith.addf %mul3A_150, %get3A_158 : vector<16xf32>
      %mul3A_160 = arith.constant 4 : i32
      %mul3A_161 = arith.muli %scan3A_112, %mul3A_160 : i32
      %add3A_162 = arith.constant 0 : i32
      %add3A_163 = arith.addi %mul3A_161, %add3A_162 : i32
      %swap3A_164 = arith.index_cast %add3A_163 : i32 to index
      %swap3A_165 = arith.constant 16 : index
      %swap3A_166 = tpu.vector_load %arg8[%swap3A_164, %swap3A_165] {strides = array<i32>} : memref<200x128xf32, #tpu.memory_space<vmem>>, vector<1x16xf32>,
      %swap3A_167 = vector.shape_cast %swap3A_166 : vector<1x16xf32> to vector<16xf32>
      %swap3A_168 = vector.shape_cast %add3A_159 : vector<16xf32> to vector<1x16xf32>
      tpu.vector_store %arg8[%swap3A_164, %swap3A_165], %swap3A_168 {strides = array<i32>} : memref<200x128xf32, #tpu.memory_space<vmem>>, vector<1x16xf32>,
      %mul3A_169 = arith.constant 4 : i32
      %mul3A_170 = arith.muli %scan3A_112, %mul3A_169 : i32
      %add3A_171 = arith.constant 0 : i32
      %add3A_172 = arith.addi %mul3A_170, %add3A_171 : i32
      %get3A_173 = arith.index_cast %add3A_172 : i32 to index
      %get3A_174 = arith.constant 32 : index
      %get3A_175 = tpu.vector_load %arg8[%get3A_173, %get3A_174] {strides = array<i32>} : memref<200x128xf32, #tpu.memory_space<vmem>>, vector<1x16xf32>,
      %get3A_176 = vector.shape_cast %get3A_175 : vector<1x16xf32> to vector<16xf32>
      %mul3A_177 = arith.constant 11.3137083 : f32
      %mul3A_178 = vector.broadcast %mul3A_177 : f32 to vector<16xf32>
      %mul3A_179 = arith.mulf %get3A_176, %mul3A_178 : vector<16xf32>
      %mul3A_180 = arith.constant 4 : i32
      %mul3A_181 = arith.muli %scan3A_112, %mul3A_180 : i32
      %add3A_182 = arith.constant 0 : i32
      %add3A_183 = arith.addi %mul3A_181, %add3A_182 : i32
      %get3A_184 = arith.index_cast %add3A_183 : i32 to index
      %get3A_185 = arith.constant 32 : index
      %get3A_186 = tpu.vector_load %arg7[%get3A_184, %get3A_185] {strides = array<i32>} : memref<200x128xf32, #tpu.memory_space<vmem>>, vector<1x16xf32>,
      %get3A_187 = vector.shape_cast %get3A_186 : vector<1x16xf32> to vector<16xf32>
      %add3A_188 = arith.addf %mul3A_179, %get3A_187 : vector<16xf32>
      %mul3A_189 = arith.constant 4 : i32
      %mul3A_190 = arith.muli %scan3A_112, %mul3A_189 : i32
      %add3A_191 = arith.constant 0 : i32
      %add3A_192 = arith.addi %mul3A_190, %add3A_191 : i32
      %swap3A_193 = arith.index_cast %add3A_192 : i32 to index
      %swap3A_194 = arith.constant 32 : index
      %swap3A_195 = tpu.vector_load %arg8[%swap3A_193, %swap3A_194] {strides = array<i32>} : memref<200x128xf32, #tpu.memory_space<vmem>>, vector<1x16xf32>,
      %swap3A_196 = vector.shape_cast %swap3A_195 : vector<1x16xf32> to vector<16xf32>
      %swap3A_197 = vector.shape_cast %add3A_188 : vector<16xf32> to vector<1x16xf32>
      tpu.vector_store %arg8[%swap3A_193, %swap3A_194], %swap3A_197 {strides = array<i32>} : memref<200x128xf32, #tpu.memory_space<vmem>>, vector<1x16xf32>,
      %mul3A_198 = arith.constant 4 : i32
      %mul3A_199 = arith.muli %scan3A_112, %mul3A_198 : i32
      %add3A_200 = arith.constant 0 : i32
      %add3A_201 = arith.addi %mul3A_199, %add3A_200 : i32
      %get3A_202 = arith.index_cast %add3A_201 : i32 to index
      %get3A_203 = arith.constant 48 : index
      %get3A_204 = tpu.vector_load %arg8[%get3A_202, %get3A_203] {strides = array<i32>} : memref<200x128xf32, #tpu.memory_space<vmem>>, vector<1x16xf32>,
      %get3A_205 = vector.shape_cast %get3A_204 : vector<1x16xf32> to vector<16xf32>
      %mul3A_206 = arith.constant 11.3137083 : f32
      %mul3A_207 = vector.broadcast %mul3A_206 : f32 to vector<16xf32>
      %mul3A_208 = arith.mulf %get3A_205, %mul3A_207 : vector<16xf32>
      %mul3A_209 = arith.constant 4 : i32
      %mul3A_210 = arith.muli %scan3A_112, %mul3A_209 : i32
      %add3A_211 = arith.constant 0 : i32
      %add3A_212 = arith.addi %mul3A_210, %add3A_211 : i32
      %get3A_213 = arith.index_cast %add3A_212 : i32 to index
      %get3A_214 = arith.constant 48 : index
      %get3A_215 = tpu.vector_load %arg7[%get3A_213, %get3A_214] {strides = array<i32>} : memref<200x128xf32, #tpu.memory_space<vmem>>, vector<1x16xf32>,
      %get3A_216 = vector.shape_cast %get3A_215 : vector<1x16xf32> to vector<16xf32>
      %add3A_217 = arith.addf %mul3A_208, %get3A_216 : vector<16xf32>
      %mul3A_218 = arith.constant 4 : i32
      %mul3A_219 = arith.muli %scan3A_112, %mul3A_218 : i32
      %add3A_220 = arith.constant 0 : i32
      %add3A_221 = arith.addi %mul3A_219, %add3A_220 : i32
      %swap3A_222 = arith.index_cast %add3A_221 : i32 to index
      %swap3A_223 = arith.constant 48 : index
      %swap3A_224 = tpu.vector_load %arg8[%swap3A_222, %swap3A_223] {strides = array<i32>} : memref<200x128xf32, #tpu.memory_space<vmem>>, vector<1x16xf32>,
      %swap3A_225 = vector.shape_cast %swap3A_224 : vector<1x16xf32> to vector<16xf32>
      %swap3A_226 = vector.shape_cast %add3A_217 : vector<16xf32> to vector<1x16xf32>
      tpu.vector_store %arg8[%swap3A_222, %swap3A_223], %swap3A_226 {strides = array<i32>} : memref<200x128xf32, #tpu.memory_space<vmem>>, vector<1x16xf32>,
      %mul3A_227 = arith.constant 4 : i32
      %mul3A_228 = arith.muli %scan3A_112, %mul3A_227 : i32
      %add3A_229 = arith.constant 0 : i32
      %add3A_230 = arith.addi %mul3A_228, %add3A_229 : i32
      %get3A_231 = arith.index_cast %add3A_230 : i32 to index
      %get3A_232 = arith.constant 64 : index
      %get3A_233 = tpu.vector_load %arg8[%get3A_231, %get3A_232] {strides = array<i32>} : memref<200x128xf32, #tpu.memory_space<vmem>>, vector<1x16xf32>,
      %get3A_234 = vector.shape_cast %get3A_233 : vector<1x16xf32> to vector<16xf32>
      %mul3A_235 = arith.constant 11.3137083 : f32
      %mul3A_236 = vector.broadcast %mul3A_235 : f32 to vector<16xf32>
      %mul3A_237 = arith.mulf %get3A_234, %mul3A_236 : vector<16xf32>
      %mul3A_238 = arith.constant 4 : i32
      %mul3A_239 = arith.muli %scan3A_112, %mul3A_238 : i32
      %add3A_240 = arith.constant 0 : i32
      %add3A_241 = arith.addi %mul3A_239, %add3A_240 : i32
      %get3A_242 = arith.index_cast %add3A_241 : i32 to index
      %get3A_243 = arith.constant 64 : index
      %get3A_244 = tpu.vector_load %arg7[%get3A_242, %get3A_243] {strides = array<i32>} : memref<200x128xf32, #tpu.memory_space<vmem>>, vector<1x16xf32>,
      %get3A_245 = vector.shape_cast %get3A_244 : vector<1x16xf32> to vector<16xf32>
      %add3A_246 = arith.addf %mul3A_237, %get3A_245 : vector<16xf32>
      %mul3A_247 = arith.constant 4 : i32
      %mul3A_248 = arith.muli %scan3A_112, %mul3A_247 : i32
      %add3A_249 = arith.constant 0 : i32
      %add3A_250 = arith.addi %mul3A_248, %add3A_249 : i32
      %swap3A_251 = arith.index_cast %add3A_250 : i32 to index
      %swap3A_252 = arith.constant 64 : index
      %swap3A_253 = tpu.vector_load %arg8[%swap3A_251, %swap3A_252] {strides = array<i32>} : memref<200x128xf32, #tpu.memory_space<vmem>>, vector<1x16xf32>,
      %swap3A_254 = vector.shape_cast %swap3A_253 : vector<1x16xf32> to vector<16xf32>
      %swap3A_255 = vector.shape_cast %add3A_246 : vector<16xf32> to vector<1x16xf32>
      tpu.vector_store %arg8[%swap3A_251, %swap3A_252], %swap3A_255 {strides = array<i32>} : memref<200x128xf32, #tpu.memory_space<vmem>>, vector<1x16xf32>,
      %mul3A_256 = arith.constant 4 : i32
      %mul3A_257 = arith.muli %scan3A_112, %mul3A_256 : i32
      %add3A_258 = arith.constant 0 : i32
      %add3A_259 = arith.addi %mul3A_257, %add3A_258 : i32
      %get3A_260 = arith.index_cast %add3A_259 : i32 to index
      %get3A_261 = arith.constant 80 : index
      %get3A_262 = tpu.vector_load %arg8[%get3A_260, %get3A_261] {strides = array<i32>} : memref<200x128xf32, #tpu.memory_space<vmem>>, vector<1x16xf32>,
      %get3A_263 = vector.shape_cast %get3A_262 : vector<1x16xf32> to vector<16xf32>
      %mul3A_264 = arith.constant 11.3137083 : f32
      %mul3A_265 = vector.broadcast %mul3A_264 : f32 to vector<16xf32>
      %mul3A_266 = arith.mulf %get3A_263, %mul3A_265 : vector<16xf32>
      %mul3A_267 = arith.constant 4 : i32
      %mul3A_268 = arith.muli %scan3A_112, %mul3A_267 : i32
      %add3A_269 = arith.constant 0 : i32
      %add3A_270 = arith.addi %mul3A_268, %add3A_269 : i32
      %get3A_271 = arith.index_cast %add3A_270 : i32 to index
      %get3A_272 = arith.constant 80 : index
      %get3A_273 = tpu.vector_load %arg7[%get3A_271, %get3A_272] {strides = array<i32>} : memref<200x128xf32, #tpu.memory_space<vmem>>, vector<1x16xf32>,
      %get3A_274 = vector.shape_cast %get3A_273 : vector<1x16xf32> to vector<16xf32>
      %add3A_275 = arith.addf %mul3A_266, %get3A_274 : vector<16xf32>
      %mul3A_276 = arith.constant 4 : i32
      %mul3A_277 = arith.muli %scan3A_112, %mul3A_276 : i32
      %add3A_278 = arith.constant 0 : i32
      %add3A_279 = arith.addi %mul3A_277, %add3A_278 : i32
      %swap3A_280 = arith.index_cast %add3A_279 : i32 to index
      %swap3A_281 = arith.constant 80 : index
      %swap3A_282 = tpu.vector_load %arg8[%swap3A_280, %swap3A_281] {strides = array<i32>} : memref<200x128xf32, #tpu.memory_space<vmem>>, vector<1x16xf32>,
      %swap3A_283 = vector.shape_cast %swap3A_282 : vector<1x16xf32> to vector<16xf32>
      %swap3A_284 = vector.shape_cast %add3A_275 : vector<16xf32> to vector<1x16xf32>
      tpu.vector_store %arg8[%swap3A_280, %swap3A_281], %swap3A_284 {strides = array<i32>} : memref<200x128xf32, #tpu.memory_space<vmem>>, vector<1x16xf32>,
      %mul3A_285 = arith.constant 4 : i32
      %mul3A_286 = arith.muli %scan3A_112, %mul3A_285 : i32
      %add3A_287 = arith.constant 0 : i32
      %add3A_288 = arith.addi %mul3A_286, %add3A_287 : i32
      %get3A_289 = arith.index_cast %add3A_288 : i32 to index
      %get3A_290 = arith.constant 96 : index
      %get3A_291 = tpu.vector_load %arg8[%get3A_289, %get3A_290] {strides = array<i32>} : memref<200x128xf32, #tpu.memory_space<vmem>>, vector<1x16xf32>,
      %get3A_292 = vector.shape_cast %get3A_291 : vector<1x16xf32> to vector<16xf32>
      %mul3A_293 = arith.constant 11.3137083 : f32
      %mul3A_294 = vector.broadcast %mul3A_293 : f32 to vector<16xf32>
      %mul3A_295 = arith.mulf %get3A_292, %mul3A_294 : vector<16xf32>
      %mul3A_296 = arith.constant 4 : i32
      %mul3A_297 = arith.muli %scan3A_112, %mul3A_296 : i32
      %add3A_298 = arith.constant 0 : i32
      %add3A_299 = arith.addi %mul3A_297, %add3A_298 : i32
      %get3A_300 = arith.index_cast %add3A_299 : i32 to index
      %get3A_301 = arith.constant 96 : index
      %get3A_302 = tpu.vector_load %arg7[%get3A_300, %get3A_301] {strides = array<i32>} : memref<200x128xf32, #tpu.memory_space<vmem>>, vector<1x16xf32>,
      %get3A_303 = vector.shape_cast %get3A_302 : vector<1x16xf32> to vector<16xf32>
      %add3A_304 = arith.addf %mul3A_295, %get3A_303 : vector<16xf32>
      %mul3A_305 = arith.constant 4 : i32
      %mul3A_306 = arith.muli %scan3A_112, %mul3A_305 : i32
      %add3A_307 = arith.constant 0 : i32
      %add3A_308 = arith.addi %mul3A_306, %add3A_307 : i32
      %swap3A_309 = arith.index_cast %add3A_308 : i32 to index
      %swap3A_310 = arith.constant 96 : index
      %swap3A_311 = tpu.vector_load %arg8[%swap3A_309, %swap3A_310] {strides = array<i32>} : memref<200x128xf32, #tpu.memory_space<vmem>>, vector<1x16xf32>,
      %swap3A_312 = vector.shape_cast %swap3A_311 : vector<1x16xf32> to vector<16xf32>
      %swap3A_313 = vector.shape_cast %add3A_304 : vector<16xf32> to vector<1x16xf32>
      tpu.vector_store %arg8[%swap3A_309, %swap3A_310], %swap3A_313 {strides = array<i32>} : memref<200x128xf32, #tpu.memory_space<vmem>>, vector<1x16xf32>,
      %mul3A_314 = arith.constant 4 : i32
      %mul3A_315 = arith.muli %scan3A_112, %mul3A_314 : i32
      %add3A_316 = arith.constant 0 : i32
      %add3A_317 = arith.addi %mul3A_315, %add3A_316 : i32
      %get3A_318 = arith.index_cast %add3A_317 : i32 to index
      %get3A_319 = arith.constant 112 : index
      %get3A_320 = tpu.vector_load %arg8[%get3A_318, %get3A_319] {strides = array<i32>} : memref<200x128xf32, #tpu.memory_space<vmem>>, vector<1x16xf32>,
      %get3A_321 = vector.shape_cast %get3A_320 : vector<1x16xf32> to vector<16xf32>
      %mul3A_322 = arith.constant 11.3137083 : f32
      %mul3A_323 = vector.broadcast %mul3A_322 : f32 to vector<16xf32>
      %mul3A_324 = arith.mulf %get3A_321, %mul3A_323 : vector<16xf32>
      %mul3A_325 = arith.constant 4 : i32
      %mul3A_326 = arith.muli %scan3A_112, %mul3A_325 : i32
      %add3A_327 = arith.constant 0 : i32
      %add3A_328 = arith.addi %mul3A_326, %add3A_327 : i32
      %get3A_329 = arith.index_cast %add3A_328 : i32 to index
      %get3A_330 = arith.constant 112 : index
      %get3A_331 = tpu.vector_load %arg7[%get3A_329, %get3A_330] {strides = array<i32>} : memref<200x128xf32, #tpu.memory_space<vmem>>, vector<1x16xf32>,
      %get3A_332 = vector.shape_cast %get3A_331 : vector<1x16xf32> to vector<16xf32>
      %add3A_333 = arith.addf %mul3A_324, %get3A_332 : vector<16xf32>
      %mul3A_334 = arith.constant 4 : i32
      %mul3A_335 = arith.muli %scan3A_112, %mul3A_334 : i32
      %add3A_336 = arith.constant 0 : i32
      %add3A_337 = arith.addi %mul3A_335, %add3A_336 : i32
      %swap3A_338 = arith.index_cast %add3A_337 : i32 to index
      %swap3A_339 = arith.constant 112 : index
      %swap3A_340 = tpu.vector_load %arg8[%swap3A_338, %swap3A_339] {strides = array<i32>} : memref<200x128xf32, #tpu.memory_space<vmem>>, vector<1x16xf32>,
      %swap3A_341 = vector.shape_cast %swap3A_340 : vector<1x16xf32> to vector<16xf32>
      %swap3A_342 = vector.shape_cast %add3A_333 : vector<16xf32> to vector<1x16xf32>
      tpu.vector_store %arg8[%swap3A_338, %swap3A_339], %swap3A_342 {strides = array<i32>} : memref<200x128xf32, #tpu.memory_space<vmem>>, vector<1x16xf32>,
      %mul3A_343 = arith.constant 4 : i32
      %mul3A_344 = arith.muli %scan3A_112, %mul3A_343 : i32
      %add3A_345 = arith.constant 1 : i32
      %add3A_346 = arith.addi %mul3A_344, %add3A_345 : i32
      %get3A_347 = arith.index_cast %add3A_346 : i32 to index
      %get3A_348 = arith.constant 0 : index
      %get3A_349 = tpu.vector_load %arg8[%get3A_347, %get3A_348] {strides = array<i32>} : memref<200x128xf32, #tpu.memory_space<vmem>>, vector<1x16xf32>,
      %get3A_350 = vector.shape_cast %get3A_349 : vector<1x16xf32> to vector<16xf32>
      %mul3A_351 = arith.constant 11.3137083 : f32
      %mul3A_352 = vector.broadcast %mul3A_351 : f32 to vector<16xf32>
      %mul3A_353 = arith.mulf %get3A_350, %mul3A_352 : vector<16xf32>
      %mul3A_354 = arith.constant 4 : i32
      %mul3A_355 = arith.muli %scan3A_112, %mul3A_354 : i32
      %add3A_356 = arith.constant 1 : i32
      %add3A_357 = arith.addi %mul3A_355, %add3A_356 : i32
      %get3A_358 = arith.index_cast %add3A_357 : i32 to index
      %get3A_359 = arith.constant 0 : index
      %get3A_360 = tpu.vector_load %arg7[%get3A_358, %get3A_359] {strides = array<i32>} : memref<200x128xf32, #tpu.memory_space<vmem>>, vector<1x16xf32>,
      %get3A_361 = vector.shape_cast %get3A_360 : vector<1x16xf32> to vector<16xf32>
      %add3A_362 = arith.addf %mul3A_353, %get3A_361 : vector<16xf32>
      %mul3A_363 = arith.constant 4 : i32
      %mul3A_364 = arith.muli %scan3A_112, %mul3A_363 : i32
      %add3A_365 = arith.constant 1 : i32
      %add3A_366 = arith.addi %mul3A_364, %add3A_365 : i32
      %swap3A_367 = arith.index_cast %add3A_366 : i32 to index
      %swap3A_368 = arith.constant 0 : index
      %swap3A_369 = tpu.vector_load %arg8[%swap3A_367, %swap3A_368] {strides = array<i32>} : memref<200x128xf32, #tpu.memory_space<vmem>>, vector<1x16xf32>,
      %swap3A_370 = vector.shape_cast %swap3A_369 : vector<1x16xf32> to vector<16xf32>
      %swap3A_371 = vector.shape_cast %add3A_362 : vector<16xf32> to vector<1x16xf32>
      tpu.vector_store %arg8[%swap3A_367, %swap3A_368], %swap3A_371 {strides = array<i32>} : memref<200x128xf32, #tpu.memory_space<vmem>>, vector<1x16xf32>,
      %mul3A_372 = arith.constant 4 : i32
      %mul3A_373 = arith.muli %scan3A_112, %mul3A_372 : i32
      %add3A_374 = arith.constant 1 : i32
      %add3A_375 = arith.addi %mul3A_373, %add3A_374 : i32
      %get3A_376 = arith.index_cast %add3A_375 : i32 to index
      %get3A_377 = arith.constant 16 : index
      %get3A_378 = tpu.vector_load %arg8[%get3A_376, %get3A_377] {strides = array<i32>} : memref<200x128xf32, #tpu.memory_space<vmem>>, vector<1x16xf32>,
      %get3A_379 = vector.shape_cast %get3A_378 : vector<1x16xf32> to vector<16xf32>
      %mul3A_380 = arith.constant 11.3137083 : f32
      %mul3A_381 = vector.broadcast %mul3A_380 : f32 to vector<16xf32>
      %mul3A_382 = arith.mulf %get3A_379, %mul3A_381 : vector<16xf32>
      %mul3A_383 = arith.constant 4 : i32
      %mul3A_384 = arith.muli %scan3A_112, %mul3A_383 : i32
      %add3A_385 = arith.constant 1 : i32
      %add3A_386 = arith.addi %mul3A_384, %add3A_385 : i32
      %get3A_387 = arith.index_cast %add3A_386 : i32 to index
      %get3A_388 = arith.constant 16 : index
      %get3A_389 = tpu.vector_load %arg7[%get3A_387, %get3A_388] {strides = array<i32>} : memref<200x128xf32, #tpu.memory_space<vmem>>, vector<1x16xf32>,
      %get3A_390 = vector.shape_cast %get3A_389 : vector<1x16xf32> to vector<16xf32>
      %add3A_391 = arith.addf %mul3A_382, %get3A_390 : vector<16xf32>
      %mul3A_392 = arith.constant 4 : i32
      %mul3A_393 = arith.muli %scan3A_112, %mul3A_392 : i32
      %add3A_394 = arith.constant 1 : i32
      %add3A_395 = arith.addi %mul3A_393, %add3A_394 : i32
      %swap3A_396 = arith.index_cast %add3A_395 : i32 to index
      %swap3A_397 = arith.constant 16 : index
      %swap3A_398 = tpu.vector_load %arg8[%swap3A_396, %swap3A_397] {strides = array<i32>} : memref<200x128xf32, #tpu.memory_space<vmem>>, vector<1x16xf32>,
      %swap3A_399 = vector.shape_cast %swap3A_398 : vector<1x16xf32> to vector<16xf32>
      %swap3A_400 = vector.shape_cast %add3A_391 : vector<16xf32> to vector<1x16xf32>
      tpu.vector_store %arg8[%swap3A_396, %swap3A_397], %swap3A_400 {strides = array<i32>} : memref<200x128xf32, #tpu.memory_space<vmem>>, vector<1x16xf32>,
      %mul3A_401 = arith.constant 4 : i32
      %mul3A_402 = arith.muli %scan3A_112, %mul3A_401 : i32
      %add3A_403 = arith.constant 1 : i32
      %add3A_404 = arith.addi %mul3A_402, %add3A_403 : i32
      %get3A_405 = arith.index_cast %add3A_404 : i32 to index
      %get3A_406 = arith.constant 32 : index
      %get3A_407 = tpu.vector_load %arg8[%get3A_405, %get3A_406] {strides = array<i32>} : memref<200x128xf32, #tpu.memory_space<vmem>>, vector<1x16xf32>,
      %get3A_408 = vector.shape_cast %get3A_407 : vector<1x16xf32> to vector<16xf32>
      %mul3A_409 = arith.constant 11.3137083 : f32
      %mul3A_410 = vector.broadcast %mul3A_409 : f32 to vector<16xf32>
      %mul3A_411 = arith.mulf %get3A_408, %mul3A_410 : vector<16xf32>
      %mul3A_412 = arith.constant 4 : i32
      %mul3A_413 = arith.muli %scan3A_112, %mul3A_412 : i32
      %add3A_414 = arith.constant 1 : i32
      %add3A_415 = arith.addi %mul3A_413, %add3A_414 : i32
      %get3A_416 = arith.index_cast %add3A_415 : i32 to index
      %get3A_417 = arith.constant 32 : index
      %get3A_418 = tpu.vector_load %arg7[%get3A_416, %get3A_417] {strides = array<i32>} : memref<200x128xf32, #tpu.memory_space<vmem>>, vector<1x16xf32>,
      %get3A_419 = vector.shape_cast %get3A_418 : vector<1x16xf32> to vector<16xf32>
      %add3A_420 = arith.addf %mul3A_411, %get3A_419 : vector<16xf32>
      %mul3A_421 = arith.constant 4 : i32
      %mul3A_422 = arith.muli %scan3A_112, %mul3A_421 : i32
      %add3A_423 = arith.constant 1 : i32
      %add3A_424 = arith.addi %mul3A_422, %add3A_423 : i32
      %swap3A_425 = arith.index_cast %add3A_424 : i32 to index
      %swap3A_426 = arith.constant 32 : index
      %swap3A_427 = tpu.vector_load %arg8[%swap3A_425, %swap3A_426] {strides = array<i32>} : memref<200x128xf32, #tpu.memory_space<vmem>>, vector<1x16xf32>,
      %swap3A_428 = vector.shape_cast %swap3A_427 : vector<1x16xf32> to vector<16xf32>
      %swap3A_429 = vector.shape_cast %add3A_420 : vector<16xf32> to vector<1x16xf32>
      tpu.vector_store %arg8[%swap3A_425, %swap3A_426], %swap3A_429 {strides = array<i32>} : memref<200x128xf32, #tpu.memory_space<vmem>>, vector<1x16xf32>,
      %mul3A_430 = arith.constant 4 : i32
      %mul3A_431 = arith.muli %scan3A_112, %mul3A_430 : i32
      %add3A_432 = arith.constant 1 : i32
      %add3A_433 = arith.addi %mul3A_431, %add3A_432 : i32
      %get3A_434 = arith.index_cast %add3A_433 : i32 to index
      %get3A_435 = arith.constant 48 : index
      %get3A_436 = tpu.vector_load %arg8[%get3A_434, %get3A_435] {strides = array<i32>} : memref<200x128xf32, #tpu.memory_space<vmem>>, vector<1x16xf32>,
      %get3A_437 = vector.shape_cast %get3A_436 : vector<1x16xf32> to vector<16xf32>
      %mul3A_438 = arith.constant 11.3137083 : f32
      %mul3A_439 = vector.broadcast %mul3A_438 : f32 to vector<16xf32>
      %mul3A_440 = arith.mulf %get3A_437, %mul3A_439 : vector<16xf32>
      %mul3A_441 = arith.constant 4 : i32
      %mul3A_442 = arith.muli %scan3A_112, %mul3A_441 : i32
      %add3A_443 = arith.constant 1 : i32
      %add3A_444 = arith.addi %mul3A_442, %add3A_443 : i32
      %get3A_445 = arith.index_cast %add3A_444 : i32 to index
      %get3A_446 = arith.constant 48 : index
      %get3A_447 = tpu.vector_load %arg7[%get3A_445, %get3A_446] {strides = array<i32>} : memref<200x128xf32, #tpu.memory_space<vmem>>, vector<1x16xf32>,
      %get3A_448 = vector.shape_cast %get3A_447 : vector<1x16xf32> to vector<16xf32>
      %add3A_449 = arith.addf %mul3A_440, %get3A_448 : vector<16xf32>
      %mul3A_450 = arith.constant 4 : i32
      %mul3A_451 = arith.muli %scan3A_112, %mul3A_450 : i32
      %add3A_452 = arith.constant 1 : i32
      %add3A_453 = arith.addi %mul3A_451, %add3A_452 : i32
      %swap3A_454 = arith.index_cast %add3A_453 : i32 to index
      %swap3A_455 = arith.constant 48 : index
      %swap3A_456 = tpu.vector_load %arg8[%swap3A_454, %swap3A_455] {strides = array<i32>} : memref<200x128xf32, #tpu.memory_space<vmem>>, vector<1x16xf32>,
      %swap3A_457 = vector.shape_cast %swap3A_456 : vector<1x16xf32> to vector<16xf32>
      %swap3A_458 = vector.shape_cast %add3A_449 : vector<16xf32> to vector<1x16xf32>
      tpu.vector_store %arg8[%swap3A_454, %swap3A_455], %swap3A_458 {strides = array<i32>} : memref<200x128xf32, #tpu.memory_space<vmem>>, vector<1x16xf32>,
      %mul3A_459 = arith.constant 4 : i32
      %mul3A_460 = arith.muli %scan3A_112, %mul3A_459 : i32
      %add3A_461 = arith.constant 1 : i32
      %add3A_462 = arith.addi %mul3A_460, %add3A_461 : i32
      %get3A_463 = arith.index_cast %add3A_462 : i32 to index
      %get3A_464 = arith.constant 64 : index
      %get3A_465 = tpu.vector_load %arg8[%get3A_463, %get3A_464] {strides = array<i32>} : memref<200x128xf32, #tpu.memory_space<vmem>>, vector<1x16xf32>,
      %get3A_466 = vector.shape_cast %get3A_465 : vector<1x16xf32> to vector<16xf32>
      %mul3A_467 = arith.constant 11.3137083 : f32
      %mul3A_468 = vector.broadcast %mul3A_467 : f32 to vector<16xf32>
      %mul3A_469 = arith.mulf %get3A_466, %mul3A_468 : vector<16xf32>
      %mul3A_470 = arith.constant 4 : i32
      %mul3A_471 = arith.muli %scan3A_112, %mul3A_470 : i32
      %add3A_472 = arith.constant 1 : i32
      %add3A_473 = arith.addi %mul3A_471, %add3A_472 : i32
      %get3A_474 = arith.index_cast %add3A_473 : i32 to index
      %get3A_475 = arith.constant 64 : index
      %get3A_476 = tpu.vector_load %arg7[%get3A_474, %get3A_475] {strides = array<i32>} : memref<200x128xf32, #tpu.memory_space<vmem>>, vector<1x16xf32>,
      %get3A_477 = vector.shape_cast %get3A_476 : vector<1x16xf32> to vector<16xf32>
      %add3A_478 = arith.addf %mul3A_469, %get3A_477 : vector<16xf32>
      %mul3A_479 = arith.constant 4 : i32
      %mul3A_480 = arith.muli %scan3A_112, %mul3A_479 : i32
      %add3A_481 = arith.constant 1 : i32
      %add3A_482 = arith.addi %mul3A_480, %add3A_481 : i32
      %swap3A_483 = arith.index_cast %add3A_482 : i32 to index
      %swap3A_484 = arith.constant 64 : index
      %swap3A_485 = tpu.vector_load %arg8[%swap3A_483, %swap3A_484] {strides = array<i32>} : memref<200x128xf32, #tpu.memory_space<vmem>>, vector<1x16xf32>,
      %swap3A_486 = vector.shape_cast %swap3A_485 : vector<1x16xf32> to vector<16xf32>
      %swap3A_487 = vector.shape_cast %add3A_478 : vector<16xf32> to vector<1x16xf32>
      tpu.vector_store %arg8[%swap3A_483, %swap3A_484], %swap3A_487 {strides = array<i32>} : memref<200x128xf32, #tpu.memory_space<vmem>>, vector<1x16xf32>,
      %mul3A_488 = arith.constant 4 : i32
      %mul3A_489 = arith.muli %scan3A_112, %mul3A_488 : i32
      %add3A_490 = arith.constant 1 : i32
      %add3A_491 = arith.addi %mul3A_489, %add3A_490 : i32
      %get3A_492 = arith.index_cast %add3A_491 : i32 to index
      %get3A_493 = arith.constant 80 : index
      %get3A_494 = tpu.vector_load %arg8[%get3A_492, %get3A_493] {strides = array<i32>} : memref<200x128xf32, #tpu.memory_space<vmem>>, vector<1x16xf32>,
      %get3A_495 = vector.shape_cast %get3A_494 : vector<1x16xf32> to vector<16xf32>
      %mul3A_496 = arith.constant 11.3137083 : f32
      %mul3A_497 = vector.broadcast %mul3A_496 : f32 to vector<16xf32>
      %mul3A_498 = arith.mulf %get3A_495, %mul3A_497 : vector<16xf32>
      %mul3A_499 = arith.constant 4 : i32
      %mul3A_500 = arith.muli %scan3A_112, %mul3A_499 : i32
      %add3A_501 = arith.constant 1 : i32
      %add3A_502 = arith.addi %mul3A_500, %add3A_501 : i32
      %get3A_503 = arith.index_cast %add3A_502 : i32 to index
      %get3A_504 = arith.constant 80 : index
      %get3A_505 = tpu.vector_load %arg7[%get3A_503, %get3A_504] {strides = array<i32>} : memref<200x128xf32, #tpu.memory_space<vmem>>, vector<1x16xf32>,
      %get3A_506 = vector.shape_cast %get3A_505 : vector<1x16xf32> to vector<16xf32>
      %add3A_507 = arith.addf %mul3A_498, %get3A_506 : vector<16xf32>
      %mul3A_508 = arith.constant 4 : i32
      %mul3A_509 = arith.muli %scan3A_112, %mul3A_508 : i32
      %add3A_510 = arith.constant 1 : i32
      %add3A_511 = arith.addi %mul3A_509, %add3A_510 : i32
      %swap3A_512 = arith.index_cast %add3A_511 : i32 to index
      %swap3A_513 = arith.constant 80 : index
      %swap3A_514 = tpu.vector_load %arg8[%swap3A_512, %swap3A_513] {strides = array<i32>} : memref<200x128xf32, #tpu.memory_space<vmem>>, vector<1x16xf32>,
      %swap3A_515 = vector.shape_cast %swap3A_514 : vector<1x16xf32> to vector<16xf32>
      %swap3A_516 = vector.shape_cast %add3A_507 : vector<16xf32> to vector<1x16xf32>
      tpu.vector_store %arg8[%swap3A_512, %swap3A_513], %swap3A_516 {strides = array<i32>} : memref<200x128xf32, #tpu.memory_space<vmem>>, vector<1x16xf32>,
      %mul3A_517 = arith.constant 4 : i32
      %mul3A_518 = arith.muli %scan3A_112, %mul3A_517 : i32
      %add3A_519 = arith.constant 1 : i32
      %add3A_520 = arith.addi %mul3A_518, %add3A_519 : i32
      %get3A_521 = arith.index_cast %add3A_520 : i32 to index
      %get3A_522 = arith.constant 96 : index
      %get3A_523 = tpu.vector_load %arg8[%get3A_521, %get3A_522] {strides = array<i32>} : memref<200x128xf32, #tpu.memory_space<vmem>>, vector<1x16xf32>,
      %get3A_524 = vector.shape_cast %get3A_523 : vector<1x16xf32> to vector<16xf32>
      %mul3A_525 = arith.constant 11.3137083 : f32
      %mul3A_526 = vector.broadcast %mul3A_525 : f32 to vector<16xf32>
      %mul3A_527 = arith.mulf %get3A_524, %mul3A_526 : vector<16xf32>
      %mul3A_528 = arith.constant 4 : i32
      %mul3A_529 = arith.muli %scan3A_112, %mul3A_528 : i32
      %add3A_530 = arith.constant 1 : i32
      %add3A_531 = arith.addi %mul3A_529, %add3A_530 : i32
      %get3A_532 = arith.index_cast %add3A_531 : i32 to index
      %get3A_533 = arith.constant 96 : index
      %get3A_534 = tpu.vector_load %arg7[%get3A_532, %get3A_533] {strides = array<i32>} : memref<200x128xf32, #tpu.memory_space<vmem>>, vector<1x16xf32>,
      %get3A_535 = vector.shape_cast %get3A_534 : vector<1x16xf32> to vector<16xf32>
      %add3A_536 = arith.addf %mul3A_527, %get3A_535 : vector<16xf32>
      %mul3A_537 = arith.constant 4 : i32
      %mul3A_538 = arith.muli %scan3A_112, %mul3A_537 : i32
      %add3A_539 = arith.constant 1 : i32
      %add3A_540 = arith.addi %mul3A_538, %add3A_539 : i32
      %swap3A_541 = arith.index_cast %add3A_540 : i32 to index
      %swap3A_542 = arith.constant 96 : index
      %swap3A_543 = tpu.vector_load %arg8[%swap3A_541, %swap3A_542] {strides = array<i32>} : memref<200x128xf32, #tpu.memory_space<vmem>>, vector<1x16xf32>,
      %swap3A_544 = vector.shape_cast %swap3A_543 : vector<1x16xf32> to vector<16xf32>
      %swap3A_545 = vector.shape_cast %add3A_536 : vector<16xf32> to vector<1x16xf32>
      tpu.vector_store %arg8[%swap3A_541, %swap3A_542], %swap3A_545 {strides = array<i32>} : memref<200x128xf32, #tpu.memory_space<vmem>>, vector<1x16xf32>,
      %mul3A_546 = arith.constant 4 : i32
      %mul3A_547 = arith.muli %scan3A_112, %mul3A_546 : i32
      %add3A_548 = arith.constant 1 : i32
      %add3A_549 = arith.addi %mul3A_547, %add3A_548 : i32
      %get3A_550 = arith.index_cast %add3A_549 : i32 to index
      %get3A_551 = arith.constant 112 : index
      %get3A_552 = tpu.vector_load %arg8[%get3A_550, %get3A_551] {strides = array<i32>} : memref<200x128xf32, #tpu.memory_space<vmem>>, vector<1x16xf32>,
      %get3A_553 = vector.shape_cast %get3A_552 : vector<1x16xf32> to vector<16xf32>
      %mul3A_554 = arith.constant 11.3137083 : f32
      %mul3A_555 = vector.broadcast %mul3A_554 : f32 to vector<16xf32>
      %mul3A_556 = arith.mulf %get3A_553, %mul3A_555 : vector<16xf32>
      %mul3A_557 = arith.constant 4 : i32
      %mul3A_558 = arith.muli %scan3A_112, %mul3A_557 : i32
      %add3A_559 = arith.constant 1 : i32
      %add3A_560 = arith.addi %mul3A_558, %add3A_559 : i32
      %get3A_561 = arith.index_cast %add3A_560 : i32 to index
      %get3A_562 = arith.constant 112 : index
      %get3A_563 = tpu.vector_load %arg7[%get3A_561, %get3A_562] {strides = array<i32>} : memref<200x128xf32, #tpu.memory_space<vmem>>, vector<1x16xf32>,
      %get3A_564 = vector.shape_cast %get3A_563 : vector<1x16xf32> to vector<16xf32>
      %add3A_565 = arith.addf %mul3A_556, %get3A_564 : vector<16xf32>
      %mul3A_566 = arith.constant 4 : i32
      %mul3A_567 = arith.muli %scan3A_112, %mul3A_566 : i32
      %add3A_568 = arith.constant 1 : i32
      %add3A_569 = arith.addi %mul3A_567, %add3A_568 : i32
      %swap3A_570 = arith.index_cast %add3A_569 : i32 to index
      %swap3A_571 = arith.constant 112 : index
      %swap3A_572 = tpu.vector_load %arg8[%swap3A_570, %swap3A_571] {strides = array<i32>} : memref<200x128xf32, #tpu.memory_space<vmem>>, vector<1x16xf32>,
      %swap3A_573 = vector.shape_cast %swap3A_572 : vector<1x16xf32> to vector<16xf32>
      %swap3A_574 = vector.shape_cast %add3A_565 : vector<16xf32> to vector<1x16xf32>
      tpu.vector_store %arg8[%swap3A_570, %swap3A_571], %swap3A_574 {strides = array<i32>} : memref<200x128xf32, #tpu.memory_space<vmem>>, vector<1x16xf32>,
      %mul3A_575 = arith.constant 4 : i32
      %mul3A_576 = arith.muli %scan3A_112, %mul3A_575 : i32
      %add3A_577 = arith.constant 2 : i32
      %add3A_578 = arith.addi %mul3A_576, %add3A_577 : i32
      %get3A_579 = arith.index_cast %add3A_578 : i32 to index
      %get3A_580 = arith.constant 0 : index
      %get3A_581 = tpu.vector_load %arg8[%get3A_579, %get3A_580] {strides = array<i32>} : memref<200x128xf32, #tpu.memory_space<vmem>>, vector<1x16xf32>,
      %get3A_582 = vector.shape_cast %get3A_581 : vector<1x16xf32> to vector<16xf32>
      %mul3A_583 = arith.constant 11.3137083 : f32
      %mul3A_584 = vector.broadcast %mul3A_583 : f32 to vector<16xf32>
      %mul3A_585 = arith.mulf %get3A_582, %mul3A_584 : vector<16xf32>
      %mul3A_586 = arith.constant 4 : i32
      %mul3A_587 = arith.muli %scan3A_112, %mul3A_586 : i32
      %add3A_588 = arith.constant 2 : i32
      %add3A_589 = arith.addi %mul3A_587, %add3A_588 : i32
      %get3A_590 = arith.index_cast %add3A_589 : i32 to index
      %get3A_591 = arith.constant 0 : index
      %get3A_592 = tpu.vector_load %arg7[%get3A_590, %get3A_591] {strides = array<i32>} : memref<200x128xf32, #tpu.memory_space<vmem>>, vector<1x16xf32>,
      %get3A_593 = vector.shape_cast %get3A_592 : vector<1x16xf32> to vector<16xf32>
      %add3A_594 = arith.addf %mul3A_585, %get3A_593 : vector<16xf32>
      %mul3A_595 = arith.constant 4 : i32
      %mul3A_596 = arith.muli %scan3A_112, %mul3A_595 : i32
      %add3A_597 = arith.constant 2 : i32
      %add3A_598 = arith.addi %mul3A_596, %add3A_597 : i32
      %swap3A_599 = arith.index_cast %add3A_598 : i32 to index
      %swap3A_600 = arith.constant 0 : index
      %swap3A_601 = tpu.vector_load %arg8[%swap3A_599, %swap3A_600] {strides = array<i32>} : memref<200x128xf32, #tpu.memory_space<vmem>>, vector<1x16xf32>,
      %swap3A_602 = vector.shape_cast %swap3A_601 : vector<1x16xf32> to vector<16xf32>
      %swap3A_603 = vector.shape_cast %add3A_594 : vector<16xf32> to vector<1x16xf32>
      tpu.vector_store %arg8[%swap3A_599, %swap3A_600], %swap3A_603 {strides = array<i32>} : memref<200x128xf32, #tpu.memory_space<vmem>>, vector<1x16xf32>,
      %mul3A_604 = arith.constant 4 : i32
      %mul3A_605 = arith.muli %scan3A_112, %mul3A_604 : i32
      %add3A_606 = arith.constant 2 : i32
      %add3A_607 = arith.addi %mul3A_605, %add3A_606 : i32
      %get3A_608 = arith.index_cast %add3A_607 : i32 to index
      %get3A_609 = arith.constant 16 : index
      %get3A_610 = tpu.vector_load %arg8[%get3A_608, %get3A_609] {strides = array<i32>} : memref<200x128xf32, #tpu.memory_space<vmem>>, vector<1x16xf32>,
      %get3A_611 = vector.shape_cast %get3A_610 : vector<1x16xf32> to vector<16xf32>
      %mul3A_612 = arith.constant 11.3137083 : f32
      %mul3A_613 = vector.broadcast %mul3A_612 : f32 to vector<16xf32>
      %mul3A_614 = arith.mulf %get3A_611, %mul3A_613 : vector<16xf32>
      %mul3A_615 = arith.constant 4 : i32
      %mul3A_616 = arith.muli %scan3A_112, %mul3A_615 : i32
      %add3A_617 = arith.constant 2 : i32
      %add3A_618 = arith.addi %mul3A_616, %add3A_617 : i32
      %get3A_619 = arith.index_cast %add3A_618 : i32 to index
      %get3A_620 = arith.constant 16 : index
      %get3A_621 = tpu.vector_load %arg7[%get3A_619, %get3A_620] {strides = array<i32>} : memref<200x128xf32, #tpu.memory_space<vmem>>, vector<1x16xf32>,
      %get3A_622 = vector.shape_cast %get3A_621 : vector<1x16xf32> to vector<16xf32>
      %add3A_623 = arith.addf %mul3A_614, %get3A_622 : vector<16xf32>
      %mul3A_624 = arith.constant 4 : i32
      %mul3A_625 = arith.muli %scan3A_112, %mul3A_624 : i32
      %add3A_626 = arith.constant 2 : i32
      %add3A_627 = arith.addi %mul3A_625, %add3A_626 : i32
      %swap3A_628 = arith.index_cast %add3A_627 : i32 to index
      %swap3A_629 = arith.constant 16 : index
      %swap3A_630 = tpu.vector_load %arg8[%swap3A_628, %swap3A_629] {strides = array<i32>} : memref<200x128xf32, #tpu.memory_space<vmem>>, vector<1x16xf32>,
      %swap3A_631 = vector.shape_cast %swap3A_630 : vector<1x16xf32> to vector<16xf32>
      %swap3A_632 = vector.shape_cast %add3A_623 : vector<16xf32> to vector<1x16xf32>
      tpu.vector_store %arg8[%swap3A_628, %swap3A_629], %swap3A_632 {strides = array<i32>} : memref<200x128xf32, #tpu.memory_space<vmem>>, vector<1x16xf32>,
      %mul3A_633 = arith.constant 4 : i32
      %mul3A_634 = arith.muli %scan3A_112, %mul3A_633 : i32
      %add3A_635 = arith.constant 2 : i32
      %add3A_636 = arith.addi %mul3A_634, %add3A_635 : i32
      %get3A_637 = arith.index_cast %add3A_636 : i32 to index
      %get3A_638 = arith.constant 32 : index
      %get3A_639 = tpu.vector_load %arg8[%get3A_637, %get3A_638] {strides = array<i32>} : memref<200x128xf32, #tpu.memory_space<vmem>>, vector<1x16xf32>,
      %get3A_640 = vector.shape_cast %get3A_639 : vector<1x16xf32> to vector<16xf32>
      %mul3A_641 = arith.constant 11.3137083 : f32
      %mul3A_642 = vector.broadcast %mul3A_641 : f32 to vector<16xf32>
      %mul3A_643 = arith.mulf %get3A_640, %mul3A_642 : vector<16xf32>
      %mul3A_644 = arith.constant 4 : i32
      %mul3A_645 = arith.muli %scan3A_112, %mul3A_644 : i32
      %add3A_646 = arith.constant 2 : i32
      %add3A_647 = arith.addi %mul3A_645, %add3A_646 : i32
      %get3A_648 = arith.index_cast %add3A_647 : i32 to index
      %get3A_649 = arith.constant 32 : index
      %get3A_650 = tpu.vector_load %arg7[%get3A_648, %get3A_649] {strides = array<i32>} : memref<200x128xf32, #tpu.memory_space<vmem>>, vector<1x16xf32>,
      %get3A_651 = vector.shape_cast %get3A_650 : vector<1x16xf32> to vector<16xf32>
      %add3A_652 = arith.addf %mul3A_643, %get3A_651 : vector<16xf32>
      %mul3A_653 = arith.constant 4 : i32
      %mul3A_654 = arith.muli %scan3A_112, %mul3A_653 : i32
      %add3A_655 = arith.constant 2 : i32
      %add3A_656 = arith.addi %mul3A_654, %add3A_655 : i32
      %swap3A_657 = arith.index_cast %add3A_656 : i32 to index
      %swap3A_658 = arith.constant 32 : index
      %swap3A_659 = tpu.vector_load %arg8[%swap3A_657, %swap3A_658] {strides = array<i32>} : memref<200x128xf32, #tpu.memory_space<vmem>>, vector<1x16xf32>,
      %swap3A_660 = vector.shape_cast %swap3A_659 : vector<1x16xf32> to vector<16xf32>
      %swap3A_661 = vector.shape_cast %add3A_652 : vector<16xf32> to vector<1x16xf32>
      tpu.vector_store %arg8[%swap3A_657, %swap3A_658], %swap3A_661 {strides = array<i32>} : memref<200x128xf32, #tpu.memory_space<vmem>>, vector<1x16xf32>,
      %mul3A_662 = arith.constant 4 : i32
      %mul3A_663 = arith.muli %scan3A_112, %mul3A_662 : i32
      %add3A_664 = arith.constant 2 : i32
      %add3A_665 = arith.addi %mul3A_663, %add3A_664 : i32
      %get3A_666 = arith.index_cast %add3A_665 : i32 to index
      %get3A_667 = arith.constant 48 : index
      %get3A_668 = tpu.vector_load %arg8[%get3A_666, %get3A_667] {strides = array<i32>} : memref<200x128xf32, #tpu.memory_space<vmem>>, vector<1x16xf32>,
      %get3A_669 = vector.shape_cast %get3A_668 : vector<1x16xf32> to vector<16xf32>
      %mul3A_670 = arith.constant 11.3137083 : f32
      %mul3A_671 = vector.broadcast %mul3A_670 : f32 to vector<16xf32>
      %mul3A_672 = arith.mulf %get3A_669, %mul3A_671 : vector<16xf32>
      %mul3A_673 = arith.constant 4 : i32
      %mul3A_674 = arith.muli %scan3A_112, %mul3A_673 : i32
      %add3A_675 = arith.constant 2 : i32
      %add3A_676 = arith.addi %mul3A_674, %add3A_675 : i32
      %get3A_677 = arith.index_cast %add3A_676 : i32 to index
      %get3A_678 = arith.constant 48 : index
      %get3A_679 = tpu.vector_load %arg7[%get3A_677, %get3A_678] {strides = array<i32>} : memref<200x128xf32, #tpu.memory_space<vmem>>, vector<1x16xf32>,
      %get3A_680 = vector.shape_cast %get3A_679 : vector<1x16xf32> to vector<16xf32>
      %add3A_681 = arith.addf %mul3A_672, %get3A_680 : vector<16xf32>
      %mul3A_682 = arith.constant 4 : i32
      %mul3A_683 = arith.muli %scan3A_112, %mul3A_682 : i32
      %add3A_684 = arith.constant 2 : i32
      %add3A_685 = arith.addi %mul3A_683, %add3A_684 : i32
      %swap3A_686 = arith.index_cast %add3A_685 : i32 to index
      %swap3A_687 = arith.constant 48 : index
      %swap3A_688 = tpu.vector_load %arg8[%swap3A_686, %swap3A_687] {strides = array<i32>} : memref<200x128xf32, #tpu.memory_space<vmem>>, vector<1x16xf32>,
      %swap3A_689 = vector.shape_cast %swap3A_688 : vector<1x16xf32> to vector<16xf32>
      %swap3A_690 = vector.shape_cast %add3A_681 : vector<16xf32> to vector<1x16xf32>
      tpu.vector_store %arg8[%swap3A_686, %swap3A_687], %swap3A_690 {strides = array<i32>} : memref<200x128xf32, #tpu.memory_space<vmem>>, vector<1x16xf32>,
      %mul3A_691 = arith.constant 4 : i32
      %mul3A_692 = arith.muli %scan3A_112, %mul3A_691 : i32
      %add3A_693 = arith.constant 2 : i32
      %add3A_694 = arith.addi %mul3A_692, %add3A_693 : i32
      %get3A_695 = arith.index_cast %add3A_694 : i32 to index
      %get3A_696 = arith.constant 64 : index
      %get3A_697 = tpu.vector_load %arg8[%get3A_695, %get3A_696] {strides = array<i32>} : memref<200x128xf32, #tpu.memory_space<vmem>>, vector<1x16xf32>,
      %get3A_698 = vector.shape_cast %get3A_697 : vector<1x16xf32> to vector<16xf32>
      %mul3A_699 = arith.constant 11.3137083 : f32
      %mul3A_700 = vector.broadcast %mul3A_699 : f32 to vector<16xf32>
      %mul3A_701 = arith.mulf %get3A_698, %mul3A_700 : vector<16xf32>
      %mul3A_702 = arith.constant 4 : i32
      %mul3A_703 = arith.muli %scan3A_112, %mul3A_702 : i32
      %add3A_704 = arith.constant 2 : i32
      %add3A_705 = arith.addi %mul3A_703, %add3A_704 : i32
      %get3A_706 = arith.index_cast %add3A_705 : i32 to index
      %get3A_707 = arith.constant 64 : index
      %get3A_708 = tpu.vector_load %arg7[%get3A_706, %get3A_707] {strides = array<i32>} : memref<200x128xf32, #tpu.memory_space<vmem>>, vector<1x16xf32>,
      %get3A_709 = vector.shape_cast %get3A_708 : vector<1x16xf32> to vector<16xf32>
      %add3A_710 = arith.addf %mul3A_701, %get3A_709 : vector<16xf32>
      %mul3A_711 = arith.constant 4 : i32
      %mul3A_712 = arith.muli %scan3A_112, %mul3A_711 : i32
      %add3A_713 = arith.constant 2 : i32
      %add3A_714 = arith.addi %mul3A_712, %add3A_713 : i32
      %swap3A_715 = arith.index_cast %add3A_714 : i32 to index
      %swap3A_716 = arith.constant 64 : index
      %swap3A_717 = tpu.vector_load %arg8[%swap3A_715, %swap3A_716] {strides = array<i32>} : memref<200x128xf32, #tpu.memory_space<vmem>>, vector<1x16xf32>,
      %swap3A_718 = vector.shape_cast %swap3A_717 : vector<1x16xf32> to vector<16xf32>
      %swap3A_719 = vector.shape_cast %add3A_710 : vector<16xf32> to vector<1x16xf32>
      tpu.vector_store %arg8[%swap3A_715, %swap3A_716], %swap3A_719 {strides = array<i32>} : memref<200x128xf32, #tpu.memory_space<vmem>>, vector<1x16xf32>,
      %mul3A_720 = arith.constant 4 : i32
      %mul3A_721 = arith.muli %scan3A_112, %mul3A_720 : i32
      %add3A_722 = arith.constant 2 : i32
      %add3A_723 = arith.addi %mul3A_721, %add3A_722 : i32
      %get3A_724 = arith.index_cast %add3A_723 : i32 to index
      %get3A_725 = arith.constant 80 : index
      %get3A_726 = tpu.vector_load %arg8[%get3A_724, %get3A_725] {strides = array<i32>} : memref<200x128xf32, #tpu.memory_space<vmem>>, vector<1x16xf32>,
      %get3A_727 = vector.shape_cast %get3A_726 : vector<1x16xf32> to vector<16xf32>
      %mul3A_728 = arith.constant 11.3137083 : f32
      %mul3A_729 = vector.broadcast %mul3A_728 : f32 to vector<16xf32>
      %mul3A_730 = arith.mulf %get3A_727, %mul3A_729 : vector<16xf32>
      %mul3A_731 = arith.constant 4 : i32
      %mul3A_732 = arith.muli %scan3A_112, %mul3A_731 : i32
      %add3A_733 = arith.constant 2 : i32
      %add3A_734 = arith.addi %mul3A_732, %add3A_733 : i32
      %get3A_735 = arith.index_cast %add3A_734 : i32 to index
      %get3A_736 = arith.constant 80 : index
      %get3A_737 = tpu.vector_load %arg7[%get3A_735, %get3A_736] {strides = array<i32>} : memref<200x128xf32, #tpu.memory_space<vmem>>, vector<1x16xf32>,
      %get3A_738 = vector.shape_cast %get3A_737 : vector<1x16xf32> to vector<16xf32>
      %add3A_739 = arith.addf %mul3A_730, %get3A_738 : vector<16xf32>
      %mul3A_740 = arith.constant 4 : i32
      %mul3A_741 = arith.muli %scan3A_112, %mul3A_740 : i32
      %add3A_742 = arith.constant 2 : i32
      %add3A_743 = arith.addi %mul3A_741, %add3A_742 : i32
      %swap3A_744 = arith.index_cast %add3A_743 : i32 to index
      %swap3A_745 = arith.constant 80 : index
      %swap3A_746 = tpu.vector_load %arg8[%swap3A_744, %swap3A_745] {strides = array<i32>} : memref<200x128xf32, #tpu.memory_space<vmem>>, vector<1x16xf32>,
      %swap3A_747 = vector.shape_cast %swap3A_746 : vector<1x16xf32> to vector<16xf32>
      %swap3A_748 = vector.shape_cast %add3A_739 : vector<16xf32> to vector<1x16xf32>
      tpu.vector_store %arg8[%swap3A_744, %swap3A_745], %swap3A_748 {strides = array<i32>} : memref<200x128xf32, #tpu.memory_space<vmem>>, vector<1x16xf32>,
      %mul3A_749 = arith.constant 4 : i32
      %mul3A_750 = arith.muli %scan3A_112, %mul3A_749 : i32
      %add3A_751 = arith.constant 2 : i32
      %add3A_752 = arith.addi %mul3A_750, %add3A_751 : i32
      %get3A_753 = arith.index_cast %add3A_752 : i32 to index
      %get3A_754 = arith.constant 96 : index
      %get3A_755 = tpu.vector_load %arg8[%get3A_753, %get3A_754] {strides = array<i32>} : memref<200x128xf32, #tpu.memory_space<vmem>>, vector<1x16xf32>,
      %get3A_756 = vector.shape_cast %get3A_755 : vector<1x16xf32> to vector<16xf32>
      %mul3A_757 = arith.constant 11.3137083 : f32
      %mul3A_758 = vector.broadcast %mul3A_757 : f32 to vector<16xf32>
      %mul3A_759 = arith.mulf %get3A_756, %mul3A_758 : vector<16xf32>
      %mul3A_760 = arith.constant 4 : i32
      %mul3A_761 = arith.muli %scan3A_112, %mul3A_760 : i32
      %add3A_762 = arith.constant 2 : i32
      %add3A_763 = arith.addi %mul3A_761, %add3A_762 : i32
      %get3A_764 = arith.index_cast %add3A_763 : i32 to index
      %get3A_765 = arith.constant 96 : index
      %get3A_766 = tpu.vector_load %arg7[%get3A_764, %get3A_765] {strides = array<i32>} : memref<200x128xf32, #tpu.memory_space<vmem>>, vector<1x16xf32>,
      %get3A_767 = vector.shape_cast %get3A_766 : vector<1x16xf32> to vector<16xf32>
      %add3A_768 = arith.addf %mul3A_759, %get3A_767 : vector<16xf32>
      %mul3A_769 = arith.constant 4 : i32
      %mul3A_770 = arith.muli %scan3A_112, %mul3A_769 : i32
      %add3A_771 = arith.constant 2 : i32
      %add3A_772 = arith.addi %mul3A_770, %add3A_771 : i32
      %swap3A_773 = arith.index_cast %add3A_772 : i32 to index
      %swap3A_774 = arith.constant 96 : index
      %swap3A_775 = tpu.vector_load %arg8[%swap3A_773, %swap3A_774] {strides = array<i32>} : memref<200x128xf32, #tpu.memory_space<vmem>>, vector<1x16xf32>,
      %swap3A_776 = vector.shape_cast %swap3A_775 : vector<1x16xf32> to vector<16xf32>
      %swap3A_777 = vector.shape_cast %add3A_768 : vector<16xf32> to vector<1x16xf32>
      tpu.vector_store %arg8[%swap3A_773, %swap3A_774], %swap3A_777 {strides = array<i32>} : memref<200x128xf32, #tpu.memory_space<vmem>>, vector<1x16xf32>,
      %mul3A_778 = arith.constant 4 : i32
      %mul3A_779 = arith.muli %scan3A_112, %mul3A_778 : i32
      %add3A_780 = arith.constant 2 : i32
      %add3A_781 = arith.addi %mul3A_779, %add3A_780 : i32
      %get3A_782 = arith.index_cast %add3A_781 : i32 to index
      %get3A_783 = arith.constant 112 : index
      %get3A_784 = tpu.vector_load %arg8[%get3A_782, %get3A_783] {strides = array<i32>} : memref<200x128xf32, #tpu.memory_space<vmem>>, vector<1x16xf32>,
      %get3A_785 = vector.shape_cast %get3A_784 : vector<1x16xf32> to vector<16xf32>
      %mul3A_786 = arith.constant 11.3137083 : f32
      %mul3A_787 = vector.broadcast %mul3A_786 : f32 to vector<16xf32>
      %mul3A_788 = arith.mulf %get3A_785, %mul3A_787 : vector<16xf32>
      %mul3A_789 = arith.constant 4 : i32
      %mul3A_790 = arith.muli %scan3A_112, %mul3A_789 : i32
      %add3A_791 = arith.constant 2 : i32
      %add3A_792 = arith.addi %mul3A_790, %add3A_791 : i32
      %get3A_793 = arith.index_cast %add3A_792 : i32 to index
      %get3A_794 = arith.constant 112 : index
      %get3A_795 = tpu.vector_load %arg7[%get3A_793, %get3A_794] {strides = array<i32>} : memref<200x128xf32, #tpu.memory_space<vmem>>, vector<1x16xf32>,
      %get3A_796 = vector.shape_cast %get3A_795 : vector<1x16xf32> to vector<16xf32>
      %add3A_797 = arith.addf %mul3A_788, %get3A_796 : vector<16xf32>
      %mul3A_798 = arith.constant 4 : i32
      %mul3A_799 = arith.muli %scan3A_112, %mul3A_798 : i32
      %add3A_800 = arith.constant 2 : i32
      %add3A_801 = arith.addi %mul3A_799, %add3A_800 : i32
      %swap3A_802 = arith.index_cast %add3A_801 : i32 to index
      %swap3A_803 = arith.constant 112 : index
      %swap3A_804 = tpu.vector_load %arg8[%swap3A_802, %swap3A_803] {strides = array<i32>} : memref<200x128xf32, #tpu.memory_space<vmem>>, vector<1x16xf32>,
      %swap3A_805 = vector.shape_cast %swap3A_804 : vector<1x16xf32> to vector<16xf32>
      %swap3A_806 = vector.shape_cast %add3A_797 : vector<16xf32> to vector<1x16xf32>
      tpu.vector_store %arg8[%swap3A_802, %swap3A_803], %swap3A_806 {strides = array<i32>} : memref<200x128xf32, #tpu.memory_space<vmem>>, vector<1x16xf32>,
      %mul3A_807 = arith.constant 4 : i32
      %mul3A_808 = arith.muli %scan3A_112, %mul3A_807 : i32
      %add3A_809 = arith.constant 3 : i32
      %add3A_810 = arith.addi %mul3A_808, %add3A_809 : i32
      %get3A_811 = arith.index_cast %add3A_810 : i32 to index
      %get3A_812 = arith.constant 0 : index
      %get3A_813 = tpu.vector_load %arg8[%get3A_811, %get3A_812] {strides = array<i32>} : memref<200x128xf32, #tpu.memory_space<vmem>>, vector<1x16xf32>,
      %get3A_814 = vector.shape_cast %get3A_813 : vector<1x16xf32> to vector<16xf32>
      %mul3A_815 = arith.constant 11.3137083 : f32
      %mul3A_816 = vector.broadcast %mul3A_815 : f32 to vector<16xf32>
      %mul3A_817 = arith.mulf %get3A_814, %mul3A_816 : vector<16xf32>
      %mul3A_818 = arith.constant 4 : i32
      %mul3A_819 = arith.muli %scan3A_112, %mul3A_818 : i32
      %add3A_820 = arith.constant 3 : i32
      %add3A_821 = arith.addi %mul3A_819, %add3A_820 : i32
      %get3A_822 = arith.index_cast %add3A_821 : i32 to index
      %get3A_823 = arith.constant 0 : index
      %get3A_824 = tpu.vector_load %arg7[%get3A_822, %get3A_823] {strides = array<i32>} : memref<200x128xf32, #tpu.memory_space<vmem>>, vector<1x16xf32>,
      %get3A_825 = vector.shape_cast %get3A_824 : vector<1x16xf32> to vector<16xf32>
      %add3A_826 = arith.addf %mul3A_817, %get3A_825 : vector<16xf32>
      %mul3A_827 = arith.constant 4 : i32
      %mul3A_828 = arith.muli %scan3A_112, %mul3A_827 : i32
      %add3A_829 = arith.constant 3 : i32
      %add3A_830 = arith.addi %mul3A_828, %add3A_829 : i32
      %swap3A_831 = arith.index_cast %add3A_830 : i32 to index
      %swap3A_832 = arith.constant 0 : index
      %swap3A_833 = tpu.vector_load %arg8[%swap3A_831, %swap3A_832] {strides = array<i32>} : memref<200x128xf32, #tpu.memory_space<vmem>>, vector<1x16xf32>,
      %swap3A_834 = vector.shape_cast %swap3A_833 : vector<1x16xf32> to vector<16xf32>
      %swap3A_835 = vector.shape_cast %add3A_826 : vector<16xf32> to vector<1x16xf32>
      tpu.vector_store %arg8[%swap3A_831, %swap3A_832], %swap3A_835 {strides = array<i32>} : memref<200x128xf32, #tpu.memory_space<vmem>>, vector<1x16xf32>,
      %mul3A_836 = arith.constant 4 : i32
      %mul3A_837 = arith.muli %scan3A_112, %mul3A_836 : i32
      %add3A_838 = arith.constant 3 : i32
      %add3A_839 = arith.addi %mul3A_837, %add3A_838 : i32
      %get3A_840 = arith.index_cast %add3A_839 : i32 to index
      %get3A_841 = arith.constant 16 : index
      %get3A_842 = tpu.vector_load %arg8[%get3A_840, %get3A_841] {strides = array<i32>} : memref<200x128xf32, #tpu.memory_space<vmem>>, vector<1x16xf32>,
      %get3A_843 = vector.shape_cast %get3A_842 : vector<1x16xf32> to vector<16xf32>
      %mul3A_844 = arith.constant 11.3137083 : f32
      %mul3A_845 = vector.broadcast %mul3A_844 : f32 to vector<16xf32>
      %mul3A_846 = arith.mulf %get3A_843, %mul3A_845 : vector<16xf32>
      %mul3A_847 = arith.constant 4 : i32
      %mul3A_848 = arith.muli %scan3A_112, %mul3A_847 : i32
      %add3A_849 = arith.constant 3 : i32
      %add3A_850 = arith.addi %mul3A_848, %add3A_849 : i32
      %get3A_851 = arith.index_cast %add3A_850 : i32 to index
      %get3A_852 = arith.constant 16 : index
      %get3A_853 = tpu.vector_load %arg7[%get3A_851, %get3A_852] {strides = array<i32>} : memref<200x128xf32, #tpu.memory_space<vmem>>, vector<1x16xf32>,
      %get3A_854 = vector.shape_cast %get3A_853 : vector<1x16xf32> to vector<16xf32>
      %add3A_855 = arith.addf %mul3A_846, %get3A_854 : vector<16xf32>
      %mul3A_856 = arith.constant 4 : i32
      %mul3A_857 = arith.muli %scan3A_112, %mul3A_856 : i32
      %add3A_858 = arith.constant 3 : i32
      %add3A_859 = arith.addi %mul3A_857, %add3A_858 : i32
      %swap3A_860 = arith.index_cast %add3A_859 : i32 to index
      %swap3A_861 = arith.constant 16 : index
      %swap3A_862 = tpu.vector_load %arg8[%swap3A_860, %swap3A_861] {strides = array<i32>} : memref<200x128xf32, #tpu.memory_space<vmem>>, vector<1x16xf32>,
      %swap3A_863 = vector.shape_cast %swap3A_862 : vector<1x16xf32> to vector<16xf32>
      %swap3A_864 = vector.shape_cast %add3A_855 : vector<16xf32> to vector<1x16xf32>
      tpu.vector_store %arg8[%swap3A_860, %swap3A_861], %swap3A_864 {strides = array<i32>} : memref<200x128xf32, #tpu.memory_space<vmem>>, vector<1x16xf32>,
      %mul3A_865 = arith.constant 4 : i32
      %mul3A_866 = arith.muli %scan3A_112, %mul3A_865 : i32
      %add3A_867 = arith.constant 3 : i32
      %add3A_868 = arith.addi %mul3A_866, %add3A_867 : i32
      %get3A_869 = arith.index_cast %add3A_868 : i32 to index
      %get3A_870 = arith.constant 32 : index
      %get3A_871 = tpu.vector_load %arg8[%get3A_869, %get3A_870] {strides = array<i32>} : memref<200x128xf32, #tpu.memory_space<vmem>>, vector<1x16xf32>,
      %get3A_872 = vector.shape_cast %get3A_871 : vector<1x16xf32> to vector<16xf32>
      %mul3A_873 = arith.constant 11.3137083 : f32
      %mul3A_874 = vector.broadcast %mul3A_873 : f32 to vector<16xf32>
      %mul3A_875 = arith.mulf %get3A_872, %mul3A_874 : vector<16xf32>
      %mul3A_876 = arith.constant 4 : i32
      %mul3A_877 = arith.muli %scan3A_112, %mul3A_876 : i32
      %add3A_878 = arith.constant 3 : i32
      %add3A_879 = arith.addi %mul3A_877, %add3A_878 : i32
      %get3A_880 = arith.index_cast %add3A_879 : i32 to index
      %get3A_881 = arith.constant 32 : index
      %get3A_882 = tpu.vector_load %arg7[%get3A_880, %get3A_881] {strides = array<i32>} : memref<200x128xf32, #tpu.memory_space<vmem>>, vector<1x16xf32>,
      %get3A_883 = vector.shape_cast %get3A_882 : vector<1x16xf32> to vector<16xf32>
      %add3A_884 = arith.addf %mul3A_875, %get3A_883 : vector<16xf32>
      %mul3A_885 = arith.constant 4 : i32
      %mul3A_886 = arith.muli %scan3A_112, %mul3A_885 : i32
      %add3A_887 = arith.constant 3 : i32
      %add3A_888 = arith.addi %mul3A_886, %add3A_887 : i32
      %swap3A_889 = arith.index_cast %add3A_888 : i32 to index
      %swap3A_890 = arith.constant 32 : index
      %swap3A_891 = tpu.vector_load %arg8[%swap3A_889, %swap3A_890] {strides = array<i32>} : memref<200x128xf32, #tpu.memory_space<vmem>>, vector<1x16xf32>,
      %swap3A_892 = vector.shape_cast %swap3A_891 : vector<1x16xf32> to vector<16xf32>
      %swap3A_893 = vector.shape_cast %add3A_884 : vector<16xf32> to vector<1x16xf32>
      tpu.vector_store %arg8[%swap3A_889, %swap3A_890], %swap3A_893 {strides = array<i32>} : memref<200x128xf32, #tpu.memory_space<vmem>>, vector<1x16xf32>,
      %mul3A_894 = arith.constant 4 : i32
      %mul3A_895 = arith.muli %scan3A_112, %mul3A_894 : i32
      %add3A_896 = arith.constant 3 : i32
      %add3A_897 = arith.addi %mul3A_895, %add3A_896 : i32
      %get3A_898 = arith.index_cast %add3A_897 : i32 to index
      %get3A_899 = arith.constant 48 : index
      %get3A_900 = tpu.vector_load %arg8[%get3A_898, %get3A_899] {strides = array<i32>} : memref<200x128xf32, #tpu.memory_space<vmem>>, vector<1x16xf32>,
      %get3A_901 = vector.shape_cast %get3A_900 : vector<1x16xf32> to vector<16xf32>
      %mul3A_902 = arith.constant 11.3137083 : f32
      %mul3A_903 = vector.broadcast %mul3A_902 : f32 to vector<16xf32>
      %mul3A_904 = arith.mulf %get3A_901, %mul3A_903 : vector<16xf32>
      %mul3A_905 = arith.constant 4 : i32
      %mul3A_906 = arith.muli %scan3A_112, %mul3A_905 : i32
      %add3A_907 = arith.constant 3 : i32
      %add3A_908 = arith.addi %mul3A_906, %add3A_907 : i32
      %get3A_909 = arith.index_cast %add3A_908 : i32 to index
      %get3A_910 = arith.constant 48 : index
      %get3A_911 = tpu.vector_load %arg7[%get3A_909, %get3A_910] {strides = array<i32>} : memref<200x128xf32, #tpu.memory_space<vmem>>, vector<1x16xf32>,
      %get3A_912 = vector.shape_cast %get3A_911 : vector<1x16xf32> to vector<16xf32>
      %add3A_913 = arith.addf %mul3A_904, %get3A_912 : vector<16xf32>
      %mul3A_914 = arith.constant 4 : i32
      %mul3A_915 = arith.muli %scan3A_112, %mul3A_914 : i32
      %add3A_916 = arith.constant 3 : i32
      %add3A_917 = arith.addi %mul3A_915, %add3A_916 : i32
      %swap3A_918 = arith.index_cast %add3A_917 : i32 to index
      %swap3A_919 = arith.constant 48 : index
      %swap3A_920 = tpu.vector_load %arg8[%swap3A_918, %swap3A_919] {strides = array<i32>} : memref<200x128xf32, #tpu.memory_space<vmem>>, vector<1x16xf32>,
      %swap3A_921 = vector.shape_cast %swap3A_920 : vector<1x16xf32> to vector<16xf32>
      %swap3A_922 = vector.shape_cast %add3A_913 : vector<16xf32> to vector<1x16xf32>
      tpu.vector_store %arg8[%swap3A_918, %swap3A_919], %swap3A_922 {strides = array<i32>} : memref<200x128xf32, #tpu.memory_space<vmem>>, vector<1x16xf32>,
      %mul3A_923 = arith.constant 4 : i32
      %mul3A_924 = arith.muli %scan3A_112, %mul3A_923 : i32
      %add3A_925 = arith.constant 3 : i32
      %add3A_926 = arith.addi %mul3A_924, %add3A_925 : i32
      %get3A_927 = arith.index_cast %add3A_926 : i32 to index
      %get3A_928 = arith.constant 64 : index
      %get3A_929 = tpu.vector_load %arg8[%get3A_927, %get3A_928] {strides = array<i32>} : memref<200x128xf32, #tpu.memory_space<vmem>>, vector<1x16xf32>,
      %get3A_930 = vector.shape_cast %get3A_929 : vector<1x16xf32> to vector<16xf32>
      %mul3A_931 = arith.constant 11.3137083 : f32
      %mul3A_932 = vector.broadcast %mul3A_931 : f32 to vector<16xf32>
      %mul3A_933 = arith.mulf %get3A_930, %mul3A_932 : vector<16xf32>
      %mul3A_934 = arith.constant 4 : i32
      %mul3A_935 = arith.muli %scan3A_112, %mul3A_934 : i32
      %add3A_936 = arith.constant 3 : i32
      %add3A_937 = arith.addi %mul3A_935, %add3A_936 : i32
      %get3A_938 = arith.index_cast %add3A_937 : i32 to index
      %get3A_939 = arith.constant 64 : index
      %get3A_940 = tpu.vector_load %arg7[%get3A_938, %get3A_939] {strides = array<i32>} : memref<200x128xf32, #tpu.memory_space<vmem>>, vector<1x16xf32>,
      %get3A_941 = vector.shape_cast %get3A_940 : vector<1x16xf32> to vector<16xf32>
      %add3A_942 = arith.addf %mul3A_933, %get3A_941 : vector<16xf32>
      %mul3A_943 = arith.constant 4 : i32
      %mul3A_944 = arith.muli %scan3A_112, %mul3A_943 : i32
      %add3A_945 = arith.constant 3 : i32
      %add3A_946 = arith.addi %mul3A_944, %add3A_945 : i32
      %swap3A_947 = arith.index_cast %add3A_946 : i32 to index
      %swap3A_948 = arith.constant 64 : index
      %swap3A_949 = tpu.vector_load %arg8[%swap3A_947, %swap3A_948] {strides = array<i32>} : memref<200x128xf32, #tpu.memory_space<vmem>>, vector<1x16xf32>,
      %swap3A_950 = vector.shape_cast %swap3A_949 : vector<1x16xf32> to vector<16xf32>
      %swap3A_951 = vector.shape_cast %add3A_942 : vector<16xf32> to vector<1x16xf32>
      tpu.vector_store %arg8[%swap3A_947, %swap3A_948], %swap3A_951 {strides = array<i32>} : memref<200x128xf32, #tpu.memory_space<vmem>>, vector<1x16xf32>,
      %mul3A_952 = arith.constant 4 : i32
      %mul3A_953 = arith.muli %scan3A_112, %mul3A_952 : i32
      %add3A_954 = arith.constant 3 : i32
      %add3A_955 = arith.addi %mul3A_953, %add3A_954 : i32
      %get3A_956 = arith.index_cast %add3A_955 : i32 to index
      %get3A_957 = arith.constant 80 : index
      %get3A_958 = tpu.vector_load %arg8[%get3A_956, %get3A_957] {strides = array<i32>} : memref<200x128xf32, #tpu.memory_space<vmem>>, vector<1x16xf32>,
      %get3A_959 = vector.shape_cast %get3A_958 : vector<1x16xf32> to vector<16xf32>
      %mul3A_960 = arith.constant 11.3137083 : f32
      %mul3A_961 = vector.broadcast %mul3A_960 : f32 to vector<16xf32>
      %mul3A_962 = arith.mulf %get3A_959, %mul3A_961 : vector<16xf32>
      %mul3A_963 = arith.constant 4 : i32
      %mul3A_964 = arith.muli %scan3A_112, %mul3A_963 : i32
      %add3A_965 = arith.constant 3 : i32
      %add3A_966 = arith.addi %mul3A_964, %add3A_965 : i32
      %get3A_967 = arith.index_cast %add3A_966 : i32 to index
      %get3A_968 = arith.constant 80 : index
      %get3A_969 = tpu.vector_load %arg7[%get3A_967, %get3A_968] {strides = array<i32>} : memref<200x128xf32, #tpu.memory_space<vmem>>, vector<1x16xf32>,
      %get3A_970 = vector.shape_cast %get3A_969 : vector<1x16xf32> to vector<16xf32>
      %add3A_971 = arith.addf %mul3A_962, %get3A_970 : vector<16xf32>
      %mul3A_972 = arith.constant 4 : i32
      %mul3A_973 = arith.muli %scan3A_112, %mul3A_972 : i32
      %add3A_974 = arith.constant 3 : i32
      %add3A_975 = arith.addi %mul3A_973, %add3A_974 : i32
      %swap3A_976 = arith.index_cast %add3A_975 : i32 to index
      %swap3A_977 = arith.constant 80 : index
      %swap3A_978 = tpu.vector_load %arg8[%swap3A_976, %swap3A_977] {strides = array<i32>} : memref<200x128xf32, #tpu.memory_space<vmem>>, vector<1x16xf32>,
      %swap3A_979 = vector.shape_cast %swap3A_978 : vector<1x16xf32> to vector<16xf32>
      %swap3A_980 = vector.shape_cast %add3A_971 : vector<16xf32> to vector<1x16xf32>
      tpu.vector_store %arg8[%swap3A_976, %swap3A_977], %swap3A_980 {strides = array<i32>} : memref<200x128xf32, #tpu.memory_space<vmem>>, vector<1x16xf32>,
      %mul3A_981 = arith.constant 4 : i32
      %mul3A_982 = arith.muli %scan3A_112, %mul3A_981 : i32
      %add3A_983 = arith.constant 3 : i32
      %add3A_984 = arith.addi %mul3A_982, %add3A_983 : i32
      %get3A_985 = arith.index_cast %add3A_984 : i32 to index
      %get3A_986 = arith.constant 96 : index
      %get3A_987 = tpu.vector_load %arg8[%get3A_985, %get3A_986] {strides = array<i32>} : memref<200x128xf32, #tpu.memory_space<vmem>>, vector<1x16xf32>,
      %get3A_988 = vector.shape_cast %get3A_987 : vector<1x16xf32> to vector<16xf32>
      %mul3A_989 = arith.constant 11.3137083 : f32
      %mul3A_990 = vector.broadcast %mul3A_989 : f32 to vector<16xf32>
      %mul3A_991 = arith.mulf %get3A_988, %mul3A_990 : vector<16xf32>
      %mul3A_992 = arith.constant 4 : i32
      %mul3A_993 = arith.muli %scan3A_112, %mul3A_992 : i32
      %add3A_994 = arith.constant 3 : i32
      %add3A_995 = arith.addi %mul3A_993, %add3A_994 : i32
      %get3A_996 = arith.index_cast %add3A_995 : i32 to index
      %get3A_997 = arith.constant 96 : index
      %get3A_998 = tpu.vector_load %arg7[%get3A_996, %get3A_997] {strides = array<i32>} : memref<200x128xf32, #tpu.memory_space<vmem>>, vector<1x16xf32>,
      %get3A_999 = vector.shape_cast %get3A_998 : vector<1x16xf32> to vector<16xf32>
      %add3A_1000 = arith.addf %mul3A_991, %get3A_999 : vector<16xf32>
      %mul3A_1001 = arith.constant 4 : i32
      %mul3A_1002 = arith.muli %scan3A_112, %mul3A_1001 : i32
      %add3A_1003 = arith.constant 3 : i32
      %add3A_1004 = arith.addi %mul3A_1002, %add3A_1003 : i32
      %swap3A_1005 = arith.index_cast %add3A_1004 : i32 to index
      %swap3A_1006 = arith.constant 96 : index
      %swap3A_1007 = tpu.vector_load %arg8[%swap3A_1005, %swap3A_1006] {strides = array<i32>} : memref<200x128xf32, #tpu.memory_space<vmem>>, vector<1x16xf32>,
      %swap3A_1008 = vector.shape_cast %swap3A_1007 : vector<1x16xf32> to vector<16xf32>
      %swap3A_1009 = vector.shape_cast %add3A_1000 : vector<16xf32> to vector<1x16xf32>
      tpu.vector_store %arg8[%swap3A_1005, %swap3A_1006], %swap3A_1009 {strides = array<i32>} : memref<200x128xf32, #tpu.memory_space<vmem>>, vector<1x16xf32>,
      %mul3A_1010 = arith.constant 4 : i32
      %mul3A_1011 = arith.muli %scan3A_112, %mul3A_1010 : i32
      %add3A_1012 = arith.constant 3 : i32
      %add3A_1013 = arith.addi %mul3A_1011, %add3A_1012 : i32
      %get3A_1014 = arith.index_cast %add3A_1013 : i32 to index
      %get3A_1015 = arith.constant 112 : index
      %get3A_1016 = tpu.vector_load %arg8[%get3A_1014, %get3A_1015] {strides = array<i32>} : memref<200x128xf32, #tpu.memory_space<vmem>>, vector<1x16xf32>,
      %get3A_1017 = vector.shape_cast %get3A_1016 : vector<1x16xf32> to vector<16xf32>
      %mul3A_1018 = arith.constant 11.3137083 : f32
      %mul3A_1019 = vector.broadcast %mul3A_1018 : f32 to vector<16xf32>
      %mul3A_1020 = arith.mulf %get3A_1017, %mul3A_1019 : vector<16xf32>
      %mul3A_1021 = arith.constant 4 : i32
      %mul3A_1022 = arith.muli %scan3A_112, %mul3A_1021 : i32
      %add3A_1023 = arith.constant 3 : i32
      %add3A_1024 = arith.addi %mul3A_1022, %add3A_1023 : i32
      %get3A_1025 = arith.index_cast %add3A_1024 : i32 to index
      %get3A_1026 = arith.constant 112 : index
      %get3A_1027 = tpu.vector_load %arg7[%get3A_1025, %get3A_1026] {strides = array<i32>} : memref<200x128xf32, #tpu.memory_space<vmem>>, vector<1x16xf32>,
      %get3A_1028 = vector.shape_cast %get3A_1027 : vector<1x16xf32> to vector<16xf32>
      %add3A_1029 = arith.addf %mul3A_1020, %get3A_1028 : vector<16xf32>
      %mul3A_1030 = arith.constant 4 : i32
      %mul3A_1031 = arith.muli %scan3A_112, %mul3A_1030 : i32
      %add3A_1032 = arith.constant 3 : i32
      %add3A_1033 = arith.addi %mul3A_1031, %add3A_1032 : i32
      %swap3A_1034 = arith.index_cast %add3A_1033 : i32 to index
      %swap3A_1035 = arith.constant 112 : index
      %swap3A_1036 = tpu.vector_load %arg8[%swap3A_1034, %swap3A_1035] {strides = array<i32>} : memref<200x128xf32, #tpu.memory_space<vmem>>, vector<1x16xf32>,
      %swap3A_1037 = vector.shape_cast %swap3A_1036 : vector<1x16xf32> to vector<16xf32>
      %swap3A_1038 = vector.shape_cast %add3A_1029 : vector<16xf32> to vector<1x16xf32>
      tpu.vector_store %arg8[%swap3A_1034, %swap3A_1035], %swap3A_1038 {strides = array<i32>} : memref<200x128xf32, #tpu.memory_space<vmem>>, vector<1x16xf32>,
    }
    %scan3A_59 = arith.constant 50 : i32
    %add3A_60 = arith.constant 25200 : i32
    %add3A_61 = arith.addi %mul3A_2, %add3A_60 : i32
    %dma_start3A_62 = arith.constant 0 : i32
    %dma_start3A_63 = tpu.memref_slice %arg5[%add3A_61, %dma_start3A_62] : memref<819200x128xf32, #tpu.memory_space<hbm>> -> memref<200x128xf32, #tpu.memory_space<hbm>>
    %dma_start3A_64 = arith.constant 0 : i32
    %dma_start3A_65 = tpu.memref_slice %arg5[%add3A_61, %dma_start3A_64] : memref<819200x128xf32, #tpu.memory_space<hbm>> -> memref<200x128xf32, #tpu.memory_space<hbm>>
    tpu.enqueue_dma source(%arg8 : memref<200x128xf32, #tpu.memory_space<vmem>>) target(%dma_start3A_65 : memref<200x128xf32, #tpu.memory_space<hbm>>) target_semaphore(%arg14 : memref<!tpu.dma_semaphore, #tpu.memory_space<semaphore_mem>>)
    %add3A_66 = arith.constant 25000 : i32
    %add3A_67 = arith.addi %mul3A_2, %add3A_66 : i32
    %dma_wait3A_68 = arith.constant 0 : i32
    %dma_wait3A_69 = tpu.memref_slice %arg5[%add3A_67, %dma_wait3A_68] : memref<819200x128xf32, #tpu.memory_space<hbm>> -> memref<200x128xf32, #tpu.memory_space<hbm>>
    %dma_wait3A_70 = arith.constant 0 : i32
    %dma_wait3A_71 = tpu.memref_slice %arg5[%add3A_67, %dma_wait3A_70] : memref<819200x128xf32, #tpu.memory_space<hbm>> -> memref<200x128xf32, #tpu.memory_space<hbm>>
    tpu.wait_dma2 semaphore(%arg16 : memref<!tpu.dma_semaphore, #tpu.memory_space<semaphore_mem>>) src(%arg10 : memref<200x128xf32, #tpu.memory_space<vmem>>) dst(%dma_wait3A_71 : memref<200x128xf32, #tpu.memory_space<hbm>>)
    %dma_wait3A_72 = arith.constant 0 : i32
    %dma_wait3A_73 = arith.constant 0 : i32
    %dma_wait3A_74 = tpu.memref_slice %arg9[%dma_wait3A_72, %dma_wait3A_73] : memref<200x128xf32, #tpu.memory_space<vmem>> -> memref<104x128xf32, #tpu.memory_space<vmem>>
    %dma_wait3A_75 = arith.constant 25400 : i32
    %dma_wait3A_76 = tpu.memref_slice %arg6[%dma_wait3A_75] : memref<25600xi32, #tpu.memory_space<vmem>> -> memref<104xi32, #tpu.memory_space<vmem>>
    %dma_wait3A_77 = arith.constant 0 : i32
    %dma_wait3A_78 = arith.constant 0 : i32
    %dma_wait3A_79 = tpu.memref_slice %arg3[%dma_wait3A_77, %dma_wait3A_78] : memref<100000x128xf32, #tpu.memory_space<hbm>> -> memref<100000x128xf32, #tpu.memory_space<hbm>>
    tpu.wait_indirect_dma semaphore(%arg12 : memref<!tpu.dma_semaphore, #tpu.memory_space<semaphore_mem>>) src(%dma_wait3A_79 : memref<100000x128xf32, #tpu.memory_space<hbm>>) dst(%dma_wait3A_74 : memref<104x128xf32, #tpu.memory_space<vmem>>)
    %dma_wait3A_80 = arith.constant 104 : i32
    %dma_wait3A_81 = arith.constant 0 : i32
    %dma_wait3A_82 = tpu.memref_slice %arg9[%dma_wait3A_80, %dma_wait3A_81] : memref<200x128xf32, #tpu.memory_space<vmem>> -> memref<96x128xf32, #tpu.memory_space<vmem>>
    %dma_wait3A_83 = arith.constant 25504 : i32
    %dma_wait3A_84 = tpu.memref_slice %arg6[%dma_wait3A_83] : memref<25600xi32, #tpu.memory_space<vmem>> -> memref<96xi32, #tpu.memory_space<vmem>>
    %dma_wait3A_85 = arith.constant 0 : i32
    %dma_wait3A_86 = arith.constant 0 : i32
    %dma_wait3A_87 = tpu.memref_slice %arg3[%dma_wait3A_85, %dma_wait3A_86] : memref<100000x128xf32, #tpu.memory_space<hbm>> -> memref<100000x128xf32, #tpu.memory_space<hbm>>
    tpu.wait_indirect_dma semaphore(%arg12 : memref<!tpu.dma_semaphore, #tpu.memory_space<semaphore_mem>>) src(%dma_wait3A_87 : memref<100000x128xf32, #tpu.memory_space<hbm>>) dst(%dma_wait3A_82 : memref<96x128xf32, #tpu.memory_space<vmem>>)
    %scan3A_88 = arith.constant 0 : i32
    %scan3A_89 = arith.constant 0 : i32
    %scan3A_90 = arith.constant 50 : i32
    %scan3A_91 = arith.addi %scan3A_89, %scan3A_90 : i32
    %scan3A_92 = arith.constant 1 : i32
    scf.for %scan3A_112 = %scan3A_89 to %scan3A_91 step %scan3A_92  : i32 {
      %mul3A_113 = arith.constant 4 : i32
      %mul3A_114 = arith.muli %scan3A_112, %mul3A_113 : i32
      %add3A_115 = arith.constant 0 : i32
      %add3A_116 = arith.addi %mul3A_114, %add3A_115 : i32
      %get3A = arith.index_cast %add3A_116 : i32 to index
      %get3A_117 = arith.constant 0 : index
      %get3A_118 = tpu.vector_load %arg9[%get3A, %get3A_117] {strides = array<i32>} : memref<200x128xf32, #tpu.memory_space<vmem>>, vector<1x16xf32>,
      %get3A_119 = vector.shape_cast %get3A_118 : vector<1x16xf32> to vector<16xf32>
      %mul3A_120 = arith.constant 11.3137083 : f32
      %mul3A_121 = vector.broadcast %mul3A_120 : f32 to vector<16xf32>
      %mul3A_122 = arith.mulf %get3A_119, %mul3A_121 : vector<16xf32>
      %mul3A_123 = arith.constant 4 : i32
      %mul3A_124 = arith.muli %scan3A_112, %mul3A_123 : i32
      %add3A_125 = arith.constant 0 : i32
      %add3A_126 = arith.addi %mul3A_124, %add3A_125 : i32
      %get3A_127 = arith.index_cast %add3A_126 : i32 to index
      %get3A_128 = arith.constant 0 : index
      %get3A_129 = tpu.vector_load %arg7[%get3A_127, %get3A_128] {strides = array<i32>} : memref<200x128xf32, #tpu.memory_space<vmem>>, vector<1x16xf32>,
      %get3A_130 = vector.shape_cast %get3A_129 : vector<1x16xf32> to vector<16xf32>
      %add3A_131 = arith.addf %mul3A_122, %get3A_130 : vector<16xf32>
      %mul3A_132 = arith.constant 4 : i32
      %mul3A_133 = arith.muli %scan3A_112, %mul3A_132 : i32
      %add3A_134 = arith.constant 0 : i32
      %add3A_135 = arith.addi %mul3A_133, %add3A_134 : i32
      %swap3A = arith.index_cast %add3A_135 : i32 to index
      %swap3A_136 = arith.constant 0 : index
      %swap3A_137 = tpu.vector_load %arg9[%swap3A, %swap3A_136] {strides = array<i32>} : memref<200x128xf32, #tpu.memory_space<vmem>>, vector<1x16xf32>,
      %swap3A_138 = vector.shape_cast %swap3A_137 : vector<1x16xf32> to vector<16xf32>
      %swap3A_139 = vector.shape_cast %add3A_131 : vector<16xf32> to vector<1x16xf32>
      tpu.vector_store %arg9[%swap3A, %swap3A_136], %swap3A_139 {strides = array<i32>} : memref<200x128xf32, #tpu.memory_space<vmem>>, vector<1x16xf32>,
      %mul3A_140 = arith.constant 4 : i32
      %mul3A_141 = arith.muli %scan3A_112, %mul3A_140 : i32
      %add3A_142 = arith.constant 0 : i32
      %add3A_143 = arith.addi %mul3A_141, %add3A_142 : i32
      %get3A_144 = arith.index_cast %add3A_143 : i32 to index
      %get3A_145 = arith.constant 16 : index
      %get3A_146 = tpu.vector_load %arg9[%get3A_144, %get3A_145] {strides = array<i32>} : memref<200x128xf32, #tpu.memory_space<vmem>>, vector<1x16xf32>,
      %get3A_147 = vector.shape_cast %get3A_146 : vector<1x16xf32> to vector<16xf32>
      %mul3A_148 = arith.constant 11.3137083 : f32
      %mul3A_149 = vector.broadcast %mul3A_148 : f32 to vector<16xf32>
      %mul3A_150 = arith.mulf %get3A_147, %mul3A_149 : vector<16xf32>
      %mul3A_151 = arith.constant 4 : i32
      %mul3A_152 = arith.muli %scan3A_112, %mul3A_151 : i32
      %add3A_153 = arith.constant 0 : i32
      %add3A_154 = arith.addi %mul3A_152, %add3A_153 : i32
      %get3A_155 = arith.index_cast %add3A_154 : i32 to index
      %get3A_156 = arith.constant 16 : index
      %get3A_157 = tpu.vector_load %arg7[%get3A_155, %get3A_156] {strides = array<i32>} : memref<200x128xf32, #tpu.memory_space<vmem>>, vector<1x16xf32>,
      %get3A_158 = vector.shape_cast %get3A_157 : vector<1x16xf32> to vector<16xf32>
      %add3A_159 = arith.addf %mul3A_150, %get3A_158 : vector<16xf32>
      %mul3A_160 = arith.constant 4 : i32
      %mul3A_161 = arith.muli %scan3A_112, %mul3A_160 : i32
      %add3A_162 = arith.constant 0 : i32
      %add3A_163 = arith.addi %mul3A_161, %add3A_162 : i32
      %swap3A_164 = arith.index_cast %add3A_163 : i32 to index
      %swap3A_165 = arith.constant 16 : index
      %swap3A_166 = tpu.vector_load %arg9[%swap3A_164, %swap3A_165] {strides = array<i32>} : memref<200x128xf32, #tpu.memory_space<vmem>>, vector<1x16xf32>,
      %swap3A_167 = vector.shape_cast %swap3A_166 : vector<1x16xf32> to vector<16xf32>
      %swap3A_168 = vector.shape_cast %add3A_159 : vector<16xf32> to vector<1x16xf32>
      tpu.vector_store %arg9[%swap3A_164, %swap3A_165], %swap3A_168 {strides = array<i32>} : memref<200x128xf32, #tpu.memory_space<vmem>>, vector<1x16xf32>,
      %mul3A_169 = arith.constant 4 : i32
      %mul3A_170 = arith.muli %scan3A_112, %mul3A_169 : i32
      %add3A_171 = arith.constant 0 : i32
      %add3A_172 = arith.addi %mul3A_170, %add3A_171 : i32
      %get3A_173 = arith.index_cast %add3A_172 : i32 to index
      %get3A_174 = arith.constant 32 : index
      %get3A_175 = tpu.vector_load %arg9[%get3A_173, %get3A_174] {strides = array<i32>} : memref<200x128xf32, #tpu.memory_space<vmem>>, vector<1x16xf32>,
      %get3A_176 = vector.shape_cast %get3A_175 : vector<1x16xf32> to vector<16xf32>
      %mul3A_177 = arith.constant 11.3137083 : f32
      %mul3A_178 = vector.broadcast %mul3A_177 : f32 to vector<16xf32>
      %mul3A_179 = arith.mulf %get3A_176, %mul3A_178 : vector<16xf32>
      %mul3A_180 = arith.constant 4 : i32
      %mul3A_181 = arith.muli %scan3A_112, %mul3A_180 : i32
      %add3A_182 = arith.constant 0 : i32
      %add3A_183 = arith.addi %mul3A_181, %add3A_182 : i32
      %get3A_184 = arith.index_cast %add3A_183 : i32 to index
      %get3A_185 = arith.constant 32 : index
      %get3A_186 = tpu.vector_load %arg7[%get3A_184, %get3A_185] {strides = array<i32>} : memref<200x128xf32, #tpu.memory_space<vmem>>, vector<1x16xf32>,
      %get3A_187 = vector.shape_cast %get3A_186 : vector<1x16xf32> to vector<16xf32>
      %add3A_188 = arith.addf %mul3A_179, %get3A_187 : vector<16xf32>
      %mul3A_189 = arith.constant 4 : i32
      %mul3A_190 = arith.muli %scan3A_112, %mul3A_189 : i32
      %add3A_191 = arith.constant 0 : i32
      %add3A_192 = arith.addi %mul3A_190, %add3A_191 : i32
      %swap3A_193 = arith.index_cast %add3A_192 : i32 to index
      %swap3A_194 = arith.constant 32 : index
      %swap3A_195 = tpu.vector_load %arg9[%swap3A_193, %swap3A_194] {strides = array<i32>} : memref<200x128xf32, #tpu.memory_space<vmem>>, vector<1x16xf32>,
      %swap3A_196 = vector.shape_cast %swap3A_195 : vector<1x16xf32> to vector<16xf32>
      %swap3A_197 = vector.shape_cast %add3A_188 : vector<16xf32> to vector<1x16xf32>
      tpu.vector_store %arg9[%swap3A_193, %swap3A_194], %swap3A_197 {strides = array<i32>} : memref<200x128xf32, #tpu.memory_space<vmem>>, vector<1x16xf32>,
      %mul3A_198 = arith.constant 4 : i32
      %mul3A_199 = arith.muli %scan3A_112, %mul3A_198 : i32
      %add3A_200 = arith.constant 0 : i32
      %add3A_201 = arith.addi %mul3A_199, %add3A_200 : i32
      %get3A_202 = arith.index_cast %add3A_201 : i32 to index
      %get3A_203 = arith.constant 48 : index
      %get3A_204 = tpu.vector_load %arg9[%get3A_202, %get3A_203] {strides = array<i32>} : memref<200x128xf32, #tpu.memory_space<vmem>>, vector<1x16xf32>,
      %get3A_205 = vector.shape_cast %get3A_204 : vector<1x16xf32> to vector<16xf32>
      %mul3A_206 = arith.constant 11.3137083 : f32
      %mul3A_207 = vector.broadcast %mul3A_206 : f32 to vector<16xf32>
      %mul3A_208 = arith.mulf %get3A_205, %mul3A_207 : vector<16xf32>
      %mul3A_209 = arith.constant 4 : i32
      %mul3A_210 = arith.muli %scan3A_112, %mul3A_209 : i32
      %add3A_211 = arith.constant 0 : i32
      %add3A_212 = arith.addi %mul3A_210, %add3A_211 : i32
      %get3A_213 = arith.index_cast %add3A_212 : i32 to index
      %get3A_214 = arith.constant 48 : index
      %get3A_215 = tpu.vector_load %arg7[%get3A_213, %get3A_214] {strides = array<i32>} : memref<200x128xf32, #tpu.memory_space<vmem>>, vector<1x16xf32>,
      %get3A_216 = vector.shape_cast %get3A_215 : vector<1x16xf32> to vector<16xf32>
      %add3A_217 = arith.addf %mul3A_208, %get3A_216 : vector<16xf32>
      %mul3A_218 = arith.constant 4 : i32
      %mul3A_219 = arith.muli %scan3A_112, %mul3A_218 : i32
      %add3A_220 = arith.constant 0 : i32
      %add3A_221 = arith.addi %mul3A_219, %add3A_220 : i32
      %swap3A_222 = arith.index_cast %add3A_221 : i32 to index
      %swap3A_223 = arith.constant 48 : index
      %swap3A_224 = tpu.vector_load %arg9[%swap3A_222, %swap3A_223] {strides = array<i32>} : memref<200x128xf32, #tpu.memory_space<vmem>>, vector<1x16xf32>,
      %swap3A_225 = vector.shape_cast %swap3A_224 : vector<1x16xf32> to vector<16xf32>
      %swap3A_226 = vector.shape_cast %add3A_217 : vector<16xf32> to vector<1x16xf32>
      tpu.vector_store %arg9[%swap3A_222, %swap3A_223], %swap3A_226 {strides = array<i32>} : memref<200x128xf32, #tpu.memory_space<vmem>>, vector<1x16xf32>,
      %mul3A_227 = arith.constant 4 : i32
      %mul3A_228 = arith.muli %scan3A_112, %mul3A_227 : i32
      %add3A_229 = arith.constant 0 : i32
      %add3A_230 = arith.addi %mul3A_228, %add3A_229 : i32
      %get3A_231 = arith.index_cast %add3A_230 : i32 to index
      %get3A_232 = arith.constant 64 : index
      %get3A_233 = tpu.vector_load %arg9[%get3A_231, %get3A_232] {strides = array<i32>} : memref<200x128xf32, #tpu.memory_space<vmem>>, vector<1x16xf32>,
      %get3A_234 = vector.shape_cast %get3A_233 : vector<1x16xf32> to vector<16xf32>
      %mul3A_235 = arith.constant 11.3137083 : f32
      %mul3A_236 = vector.broadcast %mul3A_235 : f32 to vector<16xf32>
      %mul3A_237 = arith.mulf %get3A_234, %mul3A_236 : vector<16xf32>
      %mul3A_238 = arith.constant 4 : i32
      %mul3A_239 = arith.muli %scan3A_112, %mul3A_238 : i32
      %add3A_240 = arith.constant 0 : i32
      %add3A_241 = arith.addi %mul3A_239, %add3A_240 : i32
      %get3A_242 = arith.index_cast %add3A_241 : i32 to index
      %get3A_243 = arith.constant 64 : index
      %get3A_244 = tpu.vector_load %arg7[%get3A_242, %get3A_243] {strides = array<i32>} : memref<200x128xf32, #tpu.memory_space<vmem>>, vector<1x16xf32>,
      %get3A_245 = vector.shape_cast %get3A_244 : vector<1x16xf32> to vector<16xf32>
      %add3A_246 = arith.addf %mul3A_237, %get3A_245 : vector<16xf32>
      %mul3A_247 = arith.constant 4 : i32
      %mul3A_248 = arith.muli %scan3A_112, %mul3A_247 : i32
      %add3A_249 = arith.constant 0 : i32
      %add3A_250 = arith.addi %mul3A_248, %add3A_249 : i32
      %swap3A_251 = arith.index_cast %add3A_250 : i32 to index
      %swap3A_252 = arith.constant 64 : index
      %swap3A_253 = tpu.vector_load %arg9[%swap3A_251, %swap3A_252] {strides = array<i32>} : memref<200x128xf32, #tpu.memory_space<vmem>>, vector<1x16xf32>,
      %swap3A_254 = vector.shape_cast %swap3A_253 : vector<1x16xf32> to vector<16xf32>
      %swap3A_255 = vector.shape_cast %add3A_246 : vector<16xf32> to vector<1x16xf32>
      tpu.vector_store %arg9[%swap3A_251, %swap3A_252], %swap3A_255 {strides = array<i32>} : memref<200x128xf32, #tpu.memory_space<vmem>>, vector<1x16xf32>,
      %mul3A_256 = arith.constant 4 : i32
      %mul3A_257 = arith.muli %scan3A_112, %mul3A_256 : i32
      %add3A_258 = arith.constant 0 : i32
      %add3A_259 = arith.addi %mul3A_257, %add3A_258 : i32
      %get3A_260 = arith.index_cast %add3A_259 : i32 to index
      %get3A_261 = arith.constant 80 : index
      %get3A_262 = tpu.vector_load %arg9[%get3A_260, %get3A_261] {strides = array<i32>} : memref<200x128xf32, #tpu.memory_space<vmem>>, vector<1x16xf32>,
      %get3A_263 = vector.shape_cast %get3A_262 : vector<1x16xf32> to vector<16xf32>
      %mul3A_264 = arith.constant 11.3137083 : f32
      %mul3A_265 = vector.broadcast %mul3A_264 : f32 to vector<16xf32>
      %mul3A_266 = arith.mulf %get3A_263, %mul3A_265 : vector<16xf32>
      %mul3A_267 = arith.constant 4 : i32
      %mul3A_268 = arith.muli %scan3A_112, %mul3A_267 : i32
      %add3A_269 = arith.constant 0 : i32
      %add3A_270 = arith.addi %mul3A_268, %add3A_269 : i32
      %get3A_271 = arith.index_cast %add3A_270 : i32 to index
      %get3A_272 = arith.constant 80 : index
      %get3A_273 = tpu.vector_load %arg7[%get3A_271, %get3A_272] {strides = array<i32>} : memref<200x128xf32, #tpu.memory_space<vmem>>, vector<1x16xf32>,
      %get3A_274 = vector.shape_cast %get3A_273 : vector<1x16xf32> to vector<16xf32>
      %add3A_275 = arith.addf %mul3A_266, %get3A_274 : vector<16xf32>
      %mul3A_276 = arith.constant 4 : i32
      %mul3A_277 = arith.muli %scan3A_112, %mul3A_276 : i32
      %add3A_278 = arith.constant 0 : i32
      %add3A_279 = arith.addi %mul3A_277, %add3A_278 : i32
      %swap3A_280 = arith.index_cast %add3A_279 : i32 to index
      %swap3A_281 = arith.constant 80 : index
      %swap3A_282 = tpu.vector_load %arg9[%swap3A_280, %swap3A_281] {strides = array<i32>} : memref<200x128xf32, #tpu.memory_space<vmem>>, vector<1x16xf32>,
      %swap3A_283 = vector.shape_cast %swap3A_282 : vector<1x16xf32> to vector<16xf32>
      %swap3A_284 = vector.shape_cast %add3A_275 : vector<16xf32> to vector<1x16xf32>
      tpu.vector_store %arg9[%swap3A_280, %swap3A_281], %swap3A_284 {strides = array<i32>} : memref<200x128xf32, #tpu.memory_space<vmem>>, vector<1x16xf32>,
      %mul3A_285 = arith.constant 4 : i32
      %mul3A_286 = arith.muli %scan3A_112, %mul3A_285 : i32
      %add3A_287 = arith.constant 0 : i32
      %add3A_288 = arith.addi %mul3A_286, %add3A_287 : i32
      %get3A_289 = arith.index_cast %add3A_288 : i32 to index
      %get3A_290 = arith.constant 96 : index
      %get3A_291 = tpu.vector_load %arg9[%get3A_289, %get3A_290] {strides = array<i32>} : memref<200x128xf32, #tpu.memory_space<vmem>>, vector<1x16xf32>,
      %get3A_292 = vector.shape_cast %get3A_291 : vector<1x16xf32> to vector<16xf32>
      %mul3A_293 = arith.constant 11.3137083 : f32
      %mul3A_294 = vector.broadcast %mul3A_293 : f32 to vector<16xf32>
      %mul3A_295 = arith.mulf %get3A_292, %mul3A_294 : vector<16xf32>
      %mul3A_296 = arith.constant 4 : i32
      %mul3A_297 = arith.muli %scan3A_112, %mul3A_296 : i32
      %add3A_298 = arith.constant 0 : i32
      %add3A_299 = arith.addi %mul3A_297, %add3A_298 : i32
      %get3A_300 = arith.index_cast %add3A_299 : i32 to index
      %get3A_301 = arith.constant 96 : index
      %get3A_302 = tpu.vector_load %arg7[%get3A_300, %get3A_301] {strides = array<i32>} : memref<200x128xf32, #tpu.memory_space<vmem>>, vector<1x16xf32>,
      %get3A_303 = vector.shape_cast %get3A_302 : vector<1x16xf32> to vector<16xf32>
      %add3A_304 = arith.addf %mul3A_295, %get3A_303 : vector<16xf32>
      %mul3A_305 = arith.constant 4 : i32
      %mul3A_306 = arith.muli %scan3A_112, %mul3A_305 : i32
      %add3A_307 = arith.constant 0 : i32
      %add3A_308 = arith.addi %mul3A_306, %add3A_307 : i32
      %swap3A_309 = arith.index_cast %add3A_308 : i32 to index
      %swap3A_310 = arith.constant 96 : index
      %swap3A_311 = tpu.vector_load %arg9[%swap3A_309, %swap3A_310] {strides = array<i32>} : memref<200x128xf32, #tpu.memory_space<vmem>>, vector<1x16xf32>,
      %swap3A_312 = vector.shape_cast %swap3A_311 : vector<1x16xf32> to vector<16xf32>
      %swap3A_313 = vector.shape_cast %add3A_304 : vector<16xf32> to vector<1x16xf32>
      tpu.vector_store %arg9[%swap3A_309, %swap3A_310], %swap3A_313 {strides = array<i32>} : memref<200x128xf32, #tpu.memory_space<vmem>>, vector<1x16xf32>,
      %mul3A_314 = arith.constant 4 : i32
      %mul3A_315 = arith.muli %scan3A_112, %mul3A_314 : i32
      %add3A_316 = arith.constant 0 : i32
      %add3A_317 = arith.addi %mul3A_315, %add3A_316 : i32
      %get3A_318 = arith.index_cast %add3A_317 : i32 to index
      %get3A_319 = arith.constant 112 : index
      %get3A_320 = tpu.vector_load %arg9[%get3A_318, %get3A_319] {strides = array<i32>} : memref<200x128xf32, #tpu.memory_space<vmem>>, vector<1x16xf32>,
      %get3A_321 = vector.shape_cast %get3A_320 : vector<1x16xf32> to vector<16xf32>
      %mul3A_322 = arith.constant 11.3137083 : f32
      %mul3A_323 = vector.broadcast %mul3A_322 : f32 to vector<16xf32>
      %mul3A_324 = arith.mulf %get3A_321, %mul3A_323 : vector<16xf32>
      %mul3A_325 = arith.constant 4 : i32
      %mul3A_326 = arith.muli %scan3A_112, %mul3A_325 : i32
      %add3A_327 = arith.constant 0 : i32
      %add3A_328 = arith.addi %mul3A_326, %add3A_327 : i32
      %get3A_329 = arith.index_cast %add3A_328 : i32 to index
      %get3A_330 = arith.constant 112 : index
      %get3A_331 = tpu.vector_load %arg7[%get3A_329, %get3A_330] {strides = array<i32>} : memref<200x128xf32, #tpu.memory_space<vmem>>, vector<1x16xf32>,
      %get3A_332 = vector.shape_cast %get3A_331 : vector<1x16xf32> to vector<16xf32>
      %add3A_333 = arith.addf %mul3A_324, %get3A_332 : vector<16xf32>
      %mul3A_334 = arith.constant 4 : i32
      %mul3A_335 = arith.muli %scan3A_112, %mul3A_334 : i32
      %add3A_336 = arith.constant 0 : i32
      %add3A_337 = arith.addi %mul3A_335, %add3A_336 : i32
      %swap3A_338 = arith.index_cast %add3A_337 : i32 to index
      %swap3A_339 = arith.constant 112 : index
      %swap3A_340 = tpu.vector_load %arg9[%swap3A_338, %swap3A_339] {strides = array<i32>} : memref<200x128xf32, #tpu.memory_space<vmem>>, vector<1x16xf32>,
      %swap3A_341 = vector.shape_cast %swap3A_340 : vector<1x16xf32> to vector<16xf32>
      %swap3A_342 = vector.shape_cast %add3A_333 : vector<16xf32> to vector<1x16xf32>
      tpu.vector_store %arg9[%swap3A_338, %swap3A_339], %swap3A_342 {strides = array<i32>} : memref<200x128xf32, #tpu.memory_space<vmem>>, vector<1x16xf32>,
      %mul3A_343 = arith.constant 4 : i32
      %mul3A_344 = arith.muli %scan3A_112, %mul3A_343 : i32
      %add3A_345 = arith.constant 1 : i32
      %add3A_346 = arith.addi %mul3A_344, %add3A_345 : i32
      %get3A_347 = arith.index_cast %add3A_346 : i32 to index
      %get3A_348 = arith.constant 0 : index
      %get3A_349 = tpu.vector_load %arg9[%get3A_347, %get3A_348] {strides = array<i32>} : memref<200x128xf32, #tpu.memory_space<vmem>>, vector<1x16xf32>,
      %get3A_350 = vector.shape_cast %get3A_349 : vector<1x16xf32> to vector<16xf32>
      %mul3A_351 = arith.constant 11.3137083 : f32
      %mul3A_352 = vector.broadcast %mul3A_351 : f32 to vector<16xf32>
      %mul3A_353 = arith.mulf %get3A_350, %mul3A_352 : vector<16xf32>
      %mul3A_354 = arith.constant 4 : i32
      %mul3A_355 = arith.muli %scan3A_112, %mul3A_354 : i32
      %add3A_356 = arith.constant 1 : i32
      %add3A_357 = arith.addi %mul3A_355, %add3A_356 : i32
      %get3A_358 = arith.index_cast %add3A_357 : i32 to index
      %get3A_359 = arith.constant 0 : index
      %get3A_360 = tpu.vector_load %arg7[%get3A_358, %get3A_359] {strides = array<i32>} : memref<200x128xf32, #tpu.memory_space<vmem>>, vector<1x16xf32>,
      %get3A_361 = vector.shape_cast %get3A_360 : vector<1x16xf32> to vector<16xf32>
      %add3A_362 = arith.addf %mul3A_353, %get3A_361 : vector<16xf32>
      %mul3A_363 = arith.constant 4 : i32
      %mul3A_364 = arith.muli %scan3A_112, %mul3A_363 : i32
      %add3A_365 = arith.constant 1 : i32
      %add3A_366 = arith.addi %mul3A_364, %add3A_365 : i32
      %swap3A_367 = arith.index_cast %add3A_366 : i32 to index
      %swap3A_368 = arith.constant 0 : index
      %swap3A_369 = tpu.vector_load %arg9[%swap3A_367, %swap3A_368] {strides = array<i32>} : memref<200x128xf32, #tpu.memory_space<vmem>>, vector<1x16xf32>,
      %swap3A_370 = vector.shape_cast %swap3A_369 : vector<1x16xf32> to vector<16xf32>
      %swap3A_371 = vector.shape_cast %add3A_362 : vector<16xf32> to vector<1x16xf32>
      tpu.vector_store %arg9[%swap3A_367, %swap3A_368], %swap3A_371 {strides = array<i32>} : memref<200x128xf32, #tpu.memory_space<vmem>>, vector<1x16xf32>,
      %mul3A_372 = arith.constant 4 : i32
      %mul3A_373 = arith.muli %scan3A_112, %mul3A_372 : i32
      %add3A_374 = arith.constant 1 : i32
      %add3A_375 = arith.addi %mul3A_373, %add3A_374 : i32
      %get3A_376 = arith.index_cast %add3A_375 : i32 to index
      %get3A_377 = arith.constant 16 : index
      %get3A_378 = tpu.vector_load %arg9[%get3A_376, %get3A_377] {strides = array<i32>} : memref<200x128xf32, #tpu.memory_space<vmem>>, vector<1x16xf32>,
      %get3A_379 = vector.shape_cast %get3A_378 : vector<1x16xf32> to vector<16xf32>
      %mul3A_380 = arith.constant 11.3137083 : f32
      %mul3A_381 = vector.broadcast %mul3A_380 : f32 to vector<16xf32>
      %mul3A_382 = arith.mulf %get3A_379, %mul3A_381 : vector<16xf32>
      %mul3A_383 = arith.constant 4 : i32
      %mul3A_384 = arith.muli %scan3A_112, %mul3A_383 : i32
      %add3A_385 = arith.constant 1 : i32
      %add3A_386 = arith.addi %mul3A_384, %add3A_385 : i32
      %get3A_387 = arith.index_cast %add3A_386 : i32 to index
      %get3A_388 = arith.constant 16 : index
      %get3A_389 = tpu.vector_load %arg7[%get3A_387, %get3A_388] {strides = array<i32>} : memref<200x128xf32, #tpu.memory_space<vmem>>, vector<1x16xf32>,
      %get3A_390 = vector.shape_cast %get3A_389 : vector<1x16xf32> to vector<16xf32>
      %add3A_391 = arith.addf %mul3A_382, %get3A_390 : vector<16xf32>
      %mul3A_392 = arith.constant 4 : i32
      %mul3A_393 = arith.muli %scan3A_112, %mul3A_392 : i32
      %add3A_394 = arith.constant 1 : i32
      %add3A_395 = arith.addi %mul3A_393, %add3A_394 : i32
      %swap3A_396 = arith.index_cast %add3A_395 : i32 to index
      %swap3A_397 = arith.constant 16 : index
      %swap3A_398 = tpu.vector_load %arg9[%swap3A_396, %swap3A_397] {strides = array<i32>} : memref<200x128xf32, #tpu.memory_space<vmem>>, vector<1x16xf32>,
      %swap3A_399 = vector.shape_cast %swap3A_398 : vector<1x16xf32> to vector<16xf32>
      %swap3A_400 = vector.shape_cast %add3A_391 : vector<16xf32> to vector<1x16xf32>
      tpu.vector_store %arg9[%swap3A_396, %swap3A_397], %swap3A_400 {strides = array<i32>} : memref<200x128xf32, #tpu.memory_space<vmem>>, vector<1x16xf32>,
      %mul3A_401 = arith.constant 4 : i32
      %mul3A_402 = arith.muli %scan3A_112, %mul3A_401 : i32
      %add3A_403 = arith.constant 1 : i32
      %add3A_404 = arith.addi %mul3A_402, %add3A_403 : i32
      %get3A_405 = arith.index_cast %add3A_404 : i32 to index
      %get3A_406 = arith.constant 32 : index
      %get3A_407 = tpu.vector_load %arg9[%get3A_405, %get3A_406] {strides = array<i32>} : memref<200x128xf32, #tpu.memory_space<vmem>>, vector<1x16xf32>,
      %get3A_408 = vector.shape_cast %get3A_407 : vector<1x16xf32> to vector<16xf32>
      %mul3A_409 = arith.constant 11.3137083 : f32
      %mul3A_410 = vector.broadcast %mul3A_409 : f32 to vector<16xf32>
      %mul3A_411 = arith.mulf %get3A_408, %mul3A_410 : vector<16xf32>
      %mul3A_412 = arith.constant 4 : i32
      %mul3A_413 = arith.muli %scan3A_112, %mul3A_412 : i32
      %add3A_414 = arith.constant 1 : i32
      %add3A_415 = arith.addi %mul3A_413, %add3A_414 : i32
      %get3A_416 = arith.index_cast %add3A_415 : i32 to index
      %get3A_417 = arith.constant 32 : index
      %get3A_418 = tpu.vector_load %arg7[%get3A_416, %get3A_417] {strides = array<i32>} : memref<200x128xf32, #tpu.memory_space<vmem>>, vector<1x16xf32>,
      %get3A_419 = vector.shape_cast %get3A_418 : vector<1x16xf32> to vector<16xf32>
      %add3A_420 = arith.addf %mul3A_411, %get3A_419 : vector<16xf32>
      %mul3A_421 = arith.constant 4 : i32
      %mul3A_422 = arith.muli %scan3A_112, %mul3A_421 : i32
      %add3A_423 = arith.constant 1 : i32
      %add3A_424 = arith.addi %mul3A_422, %add3A_423 : i32
      %swap3A_425 = arith.index_cast %add3A_424 : i32 to index
      %swap3A_426 = arith.constant 32 : index
      %swap3A_427 = tpu.vector_load %arg9[%swap3A_425, %swap3A_426] {strides = array<i32>} : memref<200x128xf32, #tpu.memory_space<vmem>>, vector<1x16xf32>,
      %swap3A_428 = vector.shape_cast %swap3A_427 : vector<1x16xf32> to vector<16xf32>
      %swap3A_429 = vector.shape_cast %add3A_420 : vector<16xf32> to vector<1x16xf32>
      tpu.vector_store %arg9[%swap3A_425, %swap3A_426], %swap3A_429 {strides = array<i32>} : memref<200x128xf32, #tpu.memory_space<vmem>>, vector<1x16xf32>,
      %mul3A_430 = arith.constant 4 : i32
      %mul3A_431 = arith.muli %scan3A_112, %mul3A_430 : i32
      %add3A_432 = arith.constant 1 : i32
      %add3A_433 = arith.addi %mul3A_431, %add3A_432 : i32
      %get3A_434 = arith.index_cast %add3A_433 : i32 to index
      %get3A_435 = arith.constant 48 : index
      %get3A_436 = tpu.vector_load %arg9[%get3A_434, %get3A_435] {strides = array<i32>} : memref<200x128xf32, #tpu.memory_space<vmem>>, vector<1x16xf32>,
      %get3A_437 = vector.shape_cast %get3A_436 : vector<1x16xf32> to vector<16xf32>
      %mul3A_438 = arith.constant 11.3137083 : f32
      %mul3A_439 = vector.broadcast %mul3A_438 : f32 to vector<16xf32>
      %mul3A_440 = arith.mulf %get3A_437, %mul3A_439 : vector<16xf32>
      %mul3A_441 = arith.constant 4 : i32
      %mul3A_442 = arith.muli %scan3A_112, %mul3A_441 : i32
      %add3A_443 = arith.constant 1 : i32
      %add3A_444 = arith.addi %mul3A_442, %add3A_443 : i32
      %get3A_445 = arith.index_cast %add3A_444 : i32 to index
      %get3A_446 = arith.constant 48 : index
      %get3A_447 = tpu.vector_load %arg7[%get3A_445, %get3A_446] {strides = array<i32>} : memref<200x128xf32, #tpu.memory_space<vmem>>, vector<1x16xf32>,
      %get3A_448 = vector.shape_cast %get3A_447 : vector<1x16xf32> to vector<16xf32>
      %add3A_449 = arith.addf %mul3A_440, %get3A_448 : vector<16xf32>
      %mul3A_450 = arith.constant 4 : i32
      %mul3A_451 = arith.muli %scan3A_112, %mul3A_450 : i32
      %add3A_452 = arith.constant 1 : i32
      %add3A_453 = arith.addi %mul3A_451, %add3A_452 : i32
      %swap3A_454 = arith.index_cast %add3A_453 : i32 to index
      %swap3A_455 = arith.constant 48 : index
      %swap3A_456 = tpu.vector_load %arg9[%swap3A_454, %swap3A_455] {strides = array<i32>} : memref<200x128xf32, #tpu.memory_space<vmem>>, vector<1x16xf32>,
      %swap3A_457 = vector.shape_cast %swap3A_456 : vector<1x16xf32> to vector<16xf32>
      %swap3A_458 = vector.shape_cast %add3A_449 : vector<16xf32> to vector<1x16xf32>
      tpu.vector_store %arg9[%swap3A_454, %swap3A_455], %swap3A_458 {strides = array<i32>} : memref<200x128xf32, #tpu.memory_space<vmem>>, vector<1x16xf32>,
      %mul3A_459 = arith.constant 4 : i32
      %mul3A_460 = arith.muli %scan3A_112, %mul3A_459 : i32
      %add3A_461 = arith.constant 1 : i32
      %add3A_462 = arith.addi %mul3A_460, %add3A_461 : i32
      %get3A_463 = arith.index_cast %add3A_462 : i32 to index
      %get3A_464 = arith.constant 64 : index
      %get3A_465 = tpu.vector_load %arg9[%get3A_463, %get3A_464] {strides = array<i32>} : memref<200x128xf32, #tpu.memory_space<vmem>>, vector<1x16xf32>,
      %get3A_466 = vector.shape_cast %get3A_465 : vector<1x16xf32> to vector<16xf32>
      %mul3A_467 = arith.constant 11.3137083 : f32
      %mul3A_468 = vector.broadcast %mul3A_467 : f32 to vector<16xf32>
      %mul3A_469 = arith.mulf %get3A_466, %mul3A_468 : vector<16xf32>
      %mul3A_470 = arith.constant 4 : i32
      %mul3A_471 = arith.muli %scan3A_112, %mul3A_470 : i32
      %add3A_472 = arith.constant 1 : i32
      %add3A_473 = arith.addi %mul3A_471, %add3A_472 : i32
      %get3A_474 = arith.index_cast %add3A_473 : i32 to index
      %get3A_475 = arith.constant 64 : index
      %get3A_476 = tpu.vector_load %arg7[%get3A_474, %get3A_475] {strides = array<i32>} : memref<200x128xf32, #tpu.memory_space<vmem>>, vector<1x16xf32>,
      %get3A_477 = vector.shape_cast %get3A_476 : vector<1x16xf32> to vector<16xf32>
      %add3A_478 = arith.addf %mul3A_469, %get3A_477 : vector<16xf32>
      %mul3A_479 = arith.constant 4 : i32
      %mul3A_480 = arith.muli %scan3A_112, %mul3A_479 : i32
      %add3A_481 = arith.constant 1 : i32
      %add3A_482 = arith.addi %mul3A_480, %add3A_481 : i32
      %swap3A_483 = arith.index_cast %add3A_482 : i32 to index
      %swap3A_484 = arith.constant 64 : index
      %swap3A_485 = tpu.vector_load %arg9[%swap3A_483, %swap3A_484] {strides = array<i32>} : memref<200x128xf32, #tpu.memory_space<vmem>>, vector<1x16xf32>,
      %swap3A_486 = vector.shape_cast %swap3A_485 : vector<1x16xf32> to vector<16xf32>
      %swap3A_487 = vector.shape_cast %add3A_478 : vector<16xf32> to vector<1x16xf32>
      tpu.vector_store %arg9[%swap3A_483, %swap3A_484], %swap3A_487 {strides = array<i32>} : memref<200x128xf32, #tpu.memory_space<vmem>>, vector<1x16xf32>,
      %mul3A_488 = arith.constant 4 : i32
      %mul3A_489 = arith.muli %scan3A_112, %mul3A_488 : i32
      %add3A_490 = arith.constant 1 : i32
      %add3A_491 = arith.addi %mul3A_489, %add3A_490 : i32
      %get3A_492 = arith.index_cast %add3A_491 : i32 to index
      %get3A_493 = arith.constant 80 : index
      %get3A_494 = tpu.vector_load %arg9[%get3A_492, %get3A_493] {strides = array<i32>} : memref<200x128xf32, #tpu.memory_space<vmem>>, vector<1x16xf32>,
      %get3A_495 = vector.shape_cast %get3A_494 : vector<1x16xf32> to vector<16xf32>
      %mul3A_496 = arith.constant 11.3137083 : f32
      %mul3A_497 = vector.broadcast %mul3A_496 : f32 to vector<16xf32>
      %mul3A_498 = arith.mulf %get3A_495, %mul3A_497 : vector<16xf32>
      %mul3A_499 = arith.constant 4 : i32
      %mul3A_500 = arith.muli %scan3A_112, %mul3A_499 : i32
      %add3A_501 = arith.constant 1 : i32
      %add3A_502 = arith.addi %mul3A_500, %add3A_501 : i32
      %get3A_503 = arith.index_cast %add3A_502 : i32 to index
      %get3A_504 = arith.constant 80 : index
      %get3A_505 = tpu.vector_load %arg7[%get3A_503, %get3A_504] {strides = array<i32>} : memref<200x128xf32, #tpu.memory_space<vmem>>, vector<1x16xf32>,
      %get3A_506 = vector.shape_cast %get3A_505 : vector<1x16xf32> to vector<16xf32>
      %add3A_507 = arith.addf %mul3A_498, %get3A_506 : vector<16xf32>
      %mul3A_508 = arith.constant 4 : i32
      %mul3A_509 = arith.muli %scan3A_112, %mul3A_508 : i32
      %add3A_510 = arith.constant 1 : i32
      %add3A_511 = arith.addi %mul3A_509, %add3A_510 : i32
      %swap3A_512 = arith.index_cast %add3A_511 : i32 to index
      %swap3A_513 = arith.constant 80 : index
      %swap3A_514 = tpu.vector_load %arg9[%swap3A_512, %swap3A_513] {strides = array<i32>} : memref<200x128xf32, #tpu.memory_space<vmem>>, vector<1x16xf32>,
      %swap3A_515 = vector.shape_cast %swap3A_514 : vector<1x16xf32> to vector<16xf32>
      %swap3A_516 = vector.shape_cast %add3A_507 : vector<16xf32> to vector<1x16xf32>
      tpu.vector_store %arg9[%swap3A_512, %swap3A_513], %swap3A_516 {strides = array<i32>} : memref<200x128xf32, #tpu.memory_space<vmem>>, vector<1x16xf32>,
      %mul3A_517 = arith.constant 4 : i32
      %mul3A_518 = arith.muli %scan3A_112, %mul3A_517 : i32
      %add3A_519 = arith.constant 1 : i32
      %add3A_520 = arith.addi %mul3A_518, %add3A_519 : i32
      %get3A_521 = arith.index_cast %add3A_520 : i32 to index
      %get3A_522 = arith.constant 96 : index
      %get3A_523 = tpu.vector_load %arg9[%get3A_521, %get3A_522] {strides = array<i32>} : memref<200x128xf32, #tpu.memory_space<vmem>>, vector<1x16xf32>,
      %get3A_524 = vector.shape_cast %get3A_523 : vector<1x16xf32> to vector<16xf32>
      %mul3A_525 = arith.constant 11.3137083 : f32
      %mul3A_526 = vector.broadcast %mul3A_525 : f32 to vector<16xf32>
      %mul3A_527 = arith.mulf %get3A_524, %mul3A_526 : vector<16xf32>
      %mul3A_528 = arith.constant 4 : i32
      %mul3A_529 = arith.muli %scan3A_112, %mul3A_528 : i32
      %add3A_530 = arith.constant 1 : i32
      %add3A_531 = arith.addi %mul3A_529, %add3A_530 : i32
      %get3A_532 = arith.index_cast %add3A_531 : i32 to index
      %get3A_533 = arith.constant 96 : index
      %get3A_534 = tpu.vector_load %arg7[%get3A_532, %get3A_533] {strides = array<i32>} : memref<200x128xf32, #tpu.memory_space<vmem>>, vector<1x16xf32>,
      %get3A_535 = vector.shape_cast %get3A_534 : vector<1x16xf32> to vector<16xf32>
      %add3A_536 = arith.addf %mul3A_527, %get3A_535 : vector<16xf32>
      %mul3A_537 = arith.constant 4 : i32
      %mul3A_538 = arith.muli %scan3A_112, %mul3A_537 : i32
      %add3A_539 = arith.constant 1 : i32
      %add3A_540 = arith.addi %mul3A_538, %add3A_539 : i32
      %swap3A_541 = arith.index_cast %add3A_540 : i32 to index
      %swap3A_542 = arith.constant 96 : index
      %swap3A_543 = tpu.vector_load %arg9[%swap3A_541, %swap3A_542] {strides = array<i32>} : memref<200x128xf32, #tpu.memory_space<vmem>>, vector<1x16xf32>,
      %swap3A_544 = vector.shape_cast %swap3A_543 : vector<1x16xf32> to vector<16xf32>
      %swap3A_545 = vector.shape_cast %add3A_536 : vector<16xf32> to vector<1x16xf32>
      tpu.vector_store %arg9[%swap3A_541, %swap3A_542], %swap3A_545 {strides = array<i32>} : memref<200x128xf32, #tpu.memory_space<vmem>>, vector<1x16xf32>,
      %mul3A_546 = arith.constant 4 : i32
      %mul3A_547 = arith.muli %scan3A_112, %mul3A_546 : i32
      %add3A_548 = arith.constant 1 : i32
      %add3A_549 = arith.addi %mul3A_547, %add3A_548 : i32
      %get3A_550 = arith.index_cast %add3A_549 : i32 to index
      %get3A_551 = arith.constant 112 : index
      %get3A_552 = tpu.vector_load %arg9[%get3A_550, %get3A_551] {strides = array<i32>} : memref<200x128xf32, #tpu.memory_space<vmem>>, vector<1x16xf32>,
      %get3A_553 = vector.shape_cast %get3A_552 : vector<1x16xf32> to vector<16xf32>
      %mul3A_554 = arith.constant 11.3137083 : f32
      %mul3A_555 = vector.broadcast %mul3A_554 : f32 to vector<16xf32>
      %mul3A_556 = arith.mulf %get3A_553, %mul3A_555 : vector<16xf32>
      %mul3A_557 = arith.constant 4 : i32
      %mul3A_558 = arith.muli %scan3A_112, %mul3A_557 : i32
      %add3A_559 = arith.constant 1 : i32
      %add3A_560 = arith.addi %mul3A_558, %add3A_559 : i32
      %get3A_561 = arith.index_cast %add3A_560 : i32 to index
      %get3A_562 = arith.constant 112 : index
      %get3A_563 = tpu.vector_load %arg7[%get3A_561, %get3A_562] {strides = array<i32>} : memref<200x128xf32, #tpu.memory_space<vmem>>, vector<1x16xf32>,
      %get3A_564 = vector.shape_cast %get3A_563 : vector<1x16xf32> to vector<16xf32>
      %add3A_565 = arith.addf %mul3A_556, %get3A_564 : vector<16xf32>
      %mul3A_566 = arith.constant 4 : i32
      %mul3A_567 = arith.muli %scan3A_112, %mul3A_566 : i32
      %add3A_568 = arith.constant 1 : i32
      %add3A_569 = arith.addi %mul3A_567, %add3A_568 : i32
      %swap3A_570 = arith.index_cast %add3A_569 : i32 to index
      %swap3A_571 = arith.constant 112 : index
      %swap3A_572 = tpu.vector_load %arg9[%swap3A_570, %swap3A_571] {strides = array<i32>} : memref<200x128xf32, #tpu.memory_space<vmem>>, vector<1x16xf32>,
      %swap3A_573 = vector.shape_cast %swap3A_572 : vector<1x16xf32> to vector<16xf32>
      %swap3A_574 = vector.shape_cast %add3A_565 : vector<16xf32> to vector<1x16xf32>
      tpu.vector_store %arg9[%swap3A_570, %swap3A_571], %swap3A_574 {strides = array<i32>} : memref<200x128xf32, #tpu.memory_space<vmem>>, vector<1x16xf32>,
      %mul3A_575 = arith.constant 4 : i32
      %mul3A_576 = arith.muli %scan3A_112, %mul3A_575 : i32
      %add3A_577 = arith.constant 2 : i32
      %add3A_578 = arith.addi %mul3A_576, %add3A_577 : i32
      %get3A_579 = arith.index_cast %add3A_578 : i32 to index
      %get3A_580 = arith.constant 0 : index
      %get3A_581 = tpu.vector_load %arg9[%get3A_579, %get3A_580] {strides = array<i32>} : memref<200x128xf32, #tpu.memory_space<vmem>>, vector<1x16xf32>,
      %get3A_582 = vector.shape_cast %get3A_581 : vector<1x16xf32> to vector<16xf32>
      %mul3A_583 = arith.constant 11.3137083 : f32
      %mul3A_584 = vector.broadcast %mul3A_583 : f32 to vector<16xf32>
      %mul3A_585 = arith.mulf %get3A_582, %mul3A_584 : vector<16xf32>
      %mul3A_586 = arith.constant 4 : i32
      %mul3A_587 = arith.muli %scan3A_112, %mul3A_586 : i32
      %add3A_588 = arith.constant 2 : i32
      %add3A_589 = arith.addi %mul3A_587, %add3A_588 : i32
      %get3A_590 = arith.index_cast %add3A_589 : i32 to index
      %get3A_591 = arith.constant 0 : index
      %get3A_592 = tpu.vector_load %arg7[%get3A_590, %get3A_591] {strides = array<i32>} : memref<200x128xf32, #tpu.memory_space<vmem>>, vector<1x16xf32>,
      %get3A_593 = vector.shape_cast %get3A_592 : vector<1x16xf32> to vector<16xf32>
      %add3A_594 = arith.addf %mul3A_585, %get3A_593 : vector<16xf32>
      %mul3A_595 = arith.constant 4 : i32
      %mul3A_596 = arith.muli %scan3A_112, %mul3A_595 : i32
      %add3A_597 = arith.constant 2 : i32
      %add3A_598 = arith.addi %mul3A_596, %add3A_597 : i32
      %swap3A_599 = arith.index_cast %add3A_598 : i32 to index
      %swap3A_600 = arith.constant 0 : index
      %swap3A_601 = tpu.vector_load %arg9[%swap3A_599, %swap3A_600] {strides = array<i32>} : memref<200x128xf32, #tpu.memory_space<vmem>>, vector<1x16xf32>,
      %swap3A_602 = vector.shape_cast %swap3A_601 : vector<1x16xf32> to vector<16xf32>
      %swap3A_603 = vector.shape_cast %add3A_594 : vector<16xf32> to vector<1x16xf32>
      tpu.vector_store %arg9[%swap3A_599, %swap3A_600], %swap3A_603 {strides = array<i32>} : memref<200x128xf32, #tpu.memory_space<vmem>>, vector<1x16xf32>,
      %mul3A_604 = arith.constant 4 : i32
      %mul3A_605 = arith.muli %scan3A_112, %mul3A_604 : i32
      %add3A_606 = arith.constant 2 : i32
      %add3A_607 = arith.addi %mul3A_605, %add3A_606 : i32
      %get3A_608 = arith.index_cast %add3A_607 : i32 to index
      %get3A_609 = arith.constant 16 : index
      %get3A_610 = tpu.vector_load %arg9[%get3A_608, %get3A_609] {strides = array<i32>} : memref<200x128xf32, #tpu.memory_space<vmem>>, vector<1x16xf32>,
      %get3A_611 = vector.shape_cast %get3A_610 : vector<1x16xf32> to vector<16xf32>
      %mul3A_612 = arith.constant 11.3137083 : f32
      %mul3A_613 = vector.broadcast %mul3A_612 : f32 to vector<16xf32>
      %mul3A_614 = arith.mulf %get3A_611, %mul3A_613 : vector<16xf32>
      %mul3A_615 = arith.constant 4 : i32
      %mul3A_616 = arith.muli %scan3A_112, %mul3A_615 : i32
      %add3A_617 = arith.constant 2 : i32
      %add3A_618 = arith.addi %mul3A_616, %add3A_617 : i32
      %get3A_619 = arith.index_cast %add3A_618 : i32 to index
      %get3A_620 = arith.constant 16 : index
      %get3A_621 = tpu.vector_load %arg7[%get3A_619, %get3A_620] {strides = array<i32>} : memref<200x128xf32, #tpu.memory_space<vmem>>, vector<1x16xf32>,
      %get3A_622 = vector.shape_cast %get3A_621 : vector<1x16xf32> to vector<16xf32>
      %add3A_623 = arith.addf %mul3A_614, %get3A_622 : vector<16xf32>
      %mul3A_624 = arith.constant 4 : i32
      %mul3A_625 = arith.muli %scan3A_112, %mul3A_624 : i32
      %add3A_626 = arith.constant 2 : i32
      %add3A_627 = arith.addi %mul3A_625, %add3A_626 : i32
      %swap3A_628 = arith.index_cast %add3A_627 : i32 to index
      %swap3A_629 = arith.constant 16 : index
      %swap3A_630 = tpu.vector_load %arg9[%swap3A_628, %swap3A_629] {strides = array<i32>} : memref<200x128xf32, #tpu.memory_space<vmem>>, vector<1x16xf32>,
      %swap3A_631 = vector.shape_cast %swap3A_630 : vector<1x16xf32> to vector<16xf32>
      %swap3A_632 = vector.shape_cast %add3A_623 : vector<16xf32> to vector<1x16xf32>
      tpu.vector_store %arg9[%swap3A_628, %swap3A_629], %swap3A_632 {strides = array<i32>} : memref<200x128xf32, #tpu.memory_space<vmem>>, vector<1x16xf32>,
      %mul3A_633 = arith.constant 4 : i32
      %mul3A_634 = arith.muli %scan3A_112, %mul3A_633 : i32
      %add3A_635 = arith.constant 2 : i32
      %add3A_636 = arith.addi %mul3A_634, %add3A_635 : i32
      %get3A_637 = arith.index_cast %add3A_636 : i32 to index
      %get3A_638 = arith.constant 32 : index
      %get3A_639 = tpu.vector_load %arg9[%get3A_637, %get3A_638] {strides = array<i32>} : memref<200x128xf32, #tpu.memory_space<vmem>>, vector<1x16xf32>,
      %get3A_640 = vector.shape_cast %get3A_639 : vector<1x16xf32> to vector<16xf32>
      %mul3A_641 = arith.constant 11.3137083 : f32
      %mul3A_642 = vector.broadcast %mul3A_641 : f32 to vector<16xf32>
      %mul3A_643 = arith.mulf %get3A_640, %mul3A_642 : vector<16xf32>
      %mul3A_644 = arith.constant 4 : i32
      %mul3A_645 = arith.muli %scan3A_112, %mul3A_644 : i32
      %add3A_646 = arith.constant 2 : i32
      %add3A_647 = arith.addi %mul3A_645, %add3A_646 : i32
      %get3A_648 = arith.index_cast %add3A_647 : i32 to index
      %get3A_649 = arith.constant 32 : index
      %get3A_650 = tpu.vector_load %arg7[%get3A_648, %get3A_649] {strides = array<i32>} : memref<200x128xf32, #tpu.memory_space<vmem>>, vector<1x16xf32>,
      %get3A_651 = vector.shape_cast %get3A_650 : vector<1x16xf32> to vector<16xf32>
      %add3A_652 = arith.addf %mul3A_643, %get3A_651 : vector<16xf32>
      %mul3A_653 = arith.constant 4 : i32
      %mul3A_654 = arith.muli %scan3A_112, %mul3A_653 : i32
      %add3A_655 = arith.constant 2 : i32
      %add3A_656 = arith.addi %mul3A_654, %add3A_655 : i32
      %swap3A_657 = arith.index_cast %add3A_656 : i32 to index
      %swap3A_658 = arith.constant 32 : index
      %swap3A_659 = tpu.vector_load %arg9[%swap3A_657, %swap3A_658] {strides = array<i32>} : memref<200x128xf32, #tpu.memory_space<vmem>>, vector<1x16xf32>,
      %swap3A_660 = vector.shape_cast %swap3A_659 : vector<1x16xf32> to vector<16xf32>
      %swap3A_661 = vector.shape_cast %add3A_652 : vector<16xf32> to vector<1x16xf32>
      tpu.vector_store %arg9[%swap3A_657, %swap3A_658], %swap3A_661 {strides = array<i32>} : memref<200x128xf32, #tpu.memory_space<vmem>>, vector<1x16xf32>,
      %mul3A_662 = arith.constant 4 : i32
      %mul3A_663 = arith.muli %scan3A_112, %mul3A_662 : i32
      %add3A_664 = arith.constant 2 : i32
      %add3A_665 = arith.addi %mul3A_663, %add3A_664 : i32
      %get3A_666 = arith.index_cast %add3A_665 : i32 to index
      %get3A_667 = arith.constant 48 : index
      %get3A_668 = tpu.vector_load %arg9[%get3A_666, %get3A_667] {strides = array<i32>} : memref<200x128xf32, #tpu.memory_space<vmem>>, vector<1x16xf32>,
      %get3A_669 = vector.shape_cast %get3A_668 : vector<1x16xf32> to vector<16xf32>
      %mul3A_670 = arith.constant 11.3137083 : f32
      %mul3A_671 = vector.broadcast %mul3A_670 : f32 to vector<16xf32>
      %mul3A_672 = arith.mulf %get3A_669, %mul3A_671 : vector<16xf32>
      %mul3A_673 = arith.constant 4 : i32
      %mul3A_674 = arith.muli %scan3A_112, %mul3A_673 : i32
      %add3A_675 = arith.constant 2 : i32
      %add3A_676 = arith.addi %mul3A_674, %add3A_675 : i32
      %get3A_677 = arith.index_cast %add3A_676 : i32 to index
      %get3A_678 = arith.constant 48 : index
      %get3A_679 = tpu.vector_load %arg7[%get3A_677, %get3A_678] {strides = array<i32>} : memref<200x128xf32, #tpu.memory_space<vmem>>, vector<1x16xf32>,
      %get3A_680 = vector.shape_cast %get3A_679 : vector<1x16xf32> to vector<16xf32>
      %add3A_681 = arith.addf %mul3A_672, %get3A_680 : vector<16xf32>
      %mul3A_682 = arith.constant 4 : i32
      %mul3A_683 = arith.muli %scan3A_112, %mul3A_682 : i32
      %add3A_684 = arith.constant 2 : i32
      %add3A_685 = arith.addi %mul3A_683, %add3A_684 : i32
      %swap3A_686 = arith.index_cast %add3A_685 : i32 to index
      %swap3A_687 = arith.constant 48 : index
      %swap3A_688 = tpu.vector_load %arg9[%swap3A_686, %swap3A_687] {strides = array<i32>} : memref<200x128xf32, #tpu.memory_space<vmem>>, vector<1x16xf32>,
      %swap3A_689 = vector.shape_cast %swap3A_688 : vector<1x16xf32> to vector<16xf32>
      %swap3A_690 = vector.shape_cast %add3A_681 : vector<16xf32> to vector<1x16xf32>
      tpu.vector_store %arg9[%swap3A_686, %swap3A_687], %swap3A_690 {strides = array<i32>} : memref<200x128xf32, #tpu.memory_space<vmem>>, vector<1x16xf32>,
      %mul3A_691 = arith.constant 4 : i32
      %mul3A_692 = arith.muli %scan3A_112, %mul3A_691 : i32
      %add3A_693 = arith.constant 2 : i32
      %add3A_694 = arith.addi %mul3A_692, %add3A_693 : i32
      %get3A_695 = arith.index_cast %add3A_694 : i32 to index
      %get3A_696 = arith.constant 64 : index
      %get3A_697 = tpu.vector_load %arg9[%get3A_695, %get3A_696] {strides = array<i32>} : memref<200x128xf32, #tpu.memory_space<vmem>>, vector<1x16xf32>,
      %get3A_698 = vector.shape_cast %get3A_697 : vector<1x16xf32> to vector<16xf32>
      %mul3A_699 = arith.constant 11.3137083 : f32
      %mul3A_700 = vector.broadcast %mul3A_699 : f32 to vector<16xf32>
      %mul3A_701 = arith.mulf %get3A_698, %mul3A_700 : vector<16xf32>
      %mul3A_702 = arith.constant 4 : i32
      %mul3A_703 = arith.muli %scan3A_112, %mul3A_702 : i32
      %add3A_704 = arith.constant 2 : i32
      %add3A_705 = arith.addi %mul3A_703, %add3A_704 : i32
      %get3A_706 = arith.index_cast %add3A_705 : i32 to index
      %get3A_707 = arith.constant 64 : index
      %get3A_708 = tpu.vector_load %arg7[%get3A_706, %get3A_707] {strides = array<i32>} : memref<200x128xf32, #tpu.memory_space<vmem>>, vector<1x16xf32>,
      %get3A_709 = vector.shape_cast %get3A_708 : vector<1x16xf32> to vector<16xf32>
      %add3A_710 = arith.addf %mul3A_701, %get3A_709 : vector<16xf32>
      %mul3A_711 = arith.constant 4 : i32
      %mul3A_712 = arith.muli %scan3A_112, %mul3A_711 : i32
      %add3A_713 = arith.constant 2 : i32
      %add3A_714 = arith.addi %mul3A_712, %add3A_713 : i32
      %swap3A_715 = arith.index_cast %add3A_714 : i32 to index
      %swap3A_716 = arith.constant 64 : index
      %swap3A_717 = tpu.vector_load %arg9[%swap3A_715, %swap3A_716] {strides = array<i32>} : memref<200x128xf32, #tpu.memory_space<vmem>>, vector<1x16xf32>,
      %swap3A_718 = vector.shape_cast %swap3A_717 : vector<1x16xf32> to vector<16xf32>
      %swap3A_719 = vector.shape_cast %add3A_710 : vector<16xf32> to vector<1x16xf32>
      tpu.vector_store %arg9[%swap3A_715, %swap3A_716], %swap3A_719 {strides = array<i32>} : memref<200x128xf32, #tpu.memory_space<vmem>>, vector<1x16xf32>,
      %mul3A_720 = arith.constant 4 : i32
      %mul3A_721 = arith.muli %scan3A_112, %mul3A_720 : i32
      %add3A_722 = arith.constant 2 : i32
      %add3A_723 = arith.addi %mul3A_721, %add3A_722 : i32
      %get3A_724 = arith.index_cast %add3A_723 : i32 to index
      %get3A_725 = arith.constant 80 : index
      %get3A_726 = tpu.vector_load %arg9[%get3A_724, %get3A_725] {strides = array<i32>} : memref<200x128xf32, #tpu.memory_space<vmem>>, vector<1x16xf32>,
      %get3A_727 = vector.shape_cast %get3A_726 : vector<1x16xf32> to vector<16xf32>
      %mul3A_728 = arith.constant 11.3137083 : f32
      %mul3A_729 = vector.broadcast %mul3A_728 : f32 to vector<16xf32>
      %mul3A_730 = arith.mulf %get3A_727, %mul3A_729 : vector<16xf32>
      %mul3A_731 = arith.constant 4 : i32
      %mul3A_732 = arith.muli %scan3A_112, %mul3A_731 : i32
      %add3A_733 = arith.constant 2 : i32
      %add3A_734 = arith.addi %mul3A_732, %add3A_733 : i32
      %get3A_735 = arith.index_cast %add3A_734 : i32 to index
      %get3A_736 = arith.constant 80 : index
      %get3A_737 = tpu.vector_load %arg7[%get3A_735, %get3A_736] {strides = array<i32>} : memref<200x128xf32, #tpu.memory_space<vmem>>, vector<1x16xf32>,
      %get3A_738 = vector.shape_cast %get3A_737 : vector<1x16xf32> to vector<16xf32>
      %add3A_739 = arith.addf %mul3A_730, %get3A_738 : vector<16xf32>
      %mul3A_740 = arith.constant 4 : i32
      %mul3A_741 = arith.muli %scan3A_112, %mul3A_740 : i32
      %add3A_742 = arith.constant 2 : i32
      %add3A_743 = arith.addi %mul3A_741, %add3A_742 : i32
      %swap3A_744 = arith.index_cast %add3A_743 : i32 to index
      %swap3A_745 = arith.constant 80 : index
      %swap3A_746 = tpu.vector_load %arg9[%swap3A_744, %swap3A_745] {strides = array<i32>} : memref<200x128xf32, #tpu.memory_space<vmem>>, vector<1x16xf32>,
      %swap3A_747 = vector.shape_cast %swap3A_746 : vector<1x16xf32> to vector<16xf32>
      %swap3A_748 = vector.shape_cast %add3A_739 : vector<16xf32> to vector<1x16xf32>
      tpu.vector_store %arg9[%swap3A_744, %swap3A_745], %swap3A_748 {strides = array<i32>} : memref<200x128xf32, #tpu.memory_space<vmem>>, vector<1x16xf32>,
      %mul3A_749 = arith.constant 4 : i32
      %mul3A_750 = arith.muli %scan3A_112, %mul3A_749 : i32
      %add3A_751 = arith.constant 2 : i32
      %add3A_752 = arith.addi %mul3A_750, %add3A_751 : i32
      %get3A_753 = arith.index_cast %add3A_752 : i32 to index
      %get3A_754 = arith.constant 96 : index
      %get3A_755 = tpu.vector_load %arg9[%get3A_753, %get3A_754] {strides = array<i32>} : memref<200x128xf32, #tpu.memory_space<vmem>>, vector<1x16xf32>,
      %get3A_756 = vector.shape_cast %get3A_755 : vector<1x16xf32> to vector<16xf32>
      %mul3A_757 = arith.constant 11.3137083 : f32
      %mul3A_758 = vector.broadcast %mul3A_757 : f32 to vector<16xf32>
      %mul3A_759 = arith.mulf %get3A_756, %mul3A_758 : vector<16xf32>
      %mul3A_760 = arith.constant 4 : i32
      %mul3A_761 = arith.muli %scan3A_112, %mul3A_760 : i32
      %add3A_762 = arith.constant 2 : i32
      %add3A_763 = arith.addi %mul3A_761, %add3A_762 : i32
      %get3A_764 = arith.index_cast %add3A_763 : i32 to index
      %get3A_765 = arith.constant 96 : index
      %get3A_766 = tpu.vector_load %arg7[%get3A_764, %get3A_765] {strides = array<i32>} : memref<200x128xf32, #tpu.memory_space<vmem>>, vector<1x16xf32>,
      %get3A_767 = vector.shape_cast %get3A_766 : vector<1x16xf32> to vector<16xf32>
      %add3A_768 = arith.addf %mul3A_759, %get3A_767 : vector<16xf32>
      %mul3A_769 = arith.constant 4 : i32
      %mul3A_770 = arith.muli %scan3A_112, %mul3A_769 : i32
      %add3A_771 = arith.constant 2 : i32
      %add3A_772 = arith.addi %mul3A_770, %add3A_771 : i32
      %swap3A_773 = arith.index_cast %add3A_772 : i32 to index
      %swap3A_774 = arith.constant 96 : index
      %swap3A_775 = tpu.vector_load %arg9[%swap3A_773, %swap3A_774] {strides = array<i32>} : memref<200x128xf32, #tpu.memory_space<vmem>>, vector<1x16xf32>,
      %swap3A_776 = vector.shape_cast %swap3A_775 : vector<1x16xf32> to vector<16xf32>
      %swap3A_777 = vector.shape_cast %add3A_768 : vector<16xf32> to vector<1x16xf32>
      tpu.vector_store %arg9[%swap3A_773, %swap3A_774], %swap3A_777 {strides = array<i32>} : memref<200x128xf32, #tpu.memory_space<vmem>>, vector<1x16xf32>,
      %mul3A_778 = arith.constant 4 : i32
      %mul3A_779 = arith.muli %scan3A_112, %mul3A_778 : i32
      %add3A_780 = arith.constant 2 : i32
      %add3A_781 = arith.addi %mul3A_779, %add3A_780 : i32
      %get3A_782 = arith.index_cast %add3A_781 : i32 to index
      %get3A_783 = arith.constant 112 : index
      %get3A_784 = tpu.vector_load %arg9[%get3A_782, %get3A_783] {strides = array<i32>} : memref<200x128xf32, #tpu.memory_space<vmem>>, vector<1x16xf32>,
      %get3A_785 = vector.shape_cast %get3A_784 : vector<1x16xf32> to vector<16xf32>
      %mul3A_786 = arith.constant 11.3137083 : f32
      %mul3A_787 = vector.broadcast %mul3A_786 : f32 to vector<16xf32>
      %mul3A_788 = arith.mulf %get3A_785, %mul3A_787 : vector<16xf32>
      %mul3A_789 = arith.constant 4 : i32
      %mul3A_790 = arith.muli %scan3A_112, %mul3A_789 : i32
      %add3A_791 = arith.constant 2 : i32
      %add3A_792 = arith.addi %mul3A_790, %add3A_791 : i32
      %get3A_793 = arith.index_cast %add3A_792 : i32 to index
      %get3A_794 = arith.constant 112 : index
      %get3A_795 = tpu.vector_load %arg7[%get3A_793, %get3A_794] {strides = array<i32>} : memref<200x128xf32, #tpu.memory_space<vmem>>, vector<1x16xf32>,
      %get3A_796 = vector.shape_cast %get3A_795 : vector<1x16xf32> to vector<16xf32>
      %add3A_797 = arith.addf %mul3A_788, %get3A_796 : vector<16xf32>
      %mul3A_798 = arith.constant 4 : i32
      %mul3A_799 = arith.muli %scan3A_112, %mul3A_798 : i32
      %add3A_800 = arith.constant 2 : i32
      %add3A_801 = arith.addi %mul3A_799, %add3A_800 : i32
      %swap3A_802 = arith.index_cast %add3A_801 : i32 to index
      %swap3A_803 = arith.constant 112 : index
      %swap3A_804 = tpu.vector_load %arg9[%swap3A_802, %swap3A_803] {strides = array<i32>} : memref<200x128xf32, #tpu.memory_space<vmem>>, vector<1x16xf32>,
      %swap3A_805 = vector.shape_cast %swap3A_804 : vector<1x16xf32> to vector<16xf32>
      %swap3A_806 = vector.shape_cast %add3A_797 : vector<16xf32> to vector<1x16xf32>
      tpu.vector_store %arg9[%swap3A_802, %swap3A_803], %swap3A_806 {strides = array<i32>} : memref<200x128xf32, #tpu.memory_space<vmem>>, vector<1x16xf32>,
      %mul3A_807 = arith.constant 4 : i32
      %mul3A_808 = arith.muli %scan3A_112, %mul3A_807 : i32
      %add3A_809 = arith.constant 3 : i32
      %add3A_810 = arith.addi %mul3A_808, %add3A_809 : i32
      %get3A_811 = arith.index_cast %add3A_810 : i32 to index
      %get3A_812 = arith.constant 0 : index
      %get3A_813 = tpu.vector_load %arg9[%get3A_811, %get3A_812] {strides = array<i32>} : memref<200x128xf32, #tpu.memory_space<vmem>>, vector<1x16xf32>,
      %get3A_814 = vector.shape_cast %get3A_813 : vector<1x16xf32> to vector<16xf32>
      %mul3A_815 = arith.constant 11.3137083 : f32
      %mul3A_816 = vector.broadcast %mul3A_815 : f32 to vector<16xf32>
      %mul3A_817 = arith.mulf %get3A_814, %mul3A_816 : vector<16xf32>
      %mul3A_818 = arith.constant 4 : i32
      %mul3A_819 = arith.muli %scan3A_112, %mul3A_818 : i32
      %add3A_820 = arith.constant 3 : i32
      %add3A_821 = arith.addi %mul3A_819, %add3A_820 : i32
      %get3A_822 = arith.index_cast %add3A_821 : i32 to index
      %get3A_823 = arith.constant 0 : index
      %get3A_824 = tpu.vector_load %arg7[%get3A_822, %get3A_823] {strides = array<i32>} : memref<200x128xf32, #tpu.memory_space<vmem>>, vector<1x16xf32>,
      %get3A_825 = vector.shape_cast %get3A_824 : vector<1x16xf32> to vector<16xf32>
      %add3A_826 = arith.addf %mul3A_817, %get3A_825 : vector<16xf32>
      %mul3A_827 = arith.constant 4 : i32
      %mul3A_828 = arith.muli %scan3A_112, %mul3A_827 : i32
      %add3A_829 = arith.constant 3 : i32
      %add3A_830 = arith.addi %mul3A_828, %add3A_829 : i32
      %swap3A_831 = arith.index_cast %add3A_830 : i32 to index
      %swap3A_832 = arith.constant 0 : index
      %swap3A_833 = tpu.vector_load %arg9[%swap3A_831, %swap3A_832] {strides = array<i32>} : memref<200x128xf32, #tpu.memory_space<vmem>>, vector<1x16xf32>,
      %swap3A_834 = vector.shape_cast %swap3A_833 : vector<1x16xf32> to vector<16xf32>
      %swap3A_835 = vector.shape_cast %add3A_826 : vector<16xf32> to vector<1x16xf32>
      tpu.vector_store %arg9[%swap3A_831, %swap3A_832], %swap3A_835 {strides = array<i32>} : memref<200x128xf32, #tpu.memory_space<vmem>>, vector<1x16xf32>,
      %mul3A_836 = arith.constant 4 : i32
      %mul3A_837 = arith.muli %scan3A_112, %mul3A_836 : i32
      %add3A_838 = arith.constant 3 : i32
      %add3A_839 = arith.addi %mul3A_837, %add3A_838 : i32
      %get3A_840 = arith.index_cast %add3A_839 : i32 to index
      %get3A_841 = arith.constant 16 : index
      %get3A_842 = tpu.vector_load %arg9[%get3A_840, %get3A_841] {strides = array<i32>} : memref<200x128xf32, #tpu.memory_space<vmem>>, vector<1x16xf32>,
      %get3A_843 = vector.shape_cast %get3A_842 : vector<1x16xf32> to vector<16xf32>
      %mul3A_844 = arith.constant 11.3137083 : f32
      %mul3A_845 = vector.broadcast %mul3A_844 : f32 to vector<16xf32>
      %mul3A_846 = arith.mulf %get3A_843, %mul3A_845 : vector<16xf32>
      %mul3A_847 = arith.constant 4 : i32
      %mul3A_848 = arith.muli %scan3A_112, %mul3A_847 : i32
      %add3A_849 = arith.constant 3 : i32
      %add3A_850 = arith.addi %mul3A_848, %add3A_849 : i32
      %get3A_851 = arith.index_cast %add3A_850 : i32 to index
      %get3A_852 = arith.constant 16 : index
      %get3A_853 = tpu.vector_load %arg7[%get3A_851, %get3A_852] {strides = array<i32>} : memref<200x128xf32, #tpu.memory_space<vmem>>, vector<1x16xf32>,
      %get3A_854 = vector.shape_cast %get3A_853 : vector<1x16xf32> to vector<16xf32>
      %add3A_855 = arith.addf %mul3A_846, %get3A_854 : vector<16xf32>
      %mul3A_856 = arith.constant 4 : i32
      %mul3A_857 = arith.muli %scan3A_112, %mul3A_856 : i32
      %add3A_858 = arith.constant 3 : i32
      %add3A_859 = arith.addi %mul3A_857, %add3A_858 : i32
      %swap3A_860 = arith.index_cast %add3A_859 : i32 to index
      %swap3A_861 = arith.constant 16 : index
      %swap3A_862 = tpu.vector_load %arg9[%swap3A_860, %swap3A_861] {strides = array<i32>} : memref<200x128xf32, #tpu.memory_space<vmem>>, vector<1x16xf32>,
      %swap3A_863 = vector.shape_cast %swap3A_862 : vector<1x16xf32> to vector<16xf32>
      %swap3A_864 = vector.shape_cast %add3A_855 : vector<16xf32> to vector<1x16xf32>
      tpu.vector_store %arg9[%swap3A_860, %swap3A_861], %swap3A_864 {strides = array<i32>} : memref<200x128xf32, #tpu.memory_space<vmem>>, vector<1x16xf32>,
      %mul3A_865 = arith.constant 4 : i32
      %mul3A_866 = arith.muli %scan3A_112, %mul3A_865 : i32
      %add3A_867 = arith.constant 3 : i32
      %add3A_868 = arith.addi %mul3A_866, %add3A_867 : i32
      %get3A_869 = arith.index_cast %add3A_868 : i32 to index
      %get3A_870 = arith.constant 32 : index
      %get3A_871 = tpu.vector_load %arg9[%get3A_869, %get3A_870] {strides = array<i32>} : memref<200x128xf32, #tpu.memory_space<vmem>>, vector<1x16xf32>,
      %get3A_872 = vector.shape_cast %get3A_871 : vector<1x16xf32> to vector<16xf32>
      %mul3A_873 = arith.constant 11.3137083 : f32
      %mul3A_874 = vector.broadcast %mul3A_873 : f32 to vector<16xf32>
      %mul3A_875 = arith.mulf %get3A_872, %mul3A_874 : vector<16xf32>
      %mul3A_876 = arith.constant 4 : i32
      %mul3A_877 = arith.muli %scan3A_112, %mul3A_876 : i32
      %add3A_878 = arith.constant 3 : i32
      %add3A_879 = arith.addi %mul3A_877, %add3A_878 : i32
      %get3A_880 = arith.index_cast %add3A_879 : i32 to index
      %get3A_881 = arith.constant 32 : index
      %get3A_882 = tpu.vector_load %arg7[%get3A_880, %get3A_881] {strides = array<i32>} : memref<200x128xf32, #tpu.memory_space<vmem>>, vector<1x16xf32>,
      %get3A_883 = vector.shape_cast %get3A_882 : vector<1x16xf32> to vector<16xf32>
      %add3A_884 = arith.addf %mul3A_875, %get3A_883 : vector<16xf32>
      %mul3A_885 = arith.constant 4 : i32
      %mul3A_886 = arith.muli %scan3A_112, %mul3A_885 : i32
      %add3A_887 = arith.constant 3 : i32
      %add3A_888 = arith.addi %mul3A_886, %add3A_887 : i32
      %swap3A_889 = arith.index_cast %add3A_888 : i32 to index
      %swap3A_890 = arith.constant 32 : index
      %swap3A_891 = tpu.vector_load %arg9[%swap3A_889, %swap3A_890] {strides = array<i32>} : memref<200x128xf32, #tpu.memory_space<vmem>>, vector<1x16xf32>,
      %swap3A_892 = vector.shape_cast %swap3A_891 : vector<1x16xf32> to vector<16xf32>
      %swap3A_893 = vector.shape_cast %add3A_884 : vector<16xf32> to vector<1x16xf32>
      tpu.vector_store %arg9[%swap3A_889, %swap3A_890], %swap3A_893 {strides = array<i32>} : memref<200x128xf32, #tpu.memory_space<vmem>>, vector<1x16xf32>,
      %mul3A_894 = arith.constant 4 : i32
      %mul3A_895 = arith.muli %scan3A_112, %mul3A_894 : i32
      %add3A_896 = arith.constant 3 : i32
      %add3A_897 = arith.addi %mul3A_895, %add3A_896 : i32
      %get3A_898 = arith.index_cast %add3A_897 : i32 to index
      %get3A_899 = arith.constant 48 : index
      %get3A_900 = tpu.vector_load %arg9[%get3A_898, %get3A_899] {strides = array<i32>} : memref<200x128xf32, #tpu.memory_space<vmem>>, vector<1x16xf32>,
      %get3A_901 = vector.shape_cast %get3A_900 : vector<1x16xf32> to vector<16xf32>
      %mul3A_902 = arith.constant 11.3137083 : f32
      %mul3A_903 = vector.broadcast %mul3A_902 : f32 to vector<16xf32>
      %mul3A_904 = arith.mulf %get3A_901, %mul3A_903 : vector<16xf32>
      %mul3A_905 = arith.constant 4 : i32
      %mul3A_906 = arith.muli %scan3A_112, %mul3A_905 : i32
      %add3A_907 = arith.constant 3 : i32
      %add3A_908 = arith.addi %mul3A_906, %add3A_907 : i32
      %get3A_909 = arith.index_cast %add3A_908 : i32 to index
      %get3A_910 = arith.constant 48 : index
      %get3A_911 = tpu.vector_load %arg7[%get3A_909, %get3A_910] {strides = array<i32>} : memref<200x128xf32, #tpu.memory_space<vmem>>, vector<1x16xf32>,
      %get3A_912 = vector.shape_cast %get3A_911 : vector<1x16xf32> to vector<16xf32>
      %add3A_913 = arith.addf %mul3A_904, %get3A_912 : vector<16xf32>
      %mul3A_914 = arith.constant 4 : i32
      %mul3A_915 = arith.muli %scan3A_112, %mul3A_914 : i32
      %add3A_916 = arith.constant 3 : i32
      %add3A_917 = arith.addi %mul3A_915, %add3A_916 : i32
      %swap3A_918 = arith.index_cast %add3A_917 : i32 to index
      %swap3A_919 = arith.constant 48 : index
      %swap3A_920 = tpu.vector_load %arg9[%swap3A_918, %swap3A_919] {strides = array<i32>} : memref<200x128xf32, #tpu.memory_space<vmem>>, vector<1x16xf32>,
      %swap3A_921 = vector.shape_cast %swap3A_920 : vector<1x16xf32> to vector<16xf32>
      %swap3A_922 = vector.shape_cast %add3A_913 : vector<16xf32> to vector<1x16xf32>
      tpu.vector_store %arg9[%swap3A_918, %swap3A_919], %swap3A_922 {strides = array<i32>} : memref<200x128xf32, #tpu.memory_space<vmem>>, vector<1x16xf32>,
      %mul3A_923 = arith.constant 4 : i32
      %mul3A_924 = arith.muli %scan3A_112, %mul3A_923 : i32
      %add3A_925 = arith.constant 3 : i32
      %add3A_926 = arith.addi %mul3A_924, %add3A_925 : i32
      %get3A_927 = arith.index_cast %add3A_926 : i32 to index
      %get3A_928 = arith.constant 64 : index
      %get3A_929 = tpu.vector_load %arg9[%get3A_927, %get3A_928] {strides = array<i32>} : memref<200x128xf32, #tpu.memory_space<vmem>>, vector<1x16xf32>,
      %get3A_930 = vector.shape_cast %get3A_929 : vector<1x16xf32> to vector<16xf32>
      %mul3A_931 = arith.constant 11.3137083 : f32
      %mul3A_932 = vector.broadcast %mul3A_931 : f32 to vector<16xf32>
      %mul3A_933 = arith.mulf %get3A_930, %mul3A_932 : vector<16xf32>
      %mul3A_934 = arith.constant 4 : i32
      %mul3A_935 = arith.muli %scan3A_112, %mul3A_934 : i32
      %add3A_936 = arith.constant 3 : i32
      %add3A_937 = arith.addi %mul3A_935, %add3A_936 : i32
      %get3A_938 = arith.index_cast %add3A_937 : i32 to index
      %get3A_939 = arith.constant 64 : index
      %get3A_940 = tpu.vector_load %arg7[%get3A_938, %get3A_939] {strides = array<i32>} : memref<200x128xf32, #tpu.memory_space<vmem>>, vector<1x16xf32>,
      %get3A_941 = vector.shape_cast %get3A_940 : vector<1x16xf32> to vector<16xf32>
      %add3A_942 = arith.addf %mul3A_933, %get3A_941 : vector<16xf32>
      %mul3A_943 = arith.constant 4 : i32
      %mul3A_944 = arith.muli %scan3A_112, %mul3A_943 : i32
      %add3A_945 = arith.constant 3 : i32
      %add3A_946 = arith.addi %mul3A_944, %add3A_945 : i32
      %swap3A_947 = arith.index_cast %add3A_946 : i32 to index
      %swap3A_948 = arith.constant 64 : index
      %swap3A_949 = tpu.vector_load %arg9[%swap3A_947, %swap3A_948] {strides = array<i32>} : memref<200x128xf32, #tpu.memory_space<vmem>>, vector<1x16xf32>,
      %swap3A_950 = vector.shape_cast %swap3A_949 : vector<1x16xf32> to vector<16xf32>
      %swap3A_951 = vector.shape_cast %add3A_942 : vector<16xf32> to vector<1x16xf32>
      tpu.vector_store %arg9[%swap3A_947, %swap3A_948], %swap3A_951 {strides = array<i32>} : memref<200x128xf32, #tpu.memory_space<vmem>>, vector<1x16xf32>,
      %mul3A_952 = arith.constant 4 : i32
      %mul3A_953 = arith.muli %scan3A_112, %mul3A_952 : i32
      %add3A_954 = arith.constant 3 : i32
      %add3A_955 = arith.addi %mul3A_953, %add3A_954 : i32
      %get3A_956 = arith.index_cast %add3A_955 : i32 to index
      %get3A_957 = arith.constant 80 : index
      %get3A_958 = tpu.vector_load %arg9[%get3A_956, %get3A_957] {strides = array<i32>} : memref<200x128xf32, #tpu.memory_space<vmem>>, vector<1x16xf32>,
      %get3A_959 = vector.shape_cast %get3A_958 : vector<1x16xf32> to vector<16xf32>
      %mul3A_960 = arith.constant 11.3137083 : f32
      %mul3A_961 = vector.broadcast %mul3A_960 : f32 to vector<16xf32>
      %mul3A_962 = arith.mulf %get3A_959, %mul3A_961 : vector<16xf32>
      %mul3A_963 = arith.constant 4 : i32
      %mul3A_964 = arith.muli %scan3A_112, %mul3A_963 : i32
      %add3A_965 = arith.constant 3 : i32
      %add3A_966 = arith.addi %mul3A_964, %add3A_965 : i32
      %get3A_967 = arith.index_cast %add3A_966 : i32 to index
      %get3A_968 = arith.constant 80 : index
      %get3A_969 = tpu.vector_load %arg7[%get3A_967, %get3A_968] {strides = array<i32>} : memref<200x128xf32, #tpu.memory_space<vmem>>, vector<1x16xf32>,
      %get3A_970 = vector.shape_cast %get3A_969 : vector<1x16xf32> to vector<16xf32>
      %add3A_971 = arith.addf %mul3A_962, %get3A_970 : vector<16xf32>
      %mul3A_972 = arith.constant 4 : i32
      %mul3A_973 = arith.muli %scan3A_112, %mul3A_972 : i32
      %add3A_974 = arith.constant 3 : i32
      %add3A_975 = arith.addi %mul3A_973, %add3A_974 : i32
      %swap3A_976 = arith.index_cast %add3A_975 : i32 to index
      %swap3A_977 = arith.constant 80 : index
      %swap3A_978 = tpu.vector_load %arg9[%swap3A_976, %swap3A_977] {strides = array<i32>} : memref<200x128xf32, #tpu.memory_space<vmem>>, vector<1x16xf32>,
      %swap3A_979 = vector.shape_cast %swap3A_978 : vector<1x16xf32> to vector<16xf32>
      %swap3A_980 = vector.shape_cast %add3A_971 : vector<16xf32> to vector<1x16xf32>
      tpu.vector_store %arg9[%swap3A_976, %swap3A_977], %swap3A_980 {strides = array<i32>} : memref<200x128xf32, #tpu.memory_space<vmem>>, vector<1x16xf32>,
      %mul3A_981 = arith.constant 4 : i32
      %mul3A_982 = arith.muli %scan3A_112, %mul3A_981 : i32
      %add3A_983 = arith.constant 3 : i32
      %add3A_984 = arith.addi %mul3A_982, %add3A_983 : i32
      %get3A_985 = arith.index_cast %add3A_984 : i32 to index
      %get3A_986 = arith.constant 96 : index
      %get3A_987 = tpu.vector_load %arg9[%get3A_985, %get3A_986] {strides = array<i32>} : memref<200x128xf32, #tpu.memory_space<vmem>>, vector<1x16xf32>,
      %get3A_988 = vector.shape_cast %get3A_987 : vector<1x16xf32> to vector<16xf32>
      %mul3A_989 = arith.constant 11.3137083 : f32
      %mul3A_990 = vector.broadcast %mul3A_989 : f32 to vector<16xf32>
      %mul3A_991 = arith.mulf %get3A_988, %mul3A_990 : vector<16xf32>
      %mul3A_992 = arith.constant 4 : i32
      %mul3A_993 = arith.muli %scan3A_112, %mul3A_992 : i32
      %add3A_994 = arith.constant 3 : i32
      %add3A_995 = arith.addi %mul3A_993, %add3A_994 : i32
      %get3A_996 = arith.index_cast %add3A_995 : i32 to index
      %get3A_997 = arith.constant 96 : index
      %get3A_998 = tpu.vector_load %arg7[%get3A_996, %get3A_997] {strides = array<i32>} : memref<200x128xf32, #tpu.memory_space<vmem>>, vector<1x16xf32>,
      %get3A_999 = vector.shape_cast %get3A_998 : vector<1x16xf32> to vector<16xf32>
      %add3A_1000 = arith.addf %mul3A_991, %get3A_999 : vector<16xf32>
      %mul3A_1001 = arith.constant 4 : i32
      %mul3A_1002 = arith.muli %scan3A_112, %mul3A_1001 : i32
      %add3A_1003 = arith.constant 3 : i32
      %add3A_1004 = arith.addi %mul3A_1002, %add3A_1003 : i32
      %swap3A_1005 = arith.index_cast %add3A_1004 : i32 to index
      %swap3A_1006 = arith.constant 96 : index
      %swap3A_1007 = tpu.vector_load %arg9[%swap3A_1005, %swap3A_1006] {strides = array<i32>} : memref<200x128xf32, #tpu.memory_space<vmem>>, vector<1x16xf32>,
      %swap3A_1008 = vector.shape_cast %swap3A_1007 : vector<1x16xf32> to vector<16xf32>
      %swap3A_1009 = vector.shape_cast %add3A_1000 : vector<16xf32> to vector<1x16xf32>
      tpu.vector_store %arg9[%swap3A_1005, %swap3A_1006], %swap3A_1009 {strides = array<i32>} : memref<200x128xf32, #tpu.memory_space<vmem>>, vector<1x16xf32>,
      %mul3A_1010 = arith.constant 4 : i32
      %mul3A_1011 = arith.muli %scan3A_112, %mul3A_1010 : i32
      %add3A_1012 = arith.constant 3 : i32
      %add3A_1013 = arith.addi %mul3A_1011, %add3A_1012 : i32
      %get3A_1014 = arith.index_cast %add3A_1013 : i32 to index
      %get3A_1015 = arith.constant 112 : index
      %get3A_1016 = tpu.vector_load %arg9[%get3A_1014, %get3A_1015] {strides = array<i32>} : memref<200x128xf32, #tpu.memory_space<vmem>>, vector<1x16xf32>,
      %get3A_1017 = vector.shape_cast %get3A_1016 : vector<1x16xf32> to vector<16xf32>
      %mul3A_1018 = arith.constant 11.3137083 : f32
      %mul3A_1019 = vector.broadcast %mul3A_1018 : f32 to vector<16xf32>
      %mul3A_1020 = arith.mulf %get3A_1017, %mul3A_1019 : vector<16xf32>
      %mul3A_1021 = arith.constant 4 : i32
      %mul3A_1022 = arith.muli %scan3A_112, %mul3A_1021 : i32
      %add3A_1023 = arith.constant 3 : i32
      %add3A_1024 = arith.addi %mul3A_1022, %add3A_1023 : i32
      %get3A_1025 = arith.index_cast %add3A_1024 : i32 to index
      %get3A_1026 = arith.constant 112 : index
      %get3A_1027 = tpu.vector_load %arg7[%get3A_1025, %get3A_1026] {strides = array<i32>} : memref<200x128xf32, #tpu.memory_space<vmem>>, vector<1x16xf32>,
      %get3A_1028 = vector.shape_cast %get3A_1027 : vector<1x16xf32> to vector<16xf32>
      %add3A_1029 = arith.addf %mul3A_1020, %get3A_1028 : vector<16xf32>
      %mul3A_1030 = arith.constant 4 : i32
      %mul3A_1031 = arith.muli %scan3A_112, %mul3A_1030 : i32
      %add3A_1032 = arith.constant 3 : i32
      %add3A_1033 = arith.addi %mul3A_1031, %add3A_1032 : i32
      %swap3A_1034 = arith.index_cast %add3A_1033 : i32 to index
      %swap3A_1035 = arith.constant 112 : index
      %swap3A_1036 = tpu.vector_load %arg9[%swap3A_1034, %swap3A_1035] {strides = array<i32>} : memref<200x128xf32, #tpu.memory_space<vmem>>, vector<1x16xf32>,
      %swap3A_1037 = vector.shape_cast %swap3A_1036 : vector<1x16xf32> to vector<16xf32>
      %swap3A_1038 = vector.shape_cast %add3A_1029 : vector<16xf32> to vector<1x16xf32>
      tpu.vector_store %arg9[%swap3A_1034, %swap3A_1035], %swap3A_1038 {strides = array<i32>} : memref<200x128xf32, #tpu.memory_space<vmem>>, vector<1x16xf32>,
    }
    %scan3A_93 = arith.constant 50 : i32
    %add3A_94 = arith.constant 25400 : i32
    %add3A_95 = arith.addi %mul3A_2, %add3A_94 : i32
    %dma_start3A_96 = arith.constant 0 : i32
    %dma_start3A_97 = tpu.memref_slice %arg5[%add3A_95, %dma_start3A_96] : memref<819200x128xf32, #tpu.memory_space<hbm>> -> memref<200x128xf32, #tpu.memory_space<hbm>>
    %dma_start3A_98 = arith.constant 0 : i32
    %dma_start3A_99 = tpu.memref_slice %arg5[%add3A_95, %dma_start3A_98] : memref<819200x128xf32, #tpu.memory_space<hbm>> -> memref<200x128xf32, #tpu.memory_space<hbm>>
    tpu.enqueue_dma source(%arg9 : memref<200x128xf32, #tpu.memory_space<vmem>>) target(%dma_start3A_99 : memref<200x128xf32, #tpu.memory_space<hbm>>) target_semaphore(%arg15 : memref<!tpu.dma_semaphore, #tpu.memory_space<semaphore_mem>>)
    %add3A_100 = arith.constant 25200 : i32
    %add3A_101 = arith.addi %mul3A_2, %add3A_100 : i32
    %dma_wait3A_102 = arith.constant 0 : i32
    %dma_wait3A_103 = tpu.memref_slice %arg5[%add3A_101, %dma_wait3A_102] : memref<819200x128xf32, #tpu.memory_space<hbm>> -> memref<200x128xf32, #tpu.memory_space<hbm>>
    %dma_wait3A_104 = arith.constant 0 : i32
    %dma_wait3A_105 = tpu.memref_slice %arg5[%add3A_101, %dma_wait3A_104] : memref<819200x128xf32, #tpu.memory_space<hbm>> -> memref<200x128xf32, #tpu.memory_space<hbm>>
    tpu.wait_dma2 semaphore(%arg14 : memref<!tpu.dma_semaphore, #tpu.memory_space<semaphore_mem>>) src(%arg8 : memref<200x128xf32, #tpu.memory_space<vmem>>) dst(%dma_wait3A_105 : memref<200x128xf32, #tpu.memory_space<hbm>>)
    %add3A_106 = arith.constant 25400 : i32
    %add3A_107 = arith.addi %mul3A_2, %add3A_106 : i32
    %dma_wait3A_108 = arith.constant 0 : i32
    %dma_wait3A_109 = tpu.memref_slice %arg5[%add3A_107, %dma_wait3A_108] : memref<819200x128xf32, #tpu.memory_space<hbm>> -> memref<200x128xf32, #tpu.memory_space<hbm>>
    %dma_wait3A_110 = arith.constant 0 : i32
    %dma_wait3A_111 = tpu.memref_slice %arg5[%add3A_107, %dma_wait3A_110] : memref<819200x128xf32, #tpu.memory_space<hbm>> -> memref<200x128xf32, #tpu.memory_space<hbm>>
    tpu.wait_dma2 semaphore(%arg15 : memref<!tpu.dma_semaphore, #tpu.memory_space<semaphore_mem>>) src(%arg9 : memref<200x128xf32, #tpu.memory_space<vmem>>) dst(%dma_wait3A_111 : memref<200x128xf32, #tpu.memory_space<hbm>>)
    return
  }
}

</mosaic_0001>

<sc_bundles>
// kernel: kernel.3.cloned.1.call-start
scs
__scs_entry_jumppad:
0x0: {  	(pc) =	sbr.rel $0x88, $3  }
0x1: {  	(tag) =	ssettag $0x0;
	lr =	simm.s32 $0x1  }
0x2: {  	[smem:$0x3F9E] =	sst lr;
	_ =	strace $0xD0000000  }
0x3: {  	_ = 	snop  }
0x4: {  	_ = 	snop  }
0x5: {  	_ = 	snop  }
0x6: {  	_ = 	snop  }
0x7: {  	_ = 	snop  }
__scs_overlays_trampoline_lowered:
0x8: {  	[smem:$0x3FAD] =	sst s0  }
0x9: {  	[smem:$0x3FAE] =	sst s1  }
0xa: {  	[smem:$0x3FAF] =	sst s2  }
0xb: {  	[smem:$0x3FB0] =	sst s3  }
0xc: {  	[smem:$0x3FB1] =	sst s4  }
0xd: {  	[smem:$0x3FB2] =	sst s5  }
0xe: {  	[smem:$0x3FB3] =	sst s6  }
0xf: {  	[smem:$0x3FB4] =	sst s7  }
0x10: {  	[smem:$0x3FB5] =	sst s8  }
0x11: {  	[smem:$0x3FB6] =	sst s9;
	s0 =	simm.s32 @!p0 $0x0  }
0x12: {  	s1 =	sld [smem:$0x3F9C];
	s0 =	simm.s32 @p0 $0x1  }
0x13: {  	[smem:$0x3FB7] =	sst s0;
	s0 =	simm.s32 @!p1 $0x0  }
0x14: {  	s2 =	sld [smem:$0x3F9B];
	s0 =	simm.s32 @p1 $0x1  }
0x15: {  	[smem:$0x3FB8] =	sst s0;
	s0 =	simm.s32 @!p2 $0x0  }
0x16: {  	s3 =	sld [smem:$0x3FDB];
	s0 =	simm.s32 @p2 $0x1  }
0x17: {  	s4 =	simm.s32 $0x1BF5;
	[smem:$0x3FBA] =	sst s0  }
0x18: {  	s0 =	sld [smem:$0x3F9D];
	_ =	swait.ge [sflag:s4], $0x0  }
0x19: {  	s7 =	sld [smem:$0x3F9E]  }
0x1a: {  	s8 =	sadd.s32 $0xFFFFE003, lr  }
0x1b: {  	s9 =	sadd.s32 $0xFFFFFEF7, lr;
	s5 =	simm.s32 $0xFFFFFFFF;
	p2 =	slt.u32 s8, $0xFFFFF086  }
0x1c: {  	p1 =	slt.u32 s9, $0xF7A;
	s5 =	simm.s32 @!p2 $0x0  }
0x1d: {  	s5 =	simm.s32 @p1 $0x1;
	p0 =	seq.s32 s7, s2  }
0x1e: {  	s7 =	smul.u32 @!p0 $0xF7A, s2;
	p2 =	seq.s32 @!p0 s5, $0x0  }
0x1f: {  	s9 =	smul.u32 $0xF7A, s1;
	s8 =	simm.s32 @!p0 $0x1BF5;
	p2 =	por !p2, p0  }
0x20: {  	[sflag:s8] =	ssyncset.s32 @!p0 $0xFFFFF086;
	s6 =	sadd.s32 @!p0 s3, s7;
	s7 =	simm.s32 @!p0 $0x108  }
0x21: {  	s3 =	sadd.s32 s3, s9;
	s6 =	sadd.s32 @!p0 $0x88, s6;
	s7 =	simm.s32 @p2 $0x1082  }
0x22: {  	[simem:s7], [sflag:s8] =	dma.local @!p0 [hbm:s6], $0xF7A  }
0x23: {  	s9 =	sor.u32 $0xD0000000, s2;
	s6 =	simm.s32 $0x108;
	_ =	swait.ge @!p0 [sflag:s8], $0x0  }
0x24: {  	s3 =	sadd.s32 $0x88, s3;
	s6 =	simm.s32 @!p1 $0x1082;
	[sflag:s4] =	ssyncset.s32 $0xFFFFF086  }
0x25: {  	[simem:s6], [sflag:s4] =	dma.local [hbm:s3], $0xF7A  }
0x26: {  	[smem:$0x3F9E] =	sst s1;
	(tag) =	ssettag s2;
	_ =	strace s9  }
0x27: {  	s1 =	sld [smem:$0x3FAE]  }
0x28: {  	s2 =	sld [smem:$0x3FAF]  }
0x29: {  	s4 =	sld [smem:$0x3FB1]  }
0x2a: {  	p0 =	seq.s32 s5, $0x0;
	s5 =	sld [smem:$0x3FB2]  }
0x2b: {  	s6 =	sld [smem:$0x3FB3]  }
0x2c: {  	s7 =	sld [smem:$0x3FB4]  }
0x2d: {  	s3 =	simm.s32 $0x108;
	s8 =	sld [smem:$0x3FB5]  }
0x2e: {  	s3 =	simm.s32 @!p0 $0x1082;
	s9 =	sld [smem:$0x3FB6]  }
0x2f: {  	lr =	sadd.s32 s0, s3;
	s0 =	sld [smem:$0x3FAD]  }
0x30: {  	s3 =	sld [smem:$0x3FB0]  }
0x31: {  	[smem:$0x3FB9] =	sst s10  }
0x32: {  	s10 =	sld [smem:$0x3FB7];
	_ =	sdelay $0x3  }
0x33: {  	p0 =	seq.s32 s10, $0x1;
	s10 =	sld [smem:$0x3FB9];
	_ =	sdelay $0x3  }
0x34: {  	[smem:$0x3FB9] =	sst s10  }
0x35: {  	s10 =	sld [smem:$0x3FB8];
	_ =	sdelay $0x3  }
0x36: {  	p1 =	seq.s32 s10, $0x1;
	s10 =	sld [smem:$0x3FB9];
	_ =	sdelay $0x3  }
0x37: {  	[smem:$0x3FB9] =	sst s10  }
0x38: {  	s10 =	sld [smem:$0x3FBA]  }
0x39: {  	_ = 	snop;
	(pc) =	sbr.ind lr, $3  }
0x3a: {  	_ = 	snop  }
0x3b: {  	_ = 	snop  }
0x3c: {  	p2 =	seq.s32 s10, $0x1;
	s10 =	sld [smem:$0x3FB9]  }
0x3d: {  	_ =	shalt  }
0x3e: {  	_ =	shalt  }
0x3f: {  	_ =	shalt  }
0x40: {  	_ =	shalt  }
0x41: {  	_ =	shalt  }
0x42: {  	_ =	shalt  }
0x43: {  	_ =	shalt  }
0x44: {  	_ =	shalt  }
0x45: {  	_ =	shalt  }
0x46: {  	_ =	shalt  }
0x47: {  	_ =	shalt  }
0x48: {  	_ =	shalt  }
0x49: {  	_ =	shalt  }
0x4a: {  	_ =	shalt  }
0x4b: {  	_ =	shalt  }
0x4c: {  	_ =	shalt  }
0x4d: {  	_ =	shalt  }
0x4e: {  	_ =	shalt  }
0x4f: {  	_ =	shalt  }
0x50: {  	_ =	shalt  }
0x51: {  	_ =	shalt  }
0x52: {  	_ =	shalt  }
0x53: {  	_ =	shalt  }
0x54: {  	_ =	shalt  }
0x55: {  	_ =	shalt  }
0x56: {  	_ =	shalt  }
0x57: {  	_ =	shalt  }
0x58: {  	_ =	shalt  }
0x59: {  	_ =	shalt  }
0x5a: {  	_ =	shalt  }
0x5b: {  	_ =	shalt  }
0x5c: {  	_ =	shalt  }
0x5d: {  	_ =	shalt  }
0x5e: {  	_ =	shalt  }
0x5f: {  	_ =	shalt  }
0x60: {  	_ =	shalt  }
0x61: {  	_ =	shalt  }
0x62: {  	_ =	shalt  }
0x63: {  	_ =	shalt  }
0x64: {  	_ =	shalt  }
0x65: {  	_ =	shalt  }
0x66: {  	_ =	shalt  }
0x67: {  	_ =	shalt  }
0x68: {  	_ =	shalt  }
0x69: {  	_ =	shalt  }
0x6a: {  	_ =	shalt  }
0x6b: {  	_ =	shalt  }
0x6c: {  	_ =	shalt  }
0x6d: {  	_ =	shalt  }
0x6e: {  	_ =	shalt  }
0x6f: {  	_ =	shalt  }
0x70: {  	_ =	shalt  }
0x71: {  	_ =	shalt  }
0x72: {  	_ =	shalt  }
0x73: {  	_ =	shalt  }
0x74: {  	_ =	shalt  }
0x75: {  	_ =	shalt  }
0x76: {  	_ =	shalt  }
0x77: {  	_ =	shalt  }
0x78: {  	_ =	shalt  }
0x79: {  	_ =	shalt  }
0x7a: {  	_ =	shalt  }
0x7b: {  	_ =	shalt  }
0x7c: {  	_ =	shalt  }
0x7d: {  	_ =	shalt  }
0x7e: {  	_ =	shalt  }
0x7f: {  	_ =	shalt  }
0x80: {  	_ =	shalt  }
0x81: {  	_ =	shalt  }
0x82: {  	_ =	shalt  }
0x83: {  	_ =	shalt  }
0x84: {  	_ =	shalt  }
0x85: {  	_ =	shalt  }
0x86: {  	_ =	shalt  }
0x87: {  	_ =	shalt  }
.Lfunc_end0:
.L_simem_size_0:
called_computation_lowered:
.L_overlay_start_0:
0x88: {  	s2 =	sld [smem:$0x3FD9]  }
0x89: {  	s3 =	sld [smem:$0x3FFE];
	_ =	sdelay $0x1  }
0x8a: {  	s1 =	srdreg.scid  }
0x8b: {  	s0 =	sand.u32 $0x1, s1  }
0x8c: {  	s17 =	sshll.u32 s0, $0xA;
	s2 =	sadd.s32 s3, s2  }
0x8d: {  	s2 =	sadd.s32 s2, s17  }
0x8e: {  	[smem:$0x3FC5] =	sst s2  }
0x8f: {  	_ = 	snop  }
0x90: {  	s2 =	sld [smem:$0x3FC8]  }
0x91: {  	s18 =	sld [smem:$0x3FC7]  }
0x92: {  	s4 =	sld [smem:$0x3FD0];
	(tm) =	ssettm $0x1  }
0x93: {  	s5 =	sld [smem:$0x3FFB];
	_ =	sdelay $0x3  }
0x94: {  	_ =	strace s5  }
0x95: {  	s5 =	sld [smem:$0x3FFC];
	_ =	sdelay $0x3  }
0x96: {  	_ =	strace s5  }
0x97: {  	s5 =	sld [smem:$0x3FFD];
	_ =	sdelay $0x3  }
0x98: {  	_ =	strace s5  }
0x99: {  	_ =	strace $0x8FFFFFFF  }
0x9a: {  	s19 =	sld [smem:$0x3FDB];
	_ =	sdelay $0x1  }
0x9b: {  	s6 =	simm.s32 $_scs_section_size  }
0x9c: {  	s7 =	simm.s32 $_size__tile_overlayer_lowered;
	s8 =	simm.s32 $_tile_overlayer_lowered  }
0x9d: {  	s22 =	simm.s32 $0x1BFF;
	s21 =	sshll.u32 s8, $0x1;
	s5 =	sadd.s32 s6, s19  }
0x9e: {  	s9 =	simm.s32 $0x0;
	s20 =	sshll.u32 s7, $0x1;
	s7 =	sadd.s32 s21, s5  }
0x9f: {  	[timem:s9], [sflag:s22] =	dma.local [hbm:s7], s20  }
0xa0: {  	_ =	swait.ge [sflag:s22], s20  }
0xa1: {  	s6 =	ssub.s32 $0x0, s20;
	[sflag:s22] =	ssyncset.done $0x0  }
0xa2: {  	[sflag:s22] =	ssyncadd.s32 s6;
	_ =	sdelay $0x1  }
0xa3: {  	s23 =	simm.s32 $0x1B8B  }
0xa4: {  	_ =	swait.ge [sflag:s23], $0x1  }
0xa5: {  	[sflag:s23] =	ssyncset.done $0x0  }
0xa6: {  	s25 =	simm.s32 $0x1B8E;
	s24 =	sld [smem:$0x3FFE];
	[sflag:s23] =	ssyncadd.s32 $0xFFFFFFFF  }
0xa7: {  	s26 =	simm.s32 $execute0_lowered;
	[smem:$0x3FD2] =	sst s25  }
0xa8: {  	s7 =	sshll.u32 s26, $0x1;
	_ =	strace $0x80000046;
	[dreg:$0x1] =	wrdreg $0xFFFFFFFF  }
0xa9: {  	s28 =	simm.s32 $_size_execute0_lowered;
	s5 =	sadd.s32 s5, s7;
	[dreg:$0x0] =	wrdreg $0x0  }
0xaa: {  	s7 =	sshll.u32 s28, $0x1;
	[dreg:$0x2] =	wrdreg s5  }
0xab: {  	[dreg:$0x3] =	wrdreg s7  }
0xac: {  	[dreg:$0x4] =	wrdreg $0xC0  }
0xad: {  	_ =	task [dreg:s9], $0x5FFFF  }
0xae: {  	[dreg:$0x1] =	wrdreg $0xFFFFFFFF  }
0xaf: {  	[dreg:$0x0] =	wrdreg $0x60  }
0xb0: {  	[dreg:$0x2] =	wrdreg s24  }
0xb1: {  	[dreg:$0x3] =	wrdreg s2  }
0xb2: {  	[dreg:$0x4] =	wrdreg s18  }
0xb3: {  	[dreg:$0x5] =	wrdreg s4  }
0xb4: {  	[dreg:$0x6] =	wrdreg $0x9  }
0xb5: {  	_ =	task.clear_ibuf [dreg:s9], $0x7FFFF;
	_ =	strace $0x90000046  }
0xb6: {  	s29 =	simm.s32 $0x9;
	_ =	strace $0x80000048  }
0xb7: {  	_ =	swait.ge [sflag:s29], $0x1  }
0xb8: {  	[sflag:s29] =	ssyncadd.s32 $0xFFFFFFFF  }
0xb9: {  	_ =	strace $0x90000048  }
0xba: {  	_ =	sfence  }
0xbb: {  	s30 =	sld [smem:$0x0];
	_ =	sdelay $0x2  }
0xbc: {  	s31 =	sshll.u32 s1, $0xD;
	s1 =	sshrl.u32 s1, $0x2  }
0xbd: {  	s3 =	sand.u32 $0x4000, s31;
	s1 =	sadd.s32 s1, s30  }
0xbe: {  	s0 =	sor.u32 s3, s0;
	s1 =	sshll.u32 s1, $0x11  }
0xbf: {  	s0 =	sor.u32 s1, s0  }
0xc0: {  	s0 =	sadd.s32 $0x8F2B, s0  }
0xc1: {  	[sflag:s0] =	ssyncadd.remote.s32 $0x1  }
0xc2: {  	_ =	sfence.sel $0xFFFF  }
0xc3: {  	[dreg:$0x0] =	wrdreg $0xFFFFFFFF;
	(pc) =	sbr.abs _section_cstart, $3  }
0xc4: {  	[dreg:$0x1] =	wrdreg $0xFFFFFFFF  }
0xc5: {  	_ =	task.clear_ibuf [dreg:s9], $0x2FFFF;
	_ =	strace $0x9FFFFFFF  }
0xc6: {  	(tm) =	ssettm $0x7FFFFFFF  }
0xc7: {  	_ =	shalt  }
tec
execute0_lowered:
.L_overlay_start_1:
0x0: {  	(tag) =	ssettag $0x1  }
0x1: {  	s0 =	rddreg [dreg:$0x0]  }
0x2: {  	s1 =	rddreg [dreg:$0x1];
	s2 =	srdreg.scid  }
0x3: {  	s3 =	stileid.u32;
	s4 =	rddreg [dreg:$0x3]  }
0x4: {  	s5 =	simm.s32 $0x0;
	s12 =	simm.s32 $0x7;
	s14 =	simm.s32 $0x68  }
0x5: {  	s15 =	simm.s32 $0xC800;
	s16 =	simm.s32 $0x60;
	s17 =	simm.s32 $0xFC00  }
0x6: {  	s19 =	simm.s32 $0x12C00;
	s21 =	simm.s32 $0x16000;
	s22 =	simm.s32 $0x1  }
0x7: {  	s23 =	simm.s32 $0x19000;
	s24 =	simm.s32 $0x1C400;
	s25 =	simm.s32 $0x2  }
0x8: {  	s26 =	simm.s32 $0x4;
	s2 =	sand.u32 $0x1, s2;
	s3 =	sshll.u32 s3, $0x1  }
0x9: {  	s28 =	simm.s32 $0x3;
	s29 =	simm.s32 $0x5;
	s3 =	sor.u32 s2, s3  }
0xa: {  	s30 =	simm.s32 $0x6;
	s2 =	ssub.s32 $0x2, s2;
	s6 =	smul.u32 $0x6400, s3  }
0xb: {  	[smem:$0x7FF] =	sst s5;
	s3 =	smul.u32 $0x320000, s3;
	s8 =	sshrl.u32 s2, $0x1  }
0xc: {  	s31 =	simm.s32 $0x0;
	_ =	strace $0x80000047;
	s2 =	ssub.s32 s2, s8  }
0xd: {  	s7 =	sshrl.u32 s6, $0x3;
	s3 =	sshrl.u32 s3, $0x3;
	s8 =	sor.u32 $0xC8, s6  }
0xe: {  	s11 =	smax.u32 s2, $0x1;
	s0 =	sadd.s32 s7, s0;
	s3 =	sadd.s32 s4, s3  }
0xf: {  	s7 =	sadd.s32 $0x400, s0;
	s9 =	sadd.s32 $0x62700, s3;
	s10 =	sadd.s32 $0x63380, s3  }
.LBB2_1:
0x10: {  	[tilespmem:s5], [sflag:$0x7] =	stream.linear.gather [hbm4b:s7+s5], $0x6400, $0x38;
	[tilespmem:$0x1F400] =	vst v63  }
0x11: {  	_ =	swait.ge [sflag:s12], $0x6400  }
0x12: {  	[sflag:s12] =	ssyncset.done $0x0  }
0x13: {  	[sflag:s12] =	ssyncadd.s32 $0xFFFF9C00  }
0x14: {  	s2 =	simm.s32 $0x6400;
	s0 =	rddreg [dreg:$0x2]  }
0x15: {  	[tilespmem:s2], [sflag:$0x7] =	stream.linear.gather [hbm4b:s0+s5], $0x6400, $0x38;
	[tilespmem:$0x1F400] =	vst v63  }
0x16: {  	_ =	swait.ge [sflag:s12], $0x6400  }
0x17: {  	[sflag:s12] =	ssyncset.done $0x0  }
0x18: {  	[sflag:s12] =	ssyncadd.s32 $0xFFFF9C00  }
0x19: {  	[tilespmem:s15], [sflag:$0x1] =	stream.indirect.gather [hbm4b:s1+s14], $0x80, s5, s14, $0xb8;
	[tilespmem:$0x1F400] =	vst v63  }
0x1a: {  	_ = 	snop  }
0x1b: {  	[tilespmem:s17], [sflag:$0x1] =	stream.indirect.gather [hbm4b:s1+s16], $0x80, s14, s16, $0xb8;
	[tilespmem:$0x1F400] =	vst v63  }
0x1c: {  	s18 =	simm.s32 $0xC8  }
0x1d: {  	[tilespmem:s19], [sflag:$0x2] =	stream.indirect.gather [hbm4b:s1+s14], $0x80, s18, s14, $0xb8;
	[tilespmem:$0x1F400] =	vst v63  }
0x1e: {  	s20 =	simm.s32 $0x130;
	s2 =	simm.s32 $0x0  }
0x1f: {  	[tilespmem:s21], [sflag:$0x2] =	stream.indirect.gather [hbm4b:s1+s16], $0x80, s20, s16, $0xb8;
	[tilespmem:$0x1F400] =	vst v63  }
.LBB2_2:
0x20: {  	_ =	swait.ge [sflag:s22], $0x3400  }
0x21: {  	[sflag:s22] =	ssyncset.done $0x0  }
0x22: {  	[sflag:s22] =	ssyncadd.s32 $0xFFFFCC00  }
0x23: {  	_ =	swait.ge [sflag:s22], $0x3000  }
0x24: {  	[sflag:s22] =	ssyncset.done $0x0  }
0x25: {  	s3 =	simm.s32 $0x0;
	[sflag:s22] =	ssyncadd.s32 $0xFFFFD000  }
0x26: {  	v6 =	vld [tilespmem:s3+$0x6400]  }
0x27: {  	v7 =	vld [tilespmem:s3+$0x6410]  }
0x28: {  	v8 =	vld [tilespmem:s3+$0x6420]  }
0x29: {  	v9 =	vld [tilespmem:s3+$0x6430]  }
0x2a: {  	v10 =	vld [tilespmem:s3+$0x6440]  }
0x2b: {  	v11 =	vld [tilespmem:s3+$0x6450]  }
0x2c: {  	v12 =	vld [tilespmem:s3+$0x6460]  }
0x2d: {  	v13 =	vld [tilespmem:s3+$0x6470]  }
0x2e: {  	v14 =	vld [tilespmem:s3+$0x6480]  }
0x2f: {  	v15 =	vld [tilespmem:s3+$0x6490]  }
0x30: {  	v16 =	vld [tilespmem:s3+$0x64A0]  }
0x31: {  	v17 =	vld [tilespmem:s3+$0x64B0]  }
0x32: {  	v18 =	vld [tilespmem:s3+$0x64C0]  }
0x33: {  	v19 =	vld [tilespmem:s3+$0x64D0]  }
0x34: {  	v20 =	vld [tilespmem:s3+$0x64E0]  }
0x35: {  	v21 =	vld [tilespmem:s3+$0x64F0]  }
0x36: {  	v22 =	vld [tilespmem:s3+$0x6500]  }
0x37: {  	v23 =	vld [tilespmem:s3+$0x6510]  }
0x38: {  	v24 =	vld [tilespmem:s3+$0x6520]  }
0x39: {  	v25 =	vld [tilespmem:s3+$0x6530]  }
0x3a: {  	v26 =	vld [tilespmem:s3+$0x6540]  }
0x3b: {  	v27 =	vld [tilespmem:s3+$0x6550]  }
0x3c: {  	v28 =	vld [tilespmem:s3+$0x6560]  }
0x3d: {  	v29 =	vld [tilespmem:s3+$0x6570]  }
0x3e: {  	v5 =	vld [tilespmem:s3+$0x6580]  }
0x3f: {  	v4 =	vld [tilespmem:s3+$0x6590]  }
0x40: {  	v3 =	vld [tilespmem:s3+$0x65A0]  }
0x41: {  	v2 =	vld [tilespmem:s3+$0x65B0]  }
0x42: {  	v1 =	vld [tilespmem:s3+$0x65C0]  }
0x43: {  	v30 =	vld [tilespmem:s3+$0xC800]  }
0x44: {  	v31 =	vld [tilespmem:s3+$0xC810]  }
0x45: {  	v32 =	vld [tilespmem:s3+$0xC820]  }
0x46: {  	v33 =	vld [tilespmem:s3+$0xC830]  }
0x47: {  	v34 =	vld [tilespmem:s3+$0xC840]  }
0x48: {  	v35 =	vld [tilespmem:s3+$0xC850];
	v30 =	vmul.f32 $1.131370830e+01, v30  }
0x49: {  	v36 =	vld [tilespmem:s3+$0xC860];
	v31 =	vmul.f32 $1.131370830e+01, v31  }
0x4a: {  	v37 =	vld [tilespmem:s3+$0xC880];
	v57 =	vmul.f32 $1.131370830e+01, v32;
	v6 =	vadd.f32 v6, v30  }
0x4b: {  	v56 =	vld [tilespmem:s3+$0xC870];
	v58 =	vmul.f32 $1.131370830e+01, v33;
	v7 =	vadd.f32 v7, v31  }
0x4c: {  	v59 =	vmul.f32 $1.131370830e+01, v34;
	v8 =	vadd.f32 v8, v57;
	[tilespmem:s3+$0xC800] =	vst v6;
	v6 =	vld [tilespmem:s3+$0xC890]  }
0x4d: {  	v60 =	vmul.f32 $1.131370830e+01, v35;
	v9 =	vadd.f32 v9, v58;
	[tilespmem:s3+$0xC810] =	vst v7;
	v7 =	vld [tilespmem:s3+$0xC8A0]  }
0x4e: {  	v61 =	vmul.f32 $1.131370830e+01, v36;
	v10 =	vadd.f32 v10, v59;
	[tilespmem:s3+$0xC820] =	vst v8;
	v8 =	vld [tilespmem:s3+$0xC8B0]  }
0x4f: {  	v62 =	vmul.f32 $1.131370830e+01, v37;
	v11 =	vadd.f32 v11, v60;
	[tilespmem:s3+$0xC830] =	vst v9;
	v9 =	vld [tilespmem:s3+$0xC8C0]  }
0x50: {  	v30 =	vmul.f32 $1.131370830e+01, v56;
	v12 =	vadd.f32 v12, v61;
	[tilespmem:s3+$0xC840] =	vst v10;
	v10 =	vld [tilespmem:s3+$0xC8D0]  }
0x51: {  	v0 =	vld [tilespmem:s3+$0x65D0];
	v14 =	vadd.f32 v14, v62;
	[tilespmem:s3+$0xC850] =	vst v11;
	v6 =	vmul.f32 $1.131370830e+01, v6  }
0x52: {  	v11 =	vld [tilespmem:s3+$0xC8E0];
	v13 =	vadd.f32 v13, v30;
	[tilespmem:s3+$0xC860] =	vst v12;
	v7 =	vmul.f32 $1.131370830e+01, v7  }
0x53: {  	v12 =	vld [tilespmem:s3+$0xC8F0];
	[tilespmem:s3+$0xC880] =	vst v14;
	v8 =	vmul.f32 $1.131370830e+01, v8;
	v6 =	vadd.f32 v15, v6  }
0x54: {  	[tilespmem:s3+$0xC870] =	vst v13;
	v13 =	vld [tilespmem:s3+$0xC900];
	v9 =	vmul.f32 $1.131370830e+01, v9;
	v7 =	vadd.f32 v16, v7  }
0x55: {  	v10 =	vmul.f32 $1.131370830e+01, v10;
	v8 =	vadd.f32 v17, v8;
	[tilespmem:s3+$0xC890] =	vst v6;
	v6 =	vld [tilespmem:s3+$0xC920]  }
0x56: {  	v14 =	vld [tilespmem:s3+$0xC910];
	v9 =	vadd.f32 v18, v9;
	[tilespmem:s3+$0xC8A0] =	vst v7  }
0x57: {  	v11 =	vmul.f32 $1.131370830e+01, v11;
	v10 =	vadd.f32 v19, v10;
	v7 =	vld [tilespmem:s3+$0xC930];
	[tilespmem:s3+$0xC8B0] =	vst v8  }
0x58: {  	v8 =	vld [tilespmem:s3+$0xC940];
	[tilespmem:s3+$0xC8C0] =	vst v9;
	v9 =	vmul.f32 $1.131370830e+01, v12  }
0x59: {  	v15 =	vld [tilespmem:s3+$0xC950];
	v11 =	vadd.f32 v20, v11;
	[tilespmem:s3+$0xC8D0] =	vst v10;
	v10 =	vmul.f32 $1.131370830e+01, v13  }
0x5a: {  	v12 =	vld [tilespmem:s3+$0xC960];
	v9 =	vadd.f32 v21, v9;
	v6 =	vmul.f32 $1.131370830e+01, v6  }
0x5b: {  	[tilespmem:s3+$0xC8E0] =	vst v11;
	v11 =	vld [tilespmem:s3+$0xC970];
	v13 =	vmul.f32 $1.131370830e+01, v14;
	v10 =	vadd.f32 v22, v10  }
0x5c: {  	v14 =	vld [tilespmem:s3+$0xC980];
	[tilespmem:s3+$0xC8F0] =	vst v9;
	v7 =	vmul.f32 $1.131370830e+01, v7;
	v6 =	vadd.f32 v24, v6  }
0x5d: {  	v63 =	vld [tilespmem:s3+$0xC990];
	v9 =	vadd.f32 v23, v13;
	[tilespmem:s3+$0xC900] =	vst v10;
	v8 =	vmul.f32 $1.131370830e+01, v8  }
0x5e: {  	v10 =	vld [tilespmem:s3+$0xC9A0];
	v7 =	vadd.f32 v25, v7;
	[tilespmem:s3+$0xC920] =	vst v6;
	v6 =	vmul.f32 $1.131370830e+01, v15  }
0x5f: {  	v12 =	vmul.f32 $1.131370830e+01, v12;
	[tilespmem:s3+$0xC910] =	vst v9;
	v9 =	vld [tilespmem:s3+$0xC9B0];
	v13 =	vadd.f32 v26, v8  }
0x60: {  	v11 =	vmul.f32 $1.131370830e+01, v11;
	v8 =	vld [tilespmem:s3+$0xC9C0];
	[tilespmem:s3+$0xC930] =	vst v7;
	v6 =	vadd.f32 v27, v6  }
0x61: {  	v12 =	vadd.f32 v28, v12;
	[tilespmem:s3+$0xC940] =	vst v13;
	v7 =	vld [tilespmem:s3+$0xC9D0];
	v13 =	vmul.f32 $1.131370830e+01, v14  }
0x62: {  	s0 =	simm.s32 $0x800;
	v14 =	vadd.f32 v29, v11;
	v11 =	vmul.f32 $1.131370830e+01, v63;
	[tilespmem:s3+$0xC950] =	vst v6;
	v6 =	vld [tilespmem:s3+$0xC9E0]  }
.LBB2_3:
0x63: {  	p0 =	sne.s32 s0, $0x18800;
	[tilespmem:s3+$0xC960] =	vst v12;
	v5 =	vadd.f32 v5, v13;
	v10 =	vmul.f32 $1.131370830e+01, v10;
	v12 =	vld [tilespmem:s3+$0xC9F0]  }
0x64: {  	[tilespmem:s3+$0xC970] =	vst v14;
	v4 =	vadd.f32 v4, v11;
	v9 =	vmul.f32 $1.131370830e+01, v9;
	v11 =	vld [tilespmem:s3+$0x65E0]  }
0x65: {  	s13 =	sshra.s32 s0, $0x2;
	[tilespmem:s3+$0xC980] =	vst v5;
	v3 =	vadd.f32 v3, v10;
	v5 =	vmul.f32 $1.131370830e+01, v8;
	v8 =	vld [tilespmem:s3+$0x65F0]  }
0x66: {  	v13 =	vld [tilespmem:s13+$0x6400];
	[tilespmem:s3+$0xC990] =	vst v4;
	v2 =	vadd.f32 v2, v9;
	v4 =	vmul.f32 $1.131370830e+01, v7  }
0x67: {  	v14 =	vld [tilespmem:s13+$0x6410];
	[tilespmem:s3+$0xC9A0] =	vst v3;
	v1 =	vadd.f32 v1, v5;
	v3 =	vmul.f32 $1.131370830e+01, v6  }
0x68: {  	v15 =	vld [tilespmem:s13+$0x6420];
	[tilespmem:s3+$0xC9B0] =	vst v2;
	v0 =	vadd.f32 v0, v4;
	v2 =	vmul.f32 $1.131370830e+01, v12  }
0x69: {  	v12 =	vld [tilespmem:s13+$0x6430];
	[tilespmem:s3+$0xC9C0] =	vst v1;
	v1 =	vadd.f32 v11, v3  }
0x6a: {  	v16 =	vld [tilespmem:s13+$0x6440];
	[tilespmem:s3+$0xC9D0] =	vst v0;
	v0 =	vadd.f32 v8, v2  }
0x6b: {  	v17 =	vld [tilespmem:s13+$0x6450];
	[tilespmem:s3+$0xC9E0] =	vst v1  }
0x6c: {  	v18 =	vld [tilespmem:s13+$0x6460];
	[tilespmem:s3+$0xC9F0] =	vst v0;
	s3 =	smov.u32 s13  }
0x6d: {  	v19 =	vld [tilespmem:s3+$0x6470]  }
0x6e: {  	v20 =	vld [tilespmem:s3+$0x6480]  }
0x6f: {  	v21 =	vld [tilespmem:s3+$0x6490]  }
0x70: {  	v22 =	vld [tilespmem:s3+$0x64A0]  }
0x71: {  	v23 =	vld [tilespmem:s3+$0x64B0]  }
0x72: {  	v24 =	vld [tilespmem:s3+$0x64C0]  }
0x73: {  	v25 =	vld [tilespmem:s3+$0x64D0]  }
0x74: {  	v26 =	vld [tilespmem:s3+$0x64E0]  }
0x75: {  	v27 =	vld [tilespmem:s3+$0x64F0]  }
0x76: {  	v28 =	vld [tilespmem:s3+$0x6500]  }
0x77: {  	v29 =	vld [tilespmem:s3+$0x6510]  }
0x78: {  	v11 =	vld [tilespmem:s3+$0x6520]  }
0x79: {  	v10 =	vld [tilespmem:s3+$0x6530]  }
0x7a: {  	v9 =	vld [tilespmem:s3+$0x6540]  }
0x7b: {  	v8 =	vld [tilespmem:s3+$0x6550]  }
0x7c: {  	v7 =	vld [tilespmem:s3+$0x6560]  }
0x7d: {  	v6 =	vld [tilespmem:s3+$0x6570]  }
0x7e: {  	v5 =	vld [tilespmem:s3+$0x6580]  }
0x7f: {  	v4 =	vld [tilespmem:s3+$0x6590]  }
0x80: {  	v3 =	vld [tilespmem:s3+$0x65A0]  }
0x81: {  	v2 =	vld [tilespmem:s3+$0x65B0]  }
0x82: {  	v1 =	vld [tilespmem:s3+$0x65C0]  }
0x83: {  	v0 =	vld [tilespmem:s3+$0x65D0]  }
0x84: {  	v30 =	vld [tilespmem:s3+$0xC800]  }
0x85: {  	v31 =	vld [tilespmem:s3+$0xC810]  }
0x86: {  	v32 =	vld [tilespmem:s3+$0xC820]  }
0x87: {  	v33 =	vld [tilespmem:s3+$0xC830]  }
0x88: {  	v34 =	vld [tilespmem:s3+$0xC840]  }
0x89: {  	v30 =	vmul.f32 $1.131370830e+01, v30;
	v35 =	vld [tilespmem:s3+$0xC850]  }
0x8a: {  	v31 =	vmul.f32 $1.131370830e+01, v31;
	v36 =	vld [tilespmem:s3+$0xC860]  }
0x8b: {  	v13 =	vadd.f32 v13, v30;
	v30 =	vmul.f32 $1.131370830e+01, v32;
	v32 =	vld [tilespmem:s3+$0xC870]  }
0x8c: {  	v14 =	vadd.f32 v14, v31;
	v31 =	vmul.f32 $1.131370830e+01, v33;
	v33 =	vld [tilespmem:s3+$0xC880]  }
0x8d: {  	[tilespmem:s3+$0xC800] =	vst v13;
	v13 =	vadd.f32 v15, v30;
	v15 =	vmul.f32 $1.131370830e+01, v34;
	v30 =	vld [tilespmem:s3+$0xC890]  }
0x8e: {  	[tilespmem:s3+$0xC810] =	vst v14;
	v12 =	vadd.f32 v12, v31;
	v14 =	vmul.f32 $1.131370830e+01, v35;
	v31 =	vld [tilespmem:s3+$0xC8A0]  }
0x8f: {  	[tilespmem:s3+$0xC820] =	vst v13;
	v13 =	vadd.f32 v16, v15;
	v15 =	vmul.f32 $1.131370830e+01, v36;
	v16 =	vld [tilespmem:s3+$0xC8B0]  }
0x90: {  	[tilespmem:s3+$0xC830] =	vst v12;
	v12 =	vadd.f32 v17, v14;
	v14 =	vmul.f32 $1.131370830e+01, v32;
	v17 =	vld [tilespmem:s3+$0xC8C0]  }
0x91: {  	[tilespmem:s3+$0xC840] =	vst v13;
	v13 =	vadd.f32 v18, v15;
	v15 =	vmul.f32 $1.131370830e+01, v33;
	v18 =	vld [tilespmem:s3+$0xC8D0]  }
0x92: {  	[tilespmem:s3+$0xC850] =	vst v12;
	v12 =	vadd.f32 v19, v14;
	v14 =	vmul.f32 $1.131370830e+01, v30;
	v19 =	vld [tilespmem:s3+$0xC8E0]  }
0x93: {  	[tilespmem:s3+$0xC860] =	vst v13;
	v13 =	vadd.f32 v20, v15;
	v15 =	vmul.f32 $1.131370830e+01, v31;
	v20 =	vld [tilespmem:s3+$0xC8F0]  }
0x94: {  	[tilespmem:s3+$0xC870] =	vst v12;
	v12 =	vadd.f32 v21, v14;
	v14 =	vmul.f32 $1.131370830e+01, v16;
	v16 =	vld [tilespmem:s3+$0xC900]  }
0x95: {  	[tilespmem:s3+$0xC880] =	vst v13;
	v13 =	vadd.f32 v22, v15;
	v15 =	vmul.f32 $1.131370830e+01, v17;
	v17 =	vld [tilespmem:s3+$0xC910]  }
0x96: {  	[tilespmem:s3+$0xC890] =	vst v12;
	v12 =	vadd.f32 v23, v14;
	v14 =	vmul.f32 $1.131370830e+01, v18;
	v18 =	vld [tilespmem:s3+$0xC920]  }
0x97: {  	[tilespmem:s3+$0xC8A0] =	vst v13;
	v13 =	vadd.f32 v24, v15;
	v15 =	vmul.f32 $1.131370830e+01, v19;
	v19 =	vld [tilespmem:s3+$0xC930]  }
0x98: {  	[tilespmem:s3+$0xC8B0] =	vst v12;
	v12 =	vadd.f32 v25, v14;
	v14 =	vmul.f32 $1.131370830e+01, v20;
	v20 =	vld [tilespmem:s3+$0xC940]  }
0x99: {  	[tilespmem:s3+$0xC8C0] =	vst v13;
	v13 =	vadd.f32 v26, v15;
	v15 =	vmul.f32 $1.131370830e+01, v16;
	v16 =	vld [tilespmem:s3+$0xC950]  }
0x9a: {  	[tilespmem:s3+$0xC8D0] =	vst v12;
	v12 =	vadd.f32 v27, v14;
	v14 =	vmul.f32 $1.131370830e+01, v17;
	v17 =	vld [tilespmem:s3+$0xC960]  }
0x9b: {  	[tilespmem:s3+$0xC8E0] =	vst v13;
	v13 =	vadd.f32 v28, v15;
	v15 =	vmul.f32 $1.131370830e+01, v18;
	v18 =	vld [tilespmem:s3+$0xC970]  }
0x9c: {  	[tilespmem:s3+$0xC8F0] =	vst v12;
	v12 =	vadd.f32 v29, v14;
	v14 =	vmul.f32 $1.131370830e+01, v19;
	v19 =	vld [tilespmem:s3+$0xC980]  }
0x9d: {  	[tilespmem:s3+$0xC900] =	vst v13;
	v11 =	vadd.f32 v11, v15;
	v13 =	vmul.f32 $1.131370830e+01, v20;
	v15 =	vld [tilespmem:s3+$0xC990]  }
.Ltmp0:
0x9e: {  	[tilespmem:s3+$0xC910] =	vst v12;
	v12 =	vadd.f32 v10, v14;
	v14 =	vmul.f32 $1.131370830e+01, v16;
	v10 =	vld [tilespmem:s3+$0xC9A0];
	(pc) =	sbr.rel @p0 .LBB2_3-.Ltmp0, $4  }
0x9f: {  	[tilespmem:s3+$0xC920] =	vst v11;
	v11 =	vadd.f32 v9, v13;
	v13 =	vmul.f32 $1.131370830e+01, v17;
	v9 =	vld [tilespmem:s3+$0xC9B0]  }
0xa0: {  	[tilespmem:s3+$0xC930] =	vst v12;
	v14 =	vadd.f32 v8, v14;
	v16 =	vmul.f32 $1.131370830e+01, v18;
	v8 =	vld [tilespmem:s3+$0xC9C0]  }
0xa1: {  	[tilespmem:s3+$0xC940] =	vst v11;
	v12 =	vadd.f32 v7, v13;
	v13 =	vmul.f32 $1.131370830e+01, v19;
	v7 =	vld [tilespmem:s3+$0xC9D0]  }
0xa2: {  	s0 =	sadd.s32 $0x800, s0;
	[tilespmem:s3+$0xC950] =	vst v14;
	v14 =	vadd.f32 v6, v16;
	v11 =	vmul.f32 $1.131370830e+01, v15;
	v6 =	vld [tilespmem:s3+$0xC9E0]  }
0xa3: {  	[tilespmem:s3+$0xC960] =	vst v12;
	v12 =	vld [tilespmem:s3+$0xC9F0];
	v5 =	vadd.f32 v5, v13;
	v10 =	vmul.f32 $1.131370830e+01, v10  }
0xa4: {  	v13 =	vld [tilespmem:s3+$0x65E0];
	[tilespmem:s3+$0xC970] =	vst v14;
	v4 =	vadd.f32 v4, v11;
	v9 =	vmul.f32 $1.131370830e+01, v9  }
0xa5: {  	[tilespmem:s3+$0xC980] =	vst v5;
	v3 =	vadd.f32 v3, v10;
	v5 =	vmul.f32 $1.131370830e+01, v8;
	v8 =	vld [tilespmem:s3+$0x65F0]  }
0xa6: {  	[tilespmem:s3+$0xC990] =	vst v4;
	v2 =	vadd.f32 v2, v9;
	v4 =	vmul.f32 $1.131370830e+01, v7  }
0xa7: {  	[tilespmem:s3+$0xC9A0] =	vst v3;
	v1 =	vadd.f32 v1, v5;
	v3 =	vmul.f32 $1.131370830e+01, v6  }
0xa8: {  	s0 =	smul.u32 $0x258, s2;
	[tilespmem:s3+$0xC9B0] =	vst v2;
	v0 =	vadd.f32 v0, v4;
	v2 =	vmul.f32 $1.131370830e+01, v12  }
0xa9: {  	[tilespmem:s3+$0xC9C0] =	vst v1;
	v1 =	vadd.f32 v13, v3  }
0xaa: {  	s13 =	sadd.s32 s6, s0;
	[tilespmem:s3+$0xC9D0] =	vst v0;
	v0 =	vadd.f32 v8, v2  }
0xab: {  	p0 =	seq.s32 s2, $0x0;
	s13 =	sshll.u32 s13, $0x4;
	[tilespmem:s3+$0xC9E0] =	vst v1  }
0xac: {  	s18 =	sadd.s32 s4, s13;
	[tilespmem:s3+$0xC9F0] =	vst v0;
	s3 =	simm.s32 @!p0 $0x6  }
0xad: {  	[hbm4b:s18+s5] =	stream.linear.scatter [tilespmem:s15], [sflag:$0x4], $0x6400, $0x38;
	[tilespmem:$0x1F400] =	vst v63  }
0xae: {  	_ =	swait.ge @!p0 [sflag:s3], $0x6400  }
0xaf: {  	[sflag:s3] =	ssyncset.done @!p0 $0x0  }
0xb0: {  	[sflag:s3] =	ssyncadd.s32 @!p0 $0xFFFF9C00;
	s3 =	sadd.s32 $0x190, s0  }
0xb1: {  	[tilespmem:s23], [sflag:$0x3] =	stream.indirect.gather [hbm4b:s1+s14], $0x80, s3, s14, $0xb8;
	[tilespmem:$0x1F400] =	vst v63  }
0xb2: {  	s20 =	sadd.s32 $0x1F8, s0  }
0xb3: {  	[tilespmem:s24], [sflag:$0x3] =	stream.indirect.gather [hbm4b:s1+s16], $0x80, s20, s16, $0xb8;
	[tilespmem:$0x1F400] =	vst v63  }
0xb4: {  	_ =	swait.ge [sflag:s25], $0x3400  }
0xb5: {  	[sflag:s25] =	ssyncset.done $0x0  }
0xb6: {  	[sflag:s25] =	ssyncadd.s32 $0xFFFFCC00  }
0xb7: {  	_ =	swait.ge [sflag:s25], $0x3000  }
0xb8: {  	[sflag:s25] =	ssyncset.done $0x0  }
0xb9: {  	s13 =	simm.s32 $0x0;
	[sflag:s25] =	ssyncadd.s32 $0xFFFFD000  }
0xba: {  	v6 =	vld [tilespmem:s13+$0x6400]  }
0xbb: {  	v7 =	vld [tilespmem:s13+$0x6410]  }
0xbc: {  	v8 =	vld [tilespmem:s13+$0x6420]  }
0xbd: {  	v9 =	vld [tilespmem:s13+$0x6430]  }
0xbe: {  	v10 =	vld [tilespmem:s13+$0x6440]  }
0xbf: {  	v11 =	vld [tilespmem:s13+$0x6450]  }
0xc0: {  	v12 =	vld [tilespmem:s13+$0x6460]  }
0xc1: {  	v13 =	vld [tilespmem:s13+$0x6470]  }
0xc2: {  	v14 =	vld [tilespmem:s13+$0x6480]  }
0xc3: {  	v15 =	vld [tilespmem:s13+$0x6490]  }
0xc4: {  	v16 =	vld [tilespmem:s13+$0x64A0]  }
0xc5: {  	v17 =	vld [tilespmem:s13+$0x64B0]  }
0xc6: {  	v18 =	vld [tilespmem:s13+$0x64C0]  }
0xc7: {  	v19 =	vld [tilespmem:s13+$0x64D0]  }
0xc8: {  	v20 =	vld [tilespmem:s13+$0x64E0]  }
0xc9: {  	v21 =	vld [tilespmem:s13+$0x64F0]  }
0xca: {  	v22 =	vld [tilespmem:s13+$0x6500]  }
0xcb: {  	v23 =	vld [tilespmem:s13+$0x6510]  }
0xcc: {  	v24 =	vld [tilespmem:s13+$0x6520]  }
0xcd: {  	v25 =	vld [tilespmem:s13+$0x6530]  }
0xce: {  	v26 =	vld [tilespmem:s13+$0x6540]  }
0xcf: {  	v27 =	vld [tilespmem:s13+$0x6550]  }
0xd0: {  	v28 =	vld [tilespmem:s13+$0x6560]  }
0xd1: {  	v29 =	vld [tilespmem:s13+$0x6570]  }
0xd2: {  	v5 =	vld [tilespmem:s13+$0x6580]  }
0xd3: {  	v4 =	vld [tilespmem:s13+$0x6590]  }
0xd4: {  	v3 =	vld [tilespmem:s13+$0x65A0]  }
0xd5: {  	v2 =	vld [tilespmem:s13+$0x65B0]  }
0xd6: {  	v1 =	vld [tilespmem:s13+$0x65C0]  }
0xd7: {  	v30 =	vld [tilespmem:s13+$0x12C00]  }
0xd8: {  	v31 =	vld [tilespmem:s13+$0x12C10]  }
0xd9: {  	v32 =	vld [tilespmem:s13+$0x12C20]  }
0xda: {  	v33 =	vld [tilespmem:s13+$0x12C30]  }
0xdb: {  	v34 =	vld [tilespmem:s13+$0x12C40]  }
0xdc: {  	v35 =	vld [tilespmem:s13+$0x12C50];
	v30 =	vmul.f32 $1.131370830e+01, v30  }
0xdd: {  	v36 =	vld [tilespmem:s13+$0x12C60];
	v31 =	vmul.f32 $1.131370830e+01, v31  }
0xde: {  	v37 =	vld [tilespmem:s13+$0x12C80];
	v57 =	vmul.f32 $1.131370830e+01, v32;
	v6 =	vadd.f32 v6, v30  }
0xdf: {  	v56 =	vld [tilespmem:s13+$0x12C70];
	v58 =	vmul.f32 $1.131370830e+01, v33;
	v7 =	vadd.f32 v7, v31  }
0xe0: {  	v59 =	vmul.f32 $1.131370830e+01, v34;
	v8 =	vadd.f32 v8, v57;
	[tilespmem:s13+$0x12C00] =	vst v6;
	v6 =	vld [tilespmem:s13+$0x12C90]  }
0xe1: {  	v60 =	vmul.f32 $1.131370830e+01, v35;
	v9 =	vadd.f32 v9, v58;
	[tilespmem:s13+$0x12C10] =	vst v7;
	v7 =	vld [tilespmem:s13+$0x12CA0]  }
0xe2: {  	v61 =	vmul.f32 $1.131370830e+01, v36;
	v10 =	vadd.f32 v10, v59;
	[tilespmem:s13+$0x12C20] =	vst v8;
	v8 =	vld [tilespmem:s13+$0x12CB0]  }
0xe3: {  	v62 =	vmul.f32 $1.131370830e+01, v37;
	v11 =	vadd.f32 v11, v60;
	[tilespmem:s13+$0x12C30] =	vst v9;
	v9 =	vld [tilespmem:s13+$0x12CC0]  }
0xe4: {  	v30 =	vmul.f32 $1.131370830e+01, v56;
	v12 =	vadd.f32 v12, v61;
	[tilespmem:s13+$0x12C40] =	vst v10;
	v10 =	vld [tilespmem:s13+$0x12CD0]  }
0xe5: {  	v0 =	vld [tilespmem:s13+$0x65D0];
	v14 =	vadd.f32 v14, v62;
	[tilespmem:s13+$0x12C50] =	vst v11;
	v6 =	vmul.f32 $1.131370830e+01, v6  }
0xe6: {  	v11 =	vld [tilespmem:s13+$0x12CE0];
	v13 =	vadd.f32 v13, v30;
	[tilespmem:s13+$0x12C60] =	vst v12;
	v7 =	vmul.f32 $1.131370830e+01, v7  }
0xe7: {  	v12 =	vld [tilespmem:s13+$0x12CF0];
	[tilespmem:s13+$0x12C80] =	vst v14;
	v8 =	vmul.f32 $1.131370830e+01, v8;
	v6 =	vadd.f32 v15, v6  }
0xe8: {  	[tilespmem:s13+$0x12C70] =	vst v13;
	v13 =	vld [tilespmem:s13+$0x12D00];
	v9 =	vmul.f32 $1.131370830e+01, v9;
	v7 =	vadd.f32 v16, v7  }
0xe9: {  	v10 =	vmul.f32 $1.131370830e+01, v10;
	v8 =	vadd.f32 v17, v8;
	[tilespmem:s13+$0x12C90] =	vst v6;
	v6 =	vld [tilespmem:s13+$0x12D20]  }
0xea: {  	v14 =	vld [tilespmem:s13+$0x12D10];
	v9 =	vadd.f32 v18, v9;
	[tilespmem:s13+$0x12CA0] =	vst v7  }
0xeb: {  	v11 =	vmul.f32 $1.131370830e+01, v11;
	v10 =	vadd.f32 v19, v10;
	v7 =	vld [tilespmem:s13+$0x12D30];
	[tilespmem:s13+$0x12CB0] =	vst v8  }
0xec: {  	v8 =	vld [tilespmem:s13+$0x12D40];
	[tilespmem:s13+$0x12CC0] =	vst v9;
	v9 =	vmul.f32 $1.131370830e+01, v12  }
0xed: {  	v15 =	vld [tilespmem:s13+$0x12D50];
	v11 =	vadd.f32 v20, v11;
	[tilespmem:s13+$0x12CD0] =	vst v10;
	v10 =	vmul.f32 $1.131370830e+01, v13  }
0xee: {  	v12 =	vld [tilespmem:s13+$0x12D60];
	v9 =	vadd.f32 v21, v9;
	v6 =	vmul.f32 $1.131370830e+01, v6  }
0xef: {  	[tilespmem:s13+$0x12CE0] =	vst v11;
	v11 =	vld [tilespmem:s13+$0x12D70];
	v13 =	vmul.f32 $1.131370830e+01, v14;
	v10 =	vadd.f32 v22, v10  }
0xf0: {  	v14 =	vld [tilespmem:s13+$0x12D80];
	[tilespmem:s13+$0x12CF0] =	vst v9;
	v7 =	vmul.f32 $1.131370830e+01, v7;
	v6 =	vadd.f32 v24, v6  }
0xf1: {  	v63 =	vld [tilespmem:s13+$0x12D90];
	v9 =	vadd.f32 v23, v13;
	[tilespmem:s13+$0x12D00] =	vst v10;
	v8 =	vmul.f32 $1.131370830e+01, v8  }
0xf2: {  	v10 =	vld [tilespmem:s13+$0x12DA0];
	v7 =	vadd.f32 v25, v7;
	[tilespmem:s13+$0x12D20] =	vst v6;
	v6 =	vmul.f32 $1.131370830e+01, v15  }
0xf3: {  	v12 =	vmul.f32 $1.131370830e+01, v12;
	[tilespmem:s13+$0x12D10] =	vst v9;
	v9 =	vld [tilespmem:s13+$0x12DB0];
	v13 =	vadd.f32 v26, v8  }
0xf4: {  	v11 =	vmul.f32 $1.131370830e+01, v11;
	v8 =	vld [tilespmem:s13+$0x12DC0];
	[tilespmem:s13+$0x12D30] =	vst v7;
	v6 =	vadd.f32 v27, v6  }
0xf5: {  	v12 =	vadd.f32 v28, v12;
	[tilespmem:s13+$0x12D40] =	vst v13;
	v7 =	vld [tilespmem:s13+$0x12DD0];
	v13 =	vmul.f32 $1.131370830e+01, v14  }
0xf6: {  	s18 =	simm.s32 $0x800;
	v14 =	vadd.f32 v29, v11;
	v11 =	vmul.f32 $1.131370830e+01, v63;
	[tilespmem:s13+$0x12D50] =	vst v6;
	v6 =	vld [tilespmem:s13+$0x12DE0]  }
.LBB2_5:
0xf7: {  	p0 =	sne.s32 s18, $0x18800;
	[tilespmem:s13+$0x12D60] =	vst v12;
	v5 =	vadd.f32 v5, v13;
	v10 =	vmul.f32 $1.131370830e+01, v10;
	v12 =	vld [tilespmem:s13+$0x12DF0]  }
0xf8: {  	[tilespmem:s13+$0x12D70] =	vst v14;
	v4 =	vadd.f32 v4, v11;
	v9 =	vmul.f32 $1.131370830e+01, v9;
	v11 =	vld [tilespmem:s13+$0x65E0]  }
0xf9: {  	s20 =	sshra.s32 s18, $0x2;
	[tilespmem:s13+$0x12D80] =	vst v5;
	v3 =	vadd.f32 v3, v10;
	v5 =	vmul.f32 $1.131370830e+01, v8;
	v8 =	vld [tilespmem:s13+$0x65F0]  }
0xfa: {  	v13 =	vld [tilespmem:s20+$0x6400];
	[tilespmem:s13+$0x12D90] =	vst v4;
	v2 =	vadd.f32 v2, v9;
	v4 =	vmul.f32 $1.131370830e+01, v7  }
0xfb: {  	v14 =	vld [tilespmem:s20+$0x6410];
	[tilespmem:s13+$0x12DA0] =	vst v3;
	v1 =	vadd.f32 v1, v5;
	v3 =	vmul.f32 $1.131370830e+01, v6  }
0xfc: {  	v15 =	vld [tilespmem:s20+$0x6420];
	[tilespmem:s13+$0x12DB0] =	vst v2;
	v0 =	vadd.f32 v0, v4;
	v2 =	vmul.f32 $1.131370830e+01, v12  }
0xfd: {  	v12 =	vld [tilespmem:s20+$0x6430];
	[tilespmem:s13+$0x12DC0] =	vst v1;
	v1 =	vadd.f32 v11, v3  }
0xfe: {  	v16 =	vld [tilespmem:s20+$0x6440];
	[tilespmem:s13+$0x12DD0] =	vst v0;
	v0 =	vadd.f32 v8, v2  }
0xff: {  	v17 =	vld [tilespmem:s20+$0x6450];
	[tilespmem:s13+$0x12DE0] =	vst v1  }
0x100: {  	v18 =	vld [tilespmem:s20+$0x6460];
	[tilespmem:s13+$0x12DF0] =	vst v0;
	s13 =	smov.u32 s20  }
0x101: {  	v19 =	vld [tilespmem:s13+$0x6470]  }
0x102: {  	v20 =	vld [tilespmem:s13+$0x6480]  }
0x103: {  	v21 =	vld [tilespmem:s13+$0x6490]  }
0x104: {  	v22 =	vld [tilespmem:s13+$0x64A0]  }
0x105: {  	v23 =	vld [tilespmem:s13+$0x64B0]  }
0x106: {  	v24 =	vld [tilespmem:s13+$0x64C0]  }
0x107: {  	v25 =	vld [tilespmem:s13+$0x64D0]  }
0x108: {  	v26 =	vld [tilespmem:s13+$0x64E0]  }
0x109: {  	v27 =	vld [tilespmem:s13+$0x64F0]  }
0x10a: {  	v28 =	vld [tilespmem:s13+$0x6500]  }
0x10b: {  	v29 =	vld [tilespmem:s13+$0x6510]  }
0x10c: {  	v11 =	vld [tilespmem:s13+$0x6520]  }
0x10d: {  	v10 =	vld [tilespmem:s13+$0x6530]  }
0x10e: {  	v9 =	vld [tilespmem:s13+$0x6540]  }
0x10f: {  	v8 =	vld [tilespmem:s13+$0x6550]  }
0x110: {  	v7 =	vld [tilespmem:s13+$0x6560]  }
0x111: {  	v6 =	vld [tilespmem:s13+$0x6570]  }
0x112: {  	v5 =	vld [tilespmem:s13+$0x6580]  }
0x113: {  	v4 =	vld [tilespmem:s13+$0x6590]  }
0x114: {  	v3 =	vld [tilespmem:s13+$0x65A0]  }
0x115: {  	v2 =	vld [tilespmem:s13+$0x65B0]  }
0x116: {  	v1 =	vld [tilespmem:s13+$0x65C0]  }
0x117: {  	v0 =	vld [tilespmem:s13+$0x65D0]  }
0x118: {  	v30 =	vld [tilespmem:s13+$0x12C00]  }
0x119: {  	v31 =	vld [tilespmem:s13+$0x12C10]  }
0x11a: {  	v32 =	vld [tilespmem:s13+$0x12C20]  }
0x11b: {  	v33 =	vld [tilespmem:s13+$0x12C30]  }
0x11c: {  	v34 =	vld [tilespmem:s13+$0x12C40]  }
0x11d: {  	v30 =	vmul.f32 $1.131370830e+01, v30;
	v35 =	vld [tilespmem:s13+$0x12C50]  }
0x11e: {  	v31 =	vmul.f32 $1.131370830e+01, v31;
	v36 =	vld [tilespmem:s13+$0x12C60]  }
0x11f: {  	v13 =	vadd.f32 v13, v30;
	v30 =	vmul.f32 $1.131370830e+01, v32;
	v32 =	vld [tilespmem:s13+$0x12C70]  }
0x120: {  	v14 =	vadd.f32 v14, v31;
	v31 =	vmul.f32 $1.131370830e+01, v33;
	v33 =	vld [tilespmem:s13+$0x12C80]  }
0x121: {  	[tilespmem:s13+$0x12C00] =	vst v13;
	v13 =	vadd.f32 v15, v30;
	v15 =	vmul.f32 $1.131370830e+01, v34;
	v30 =	vld [tilespmem:s13+$0x12C90]  }
0x122: {  	[tilespmem:s13+$0x12C10] =	vst v14;
	v12 =	vadd.f32 v12, v31;
	v14 =	vmul.f32 $1.131370830e+01, v35;
	v31 =	vld [tilespmem:s13+$0x12CA0]  }
0x123: {  	[tilespmem:s13+$0x12C20] =	vst v13;
	v13 =	vadd.f32 v16, v15;
	v15 =	vmul.f32 $1.131370830e+01, v36;
	v16 =	vld [tilespmem:s13+$0x12CB0]  }
0x124: {  	[tilespmem:s13+$0x12C30] =	vst v12;
	v12 =	vadd.f32 v17, v14;
	v14 =	vmul.f32 $1.131370830e+01, v32;
	v17 =	vld [tilespmem:s13+$0x12CC0]  }
0x125: {  	[tilespmem:s13+$0x12C40] =	vst v13;
	v13 =	vadd.f32 v18, v15;
	v15 =	vmul.f32 $1.131370830e+01, v33;
	v18 =	vld [tilespmem:s13+$0x12CD0]  }
0x126: {  	[tilespmem:s13+$0x12C50] =	vst v12;
	v12 =	vadd.f32 v19, v14;
	v14 =	vmul.f32 $1.131370830e+01, v30;
	v19 =	vld [tilespmem:s13+$0x12CE0]  }
0x127: {  	[tilespmem:s13+$0x12C60] =	vst v13;
	v13 =	vadd.f32 v20, v15;
	v15 =	vmul.f32 $1.131370830e+01, v31;
	v20 =	vld [tilespmem:s13+$0x12CF0]  }
0x128: {  	[tilespmem:s13+$0x12C70] =	vst v12;
	v12 =	vadd.f32 v21, v14;
	v14 =	vmul.f32 $1.131370830e+01, v16;
	v16 =	vld [tilespmem:s13+$0x12D00]  }
0x129: {  	[tilespmem:s13+$0x12C80] =	vst v13;
	v13 =	vadd.f32 v22, v15;
	v15 =	vmul.f32 $1.131370830e+01, v17;
	v17 =	vld [tilespmem:s13+$0x12D10]  }
0x12a: {  	[tilespmem:s13+$0x12C90] =	vst v12;
	v12 =	vadd.f32 v23, v14;
	v14 =	vmul.f32 $1.131370830e+01, v18;
	v18 =	vld [tilespmem:s13+$0x12D20]  }
0x12b: {  	[tilespmem:s13+$0x12CA0] =	vst v13;
	v13 =	vadd.f32 v24, v15;
	v15 =	vmul.f32 $1.131370830e+01, v19;
	v19 =	vld [tilespmem:s13+$0x12D30]  }
0x12c: {  	[tilespmem:s13+$0x12CB0] =	vst v12;
	v12 =	vadd.f32 v25, v14;
	v14 =	vmul.f32 $1.131370830e+01, v20;
	v20 =	vld [tilespmem:s13+$0x12D40]  }
0x12d: {  	[tilespmem:s13+$0x12CC0] =	vst v13;
	v13 =	vadd.f32 v26, v15;
	v15 =	vmul.f32 $1.131370830e+01, v16;
	v16 =	vld [tilespmem:s13+$0x12D50]  }
0x12e: {  	[tilespmem:s13+$0x12CD0] =	vst v12;
	v12 =	vadd.f32 v27, v14;
	v14 =	vmul.f32 $1.131370830e+01, v17;
	v17 =	vld [tilespmem:s13+$0x12D60]  }
0x12f: {  	[tilespmem:s13+$0x12CE0] =	vst v13;
	v13 =	vadd.f32 v28, v15;
	v15 =	vmul.f32 $1.131370830e+01, v18;
	v18 =	vld [tilespmem:s13+$0x12D70]  }
0x130: {  	[tilespmem:s13+$0x12CF0] =	vst v12;
	v12 =	vadd.f32 v29, v14;
	v14 =	vmul.f32 $1.131370830e+01, v19;
	v19 =	vld [tilespmem:s13+$0x12D80]  }
0x131: {  	[tilespmem:s13+$0x12D00] =	vst v13;
	v11 =	vadd.f32 v11, v15;
	v13 =	vmul.f32 $1.131370830e+01, v20;
	v15 =	vld [tilespmem:s13+$0x12D90]  }
.Ltmp1:
0x132: {  	[tilespmem:s13+$0x12D10] =	vst v12;
	v12 =	vadd.f32 v10, v14;
	v14 =	vmul.f32 $1.131370830e+01, v16;
	v10 =	vld [tilespmem:s13+$0x12DA0];
	(pc) =	sbr.rel @p0 .LBB2_5-.Ltmp1, $4  }
0x133: {  	[tilespmem:s13+$0x12D20] =	vst v11;
	v11 =	vadd.f32 v9, v13;
	v13 =	vmul.f32 $1.131370830e+01, v17;
	v9 =	vld [tilespmem:s13+$0x12DB0]  }
0x134: {  	[tilespmem:s13+$0x12D30] =	vst v12;
	v14 =	vadd.f32 v8, v14;
	v16 =	vmul.f32 $1.131370830e+01, v18;
	v8 =	vld [tilespmem:s13+$0x12DC0]  }
0x135: {  	[tilespmem:s13+$0x12D40] =	vst v11;
	v12 =	vadd.f32 v7, v13;
	v13 =	vmul.f32 $1.131370830e+01, v19;
	v7 =	vld [tilespmem:s13+$0x12DD0]  }
0x136: {  	s18 =	sadd.s32 $0x800, s18;
	[tilespmem:s13+$0x12D50] =	vst v14;
	v14 =	vadd.f32 v6, v16;
	v11 =	vmul.f32 $1.131370830e+01, v15;
	v6 =	vld [tilespmem:s13+$0x12DE0]  }
0x137: {  	[tilespmem:s13+$0x12D60] =	vst v12;
	v12 =	vld [tilespmem:s13+$0x12DF0];
	v5 =	vadd.f32 v5, v13;
	v10 =	vmul.f32 $1.131370830e+01, v10  }
0x138: {  	v13 =	vld [tilespmem:s13+$0x65E0];
	[tilespmem:s13+$0x12D70] =	vst v14;
	v4 =	vadd.f32 v4, v11;
	v9 =	vmul.f32 $1.131370830e+01, v9  }
0x139: {  	[tilespmem:s13+$0x12D80] =	vst v5;
	v3 =	vadd.f32 v3, v10;
	v5 =	vmul.f32 $1.131370830e+01, v8;
	v8 =	vld [tilespmem:s13+$0x65F0]  }
0x13a: {  	[tilespmem:s13+$0x12D90] =	vst v4;
	v2 =	vadd.f32 v2, v9;
	v4 =	vmul.f32 $1.131370830e+01, v7  }
0x13b: {  	[tilespmem:s13+$0x12DA0] =	vst v3;
	v1 =	vadd.f32 v1, v5;
	v3 =	vmul.f32 $1.131370830e+01, v6  }
0x13c: {  	[tilespmem:s13+$0x12DB0] =	vst v2;
	v0 =	vadd.f32 v0, v4;
	v2 =	vmul.f32 $1.131370830e+01, v12  }
0x13d: {  	[tilespmem:s13+$0x12DC0] =	vst v1;
	v1 =	vadd.f32 v13, v3  }
0x13e: {  	s18 =	sadd.s32 s0, s8;
	[tilespmem:s13+$0x12DD0] =	vst v0;
	v0 =	vadd.f32 v8, v2  }
0x13f: {  	s18 =	sshll.u32 s18, $0x4;
	[tilespmem:s13+$0x12DE0] =	vst v1  }
0x140: {  	s20 =	simm.s32 $0x0;
	s18 =	sadd.s32 s4, s18;
	[tilespmem:s13+$0x12DF0] =	vst v0  }
0x141: {  	[hbm4b:s18+s20] =	stream.linear.scatter [tilespmem:s19], [sflag:$0x5], $0x6400, $0x38;
	[tilespmem:$0x1F400] =	vst v63  }
0x142: {  	_ =	swait.ge [sflag:s26], $0x6400  }
0x143: {  	[sflag:s26] =	ssyncset.done $0x0  }
0x144: {  	s18 =	sadd.s32 $0x258, s0;
	[sflag:s26] =	ssyncadd.s32 $0xFFFF9C00  }
0x145: {  	[tilespmem:s15], [sflag:$0x1] =	stream.indirect.gather [hbm4b:s1+s14], $0x80, s18, s14, $0xb8;
	[tilespmem:$0x1F400] =	vst v63  }
0x146: {  	s20 =	sadd.s32 $0x2C0, s0  }
0x147: {  	[tilespmem:s17], [sflag:$0x1] =	stream.indirect.gather [hbm4b:s1+s16], $0x80, s20, s16, $0xb8;
	[tilespmem:$0x1F400] =	vst v63  }
0x148: {  	_ =	swait.ge [sflag:s28], $0x3400  }
0x149: {  	[sflag:s28] =	ssyncset.done $0x0  }
0x14a: {  	[sflag:s28] =	ssyncadd.s32 $0xFFFFCC00  }
0x14b: {  	_ =	swait.ge [sflag:s28], $0x3000  }
0x14c: {  	[sflag:s28] =	ssyncset.done $0x0  }
0x14d: {  	s13 =	simm.s32 $0x0;
	[sflag:s28] =	ssyncadd.s32 $0xFFFFD000  }
0x14e: {  	v6 =	vld [tilespmem:s13+$0x6400]  }
0x14f: {  	v7 =	vld [tilespmem:s13+$0x6410]  }
0x150: {  	v8 =	vld [tilespmem:s13+$0x6420]  }
0x151: {  	v9 =	vld [tilespmem:s13+$0x6430]  }
0x152: {  	v10 =	vld [tilespmem:s13+$0x6440]  }
0x153: {  	v11 =	vld [tilespmem:s13+$0x6450]  }
0x154: {  	v12 =	vld [tilespmem:s13+$0x6460]  }
0x155: {  	v13 =	vld [tilespmem:s13+$0x6470]  }
0x156: {  	v14 =	vld [tilespmem:s13+$0x6480]  }
0x157: {  	v15 =	vld [tilespmem:s13+$0x6490]  }
0x158: {  	v16 =	vld [tilespmem:s13+$0x64A0]  }
0x159: {  	v17 =	vld [tilespmem:s13+$0x64B0]  }
0x15a: {  	v18 =	vld [tilespmem:s13+$0x64C0]  }
0x15b: {  	v19 =	vld [tilespmem:s13+$0x64D0]  }
0x15c: {  	v20 =	vld [tilespmem:s13+$0x64E0]  }
0x15d: {  	v21 =	vld [tilespmem:s13+$0x64F0]  }
0x15e: {  	v22 =	vld [tilespmem:s13+$0x6500]  }
0x15f: {  	v23 =	vld [tilespmem:s13+$0x6510]  }
0x160: {  	v24 =	vld [tilespmem:s13+$0x6520]  }
0x161: {  	v25 =	vld [tilespmem:s13+$0x6530]  }
0x162: {  	v26 =	vld [tilespmem:s13+$0x6540]  }
0x163: {  	v27 =	vld [tilespmem:s13+$0x6550]  }
0x164: {  	v28 =	vld [tilespmem:s13+$0x6560]  }
0x165: {  	v29 =	vld [tilespmem:s13+$0x6570]  }
0x166: {  	v5 =	vld [tilespmem:s13+$0x6580]  }
0x167: {  	v4 =	vld [tilespmem:s13+$0x6590]  }
0x168: {  	v3 =	vld [tilespmem:s13+$0x65A0]  }
0x169: {  	v2 =	vld [tilespmem:s13+$0x65B0]  }
0x16a: {  	v1 =	vld [tilespmem:s13+$0x65C0]  }
0x16b: {  	v30 =	vld [tilespmem:s13+$0x19000]  }
0x16c: {  	v31 =	vld [tilespmem:s13+$0x19010]  }
0x16d: {  	v32 =	vld [tilespmem:s13+$0x19020]  }
0x16e: {  	v33 =	vld [tilespmem:s13+$0x19030]  }
0x16f: {  	v34 =	vld [tilespmem:s13+$0x19040]  }
0x170: {  	v35 =	vld [tilespmem:s13+$0x19050];
	v30 =	vmul.f32 $1.131370830e+01, v30  }
0x171: {  	v36 =	vld [tilespmem:s13+$0x19060];
	v31 =	vmul.f32 $1.131370830e+01, v31  }
0x172: {  	v37 =	vld [tilespmem:s13+$0x19080];
	v57 =	vmul.f32 $1.131370830e+01, v32;
	v6 =	vadd.f32 v6, v30  }
0x173: {  	v56 =	vld [tilespmem:s13+$0x19070];
	v58 =	vmul.f32 $1.131370830e+01, v33;
	v7 =	vadd.f32 v7, v31  }
0x174: {  	v59 =	vmul.f32 $1.131370830e+01, v34;
	v8 =	vadd.f32 v8, v57;
	[tilespmem:s13+$0x19000] =	vst v6;
	v6 =	vld [tilespmem:s13+$0x19090]  }
0x175: {  	v60 =	vmul.f32 $1.131370830e+01, v35;
	v9 =	vadd.f32 v9, v58;
	[tilespmem:s13+$0x19010] =	vst v7;
	v7 =	vld [tilespmem:s13+$0x190A0]  }
0x176: {  	v61 =	vmul.f32 $1.131370830e+01, v36;
	v10 =	vadd.f32 v10, v59;
	[tilespmem:s13+$0x19020] =	vst v8;
	v8 =	vld [tilespmem:s13+$0x190B0]  }
0x177: {  	v62 =	vmul.f32 $1.131370830e+01, v37;
	v11 =	vadd.f32 v11, v60;
	[tilespmem:s13+$0x19030] =	vst v9;
	v9 =	vld [tilespmem:s13+$0x190C0]  }
0x178: {  	v30 =	vmul.f32 $1.131370830e+01, v56;
	v12 =	vadd.f32 v12, v61;
	[tilespmem:s13+$0x19040] =	vst v10;
	v10 =	vld [tilespmem:s13+$0x190D0]  }
0x179: {  	v0 =	vld [tilespmem:s13+$0x65D0];
	v14 =	vadd.f32 v14, v62;
	[tilespmem:s13+$0x19050] =	vst v11;
	v6 =	vmul.f32 $1.131370830e+01, v6  }
0x17a: {  	v11 =	vld [tilespmem:s13+$0x190E0];
	v13 =	vadd.f32 v13, v30;
	[tilespmem:s13+$0x19060] =	vst v12;
	v7 =	vmul.f32 $1.131370830e+01, v7  }
0x17b: {  	v12 =	vld [tilespmem:s13+$0x190F0];
	[tilespmem:s13+$0x19080] =	vst v14;
	v8 =	vmul.f32 $1.131370830e+01, v8;
	v6 =	vadd.f32 v15, v6  }
0x17c: {  	[tilespmem:s13+$0x19070] =	vst v13;
	v13 =	vld [tilespmem:s13+$0x19100];
	v9 =	vmul.f32 $1.131370830e+01, v9;
	v7 =	vadd.f32 v16, v7  }
0x17d: {  	v10 =	vmul.f32 $1.131370830e+01, v10;
	v8 =	vadd.f32 v17, v8;
	[tilespmem:s13+$0x19090] =	vst v6;
	v6 =	vld [tilespmem:s13+$0x19120]  }
0x17e: {  	v14 =	vld [tilespmem:s13+$0x19110];
	v9 =	vadd.f32 v18, v9;
	[tilespmem:s13+$0x190A0] =	vst v7  }
0x17f: {  	v11 =	vmul.f32 $1.131370830e+01, v11;
	v10 =	vadd.f32 v19, v10;
	v7 =	vld [tilespmem:s13+$0x19130];
	[tilespmem:s13+$0x190B0] =	vst v8  }
0x180: {  	v8 =	vld [tilespmem:s13+$0x19140];
	[tilespmem:s13+$0x190C0] =	vst v9;
	v9 =	vmul.f32 $1.131370830e+01, v12  }
0x181: {  	v15 =	vld [tilespmem:s13+$0x19150];
	v11 =	vadd.f32 v20, v11;
	[tilespmem:s13+$0x190D0] =	vst v10;
	v10 =	vmul.f32 $1.131370830e+01, v13  }
0x182: {  	v12 =	vld [tilespmem:s13+$0x19160];
	v9 =	vadd.f32 v21, v9;
	v6 =	vmul.f32 $1.131370830e+01, v6  }
0x183: {  	[tilespmem:s13+$0x190E0] =	vst v11;
	v11 =	vld [tilespmem:s13+$0x19170];
	v13 =	vmul.f32 $1.131370830e+01, v14;
	v10 =	vadd.f32 v22, v10  }
0x184: {  	v14 =	vld [tilespmem:s13+$0x19180];
	[tilespmem:s13+$0x190F0] =	vst v9;
	v7 =	vmul.f32 $1.131370830e+01, v7;
	v6 =	vadd.f32 v24, v6  }
0x185: {  	v63 =	vld [tilespmem:s13+$0x19190];
	v9 =	vadd.f32 v23, v13;
	[tilespmem:s13+$0x19100] =	vst v10;
	v8 =	vmul.f32 $1.131370830e+01, v8  }
0x186: {  	v10 =	vld [tilespmem:s13+$0x191A0];
	v7 =	vadd.f32 v25, v7;
	[tilespmem:s13+$0x19120] =	vst v6;
	v6 =	vmul.f32 $1.131370830e+01, v15  }
0x187: {  	v12 =	vmul.f32 $1.131370830e+01, v12;
	[tilespmem:s13+$0x19110] =	vst v9;
	v9 =	vld [tilespmem:s13+$0x191B0];
	v13 =	vadd.f32 v26, v8  }
0x188: {  	v11 =	vmul.f32 $1.131370830e+01, v11;
	v8 =	vld [tilespmem:s13+$0x191C0];
	[tilespmem:s13+$0x19130] =	vst v7;
	v6 =	vadd.f32 v27, v6  }
0x189: {  	v12 =	vadd.f32 v28, v12;
	[tilespmem:s13+$0x19140] =	vst v13;
	v7 =	vld [tilespmem:s13+$0x191D0];
	v13 =	vmul.f32 $1.131370830e+01, v14  }
0x18a: {  	s18 =	simm.s32 $0x800;
	v14 =	vadd.f32 v29, v11;
	v11 =	vmul.f32 $1.131370830e+01, v63;
	[tilespmem:s13+$0x19150] =	vst v6;
	v6 =	vld [tilespmem:s13+$0x191E0]  }
.LBB2_7:
0x18b: {  	p0 =	sne.s32 s18, $0x18800;
	[tilespmem:s13+$0x19160] =	vst v12;
	v5 =	vadd.f32 v5, v13;
	v10 =	vmul.f32 $1.131370830e+01, v10;
	v12 =	vld [tilespmem:s13+$0x191F0]  }
0x18c: {  	[tilespmem:s13+$0x19170] =	vst v14;
	v4 =	vadd.f32 v4, v11;
	v9 =	vmul.f32 $1.131370830e+01, v9;
	v11 =	vld [tilespmem:s13+$0x65E0]  }
0x18d: {  	s20 =	sshra.s32 s18, $0x2;
	[tilespmem:s13+$0x19180] =	vst v5;
	v3 =	vadd.f32 v3, v10;
	v5 =	vmul.f32 $1.131370830e+01, v8;
	v8 =	vld [tilespmem:s13+$0x65F0]  }
0x18e: {  	v13 =	vld [tilespmem:s20+$0x6400];
	[tilespmem:s13+$0x19190] =	vst v4;
	v2 =	vadd.f32 v2, v9;
	v4 =	vmul.f32 $1.131370830e+01, v7  }
0x18f: {  	v14 =	vld [tilespmem:s20+$0x6410];
	[tilespmem:s13+$0x191A0] =	vst v3;
	v1 =	vadd.f32 v1, v5;
	v3 =	vmul.f32 $1.131370830e+01, v6  }
0x190: {  	v15 =	vld [tilespmem:s20+$0x6420];
	[tilespmem:s13+$0x191B0] =	vst v2;
	v0 =	vadd.f32 v0, v4;
	v2 =	vmul.f32 $1.131370830e+01, v12  }
0x191: {  	v12 =	vld [tilespmem:s20+$0x6430];
	[tilespmem:s13+$0x191C0] =	vst v1;
	v1 =	vadd.f32 v11, v3  }
0x192: {  	v16 =	vld [tilespmem:s20+$0x6440];
	[tilespmem:s13+$0x191D0] =	vst v0;
	v0 =	vadd.f32 v8, v2  }
0x193: {  	v17 =	vld [tilespmem:s20+$0x6450];
	[tilespmem:s13+$0x191E0] =	vst v1  }
0x194: {  	v18 =	vld [tilespmem:s20+$0x6460];
	[tilespmem:s13+$0x191F0] =	vst v0;
	s13 =	smov.u32 s20  }
0x195: {  	v19 =	vld [tilespmem:s13+$0x6470]  }
0x196: {  	v20 =	vld [tilespmem:s13+$0x6480]  }
0x197: {  	v21 =	vld [tilespmem:s13+$0x6490]  }
0x198: {  	v22 =	vld [tilespmem:s13+$0x64A0]  }
0x199: {  	v23 =	vld [tilespmem:s13+$0x64B0]  }
0x19a: {  	v24 =	vld [tilespmem:s13+$0x64C0]  }
0x19b: {  	v25 =	vld [tilespmem:s13+$0x64D0]  }
0x19c: {  	v26 =	vld [tilespmem:s13+$0x64E0]  }
0x19d: {  	v27 =	vld [tilespmem:s13+$0x64F0]  }
0x19e: {  	v28 =	vld [tilespmem:s13+$0x6500]  }
0x19f: {  	v29 =	vld [tilespmem:s13+$0x6510]  }
0x1a0: {  	v11 =	vld [tilespmem:s13+$0x6520]  }
0x1a1: {  	v10 =	vld [tilespmem:s13+$0x6530]  }
0x1a2: {  	v9 =	vld [tilespmem:s13+$0x6540]  }
0x1a3: {  	v8 =	vld [tilespmem:s13+$0x6550]  }
0x1a4: {  	v7 =	vld [tilespmem:s13+$0x6560]  }
0x1a5: {  	v6 =	vld [tilespmem:s13+$0x6570]  }
0x1a6: {  	v5 =	vld [tilespmem:s13+$0x6580]  }
0x1a7: {  	v4 =	vld [tilespmem:s13+$0x6590]  }
0x1a8: {  	v3 =	vld [tilespmem:s13+$0x65A0]  }
0x1a9: {  	v2 =	vld [tilespmem:s13+$0x65B0]  }
0x1aa: {  	v1 =	vld [tilespmem:s13+$0x65C0]  }
0x1ab: {  	v0 =	vld [tilespmem:s13+$0x65D0]  }
0x1ac: {  	v30 =	vld [tilespmem:s13+$0x19000]  }
0x1ad: {  	v31 =	vld [tilespmem:s13+$0x19010]  }
0x1ae: {  	v32 =	vld [tilespmem:s13+$0x19020]  }
0x1af: {  	v33 =	vld [tilespmem:s13+$0x19030]  }
0x1b0: {  	v34 =	vld [tilespmem:s13+$0x19040]  }
0x1b1: {  	v30 =	vmul.f32 $1.131370830e+01, v30;
	v35 =	vld [tilespmem:s13+$0x19050]  }
0x1b2: {  	v31 =	vmul.f32 $1.131370830e+01, v31;
	v36 =	vld [tilespmem:s13+$0x19060]  }
0x1b3: {  	v13 =	vadd.f32 v13, v30;
	v30 =	vmul.f32 $1.131370830e+01, v32;
	v32 =	vld [tilespmem:s13+$0x19070]  }
0x1b4: {  	v14 =	vadd.f32 v14, v31;
	v31 =	vmul.f32 $1.131370830e+01, v33;
	v33 =	vld [tilespmem:s13+$0x19080]  }
0x1b5: {  	[tilespmem:s13+$0x19000] =	vst v13;
	v13 =	vadd.f32 v15, v30;
	v15 =	vmul.f32 $1.131370830e+01, v34;
	v30 =	vld [tilespmem:s13+$0x19090]  }
0x1b6: {  	[tilespmem:s13+$0x19010] =	vst v14;
	v12 =	vadd.f32 v12, v31;
	v14 =	vmul.f32 $1.131370830e+01, v35;
	v31 =	vld [tilespmem:s13+$0x190A0]  }
0x1b7: {  	[tilespmem:s13+$0x19020] =	vst v13;
	v13 =	vadd.f32 v16, v15;
	v15 =	vmul.f32 $1.131370830e+01, v36;
	v16 =	vld [tilespmem:s13+$0x190B0]  }
0x1b8: {  	[tilespmem:s13+$0x19030] =	vst v12;
	v12 =	vadd.f32 v17, v14;
	v14 =	vmul.f32 $1.131370830e+01, v32;
	v17 =	vld [tilespmem:s13+$0x190C0]  }
0x1b9: {  	[tilespmem:s13+$0x19040] =	vst v13;
	v13 =	vadd.f32 v18, v15;
	v15 =	vmul.f32 $1.131370830e+01, v33;
	v18 =	vld [tilespmem:s13+$0x190D0]  }
0x1ba: {  	[tilespmem:s13+$0x19050] =	vst v12;
	v12 =	vadd.f32 v19, v14;
	v14 =	vmul.f32 $1.131370830e+01, v30;
	v19 =	vld [tilespmem:s13+$0x190E0]  }
0x1bb: {  	[tilespmem:s13+$0x19060] =	vst v13;
	v13 =	vadd.f32 v20, v15;
	v15 =	vmul.f32 $1.131370830e+01, v31;
	v20 =	vld [tilespmem:s13+$0x190F0]  }
0x1bc: {  	[tilespmem:s13+$0x19070] =	vst v12;
	v12 =	vadd.f32 v21, v14;
	v14 =	vmul.f32 $1.131370830e+01, v16;
	v16 =	vld [tilespmem:s13+$0x19100]  }
0x1bd: {  	[tilespmem:s13+$0x19080] =	vst v13;
	v13 =	vadd.f32 v22, v15;
	v15 =	vmul.f32 $1.131370830e+01, v17;
	v17 =	vld [tilespmem:s13+$0x19110]  }
0x1be: {  	[tilespmem:s13+$0x19090] =	vst v12;
	v12 =	vadd.f32 v23, v14;
	v14 =	vmul.f32 $1.131370830e+01, v18;
	v18 =	vld [tilespmem:s13+$0x19120]  }
0x1bf: {  	[tilespmem:s13+$0x190A0] =	vst v13;
	v13 =	vadd.f32 v24, v15;
	v15 =	vmul.f32 $1.131370830e+01, v19;
	v19 =	vld [tilespmem:s13+$0x19130]  }
0x1c0: {  	[tilespmem:s13+$0x190B0] =	vst v12;
	v12 =	vadd.f32 v25, v14;
	v14 =	vmul.f32 $1.131370830e+01, v20;
	v20 =	vld [tilespmem:s13+$0x19140]  }
0x1c1: {  	[tilespmem:s13+$0x190C0] =	vst v13;
	v13 =	vadd.f32 v26, v15;
	v15 =	vmul.f32 $1.131370830e+01, v16;
	v16 =	vld [tilespmem:s13+$0x19150]  }
0x1c2: {  	[tilespmem:s13+$0x190D0] =	vst v12;
	v12 =	vadd.f32 v27, v14;
	v14 =	vmul.f32 $1.131370830e+01, v17;
	v17 =	vld [tilespmem:s13+$0x19160]  }
0x1c3: {  	[tilespmem:s13+$0x190E0] =	vst v13;
	v13 =	vadd.f32 v28, v15;
	v15 =	vmul.f32 $1.131370830e+01, v18;
	v18 =	vld [tilespmem:s13+$0x19170]  }
0x1c4: {  	[tilespmem:s13+$0x190F0] =	vst v12;
	v12 =	vadd.f32 v29, v14;
	v14 =	vmul.f32 $1.131370830e+01, v19;
	v19 =	vld [tilespmem:s13+$0x19180]  }
0x1c5: {  	[tilespmem:s13+$0x19100] =	vst v13;
	v11 =	vadd.f32 v11, v15;
	v13 =	vmul.f32 $1.131370830e+01, v20;
	v15 =	vld [tilespmem:s13+$0x19190]  }
.Ltmp2:
0x1c6: {  	[tilespmem:s13+$0x19110] =	vst v12;
	v12 =	vadd.f32 v10, v14;
	v14 =	vmul.f32 $1.131370830e+01, v16;
	v10 =	vld [tilespmem:s13+$0x191A0];
	(pc) =	sbr.rel @p0 .LBB2_7-.Ltmp2, $4  }
0x1c7: {  	[tilespmem:s13+$0x19120] =	vst v11;
	v11 =	vadd.f32 v9, v13;
	v13 =	vmul.f32 $1.131370830e+01, v17;
	v9 =	vld [tilespmem:s13+$0x191B0]  }
0x1c8: {  	[tilespmem:s13+$0x19130] =	vst v12;
	v14 =	vadd.f32 v8, v14;
	v16 =	vmul.f32 $1.131370830e+01, v18;
	v8 =	vld [tilespmem:s13+$0x191C0]  }
0x1c9: {  	[tilespmem:s13+$0x19140] =	vst v11;
	v12 =	vadd.f32 v7, v13;
	v13 =	vmul.f32 $1.131370830e+01, v19;
	v7 =	vld [tilespmem:s13+$0x191D0]  }
0x1ca: {  	s18 =	sadd.s32 $0x800, s18;
	[tilespmem:s13+$0x19150] =	vst v14;
	v14 =	vadd.f32 v6, v16;
	v11 =	vmul.f32 $1.131370830e+01, v15;
	v6 =	vld [tilespmem:s13+$0x191E0]  }
0x1cb: {  	[tilespmem:s13+$0x19160] =	vst v12;
	v55 =	vld [tilespmem:s13+$0x191F0];
	v5 =	vadd.f32 v5, v13;
	v10 =	vmul.f32 $1.131370830e+01, v10  }
0x1cc: {  	v56 =	vld [tilespmem:s13+$0x65E0];
	[tilespmem:s13+$0x19170] =	vst v14;
	v4 =	vadd.f32 v4, v11;
	v9 =	vmul.f32 $1.131370830e+01, v9  }
0x1cd: {  	v58 =	vld [tilespmem:s13+$0x65F0];
	[tilespmem:s13+$0x19180] =	vst v5;
	v3 =	vadd.f32 v3, v10;
	v57 =	vmul.f32 $1.131370830e+01, v8  }
0x1ce: {  	[tilespmem:s13+$0x19190] =	vst v4;
	v2 =	vadd.f32 v2, v9;
	v59 =	vmul.f32 $1.131370830e+01, v7  }
0x1cf: {  	[tilespmem:s13+$0x191A0] =	vst v3;
	v1 =	vadd.f32 v1, v57;
	v60 =	vmul.f32 $1.131370830e+01, v6  }
0x1d0: {  	[tilespmem:s13+$0x191B0] =	vst v2;
	v0 =	vadd.f32 v0, v59;
	v61 =	vmul.f32 $1.131370830e+01, v55  }
0x1d1: {  	[tilespmem:s13+$0x191C0] =	vst v1;
	v62 =	vadd.f32 v56, v60  }
0x1d2: {  	s3 =	sadd.s32 s6, s3;
	[tilespmem:s13+$0x191D0] =	vst v0;
	v63 =	vadd.f32 v58, v61  }
0x1d3: {  	s3 =	sshll.u32 s3, $0x4;
	[tilespmem:s13+$0x191E0] =	vst v62  }
0x1d4: {  	s2 =	sadd.s32 $0x1, s2;
	s3 =	sadd.s32 s4, s3;
	[tilespmem:s13+$0x191F0] =	vst v63  }
0x1d5: {  	[hbm4b:s3+s5] =	stream.linear.scatter [tilespmem:s23], [sflag:$0x6], $0x6400, $0x38;
	[tilespmem:$0x1F400] =	vst v63  }
0x1d6: {  	p0 =	sne.s32 s2, $0x2A;
	_ =	swait.ge [sflag:s29], $0x6400  }
.Ltmp3:
0x1d7: {  	[sflag:s29] =	ssyncset.done $0x0;
	(pc) =	sbr.rel @p0 .LBB2_2-.Ltmp3, $4  }
0x1d8: {  	s18 =	sadd.s32 $0x320, s0;
	[sflag:s29] =	ssyncadd.s32 $0xFFFF9C00  }
0x1d9: {  	[tilespmem:s19], [sflag:$0x2] =	stream.indirect.gather [hbm4b:s1+s14], $0x80, s18, s14, $0xb8;
	[tilespmem:$0x1F400] =	vst v63  }
0x1da: {  	s20 =	sadd.s32 $0x388, s0  }
0x1db: {  	[tilespmem:s21], [sflag:$0x2] =	stream.indirect.gather [hbm4b:s1+s16], $0x80, s20, s16, $0xb8;
	[tilespmem:$0x1F400] =	vst v63  }
0x1dc: {  	_ =	swait.ge [sflag:s22], $0x3400  }
0x1dd: {  	[sflag:s22] =	ssyncset.done $0x0  }
0x1de: {  	[sflag:s22] =	ssyncadd.s32 $0xFFFFCC00  }
0x1df: {  	_ =	swait.ge [sflag:s22], $0x3000  }
0x1e0: {  	[sflag:s22] =	ssyncset.done $0x0  }
0x1e1: {  	s0 =	simm.s32 $0x0;
	[sflag:s22] =	ssyncadd.s32 $0xFFFFD000  }
0x1e2: {  	v6 =	vld [tilespmem:s0+$0x6400]  }
0x1e3: {  	v7 =	vld [tilespmem:s0+$0x6410]  }
0x1e4: {  	v8 =	vld [tilespmem:s0+$0x6420]  }
0x1e5: {  	v9 =	vld [tilespmem:s0+$0x6430]  }
0x1e6: {  	v10 =	vld [tilespmem:s0+$0x6440]  }
0x1e7: {  	v11 =	vld [tilespmem:s0+$0x6450]  }
0x1e8: {  	v12 =	vld [tilespmem:s0+$0x6460]  }
0x1e9: {  	v13 =	vld [tilespmem:s0+$0x6470]  }
0x1ea: {  	v14 =	vld [tilespmem:s0+$0x6480]  }
0x1eb: {  	v15 =	vld [tilespmem:s0+$0x6490]  }
0x1ec: {  	v16 =	vld [tilespmem:s0+$0x64A0]  }
0x1ed: {  	v17 =	vld [tilespmem:s0+$0x64B0]  }
0x1ee: {  	v18 =	vld [tilespmem:s0+$0x64C0]  }
0x1ef: {  	v19 =	vld [tilespmem:s0+$0x64D0]  }
0x1f0: {  	v20 =	vld [tilespmem:s0+$0x64E0]  }
0x1f1: {  	v21 =	vld [tilespmem:s0+$0x64F0]  }
0x1f2: {  	v22 =	vld [tilespmem:s0+$0x6500]  }
0x1f3: {  	v23 =	vld [tilespmem:s0+$0x6510]  }
0x1f4: {  	v24 =	vld [tilespmem:s0+$0x6520]  }
0x1f5: {  	v25 =	vld [tilespmem:s0+$0x6530]  }
0x1f6: {  	v26 =	vld [tilespmem:s0+$0x6540]  }
0x1f7: {  	v27 =	vld [tilespmem:s0+$0x6550]  }
0x1f8: {  	v28 =	vld [tilespmem:s0+$0x6560]  }
0x1f9: {  	v29 =	vld [tilespmem:s0+$0x6570]  }
0x1fa: {  	v5 =	vld [tilespmem:s0+$0x6580]  }
0x1fb: {  	v4 =	vld [tilespmem:s0+$0x6590]  }
0x1fc: {  	v3 =	vld [tilespmem:s0+$0x65A0]  }
0x1fd: {  	v2 =	vld [tilespmem:s0+$0x65B0]  }
0x1fe: {  	v1 =	vld [tilespmem:s0+$0x65C0]  }
0x1ff: {  	v30 =	vld [tilespmem:s0+$0xC800]  }
0x200: {  	v31 =	vld [tilespmem:s0+$0xC810]  }
0x201: {  	v32 =	vld [tilespmem:s0+$0xC820]  }
0x202: {  	v33 =	vld [tilespmem:s0+$0xC830]  }
0x203: {  	v34 =	vld [tilespmem:s0+$0xC840]  }
0x204: {  	v35 =	vld [tilespmem:s0+$0xC850];
	v30 =	vmul.f32 $1.131370830e+01, v30  }
0x205: {  	v36 =	vld [tilespmem:s0+$0xC860];
	v31 =	vmul.f32 $1.131370830e+01, v31  }
0x206: {  	v37 =	vld [tilespmem:s0+$0xC880];
	v57 =	vmul.f32 $1.131370830e+01, v32;
	v6 =	vadd.f32 v6, v30  }
0x207: {  	v56 =	vld [tilespmem:s0+$0xC870];
	v58 =	vmul.f32 $1.131370830e+01, v33;
	v7 =	vadd.f32 v7, v31  }
0x208: {  	v59 =	vmul.f32 $1.131370830e+01, v34;
	v8 =	vadd.f32 v8, v57;
	[tilespmem:s0+$0xC800] =	vst v6;
	v6 =	vld [tilespmem:s0+$0xC890]  }
0x209: {  	v60 =	vmul.f32 $1.131370830e+01, v35;
	v9 =	vadd.f32 v9, v58;
	[tilespmem:s0+$0xC810] =	vst v7;
	v7 =	vld [tilespmem:s0+$0xC8A0]  }
0x20a: {  	v61 =	vmul.f32 $1.131370830e+01, v36;
	v10 =	vadd.f32 v10, v59;
	[tilespmem:s0+$0xC820] =	vst v8;
	v8 =	vld [tilespmem:s0+$0xC8B0]  }
0x20b: {  	v62 =	vmul.f32 $1.131370830e+01, v37;
	v11 =	vadd.f32 v11, v60;
	[tilespmem:s0+$0xC830] =	vst v9;
	v9 =	vld [tilespmem:s0+$0xC8C0]  }
0x20c: {  	v30 =	vmul.f32 $1.131370830e+01, v56;
	v12 =	vadd.f32 v12, v61;
	[tilespmem:s0+$0xC840] =	vst v10;
	v10 =	vld [tilespmem:s0+$0xC8D0]  }
0x20d: {  	v0 =	vld [tilespmem:s0+$0x65D0];
	v14 =	vadd.f32 v14, v62;
	[tilespmem:s0+$0xC850] =	vst v11;
	v6 =	vmul.f32 $1.131370830e+01, v6  }
0x20e: {  	v11 =	vld [tilespmem:s0+$0xC8E0];
	v13 =	vadd.f32 v13, v30;
	[tilespmem:s0+$0xC860] =	vst v12;
	v7 =	vmul.f32 $1.131370830e+01, v7  }
0x20f: {  	v12 =	vld [tilespmem:s0+$0xC8F0];
	[tilespmem:s0+$0xC880] =	vst v14;
	v8 =	vmul.f32 $1.131370830e+01, v8;
	v6 =	vadd.f32 v15, v6  }
0x210: {  	[tilespmem:s0+$0xC870] =	vst v13;
	v13 =	vld [tilespmem:s0+$0xC900];
	v9 =	vmul.f32 $1.131370830e+01, v9;
	v7 =	vadd.f32 v16, v7  }
0x211: {  	v10 =	vmul.f32 $1.131370830e+01, v10;
	v8 =	vadd.f32 v17, v8;
	[tilespmem:s0+$0xC890] =	vst v6;
	v6 =	vld [tilespmem:s0+$0xC920]  }
0x212: {  	v14 =	vld [tilespmem:s0+$0xC910];
	v9 =	vadd.f32 v18, v9;
	[tilespmem:s0+$0xC8A0] =	vst v7  }
0x213: {  	v11 =	vmul.f32 $1.131370830e+01, v11;
	v10 =	vadd.f32 v19, v10;
	v7 =	vld [tilespmem:s0+$0xC930];
	[tilespmem:s0+$0xC8B0] =	vst v8  }
0x214: {  	v8 =	vld [tilespmem:s0+$0xC940];
	[tilespmem:s0+$0xC8C0] =	vst v9;
	v9 =	vmul.f32 $1.131370830e+01, v12  }
0x215: {  	v15 =	vld [tilespmem:s0+$0xC950];
	v11 =	vadd.f32 v20, v11;
	[tilespmem:s0+$0xC8D0] =	vst v10;
	v10 =	vmul.f32 $1.131370830e+01, v13  }
0x216: {  	v12 =	vld [tilespmem:s0+$0xC960];
	v9 =	vadd.f32 v21, v9;
	v6 =	vmul.f32 $1.131370830e+01, v6  }
0x217: {  	[tilespmem:s0+$0xC8E0] =	vst v11;
	v11 =	vld [tilespmem:s0+$0xC970];
	v13 =	vmul.f32 $1.131370830e+01, v14;
	v10 =	vadd.f32 v22, v10  }
0x218: {  	v14 =	vld [tilespmem:s0+$0xC980];
	[tilespmem:s0+$0xC8F0] =	vst v9;
	v7 =	vmul.f32 $1.131370830e+01, v7;
	v6 =	vadd.f32 v24, v6  }
0x219: {  	v63 =	vld [tilespmem:s0+$0xC990];
	v9 =	vadd.f32 v23, v13;
	[tilespmem:s0+$0xC900] =	vst v10;
	v8 =	vmul.f32 $1.131370830e+01, v8  }
0x21a: {  	v10 =	vld [tilespmem:s0+$0xC9A0];
	v7 =	vadd.f32 v25, v7;
	[tilespmem:s0+$0xC920] =	vst v6;
	v6 =	vmul.f32 $1.131370830e+01, v15  }
0x21b: {  	v12 =	vmul.f32 $1.131370830e+01, v12;
	[tilespmem:s0+$0xC910] =	vst v9;
	v9 =	vld [tilespmem:s0+$0xC9B0];
	v13 =	vadd.f32 v26, v8  }
0x21c: {  	v11 =	vmul.f32 $1.131370830e+01, v11;
	v8 =	vld [tilespmem:s0+$0xC9C0];
	[tilespmem:s0+$0xC930] =	vst v7;
	v6 =	vadd.f32 v27, v6  }
0x21d: {  	v12 =	vadd.f32 v28, v12;
	[tilespmem:s0+$0xC940] =	vst v13;
	v7 =	vld [tilespmem:s0+$0xC9D0];
	v13 =	vmul.f32 $1.131370830e+01, v14  }
0x21e: {  	s2 =	simm.s32 $0x800;
	v14 =	vadd.f32 v29, v11;
	v11 =	vmul.f32 $1.131370830e+01, v63;
	[tilespmem:s0+$0xC950] =	vst v6;
	v6 =	vld [tilespmem:s0+$0xC9E0]  }
.LBB2_10:
0x21f: {  	p0 =	sne.s32 s2, $0x18800;
	[tilespmem:s0+$0xC960] =	vst v12;
	v5 =	vadd.f32 v5, v13;
	v10 =	vmul.f32 $1.131370830e+01, v10;
	v12 =	vld [tilespmem:s0+$0xC9F0]  }
0x220: {  	[tilespmem:s0+$0xC970] =	vst v14;
	v4 =	vadd.f32 v4, v11;
	v9 =	vmul.f32 $1.131370830e+01, v9;
	v11 =	vld [tilespmem:s0+$0x65E0]  }
0x221: {  	s3 =	sshra.s32 s2, $0x2;
	[tilespmem:s0+$0xC980] =	vst v5;
	v3 =	vadd.f32 v3, v10;
	v5 =	vmul.f32 $1.131370830e+01, v8;
	v8 =	vld [tilespmem:s0+$0x65F0]  }
0x222: {  	v13 =	vld [tilespmem:s3+$0x6400];
	[tilespmem:s0+$0xC990] =	vst v4;
	v2 =	vadd.f32 v2, v9;
	v4 =	vmul.f32 $1.131370830e+01, v7  }
0x223: {  	v14 =	vld [tilespmem:s3+$0x6410];
	[tilespmem:s0+$0xC9A0] =	vst v3;
	v1 =	vadd.f32 v1, v5;
	v3 =	vmul.f32 $1.131370830e+01, v6  }
0x224: {  	v15 =	vld [tilespmem:s3+$0x6420];
	[tilespmem:s0+$0xC9B0] =	vst v2;
	v0 =	vadd.f32 v0, v4;
	v2 =	vmul.f32 $1.131370830e+01, v12  }
0x225: {  	v12 =	vld [tilespmem:s3+$0x6430];
	[tilespmem:s0+$0xC9C0] =	vst v1;
	v1 =	vadd.f32 v11, v3  }
0x226: {  	v16 =	vld [tilespmem:s3+$0x6440];
	[tilespmem:s0+$0xC9D0] =	vst v0;
	v0 =	vadd.f32 v8, v2  }
0x227: {  	v17 =	vld [tilespmem:s3+$0x6450];
	[tilespmem:s0+$0xC9E0] =	vst v1  }
0x228: {  	v18 =	vld [tilespmem:s3+$0x6460];
	[tilespmem:s0+$0xC9F0] =	vst v0;
	s0 =	smov.u32 s3  }
0x229: {  	v19 =	vld [tilespmem:s0+$0x6470]  }
0x22a: {  	v20 =	vld [tilespmem:s0+$0x6480]  }
0x22b: {  	v21 =	vld [tilespmem:s0+$0x6490]  }
0x22c: {  	v22 =	vld [tilespmem:s0+$0x64A0]  }
0x22d: {  	v23 =	vld [tilespmem:s0+$0x64B0]  }
0x22e: {  	v24 =	vld [tilespmem:s0+$0x64C0]  }
0x22f: {  	v25 =	vld [tilespmem:s0+$0x64D0]  }
0x230: {  	v26 =	vld [tilespmem:s0+$0x64E0]  }
0x231: {  	v27 =	vld [tilespmem:s0+$0x64F0]  }
0x232: {  	v28 =	vld [tilespmem:s0+$0x6500]  }
0x233: {  	v29 =	vld [tilespmem:s0+$0x6510]  }
0x234: {  	v11 =	vld [tilespmem:s0+$0x6520]  }
0x235: {  	v10 =	vld [tilespmem:s0+$0x6530]  }
0x236: {  	v9 =	vld [tilespmem:s0+$0x6540]  }
0x237: {  	v8 =	vld [tilespmem:s0+$0x6550]  }
0x238: {  	v7 =	vld [tilespmem:s0+$0x6560]  }
0x239: {  	v6 =	vld [tilespmem:s0+$0x6570]  }
0x23a: {  	v5 =	vld [tilespmem:s0+$0x6580]  }
0x23b: {  	v4 =	vld [tilespmem:s0+$0x6590]  }
0x23c: {  	v3 =	vld [tilespmem:s0+$0x65A0]  }
0x23d: {  	v2 =	vld [tilespmem:s0+$0x65B0]  }
0x23e: {  	v1 =	vld [tilespmem:s0+$0x65C0]  }
0x23f: {  	v0 =	vld [tilespmem:s0+$0x65D0]  }
0x240: {  	v30 =	vld [tilespmem:s0+$0xC800]  }
0x241: {  	v31 =	vld [tilespmem:s0+$0xC810]  }
0x242: {  	v32 =	vld [tilespmem:s0+$0xC820]  }
0x243: {  	v33 =	vld [tilespmem:s0+$0xC830]  }
0x244: {  	v34 =	vld [tilespmem:s0+$0xC840]  }
0x245: {  	v30 =	vmul.f32 $1.131370830e+01, v30;
	v35 =	vld [tilespmem:s0+$0xC850]  }
0x246: {  	v31 =	vmul.f32 $1.131370830e+01, v31;
	v36 =	vld [tilespmem:s0+$0xC860]  }
0x247: {  	v13 =	vadd.f32 v13, v30;
	v30 =	vmul.f32 $1.131370830e+01, v32;
	v32 =	vld [tilespmem:s0+$0xC870]  }
0x248: {  	v14 =	vadd.f32 v14, v31;
	v31 =	vmul.f32 $1.131370830e+01, v33;
	v33 =	vld [tilespmem:s0+$0xC880]  }
0x249: {  	[tilespmem:s0+$0xC800] =	vst v13;
	v13 =	vadd.f32 v15, v30;
	v15 =	vmul.f32 $1.131370830e+01, v34;
	v30 =	vld [tilespmem:s0+$0xC890]  }
0x24a: {  	[tilespmem:s0+$0xC810] =	vst v14;
	v12 =	vadd.f32 v12, v31;
	v14 =	vmul.f32 $1.131370830e+01, v35;
	v31 =	vld [tilespmem:s0+$0xC8A0]  }
0x24b: {  	[tilespmem:s0+$0xC820] =	vst v13;
	v13 =	vadd.f32 v16, v15;
	v15 =	vmul.f32 $1.131370830e+01, v36;
	v16 =	vld [tilespmem:s0+$0xC8B0]  }
0x24c: {  	[tilespmem:s0+$0xC830] =	vst v12;
	v12 =	vadd.f32 v17, v14;
	v14 =	vmul.f32 $1.131370830e+01, v32;
	v17 =	vld [tilespmem:s0+$0xC8C0]  }
0x24d: {  	[tilespmem:s0+$0xC840] =	vst v13;
	v13 =	vadd.f32 v18, v15;
	v15 =	vmul.f32 $1.131370830e+01, v33;
	v18 =	vld [tilespmem:s0+$0xC8D0]  }
0x24e: {  	[tilespmem:s0+$0xC850] =	vst v12;
	v12 =	vadd.f32 v19, v14;
	v14 =	vmul.f32 $1.131370830e+01, v30;
	v19 =	vld [tilespmem:s0+$0xC8E0]  }
0x24f: {  	[tilespmem:s0+$0xC860] =	vst v13;
	v13 =	vadd.f32 v20, v15;
	v15 =	vmul.f32 $1.131370830e+01, v31;
	v20 =	vld [tilespmem:s0+$0xC8F0]  }
0x250: {  	[tilespmem:s0+$0xC870] =	vst v12;
	v12 =	vadd.f32 v21, v14;
	v14 =	vmul.f32 $1.131370830e+01, v16;
	v16 =	vld [tilespmem:s0+$0xC900]  }
0x251: {  	[tilespmem:s0+$0xC880] =	vst v13;
	v13 =	vadd.f32 v22, v15;
	v15 =	vmul.f32 $1.131370830e+01, v17;
	v17 =	vld [tilespmem:s0+$0xC910]  }
0x252: {  	[tilespmem:s0+$0xC890] =	vst v12;
	v12 =	vadd.f32 v23, v14;
	v14 =	vmul.f32 $1.131370830e+01, v18;
	v18 =	vld [tilespmem:s0+$0xC920]  }
0x253: {  	[tilespmem:s0+$0xC8A0] =	vst v13;
	v13 =	vadd.f32 v24, v15;
	v15 =	vmul.f32 $1.131370830e+01, v19;
	v19 =	vld [tilespmem:s0+$0xC930]  }
0x254: {  	[tilespmem:s0+$0xC8B0] =	vst v12;
	v12 =	vadd.f32 v25, v14;
	v14 =	vmul.f32 $1.131370830e+01, v20;
	v20 =	vld [tilespmem:s0+$0xC940]  }
0x255: {  	[tilespmem:s0+$0xC8C0] =	vst v13;
	v13 =	vadd.f32 v26, v15;
	v15 =	vmul.f32 $1.131370830e+01, v16;
	v16 =	vld [tilespmem:s0+$0xC950]  }
0x256: {  	[tilespmem:s0+$0xC8D0] =	vst v12;
	v12 =	vadd.f32 v27, v14;
	v14 =	vmul.f32 $1.131370830e+01, v17;
	v17 =	vld [tilespmem:s0+$0xC960]  }
0x257: {  	[tilespmem:s0+$0xC8E0] =	vst v13;
	v13 =	vadd.f32 v28, v15;
	v15 =	vmul.f32 $1.131370830e+01, v18;
	v18 =	vld [tilespmem:s0+$0xC970]  }
0x258: {  	[tilespmem:s0+$0xC8F0] =	vst v12;
	v12 =	vadd.f32 v29, v14;
	v14 =	vmul.f32 $1.131370830e+01, v19;
	v19 =	vld [tilespmem:s0+$0xC980]  }
0x259: {  	[tilespmem:s0+$0xC900] =	vst v13;
	v11 =	vadd.f32 v11, v15;
	v13 =	vmul.f32 $1.131370830e+01, v20;
	v15 =	vld [tilespmem:s0+$0xC990]  }
.Ltmp4:
0x25a: {  	[tilespmem:s0+$0xC910] =	vst v12;
	v12 =	vadd.f32 v10, v14;
	v14 =	vmul.f32 $1.131370830e+01, v16;
	v10 =	vld [tilespmem:s0+$0xC9A0];
	(pc) =	sbr.rel @p0 .LBB2_10-.Ltmp4, $4  }
0x25b: {  	[tilespmem:s0+$0xC920] =	vst v11;
	v11 =	vadd.f32 v9, v13;
	v13 =	vmul.f32 $1.131370830e+01, v17;
	v9 =	vld [tilespmem:s0+$0xC9B0]  }
0x25c: {  	[tilespmem:s0+$0xC930] =	vst v12;
	v14 =	vadd.f32 v8, v14;
	v16 =	vmul.f32 $1.131370830e+01, v18;
	v8 =	vld [tilespmem:s0+$0xC9C0]  }
0x25d: {  	[tilespmem:s0+$0xC940] =	vst v11;
	v12 =	vadd.f32 v7, v13;
	v13 =	vmul.f32 $1.131370830e+01, v19;
	v7 =	vld [tilespmem:s0+$0xC9D0]  }
0x25e: {  	s2 =	sadd.s32 $0x800, s2;
	[tilespmem:s0+$0xC950] =	vst v14;
	v14 =	vadd.f32 v6, v16;
	v11 =	vmul.f32 $1.131370830e+01, v15;
	v6 =	vld [tilespmem:s0+$0xC9E0]  }
0x25f: {  	[tilespmem:s0+$0xC960] =	vst v12;
	v12 =	vld [tilespmem:s0+$0xC9F0];
	v5 =	vadd.f32 v5, v13;
	v10 =	vmul.f32 $1.131370830e+01, v10  }
0x260: {  	v13 =	vld [tilespmem:s0+$0x65E0];
	[tilespmem:s0+$0xC970] =	vst v14;
	v4 =	vadd.f32 v4, v11;
	v9 =	vmul.f32 $1.131370830e+01, v9  }
0x261: {  	[tilespmem:s0+$0xC980] =	vst v5;
	v3 =	vadd.f32 v3, v10;
	v5 =	vmul.f32 $1.131370830e+01, v8;
	v8 =	vld [tilespmem:s0+$0x65F0]  }
0x262: {  	[tilespmem:s0+$0xC990] =	vst v4;
	v2 =	vadd.f32 v2, v9;
	v4 =	vmul.f32 $1.131370830e+01, v7  }
0x263: {  	[tilespmem:s0+$0xC9A0] =	vst v3;
	v1 =	vadd.f32 v1, v5;
	v3 =	vmul.f32 $1.131370830e+01, v6  }
0x264: {  	[tilespmem:s0+$0xC9B0] =	vst v2;
	v0 =	vadd.f32 v0, v4;
	v2 =	vmul.f32 $1.131370830e+01, v12  }
0x265: {  	[tilespmem:s0+$0xC9C0] =	vst v1;
	v1 =	vadd.f32 v13, v3  }
0x266: {  	[tilespmem:s0+$0xC9D0] =	vst v0;
	v0 =	vadd.f32 v8, v2  }
0x267: {  	[tilespmem:s0+$0xC9E0] =	vst v1  }
0x268: {  	s20 =	simm.s32 $0x0;
	[tilespmem:s0+$0xC9F0] =	vst v0  }
0x269: {  	[hbm4b:s9+s20] =	stream.linear.scatter [tilespmem:s15], [sflag:$0x4], $0x6400, $0x38;
	[tilespmem:$0x1F400] =	vst v63  }
0x26a: {  	_ =	swait.ge [sflag:s30], $0x6400  }
0x26b: {  	[sflag:s30] =	ssyncset.done $0x0  }
0x26c: {  	[sflag:s30] =	ssyncadd.s32 $0xFFFF9C00  }
0x26d: {  	_ =	swait.ge [sflag:s25], $0x3400  }
0x26e: {  	[sflag:s25] =	ssyncset.done $0x0  }
0x26f: {  	[sflag:s25] =	ssyncadd.s32 $0xFFFFCC00  }
0x270: {  	_ =	swait.ge [sflag:s25], $0x3000  }
0x271: {  	[sflag:s25] =	ssyncset.done $0x0  }
0x272: {  	s0 =	simm.s32 $0x0;
	[sflag:s25] =	ssyncadd.s32 $0xFFFFD000  }
0x273: {  	v6 =	vld [tilespmem:s0+$0x6400]  }
0x274: {  	v7 =	vld [tilespmem:s0+$0x6410]  }
0x275: {  	v8 =	vld [tilespmem:s0+$0x6420]  }
0x276: {  	v9 =	vld [tilespmem:s0+$0x6430]  }
0x277: {  	v10 =	vld [tilespmem:s0+$0x6440]  }
0x278: {  	v11 =	vld [tilespmem:s0+$0x6450]  }
0x279: {  	v12 =	vld [tilespmem:s0+$0x6460]  }
0x27a: {  	v13 =	vld [tilespmem:s0+$0x6470]  }
0x27b: {  	v14 =	vld [tilespmem:s0+$0x6480]  }
0x27c: {  	v15 =	vld [tilespmem:s0+$0x6490]  }
0x27d: {  	v16 =	vld [tilespmem:s0+$0x64A0]  }
0x27e: {  	v17 =	vld [tilespmem:s0+$0x64B0]  }
0x27f: {  	v18 =	vld [tilespmem:s0+$0x64C0]  }
0x280: {  	v19 =	vld [tilespmem:s0+$0x64D0]  }
0x281: {  	v20 =	vld [tilespmem:s0+$0x64E0]  }
0x282: {  	v21 =	vld [tilespmem:s0+$0x64F0]  }
0x283: {  	v22 =	vld [tilespmem:s0+$0x6500]  }
0x284: {  	v23 =	vld [tilespmem:s0+$0x6510]  }
0x285: {  	v24 =	vld [tilespmem:s0+$0x6520]  }
0x286: {  	v25 =	vld [tilespmem:s0+$0x6530]  }
0x287: {  	v26 =	vld [tilespmem:s0+$0x6540]  }
0x288: {  	v27 =	vld [tilespmem:s0+$0x6550]  }
0x289: {  	v28 =	vld [tilespmem:s0+$0x6560]  }
0x28a: {  	v29 =	vld [tilespmem:s0+$0x6570]  }
0x28b: {  	v5 =	vld [tilespmem:s0+$0x6580]  }
0x28c: {  	v4 =	vld [tilespmem:s0+$0x6590]  }
0x28d: {  	v3 =	vld [tilespmem:s0+$0x65A0]  }
0x28e: {  	v2 =	vld [tilespmem:s0+$0x65B0]  }
0x28f: {  	v1 =	vld [tilespmem:s0+$0x65C0]  }
0x290: {  	v30 =	vld [tilespmem:s0+$0x12C00]  }
0x291: {  	v31 =	vld [tilespmem:s0+$0x12C10]  }
0x292: {  	v32 =	vld [tilespmem:s0+$0x12C20]  }
0x293: {  	v33 =	vld [tilespmem:s0+$0x12C30]  }
0x294: {  	v34 =	vld [tilespmem:s0+$0x12C40]  }
0x295: {  	v35 =	vld [tilespmem:s0+$0x12C50];
	v30 =	vmul.f32 $1.131370830e+01, v30  }
0x296: {  	v36 =	vld [tilespmem:s0+$0x12C60];
	v31 =	vmul.f32 $1.131370830e+01, v31  }
0x297: {  	v37 =	vld [tilespmem:s0+$0x12C80];
	v57 =	vmul.f32 $1.131370830e+01, v32;
	v6 =	vadd.f32 v6, v30  }
0x298: {  	v56 =	vld [tilespmem:s0+$0x12C70];
	v58 =	vmul.f32 $1.131370830e+01, v33;
	v7 =	vadd.f32 v7, v31  }
0x299: {  	v59 =	vmul.f32 $1.131370830e+01, v34;
	v8 =	vadd.f32 v8, v57;
	[tilespmem:s0+$0x12C00] =	vst v6;
	v6 =	vld [tilespmem:s0+$0x12C90]  }
0x29a: {  	v60 =	vmul.f32 $1.131370830e+01, v35;
	v9 =	vadd.f32 v9, v58;
	[tilespmem:s0+$0x12C10] =	vst v7;
	v7 =	vld [tilespmem:s0+$0x12CA0]  }
0x29b: {  	v61 =	vmul.f32 $1.131370830e+01, v36;
	v10 =	vadd.f32 v10, v59;
	[tilespmem:s0+$0x12C20] =	vst v8;
	v8 =	vld [tilespmem:s0+$0x12CB0]  }
0x29c: {  	v62 =	vmul.f32 $1.131370830e+01, v37;
	v11 =	vadd.f32 v11, v60;
	[tilespmem:s0+$0x12C30] =	vst v9;
	v9 =	vld [tilespmem:s0+$0x12CC0]  }
0x29d: {  	v30 =	vmul.f32 $1.131370830e+01, v56;
	v12 =	vadd.f32 v12, v61;
	[tilespmem:s0+$0x12C40] =	vst v10;
	v10 =	vld [tilespmem:s0+$0x12CD0]  }
0x29e: {  	v0 =	vld [tilespmem:s0+$0x65D0];
	v14 =	vadd.f32 v14, v62;
	[tilespmem:s0+$0x12C50] =	vst v11;
	v6 =	vmul.f32 $1.131370830e+01, v6  }
0x29f: {  	v11 =	vld [tilespmem:s0+$0x12CE0];
	v13 =	vadd.f32 v13, v30;
	[tilespmem:s0+$0x12C60] =	vst v12;
	v7 =	vmul.f32 $1.131370830e+01, v7  }
0x2a0: {  	v12 =	vld [tilespmem:s0+$0x12CF0];
	[tilespmem:s0+$0x12C80] =	vst v14;
	v8 =	vmul.f32 $1.131370830e+01, v8;
	v6 =	vadd.f32 v15, v6  }
0x2a1: {  	[tilespmem:s0+$0x12C70] =	vst v13;
	v13 =	vld [tilespmem:s0+$0x12D00];
	v9 =	vmul.f32 $1.131370830e+01, v9;
	v7 =	vadd.f32 v16, v7  }
0x2a2: {  	v10 =	vmul.f32 $1.131370830e+01, v10;
	v8 =	vadd.f32 v17, v8;
	[tilespmem:s0+$0x12C90] =	vst v6;
	v6 =	vld [tilespmem:s0+$0x12D20]  }
0x2a3: {  	v14 =	vld [tilespmem:s0+$0x12D10];
	v9 =	vadd.f32 v18, v9;
	[tilespmem:s0+$0x12CA0] =	vst v7  }
0x2a4: {  	v11 =	vmul.f32 $1.131370830e+01, v11;
	v10 =	vadd.f32 v19, v10;
	v7 =	vld [tilespmem:s0+$0x12D30];
	[tilespmem:s0+$0x12CB0] =	vst v8  }
0x2a5: {  	v8 =	vld [tilespmem:s0+$0x12D40];
	[tilespmem:s0+$0x12CC0] =	vst v9;
	v9 =	vmul.f32 $1.131370830e+01, v12  }
0x2a6: {  	v15 =	vld [tilespmem:s0+$0x12D50];
	v11 =	vadd.f32 v20, v11;
	[tilespmem:s0+$0x12CD0] =	vst v10;
	v10 =	vmul.f32 $1.131370830e+01, v13  }
0x2a7: {  	v12 =	vld [tilespmem:s0+$0x12D60];
	v9 =	vadd.f32 v21, v9;
	v6 =	vmul.f32 $1.131370830e+01, v6  }
0x2a8: {  	[tilespmem:s0+$0x12CE0] =	vst v11;
	v11 =	vld [tilespmem:s0+$0x12D70];
	v13 =	vmul.f32 $1.131370830e+01, v14;
	v10 =	vadd.f32 v22, v10  }
0x2a9: {  	v14 =	vld [tilespmem:s0+$0x12D80];
	[tilespmem:s0+$0x12CF0] =	vst v9;
	v7 =	vmul.f32 $1.131370830e+01, v7;
	v6 =	vadd.f32 v24, v6  }
0x2aa: {  	v63 =	vld [tilespmem:s0+$0x12D90];
	v9 =	vadd.f32 v23, v13;
	[tilespmem:s0+$0x12D00] =	vst v10;
	v8 =	vmul.f32 $1.131370830e+01, v8  }
0x2ab: {  	v10 =	vld [tilespmem:s0+$0x12DA0];
	v7 =	vadd.f32 v25, v7;
	[tilespmem:s0+$0x12D20] =	vst v6;
	v6 =	vmul.f32 $1.131370830e+01, v15  }
0x2ac: {  	v12 =	vmul.f32 $1.131370830e+01, v12;
	[tilespmem:s0+$0x12D10] =	vst v9;
	v9 =	vld [tilespmem:s0+$0x12DB0];
	v13 =	vadd.f32 v26, v8  }
0x2ad: {  	v11 =	vmul.f32 $1.131370830e+01, v11;
	v8 =	vld [tilespmem:s0+$0x12DC0];
	[tilespmem:s0+$0x12D30] =	vst v7;
	v6 =	vadd.f32 v27, v6  }
0x2ae: {  	v12 =	vadd.f32 v28, v12;
	[tilespmem:s0+$0x12D40] =	vst v13;
	v7 =	vld [tilespmem:s0+$0x12DD0];
	v13 =	vmul.f32 $1.131370830e+01, v14  }
0x2af: {  	s2 =	simm.s32 $0x800;
	v14 =	vadd.f32 v29, v11;
	v11 =	vmul.f32 $1.131370830e+01, v63;
	[tilespmem:s0+$0x12D50] =	vst v6;
	v6 =	vld [tilespmem:s0+$0x12DE0]  }
.LBB2_12:
0x2b0: {  	p0 =	sne.s32 s2, $0x18800;
	[tilespmem:s0+$0x12D60] =	vst v12;
	v5 =	vadd.f32 v5, v13;
	v10 =	vmul.f32 $1.131370830e+01, v10;
	v12 =	vld [tilespmem:s0+$0x12DF0]  }
0x2b1: {  	[tilespmem:s0+$0x12D70] =	vst v14;
	v4 =	vadd.f32 v4, v11;
	v9 =	vmul.f32 $1.131370830e+01, v9;
	v11 =	vld [tilespmem:s0+$0x65E0]  }
0x2b2: {  	s3 =	sshra.s32 s2, $0x2;
	[tilespmem:s0+$0x12D80] =	vst v5;
	v3 =	vadd.f32 v3, v10;
	v5 =	vmul.f32 $1.131370830e+01, v8;
	v8 =	vld [tilespmem:s0+$0x65F0]  }
0x2b3: {  	v13 =	vld [tilespmem:s3+$0x6400];
	[tilespmem:s0+$0x12D90] =	vst v4;
	v2 =	vadd.f32 v2, v9;
	v4 =	vmul.f32 $1.131370830e+01, v7  }
0x2b4: {  	v14 =	vld [tilespmem:s3+$0x6410];
	[tilespmem:s0+$0x12DA0] =	vst v3;
	v1 =	vadd.f32 v1, v5;
	v3 =	vmul.f32 $1.131370830e+01, v6  }
0x2b5: {  	v15 =	vld [tilespmem:s3+$0x6420];
	[tilespmem:s0+$0x12DB0] =	vst v2;
	v0 =	vadd.f32 v0, v4;
	v2 =	vmul.f32 $1.131370830e+01, v12  }
0x2b6: {  	v12 =	vld [tilespmem:s3+$0x6430];
	[tilespmem:s0+$0x12DC0] =	vst v1;
	v1 =	vadd.f32 v11, v3  }
0x2b7: {  	v16 =	vld [tilespmem:s3+$0x6440];
	[tilespmem:s0+$0x12DD0] =	vst v0;
	v0 =	vadd.f32 v8, v2  }
0x2b8: {  	v17 =	vld [tilespmem:s3+$0x6450];
	[tilespmem:s0+$0x12DE0] =	vst v1  }
0x2b9: {  	v18 =	vld [tilespmem:s3+$0x6460];
	[tilespmem:s0+$0x12DF0] =	vst v0;
	s0 =	smov.u32 s3  }
0x2ba: {  	v19 =	vld [tilespmem:s0+$0x6470]  }
0x2bb: {  	v20 =	vld [tilespmem:s0+$0x6480]  }
0x2bc: {  	v21 =	vld [tilespmem:s0+$0x6490]  }
0x2bd: {  	v22 =	vld [tilespmem:s0+$0x64A0]  }
0x2be: {  	v23 =	vld [tilespmem:s0+$0x64B0]  }
0x2bf: {  	v24 =	vld [tilespmem:s0+$0x64C0]  }
0x2c0: {  	v25 =	vld [tilespmem:s0+$0x64D0]  }
0x2c1: {  	v26 =	vld [tilespmem:s0+$0x64E0]  }
0x2c2: {  	v27 =	vld [tilespmem:s0+$0x64F0]  }
0x2c3: {  	v28 =	vld [tilespmem:s0+$0x6500]  }
0x2c4: {  	v29 =	vld [tilespmem:s0+$0x6510]  }
0x2c5: {  	v11 =	vld [tilespmem:s0+$0x6520]  }
0x2c6: {  	v10 =	vld [tilespmem:s0+$0x6530]  }
0x2c7: {  	v9 =	vld [tilespmem:s0+$0x6540]  }
0x2c8: {  	v8 =	vld [tilespmem:s0+$0x6550]  }
0x2c9: {  	v7 =	vld [tilespmem:s0+$0x6560]  }
0x2ca: {  	v6 =	vld [tilespmem:s0+$0x6570]  }
0x2cb: {  	v5 =	vld [tilespmem:s0+$0x6580]  }
0x2cc: {  	v4 =	vld [tilespmem:s0+$0x6590]  }
0x2cd: {  	v3 =	vld [tilespmem:s0+$0x65A0]  }
0x2ce: {  	v2 =	vld [tilespmem:s0+$0x65B0]  }
0x2cf: {  	v1 =	vld [tilespmem:s0+$0x65C0]  }
0x2d0: {  	v0 =	vld [tilespmem:s0+$0x65D0]  }
0x2d1: {  	v30 =	vld [tilespmem:s0+$0x12C00]  }
0x2d2: {  	v31 =	vld [tilespmem:s0+$0x12C10]  }
0x2d3: {  	v32 =	vld [tilespmem:s0+$0x12C20]  }
0x2d4: {  	v33 =	vld [tilespmem:s0+$0x12C30]  }
0x2d5: {  	v34 =	vld [tilespmem:s0+$0x12C40]  }
0x2d6: {  	v30 =	vmul.f32 $1.131370830e+01, v30;
	v35 =	vld [tilespmem:s0+$0x12C50]  }
0x2d7: {  	v31 =	vmul.f32 $1.131370830e+01, v31;
	v36 =	vld [tilespmem:s0+$0x12C60]  }
0x2d8: {  	v13 =	vadd.f32 v13, v30;
	v30 =	vmul.f32 $1.131370830e+01, v32;
	v32 =	vld [tilespmem:s0+$0x12C70]  }
0x2d9: {  	v14 =	vadd.f32 v14, v31;
	v31 =	vmul.f32 $1.131370830e+01, v33;
	v33 =	vld [tilespmem:s0+$0x12C80]  }
0x2da: {  	[tilespmem:s0+$0x12C00] =	vst v13;
	v13 =	vadd.f32 v15, v30;
	v15 =	vmul.f32 $1.131370830e+01, v34;
	v30 =	vld [tilespmem:s0+$0x12C90]  }
0x2db: {  	[tilespmem:s0+$0x12C10] =	vst v14;
	v12 =	vadd.f32 v12, v31;
	v14 =	vmul.f32 $1.131370830e+01, v35;
	v31 =	vld [tilespmem:s0+$0x12CA0]  }
0x2dc: {  	[tilespmem:s0+$0x12C20] =	vst v13;
	v13 =	vadd.f32 v16, v15;
	v15 =	vmul.f32 $1.131370830e+01, v36;
	v16 =	vld [tilespmem:s0+$0x12CB0]  }
0x2dd: {  	[tilespmem:s0+$0x12C30] =	vst v12;
	v12 =	vadd.f32 v17, v14;
	v14 =	vmul.f32 $1.131370830e+01, v32;
	v17 =	vld [tilespmem:s0+$0x12CC0]  }
0x2de: {  	[tilespmem:s0+$0x12C40] =	vst v13;
	v13 =	vadd.f32 v18, v15;
	v15 =	vmul.f32 $1.131370830e+01, v33;
	v18 =	vld [tilespmem:s0+$0x12CD0]  }
0x2df: {  	[tilespmem:s0+$0x12C50] =	vst v12;
	v12 =	vadd.f32 v19, v14;
	v14 =	vmul.f32 $1.131370830e+01, v30;
	v19 =	vld [tilespmem:s0+$0x12CE0]  }
0x2e0: {  	[tilespmem:s0+$0x12C60] =	vst v13;
	v13 =	vadd.f32 v20, v15;
	v15 =	vmul.f32 $1.131370830e+01, v31;
	v20 =	vld [tilespmem:s0+$0x12CF0]  }
0x2e1: {  	[tilespmem:s0+$0x12C70] =	vst v12;
	v12 =	vadd.f32 v21, v14;
	v14 =	vmul.f32 $1.131370830e+01, v16;
	v16 =	vld [tilespmem:s0+$0x12D00]  }
0x2e2: {  	[tilespmem:s0+$0x12C80] =	vst v13;
	v13 =	vadd.f32 v22, v15;
	v15 =	vmul.f32 $1.131370830e+01, v17;
	v17 =	vld [tilespmem:s0+$0x12D10]  }
0x2e3: {  	[tilespmem:s0+$0x12C90] =	vst v12;
	v12 =	vadd.f32 v23, v14;
	v14 =	vmul.f32 $1.131370830e+01, v18;
	v18 =	vld [tilespmem:s0+$0x12D20]  }
0x2e4: {  	[tilespmem:s0+$0x12CA0] =	vst v13;
	v13 =	vadd.f32 v24, v15;
	v15 =	vmul.f32 $1.131370830e+01, v19;
	v19 =	vld [tilespmem:s0+$0x12D30]  }
0x2e5: {  	[tilespmem:s0+$0x12CB0] =	vst v12;
	v12 =	vadd.f32 v25, v14;
	v14 =	vmul.f32 $1.131370830e+01, v20;
	v20 =	vld [tilespmem:s0+$0x12D40]  }
0x2e6: {  	[tilespmem:s0+$0x12CC0] =	vst v13;
	v13 =	vadd.f32 v26, v15;
	v15 =	vmul.f32 $1.131370830e+01, v16;
	v16 =	vld [tilespmem:s0+$0x12D50]  }
0x2e7: {  	[tilespmem:s0+$0x12CD0] =	vst v12;
	v12 =	vadd.f32 v27, v14;
	v14 =	vmul.f32 $1.131370830e+01, v17;
	v17 =	vld [tilespmem:s0+$0x12D60]  }
0x2e8: {  	[tilespmem:s0+$0x12CE0] =	vst v13;
	v13 =	vadd.f32 v28, v15;
	v15 =	vmul.f32 $1.131370830e+01, v18;
	v18 =	vld [tilespmem:s0+$0x12D70]  }
0x2e9: {  	[tilespmem:s0+$0x12CF0] =	vst v12;
	v12 =	vadd.f32 v29, v14;
	v14 =	vmul.f32 $1.131370830e+01, v19;
	v19 =	vld [tilespmem:s0+$0x12D80]  }
0x2ea: {  	[tilespmem:s0+$0x12D00] =	vst v13;
	v11 =	vadd.f32 v11, v15;
	v13 =	vmul.f32 $1.131370830e+01, v20;
	v15 =	vld [tilespmem:s0+$0x12D90]  }
.Ltmp5:
0x2eb: {  	[tilespmem:s0+$0x12D10] =	vst v12;
	v12 =	vadd.f32 v10, v14;
	v14 =	vmul.f32 $1.131370830e+01, v16;
	v10 =	vld [tilespmem:s0+$0x12DA0];
	(pc) =	sbr.rel @p0 .LBB2_12-.Ltmp5, $4  }
0x2ec: {  	[tilespmem:s0+$0x12D20] =	vst v11;
	v11 =	vadd.f32 v9, v13;
	v13 =	vmul.f32 $1.131370830e+01, v17;
	v9 =	vld [tilespmem:s0+$0x12DB0]  }
0x2ed: {  	[tilespmem:s0+$0x12D30] =	vst v12;
	v14 =	vadd.f32 v8, v14;
	v16 =	vmul.f32 $1.131370830e+01, v18;
	v8 =	vld [tilespmem:s0+$0x12DC0]  }
0x2ee: {  	[tilespmem:s0+$0x12D40] =	vst v11;
	v12 =	vadd.f32 v7, v13;
	v13 =	vmul.f32 $1.131370830e+01, v19;
	v7 =	vld [tilespmem:s0+$0x12DD0]  }
0x2ef: {  	s2 =	sadd.s32 $0x800, s2;
	[tilespmem:s0+$0x12D50] =	vst v14;
	v14 =	vadd.f32 v6, v16;
	v11 =	vmul.f32 $1.131370830e+01, v15;
	v6 =	vld [tilespmem:s0+$0x12DE0]  }
0x2f0: {  	[tilespmem:s0+$0x12D60] =	vst v12;
	v55 =	vld [tilespmem:s0+$0x12DF0];
	v5 =	vadd.f32 v5, v13;
	v10 =	vmul.f32 $1.131370830e+01, v10  }
0x2f1: {  	v56 =	vld [tilespmem:s0+$0x65E0];
	[tilespmem:s0+$0x12D70] =	vst v14;
	v4 =	vadd.f32 v4, v11;
	v9 =	vmul.f32 $1.131370830e+01, v9  }
0x2f2: {  	v58 =	vld [tilespmem:s0+$0x65F0];
	[tilespmem:s0+$0x12D80] =	vst v5;
	v3 =	vadd.f32 v3, v10;
	v57 =	vmul.f32 $1.131370830e+01, v8  }
0x2f3: {  	[tilespmem:s0+$0x12D90] =	vst v4;
	v2 =	vadd.f32 v2, v9;
	v59 =	vmul.f32 $1.131370830e+01, v7  }
0x2f4: {  	[tilespmem:s0+$0x12DA0] =	vst v3;
	v1 =	vadd.f32 v1, v57;
	v60 =	vmul.f32 $1.131370830e+01, v6  }
0x2f5: {  	[tilespmem:s0+$0x12DB0] =	vst v2;
	v0 =	vadd.f32 v0, v59;
	v61 =	vmul.f32 $1.131370830e+01, v55  }
0x2f6: {  	[tilespmem:s0+$0x12DC0] =	vst v1;
	v62 =	vadd.f32 v56, v60  }
0x2f7: {  	[tilespmem:s0+$0x12DD0] =	vst v0;
	v63 =	vadd.f32 v58, v61  }
0x2f8: {  	[tilespmem:s0+$0x12DE0] =	vst v62  }
0x2f9: {  	s31 =	sadd.s32 $0x1, s31;
	[tilespmem:s0+$0x12DF0] =	vst v63  }
0x2fa: {  	[hbm4b:s10+s5] =	stream.linear.scatter [tilespmem:s19], [sflag:$0x5], $0x6400, $0x38;
	[tilespmem:$0x1F400] =	vst v63  }
0x2fb: {  	p0 =	sne.s32 s31, s11;
	_ =	swait.ge [sflag:s26], $0x6400  }
.Ltmp6:
0x2fc: {  	[sflag:s26] =	ssyncset.done $0x0;
	(pc) =	sbr.rel @p0 .LBB2_1-.Ltmp6, $4  }
0x2fd: {  	[sflag:s26] =	ssyncadd.s32 $0xFFFF9C00  }
0x2fe: {  	_ =	swait.ge [sflag:s29], $0x6400  }
0x2ff: {  	[sflag:s29] =	ssyncset.done $0x0  }
0x300: {  	[sflag:s29] =	ssyncadd.s32 $0xFFFF9C00  }
0x301: {  	_ =	sfence.sel $0x180000  }
0x302: {  	[bflag:$0x0] =	sbarrier.arrive $0xFFFF  }
0x303: {  	_ =	strace $0x90000047  }
0x304: {  	s0 =	stileid.u32;
	[bflag:$0x2] =	sbarrier.arrive $0xFFFF  }
0x305: {  	p0 =	sne.s32 s0, $0x0;
	s0 =	rddreg [dreg:$0x4]  }
0x306: {  	s0 =	sadd.s32 @!p0 $0x100000, s0  }
0x307: {  	[sflag:s0] =	ssyncadd.tile.s32 @!p0 $0x1;
	_ =	shalt  }
.Lfunc_end2:
_tile_overlayer_lowered:
.L_overlay_start_2:
0x308: {  	(tag) =	ssettag $0x2  }
0x309: {  	s0 =	rddreg [dreg:$0x0];
	s2 =	stileid.u32  }
0x30a: {  	s1 =	rddreg [dreg:$0x1];
	p0 =	sne.s32 s2, $0x0  }
0x30b: {  	s3 =	rddreg [dreg:$0x2];
	[bflag:$0x3] =	sbarrier.arrive $0xFFFF;
	s2 =	simm.s32 @!p0 $0x1C07  }
0x30c: {  	[timem:s3], [sflag:s2] =	dma.local @!p0 [hbm:s0], s1  }
0x30d: {  	s0 =	simm.s32 @!p0 $0x7  }
0x30e: {  	_ =	swait.ge @!p0 [sflag:s0], s1  }
0x30f: {  	s1 =	ssub.s32 @!p0 $0x0, s1;
	[sflag:s0] =	ssyncset.done @!p0 $0x0  }
0x310: {  	[sflag:s0] =	ssyncadd.s32 @!p0 s1  }
0x311: {  	[bflag:$0x3] =	sbarrier.arrive $0xFFFF  }
0x312: {  	_ =	shalt  }

</sc_bundles>
